<compile_context>
chip_gen: v7x
topology: tpu7x:2x2x1
jax: 0.10.2.dev20260603
libtpu: 0.0.44.dev20260713+nightly
codegen_flags: <defaults>
</compile_context>

<pallas_src>
import dataclasses
import functools

import jax
import jax.numpy as jnp
from jax import lax
from jax.experimental import pallas as pl
from jax.experimental.pallas import tpu as pltpu
from jax.experimental.pallas import tpu_sc as plsc

_N = 10000
_D = 128
_E = 320000
_NC = 2
_NS = 16
_NW = _NC * _NS
_EPW = _E // _NW
_K = 80
_NCHUNK = _EPW // _K
_NPAD = 10240
_RPT = _NPAD // _NS
_BN = 2000


def _sc_compiler_params():
    cp = pltpu.CompilerParams()
    if "needs_layout_passes" in pltpu.CompilerParams.__dataclass_fields__:
        cp = dataclasses.replace(cp, needs_layout_passes=False)
    return cp

@functools.cache
def _deg_kernel_fn():
    mesh = plsc.VectorSubcoreMesh(core_axis_name="c", subcore_axis_name="s",
                                  num_cores=_NC, num_subcores=_NS)
    return functools.partial(
        pl.kernel,
        out_type=jax.ShapeDtypeStruct((_NW, _NPAD), jnp.float32),
        mesh=mesh,
        scratch_types=[
            pltpu.VMEM((_EPW,), jnp.int32),
            pltpu.VMEM((_NPAD,), jnp.float32),
        ],
        compiler_params=_sc_compiler_params(),
    )(_deg_body)


def _deg_body(ei_hbm, out_hbm, dstv, hist):
    c = lax.axis_index("c")
    s = lax.axis_index("s")
    wid = s * _NC + c

    @pl.loop(0, _NPAD, step=16)
    def _(i):
        hist[pl.ds(i, 16)] = jnp.zeros((16,), jnp.float32)

    pltpu.sync_copy(ei_hbm.at[pl.ds(_E + wid * _EPW, _EPW)], dstv)
    ones = jnp.full((16,), 1.0, jnp.float32)

    @pl.loop(0, _EPW, step=16)
    def _(i):
        idx = dstv[pl.ds(i, 16)]
        plsc.addupdate_scatter(hist, [idx], ones)

    pltpu.sync_copy(hist, out_hbm.at[wid])


_BS = 1024


def _scale_kernel(degp):
    def body(p_ref, o_ref):
        ones = jnp.ones((_NW, 1), jnp.float32)
        deg = lax.dot_general(p_ref[...], ones, (((0,), (0,)), ((), ())),
                              preferred_element_type=jnp.float32)
        scale = 1.0 / jnp.maximum(deg, 1.0)
        o_ref[...] = jnp.broadcast_to(scale, (_BS, _D))

    return pl.pallas_call(
        body,
        grid=(_NPAD // _BS,),
        in_specs=[pl.BlockSpec((_NW, _BS), lambda i: (0, i))],
        out_specs=pl.BlockSpec((_BS, _D), lambda i: (i, 0)),
        out_shape=jax.ShapeDtypeStruct((_NPAD, _D), jnp.float32),
    )(degp)


@functools.cache
def _agg_kernel_fn():
    mesh = plsc.VectorSubcoreMesh(core_axis_name="c", subcore_axis_name="s",
                                  num_cores=_NC, num_subcores=_NS)
    return functools.partial(
        pl.kernel,
        out_type=jax.ShapeDtypeStruct((_NC, _NPAD, _D), jnp.float32),
        mesh=mesh,
        scratch_types=[
            pltpu.VMEM((2, _K), jnp.int32),
            pltpu.VMEM((2, _K), jnp.int32),
            pltpu.VMEM((2, _K), jnp.int32),
            pltpu.VMEM((2, _K), jnp.int32),
            pltpu.VMEM((_K, _D), jnp.float32),
            pltpu.VMEM((_K, _D), jnp.float32),
            pltpu.VMEM_SHARED((_NPAD, _D), jnp.float32),
            pltpu.SemaphoreType.DMA,
            pltpu.SemaphoreType.DMA,
            pltpu.SemaphoreType.DMA,
            pltpu.SemaphoreType.DMA,
            pltpu.SemaphoreType.DMA,
            pltpu.SemaphoreType.DMA,
            pltpu.SemaphoreType.DMA,
            pltpu.SemaphoreType.DMA,
        ],
        compiler_params=_sc_compiler_params(),
    )(_agg_body)


def _agg_body(h_hbm, ei_hbm, z_hbm, out_hbm,
              i0, i1, i2, i3, rA, rB, acc,
              si0, si1, si2, si3, sRA, sRB, sSA, sSB):
    c = lax.axis_index("c")
    s = lax.axis_index("s")
    wid = s * _NC + c
    base = wid * _EPW

    pltpu.sync_copy(z_hbm.at[pl.ds(s * _RPT, _RPT)],
                    acc.at[pl.ds(s * _RPT, _RPT)])
    plsc.subcore_barrier()

    ibufs = (i0, i1, i2, i3)
    isems = (si0, si1, si2, si3)
    rbufs = (rA, rB)
    rsems = (sRA, sRB)

    def fetch_idx(buf, sem, chunk):
        pltpu.async_copy(ei_hbm.at[pl.ds(base + chunk * _K, _K)],
                         buf.at[0], sem)
        pltpu.async_copy(ei_hbm.at[pl.ds(_E + base + chunk * _K, _K)],
                         buf.at[1], sem)

    def wait_idx(buf, sem):
        pltpu.make_async_copy(ei_hbm.at[pl.ds(base, _K)],
                              buf.at[0], sem).wait()
        pltpu.make_async_copy(ei_hbm.at[pl.ds(base, _K)],
                              buf.at[1], sem).wait()

    ssems = (sSA, sSB)

    for b in range(4):
        fetch_idx(ibufs[b], isems[b], b)
    wait_idx(i0, si0)
    pltpu.async_copy(h_hbm.at[i0.at[0]], rA, sRA)

    @pl.loop(0, (_NCHUNK - 1) // 4)
    def _(t):
        for b in range(4):
            cch = 4 * t + b
            ib, si = ibufs[b], isems[b]
            rb, rs, ss = rbufs[b % 2], rsems[b % 2], ssems[b % 2]
            ib_n, si_n = ibufs[(b + 1) % 4], isems[(b + 1) % 4]
            ib_p, si_p = ibufs[(b + 3) % 4], isems[(b + 3) % 4]
            rb_n, rs_n = rbufs[(b + 1) % 2], rsems[(b + 1) % 2]
            ss_n = ssems[(b + 1) % 2]
            @pl.when(cch >= 1)
            def _():
                pltpu.make_async_copy(rb_n, acc.at[ib_p.at[1]],
                                      ss_n).wait()

            @pl.when((cch >= 1) & (cch + 3 <= _NCHUNK - 1))
            def _():
                fetch_idx(ib_p, si_p, cch + 3)
            wait_idx(ib_n, si_n)
            pltpu.async_copy(h_hbm.at[ib_n.at[0]], rb_n, rs_n)
            pltpu.make_async_copy(h_hbm.at[ib.at[0]], rb, rs).wait()
            pltpu.async_copy(rb, acc.at[ib.at[1]], ss, add=True)

    pltpu.make_async_copy(rB, acc.at[i3.at[1]], sSB).wait()
    pltpu.make_async_copy(h_hbm.at[i0.at[0]], rA, sRA).wait()
    pltpu.sync_copy(rA, acc.at[i0.at[1]], add=True)

    plsc.subcore_barrier()
    pltpu.sync_copy(acc.at[pl.ds(s * _RPT, _RPT)],
                    out_hbm.at[c, pl.ds(s * _RPT, _RPT)])


def _tc_layer(aggp, scale2d, h, Wl, bl2, Wr, relu):
    def body(a_ref, sc_ref, h_ref, wl_ref, b_ref, wr_ref, o_ref):
        agg = (a_ref[0] + a_ref[1]) * sc_ref[...]
        acc = lax.dot_general(agg, wl_ref[...], (((1,), (1,)), ((), ())),
                              preferred_element_type=jnp.float32)
        acc = acc + lax.dot_general(h_ref[...], wr_ref[...],
                                    (((1,), (1,)), ((), ())),
                                    preferred_element_type=jnp.float32)
        acc = acc + b_ref[...]
        o_ref[...] = jnp.maximum(acc, 0.0) if relu else acc

    return pl.pallas_call(
        body,
        grid=(_N // _BN,),
        in_specs=[
            pl.BlockSpec((_NC, _BN, _D), lambda i: (0, i, 0)),
            pl.BlockSpec((_BN, _D), lambda i: (i, 0)),
            pl.BlockSpec((_BN, _D), lambda i: (i, 0)),
            pl.BlockSpec((_D, _D), lambda i: (0, 0)),
            pl.BlockSpec((1, _D), lambda i: (0, 0)),
            pl.BlockSpec((_D, _D), lambda i: (0, 0)),
        ],
        out_specs=pl.BlockSpec((_BN, _D), lambda i: (i, 0)),
        out_shape=jax.ShapeDtypeStruct((_N, _D), jnp.float32),
    )(aggp, scale2d, h, Wl, bl2, Wr)


def kernel(x, edge_index, Wl0, bl0, Wr0, Wl1, bl1, Wr1, Wl2, bl2, Wr2):
    ei = edge_index.astype(jnp.int32).reshape(2 * _E)
    zeros = jnp.zeros((_NPAD, _D), jnp.float32)

    degp = _deg_kernel_fn()(ei)
    scale2d = _scale_kernel(degp)

    h = x
    for i, (Wl, bl, Wr) in enumerate(
            [(Wl0, bl0, Wr0), (Wl1, bl1, Wr1), (Wl2, bl2, Wr2)]):
        aggp = _agg_kernel_fn()(h, ei, zeros)
        h = _tc_layer(aggp, scale2d, h, Wl, bl.reshape(1, _D), Wr,
                      relu=(i < 2))
    return h

# --- scband reference (transcript-rebuilt; emitter-appended) ---
"""Pipeline reference for scband-graph-sage-64647847740120 (READ-ONLY COPY).

The authoritative reference and input builder live on the scoring server;
editing this copy changes nothing except your own understanding.
"""

import jax, jax.numpy as jnp
import numpy as np

N_NODES = 10000
N_EDGES = 320000
D = 128

def setup_inputs(seed: int = 0) -> dict:
    key = jax.random.key(seed)
    ks = jax.random.split(key, 12)
    x = jax.random.normal(ks[0], (N_NODES, D), dtype=jnp.float32)
    edge_index = jax.random.randint(ks[1], (2, N_EDGES), 0, N_NODES, dtype=jnp.int64)
    s = 1.0 / np.sqrt(D)
    inp = {"x": x, "edge_index": edge_index}
    for i in range(3):
        inp[f"Wl{i}"] = jax.random.normal(ks[2 + 3 * i], (D, D), dtype=jnp.float32) * s
        inp[f"bl{i}"] = jnp.zeros((D,), dtype=jnp.float32)
        inp[f"Wr{i}"] = jax.random.normal(ks[3 + 3 * i], (D, D), dtype=jnp.float32) * s
    return inp


def reference(x, edge_index, Wl0, bl0, Wr0, Wl1, bl1, Wr1, Wl2, bl2, Wr2):
    # GraphSAGE with 3 SAGEConv layers (mean aggregation, PyG semantics):
    #   h_i' = lin_l(mean_{j->i} h_j) + lin_r(h_i)
    # ReLU between layers; dropout is identity in eval mode.
    src = edge_index[0]
    dst = edge_index[1]
    N = x.shape[0]
    deg = jax.ops.segment_sum(jnp.ones((src.shape[0],), dtype=x.dtype), dst, num_segments=N)
    deg = jnp.maximum(deg, 1.0)
    params = [(Wl0, bl0, Wr0), (Wl1, bl1, Wr1), (Wl2, bl2, Wr2)]
    h = x
    for i, (Wl, bl, Wr) in enumerate(params):
        msg = jnp.take(h, src, axis=0)                      # gather source features
        agg = jax.ops.segment_sum(msg, dst, num_segments=N) # scatter-add to dst
        agg = agg / deg[:, None]                            # mean aggregation
        h = agg @ Wl.T + bl + h @ Wr.T
        if i != len(params) - 1:
            h = jax.nn.relu(h)
    return h

if __name__ == "__main__":
    import jax
    _d = setup_inputs()
    print(jax.jit(kernel)(*tuple(_d.values())))

</pallas_src>

<mosaic_0001>
#map = affine_map<(d0, d1) -> (0)>
#map1 = affine_map<(d0, d1) -> (0, 0)>
module attributes {stable_mosaic.version = 14 : i64} {
  func.func @_deg_body(%arg0: i32, %arg1: i32, %arg2: memref<640000xi32, #tpu.memory_space<hbm>>, %arg3: memref<32x10240xf32, #tpu.memory_space<hbm>>, %arg4: memref<10000xi32, #tpu.memory_space<vmem>>, %arg5: memref<10240xf32, #tpu.memory_space<vmem>>) attributes {dimension_semantics = [#tpu.dimension_semantics<core_parallel>, #tpu.dimension_semantics<subcore_parallel>], iteration_bounds = array<i64: 2, 16>, scalar_prefetch = 0 : i64, scratch_operands = 2 : i64, tpu.core_type = #tpu.core_type<sc_vector_subcore>, window_params = [{transform_indices = #map}, {transform_indices = #map1}]} {
    %mul3A = arith.constant 2 : i32
    %mul3A_0 = arith.muli %arg1, %mul3A : i32
    %add3A = arith.addi %mul3A_0, %arg0 : i32
    %scan3A = arith.constant 0 : i32
    %scan3A_1 = arith.constant 640 : i32
    %scan3A_2 = arith.addi %scan3A, %scan3A_1 : i32
    %scan3A_3 = arith.constant 1 : i32
    scf.for %scan3A_15 = %scan3A to %scan3A_2 step %scan3A_3  : i32 {
      %mul3A_16 = arith.constant 16 : i32
      %mul3A_17 = arith.muli %scan3A_15, %mul3A_16 : i32
      %add3A_18 = arith.constant 0 : i32
      %add3A_19 = arith.addi %add3A_18, %mul3A_17 : i32
      %broadcast_in_dim3A_20 = arith.constant 0.000000e+00 : f32
      %broadcast_in_dim3A_21 = vector.broadcast %broadcast_in_dim3A_20 : f32 to vector<16xf32>
      %swap3A = arith.index_cast %add3A_19 : i32 to index
      %swap3A_22 = tpu.vector_load %arg5[%swap3A] {strides = array<i32>} : memref<10240xf32, #tpu.memory_space<vmem>>, vector<16xf32>,
      tpu.vector_store %arg5[%swap3A], %broadcast_in_dim3A_21 {strides = array<i32>} : memref<10240xf32, #tpu.memory_space<vmem>>, vector<16xf32>,
    }
    %scan3A_4 = arith.constant 640 : i32
    %mul3A_5 = arith.constant 10000 : i32
    %mul3A_6 = arith.muli %add3A, %mul3A_5 : i32
    %add3A_7 = arith.constant 320000 : i32
    %add3A_8 = arith.addi %add3A_7, %mul3A_6 : i32
    "tpu.region"() ({
      %run_scoped3A = tpu.sem_alloc : memref<!tpu.dma_semaphore, #tpu.memory_space<semaphore_mem>>
      %dma_start3A = tpu.memref_slice %arg2[%add3A_8] : memref<640000xi32, #tpu.memory_space<hbm>> -> memref<10000xi32, #tpu.memory_space<hbm>>
      %dma_start3A_15 = tpu.memref_slice %arg2[%add3A_8] : memref<640000xi32, #tpu.memory_space<hbm>> -> memref<10000xi32, #tpu.memory_space<hbm>>
      tpu.enqueue_dma source(%dma_start3A_15 : memref<10000xi32, #tpu.memory_space<hbm>>) target(%arg4 : memref<10000xi32, #tpu.memory_space<vmem>>) target_semaphore(%run_scoped3A : memref<!tpu.dma_semaphore, #tpu.memory_space<semaphore_mem>>)
      %dma_wait3A = tpu.memref_slice %arg2[%add3A_8] : memref<640000xi32, #tpu.memory_space<hbm>> -> memref<10000xi32, #tpu.memory_space<hbm>>
      %dma_wait3A_16 = tpu.memref_slice %arg2[%add3A_8] : memref<640000xi32, #tpu.memory_space<hbm>> -> memref<10000xi32, #tpu.memory_space<hbm>>
      tpu.wait_dma2 semaphore(%run_scoped3A : memref<!tpu.dma_semaphore, #tpu.memory_space<semaphore_mem>>) src(%dma_wait3A_16 : memref<10000xi32, #tpu.memory_space<hbm>>) dst(%arg4 : memref<10000xi32, #tpu.memory_space<vmem>>)
      tpu.yield
    }) : () -> ()
    %broadcast_in_dim3A = arith.constant 1.000000e+00 : f32
    %broadcast_in_dim3A_9 = vector.broadcast %broadcast_in_dim3A : f32 to vector<16xf32>
    %scan3A_10 = arith.constant 0 : i32
    %scan3A_11 = arith.constant 625 : i32
    %scan3A_12 = arith.addi %scan3A_10, %scan3A_11 : i32
    %scan3A_13 = arith.constant 1 : i32
    scf.for %scan3A_15 = %scan3A_10 to %scan3A_12 step %scan3A_13  : i32 {
      %mul3A_16 = arith.constant 16 : i32
      %mul3A_17 = arith.muli %scan3A_15, %mul3A_16 : i32
      %add3A_18 = arith.constant 0 : i32
      %add3A_19 = arith.addi %add3A_18, %mul3A_17 : i32
      %get3A = arith.index_cast %add3A_19 : i32 to index
      %get3A_20 = tpu.vector_load %arg4[%get3A] {strides = array<i32>} : memref<10000xi32, #tpu.memory_space<vmem>>, vector<16xi32>,
      tpu.vector_store_idx %arg5[%get3A_20], %broadcast_in_dim3A_9 {add = true} : memref<10240xf32, #tpu.memory_space<vmem>>[vector<16xi32>], vector<16xf32>,
    }
    %scan3A_14 = arith.constant 625 : i32
    "tpu.region"() ({
      %run_scoped3A = tpu.sem_alloc : memref<!tpu.dma_semaphore, #tpu.memory_space<semaphore_mem>>
      %dma_start3A = arith.constant 0 : i32
      %dma_start3A_15 = tpu.memref_slice %arg3[%add3A, %dma_start3A] : memref<32x10240xf32, #tpu.memory_space<hbm>> -> memref<1x10240xf32, #tpu.memory_space<hbm>>
      %dma_start3A_16 = tpu.memref_squeeze %dma_start3A_15 : memref<1x10240xf32, #tpu.memory_space<hbm>> -> memref<10240xf32, #tpu.memory_space<hbm>>
      %dma_start3A_17 = arith.constant 0 : i32
      %dma_start3A_18 = tpu.memref_slice %arg3[%add3A, %dma_start3A_17] : memref<32x10240xf32, #tpu.memory_space<hbm>> -> memref<1x10240xf32, #tpu.memory_space<hbm>>
      %dma_start3A_19 = tpu.memref_squeeze %dma_start3A_18 : memref<1x10240xf32, #tpu.memory_space<hbm>> -> memref<10240xf32, #tpu.memory_space<hbm>>
      tpu.enqueue_dma source(%arg5 : memref<10240xf32, #tpu.memory_space<vmem>>) target(%dma_start3A_19 : memref<10240xf32, #tpu.memory_space<hbm>>) target_semaphore(%run_scoped3A : memref<!tpu.dma_semaphore, #tpu.memory_space<semaphore_mem>>)
      %dma_wait3A = arith.constant 0 : i32
      %dma_wait3A_20 = tpu.memref_slice %arg3[%add3A, %dma_wait3A] : memref<32x10240xf32, #tpu.memory_space<hbm>> -> memref<1x10240xf32, #tpu.memory_space<hbm>>
      %dma_wait3A_21 = tpu.memref_squeeze %dma_wait3A_20 : memref<1x10240xf32, #tpu.memory_space<hbm>> -> memref<10240xf32, #tpu.memory_space<hbm>>
      %dma_wait3A_22 = arith.constant 0 : i32
      %dma_wait3A_23 = tpu.memref_slice %arg3[%add3A, %dma_wait3A_22] : memref<32x10240xf32, #tpu.memory_space<hbm>> -> memref<1x10240xf32, #tpu.memory_space<hbm>>
      %dma_wait3A_24 = tpu.memref_squeeze %dma_wait3A_23 : memref<1x10240xf32, #tpu.memory_space<hbm>> -> memref<10240xf32, #tpu.memory_space<hbm>>
      tpu.wait_dma2 semaphore(%run_scoped3A : memref<!tpu.dma_semaphore, #tpu.memory_space<semaphore_mem>>) src(%arg5 : memref<10240xf32, #tpu.memory_space<vmem>>) dst(%dma_wait3A_24 : memref<10240xf32, #tpu.memory_space<hbm>>)
      tpu.yield
    }) : () -> ()
    return
  }
}

#map = affine_map<(d0, d1) -> (0, 0)>
#map1 = affine_map<(d0, d1) -> (0)>
#map2 = affine_map<(d0, d1) -> (0, 0, 0)>
module attributes {stable_mosaic.version = 14 : i64} {
  func.func @_agg_body(%arg0: i32, %arg1: i32, %arg2: memref<10000x128xf32, #tpu.memory_space<hbm>>, %arg3: memref<640000xi32, #tpu.memory_space<hbm>>, %arg4: memref<10240x128xf32, #tpu.memory_space<hbm>>, %arg5: memref<2x10240x128xf32, #tpu.memory_space<hbm>>, %arg6: memref<2x80xi32, #tpu.memory_space<vmem>>, %arg7: memref<2x80xi32, #tpu.memory_space<vmem>>, %arg8: memref<2x80xi32, #tpu.memory_space<vmem>>, %arg9: memref<2x80xi32, #tpu.memory_space<vmem>>, %arg10: memref<80x128xf32, #tpu.memory_space<vmem>>, %arg11: memref<80x128xf32, #tpu.memory_space<vmem>>, %arg12: memref<10240x128xf32, #tpu.memory_space<vmem_shared>>, %arg13: memref<!tpu.dma_semaphore, #tpu.memory_space<semaphore_mem>>, %arg14: memref<!tpu.dma_semaphore, #tpu.memory_space<semaphore_mem>>, %arg15: memref<!tpu.dma_semaphore, #tpu.memory_space<semaphore_mem>>, %arg16: memref<!tpu.dma_semaphore, #tpu.memory_space<semaphore_mem>>, %arg17: memref<!tpu.dma_semaphore, #tpu.memory_space<semaphore_mem>>, %arg18: memref<!tpu.dma_semaphore, #tpu.memory_space<semaphore_mem>>, %arg19: memref<!tpu.dma_semaphore, #tpu.memory_space<semaphore_mem>>, %arg20: memref<!tpu.dma_semaphore, #tpu.memory_space<semaphore_mem>>) attributes {dimension_semantics = [#tpu.dimension_semantics<core_parallel>, #tpu.dimension_semantics<subcore_parallel>], iteration_bounds = array<i64: 2, 16>, scalar_prefetch = 0 : i64, scratch_operands = 15 : i64, tpu.core_type = #tpu.core_type<sc_vector_subcore>, window_params = [{transform_indices = #map}, {transform_indices = #map1}, {transform_indices = #map}, {transform_indices = #map2}]} {
    %mul3A = arith.constant 2 : i32
    %mul3A_0 = arith.muli %arg1, %mul3A : i32
    %add3A = arith.addi %mul3A_0, %arg0 : i32
    %mul3A_1 = arith.constant 10000 : i32
    %mul3A_2 = arith.muli %add3A, %mul3A_1 : i32
    %mul3A_3 = arith.constant 640 : i32
    %mul3A_4 = arith.muli %arg1, %mul3A_3 : i32
    %mul3A_5 = arith.constant 640 : i32
    %mul3A_6 = arith.muli %arg1, %mul3A_5 : i32
    "tpu.region"() ({
      %run_scoped3A_149 = tpu.sem_alloc : memref<!tpu.dma_semaphore, #tpu.memory_space<semaphore_mem>>
      %dma_start3A_150 = arith.constant 0 : i32
      %dma_start3A_151 = tpu.memref_slice %arg12[%mul3A_6, %dma_start3A_150] : memref<10240x128xf32, #tpu.memory_space<vmem_shared>> -> memref<640x128xf32, #tpu.memory_space<vmem_shared>>
      %dma_start3A_152 = arith.constant 0 : i32
      %dma_start3A_153 = tpu.memref_slice %arg4[%mul3A_4, %dma_start3A_152] : memref<10240x128xf32, #tpu.memory_space<hbm>> -> memref<640x128xf32, #tpu.memory_space<hbm>>
      tpu.enqueue_dma source(%dma_start3A_153 : memref<640x128xf32, #tpu.memory_space<hbm>>) target(%dma_start3A_151 : memref<640x128xf32, #tpu.memory_space<vmem_shared>>) target_semaphore(%run_scoped3A_149 : memref<!tpu.dma_semaphore, #tpu.memory_space<semaphore_mem>>)
      %dma_wait3A_154 = arith.constant 0 : i32
      %dma_wait3A_155 = tpu.memref_slice %arg12[%mul3A_6, %dma_wait3A_154] : memref<10240x128xf32, #tpu.memory_space<vmem_shared>> -> memref<640x128xf32, #tpu.memory_space<vmem_shared>>
      %dma_wait3A_156 = arith.constant 0 : i32
      %dma_wait3A_157 = tpu.memref_slice %arg4[%mul3A_4, %dma_wait3A_156] : memref<10240x128xf32, #tpu.memory_space<hbm>> -> memref<640x128xf32, #tpu.memory_space<hbm>>
      tpu.wait_dma2 semaphore(%run_scoped3A_149 : memref<!tpu.dma_semaphore, #tpu.memory_space<semaphore_mem>>) src(%dma_wait3A_157 : memref<640x128xf32, #tpu.memory_space<hbm>>) dst(%dma_wait3A_155 : memref<640x128xf32, #tpu.memory_space<vmem_shared>>)
      tpu.yield
    }) : () -> ()
    %barrier3A = arith.constant 0 : index
    tpu.barrier barrier_id(%barrier3A)
    %add3A_7 = arith.constant 0 : i32
    %add3A_8 = arith.addi %mul3A_2, %add3A_7 : i32
    %dma_start3A = arith.constant 0 : i32
    %dma_start3A_9 = arith.constant 0 : i32
    %dma_start3A_10 = tpu.memref_slice %arg6[%dma_start3A, %dma_start3A_9] : memref<2x80xi32, #tpu.memory_space<vmem>> -> memref<1x80xi32, #tpu.memory_space<vmem>>
    %dma_start3A_11 = tpu.memref_squeeze %dma_start3A_10 : memref<1x80xi32, #tpu.memory_space<vmem>> -> memref<80xi32, #tpu.memory_space<vmem>>
    %dma_start3A_12 = tpu.memref_slice %arg3[%add3A_8] : memref<640000xi32, #tpu.memory_space<hbm>> -> memref<80xi32, #tpu.memory_space<hbm>>
    %dma_start3A_13 = arith.constant 0 : i32
    %dma_start3A_14 = tpu.memref_slice %arg6[%dma_start3A, %dma_start3A_13] : memref<2x80xi32, #tpu.memory_space<vmem>> -> memref<1x80xi32, #tpu.memory_space<vmem>>
    %dma_start3A_15 = tpu.memref_squeeze %dma_start3A_14 : memref<1x80xi32, #tpu.memory_space<vmem>> -> memref<80xi32, #tpu.memory_space<vmem>>
    %dma_start3A_16 = tpu.memref_slice %arg3[%add3A_8] : memref<640000xi32, #tpu.memory_space<hbm>> -> memref<80xi32, #tpu.memory_space<hbm>>
    tpu.enqueue_dma source(%dma_start3A_16 : memref<80xi32, #tpu.memory_space<hbm>>) target(%dma_start3A_15 : memref<80xi32, #tpu.memory_space<vmem>>) target_semaphore(%arg13 : memref<!tpu.dma_semaphore, #tpu.memory_space<semaphore_mem>>)
    %add3A_17 = arith.constant 320000 : i32
    %add3A_18 = arith.addi %add3A_17, %mul3A_2 : i32
    %add3A_19 = arith.constant 0 : i32
    %add3A_20 = arith.addi %add3A_18, %add3A_19 : i32
    %dma_start3A_21 = arith.constant 1 : i32
    %dma_start3A_22 = arith.constant 0 : i32
    %dma_start3A_23 = tpu.memref_slice %arg6[%dma_start3A_21, %dma_start3A_22] : memref<2x80xi32, #tpu.memory_space<vmem>> -> memref<1x80xi32, #tpu.memory_space<vmem>>
    %dma_start3A_24 = tpu.memref_squeeze %dma_start3A_23 : memref<1x80xi32, #tpu.memory_space<vmem>> -> memref<80xi32, #tpu.memory_space<vmem>>
    %dma_start3A_25 = tpu.memref_slice %arg3[%add3A_20] : memref<640000xi32, #tpu.memory_space<hbm>> -> memref<80xi32, #tpu.memory_space<hbm>>
    %dma_start3A_26 = arith.constant 0 : i32
    %dma_start3A_27 = tpu.memref_slice %arg6[%dma_start3A_21, %dma_start3A_26] : memref<2x80xi32, #tpu.memory_space<vmem>> -> memref<1x80xi32, #tpu.memory_space<vmem>>
    %dma_start3A_28 = tpu.memref_squeeze %dma_start3A_27 : memref<1x80xi32, #tpu.memory_space<vmem>> -> memref<80xi32, #tpu.memory_space<vmem>>
    %dma_start3A_29 = tpu.memref_slice %arg3[%add3A_20] : memref<640000xi32, #tpu.memory_space<hbm>> -> memref<80xi32, #tpu.memory_space<hbm>>
    tpu.enqueue_dma source(%dma_start3A_29 : memref<80xi32, #tpu.memory_space<hbm>>) target(%dma_start3A_28 : memref<80xi32, #tpu.memory_space<vmem>>) target_semaphore(%arg13 : memref<!tpu.dma_semaphore, #tpu.memory_space<semaphore_mem>>)
    %add3A_30 = arith.constant 80 : i32
    %add3A_31 = arith.addi %mul3A_2, %add3A_30 : i32
    %dma_start3A_32 = arith.constant 0 : i32
    %dma_start3A_33 = arith.constant 0 : i32
    %dma_start3A_34 = tpu.memref_slice %arg7[%dma_start3A_32, %dma_start3A_33] : memref<2x80xi32, #tpu.memory_space<vmem>> -> memref<1x80xi32, #tpu.memory_space<vmem>>
    %dma_start3A_35 = tpu.memref_squeeze %dma_start3A_34 : memref<1x80xi32, #tpu.memory_space<vmem>> -> memref<80xi32, #tpu.memory_space<vmem>>
    %dma_start3A_36 = tpu.memref_slice %arg3[%add3A_31] : memref<640000xi32, #tpu.memory_space<hbm>> -> memref<80xi32, #tpu.memory_space<hbm>>
    %dma_start3A_37 = arith.constant 0 : i32
    %dma_start3A_38 = tpu.memref_slice %arg7[%dma_start3A_32, %dma_start3A_37] : memref<2x80xi32, #tpu.memory_space<vmem>> -> memref<1x80xi32, #tpu.memory_space<vmem>>
    %dma_start3A_39 = tpu.memref_squeeze %dma_start3A_38 : memref<1x80xi32, #tpu.memory_space<vmem>> -> memref<80xi32, #tpu.memory_space<vmem>>
    %dma_start3A_40 = tpu.memref_slice %arg3[%add3A_31] : memref<640000xi32, #tpu.memory_space<hbm>> -> memref<80xi32, #tpu.memory_space<hbm>>
    tpu.enqueue_dma source(%dma_start3A_40 : memref<80xi32, #tpu.memory_space<hbm>>) target(%dma_start3A_39 : memref<80xi32, #tpu.memory_space<vmem>>) target_semaphore(%arg14 : memref<!tpu.dma_semaphore, #tpu.memory_space<semaphore_mem>>)
    %add3A_41 = arith.constant 320000 : i32
    %add3A_42 = arith.addi %add3A_41, %mul3A_2 : i32
    %add3A_43 = arith.constant 80 : i32
    %add3A_44 = arith.addi %add3A_42, %add3A_43 : i32
    %dma_start3A_45 = arith.constant 1 : i32
    %dma_start3A_46 = arith.constant 0 : i32
    %dma_start3A_47 = tpu.memref_slice %arg7[%dma_start3A_45, %dma_start3A_46] : memref<2x80xi32, #tpu.memory_space<vmem>> -> memref<1x80xi32, #tpu.memory_space<vmem>>
    %dma_start3A_48 = tpu.memref_squeeze %dma_start3A_47 : memref<1x80xi32, #tpu.memory_space<vmem>> -> memref<80xi32, #tpu.memory_space<vmem>>
    %dma_start3A_49 = tpu.memref_slice %arg3[%add3A_44] : memref<640000xi32, #tpu.memory_space<hbm>> -> memref<80xi32, #tpu.memory_space<hbm>>
    %dma_start3A_50 = arith.constant 0 : i32
    %dma_start3A_51 = tpu.memref_slice %arg7[%dma_start3A_45, %dma_start3A_50] : memref<2x80xi32, #tpu.memory_space<vmem>> -> memref<1x80xi32, #tpu.memory_space<vmem>>
    %dma_start3A_52 = tpu.memref_squeeze %dma_start3A_51 : memref<1x80xi32, #tpu.memory_space<vmem>> -> memref<80xi32, #tpu.memory_space<vmem>>
    %dma_start3A_53 = tpu.memref_slice %arg3[%add3A_44] : memref<640000xi32, #tpu.memory_space<hbm>> -> memref<80xi32, #tpu.memory_space<hbm>>
    tpu.enqueue_dma source(%dma_start3A_53 : memref<80xi32, #tpu.memory_space<hbm>>) target(%dma_start3A_52 : memref<80xi32, #tpu.memory_space<vmem>>) target_semaphore(%arg14 : memref<!tpu.dma_semaphore, #tpu.memory_space<semaphore_mem>>)
    %add3A_54 = arith.constant 160 : i32
    %add3A_55 = arith.addi %mul3A_2, %add3A_54 : i32
    %dma_start3A_56 = arith.constant 0 : i32
    %dma_start3A_57 = arith.constant 0 : i32
    %dma_start3A_58 = tpu.memref_slice %arg8[%dma_start3A_56, %dma_start3A_57] : memref<2x80xi32, #tpu.memory_space<vmem>> -> memref<1x80xi32, #tpu.memory_space<vmem>>
    %dma_start3A_59 = tpu.memref_squeeze %dma_start3A_58 : memref<1x80xi32, #tpu.memory_space<vmem>> -> memref<80xi32, #tpu.memory_space<vmem>>
    %dma_start3A_60 = tpu.memref_slice %arg3[%add3A_55] : memref<640000xi32, #tpu.memory_space<hbm>> -> memref<80xi32, #tpu.memory_space<hbm>>
    %dma_start3A_61 = arith.constant 0 : i32
    %dma_start3A_62 = tpu.memref_slice %arg8[%dma_start3A_56, %dma_start3A_61] : memref<2x80xi32, #tpu.memory_space<vmem>> -> memref<1x80xi32, #tpu.memory_space<vmem>>
    %dma_start3A_63 = tpu.memref_squeeze %dma_start3A_62 : memref<1x80xi32, #tpu.memory_space<vmem>> -> memref<80xi32, #tpu.memory_space<vmem>>
    %dma_start3A_64 = tpu.memref_slice %arg3[%add3A_55] : memref<640000xi32, #tpu.memory_space<hbm>> -> memref<80xi32, #tpu.memory_space<hbm>>
    tpu.enqueue_dma source(%dma_start3A_64 : memref<80xi32, #tpu.memory_space<hbm>>) target(%dma_start3A_63 : memref<80xi32, #tpu.memory_space<vmem>>) target_semaphore(%arg15 : memref<!tpu.dma_semaphore, #tpu.memory_space<semaphore_mem>>)
    %add3A_65 = arith.constant 320000 : i32
    %add3A_66 = arith.addi %add3A_65, %mul3A_2 : i32
    %add3A_67 = arith.constant 160 : i32
    %add3A_68 = arith.addi %add3A_66, %add3A_67 : i32
    %dma_start3A_69 = arith.constant 1 : i32
    %dma_start3A_70 = arith.constant 0 : i32
    %dma_start3A_71 = tpu.memref_slice %arg8[%dma_start3A_69, %dma_start3A_70] : memref<2x80xi32, #tpu.memory_space<vmem>> -> memref<1x80xi32, #tpu.memory_space<vmem>>
    %dma_start3A_72 = tpu.memref_squeeze %dma_start3A_71 : memref<1x80xi32, #tpu.memory_space<vmem>> -> memref<80xi32, #tpu.memory_space<vmem>>
    %dma_start3A_73 = tpu.memref_slice %arg3[%add3A_68] : memref<640000xi32, #tpu.memory_space<hbm>> -> memref<80xi32, #tpu.memory_space<hbm>>
    %dma_start3A_74 = arith.constant 0 : i32
    %dma_start3A_75 = tpu.memref_slice %arg8[%dma_start3A_69, %dma_start3A_74] : memref<2x80xi32, #tpu.memory_space<vmem>> -> memref<1x80xi32, #tpu.memory_space<vmem>>
    %dma_start3A_76 = tpu.memref_squeeze %dma_start3A_75 : memref<1x80xi32, #tpu.memory_space<vmem>> -> memref<80xi32, #tpu.memory_space<vmem>>
    %dma_start3A_77 = tpu.memref_slice %arg3[%add3A_68] : memref<640000xi32, #tpu.memory_space<hbm>> -> memref<80xi32, #tpu.memory_space<hbm>>
    tpu.enqueue_dma source(%dma_start3A_77 : memref<80xi32, #tpu.memory_space<hbm>>) target(%dma_start3A_76 : memref<80xi32, #tpu.memory_space<vmem>>) target_semaphore(%arg15 : memref<!tpu.dma_semaphore, #tpu.memory_space<semaphore_mem>>)
    %add3A_78 = arith.constant 240 : i32
    %add3A_79 = arith.addi %mul3A_2, %add3A_78 : i32
    %dma_start3A_80 = arith.constant 0 : i32
    %dma_start3A_81 = arith.constant 0 : i32
    %dma_start3A_82 = tpu.memref_slice %arg9[%dma_start3A_80, %dma_start3A_81] : memref<2x80xi32, #tpu.memory_space<vmem>> -> memref<1x80xi32, #tpu.memory_space<vmem>>
    %dma_start3A_83 = tpu.memref_squeeze %dma_start3A_82 : memref<1x80xi32, #tpu.memory_space<vmem>> -> memref<80xi32, #tpu.memory_space<vmem>>
    %dma_start3A_84 = tpu.memref_slice %arg3[%add3A_79] : memref<640000xi32, #tpu.memory_space<hbm>> -> memref<80xi32, #tpu.memory_space<hbm>>
    %dma_start3A_85 = arith.constant 0 : i32
    %dma_start3A_86 = tpu.memref_slice %arg9[%dma_start3A_80, %dma_start3A_85] : memref<2x80xi32, #tpu.memory_space<vmem>> -> memref<1x80xi32, #tpu.memory_space<vmem>>
    %dma_start3A_87 = tpu.memref_squeeze %dma_start3A_86 : memref<1x80xi32, #tpu.memory_space<vmem>> -> memref<80xi32, #tpu.memory_space<vmem>>
    %dma_start3A_88 = tpu.memref_slice %arg3[%add3A_79] : memref<640000xi32, #tpu.memory_space<hbm>> -> memref<80xi32, #tpu.memory_space<hbm>>
    tpu.enqueue_dma source(%dma_start3A_88 : memref<80xi32, #tpu.memory_space<hbm>>) target(%dma_start3A_87 : memref<80xi32, #tpu.memory_space<vmem>>) target_semaphore(%arg16 : memref<!tpu.dma_semaphore, #tpu.memory_space<semaphore_mem>>)
    %add3A_89 = arith.constant 320000 : i32
    %add3A_90 = arith.addi %add3A_89, %mul3A_2 : i32
    %add3A_91 = arith.constant 240 : i32
    %add3A_92 = arith.addi %add3A_90, %add3A_91 : i32
    %dma_start3A_93 = arith.constant 1 : i32
    %dma_start3A_94 = arith.constant 0 : i32
    %dma_start3A_95 = tpu.memref_slice %arg9[%dma_start3A_93, %dma_start3A_94] : memref<2x80xi32, #tpu.memory_space<vmem>> -> memref<1x80xi32, #tpu.memory_space<vmem>>
    %dma_start3A_96 = tpu.memref_squeeze %dma_start3A_95 : memref<1x80xi32, #tpu.memory_space<vmem>> -> memref<80xi32, #tpu.memory_space<vmem>>
    %dma_start3A_97 = tpu.memref_slice %arg3[%add3A_92] : memref<640000xi32, #tpu.memory_space<hbm>> -> memref<80xi32, #tpu.memory_space<hbm>>
    %dma_start3A_98 = arith.constant 0 : i32
    %dma_start3A_99 = tpu.memref_slice %arg9[%dma_start3A_93, %dma_start3A_98] : memref<2x80xi32, #tpu.memory_space<vmem>> -> memref<1x80xi32, #tpu.memory_space<vmem>>
    %dma_start3A_100 = tpu.memref_squeeze %dma_start3A_99 : memref<1x80xi32, #tpu.memory_space<vmem>> -> memref<80xi32, #tpu.memory_space<vmem>>
    %dma_start3A_101 = tpu.memref_slice %arg3[%add3A_92] : memref<640000xi32, #tpu.memory_space<hbm>> -> memref<80xi32, #tpu.memory_space<hbm>>
    tpu.enqueue_dma source(%dma_start3A_101 : memref<80xi32, #tpu.memory_space<hbm>>) target(%dma_start3A_100 : memref<80xi32, #tpu.memory_space<vmem>>) target_semaphore(%arg16 : memref<!tpu.dma_semaphore, #tpu.memory_space<semaphore_mem>>)
    %dma_wait3A = arith.constant 0 : i32
    %dma_wait3A_102 = arith.constant 0 : i32
    %dma_wait3A_103 = tpu.memref_slice %arg6[%dma_wait3A, %dma_wait3A_102] : memref<2x80xi32, #tpu.memory_space<vmem>> -> memref<1x80xi32, #tpu.memory_space<vmem>>
    %dma_wait3A_104 = tpu.memref_squeeze %dma_wait3A_103 : memref<1x80xi32, #tpu.memory_space<vmem>> -> memref<80xi32, #tpu.memory_space<vmem>>
    %dma_wait3A_105 = tpu.memref_slice %arg3[%mul3A_2] : memref<640000xi32, #tpu.memory_space<hbm>> -> memref<80xi32, #tpu.memory_space<hbm>>
    %dma_wait3A_106 = arith.constant 0 : i32
    %dma_wait3A_107 = tpu.memref_slice %arg6[%dma_wait3A, %dma_wait3A_106] : memref<2x80xi32, #tpu.memory_space<vmem>> -> memref<1x80xi32, #tpu.memory_space<vmem>>
    %dma_wait3A_108 = tpu.memref_squeeze %dma_wait3A_107 : memref<1x80xi32, #tpu.memory_space<vmem>> -> memref<80xi32, #tpu.memory_space<vmem>>
    %dma_wait3A_109 = tpu.memref_slice %arg3[%mul3A_2] : memref<640000xi32, #tpu.memory_space<hbm>> -> memref<80xi32, #tpu.memory_space<hbm>>
    tpu.wait_dma2 semaphore(%arg13 : memref<!tpu.dma_semaphore, #tpu.memory_space<semaphore_mem>>) src(%dma_wait3A_109 : memref<80xi32, #tpu.memory_space<hbm>>) dst(%dma_wait3A_108 : memref<80xi32, #tpu.memory_space<vmem>>)
    %dma_wait3A_110 = arith.constant 1 : i32
    %dma_wait3A_111 = arith.constant 0 : i32
    %dma_wait3A_112 = tpu.memref_slice %arg6[%dma_wait3A_110, %dma_wait3A_111] : memref<2x80xi32, #tpu.memory_space<vmem>> -> memref<1x80xi32, #tpu.memory_space<vmem>>
    %dma_wait3A_113 = tpu.memref_squeeze %dma_wait3A_112 : memref<1x80xi32, #tpu.memory_space<vmem>> -> memref<80xi32, #tpu.memory_space<vmem>>
    %dma_wait3A_114 = tpu.memref_slice %arg3[%mul3A_2] : memref<640000xi32, #tpu.memory_space<hbm>> -> memref<80xi32, #tpu.memory_space<hbm>>
    %dma_wait3A_115 = arith.constant 0 : i32
    %dma_wait3A_116 = tpu.memref_slice %arg6[%dma_wait3A_110, %dma_wait3A_115] : memref<2x80xi32, #tpu.memory_space<vmem>> -> memref<1x80xi32, #tpu.memory_space<vmem>>
    %dma_wait3A_117 = tpu.memref_squeeze %dma_wait3A_116 : memref<1x80xi32, #tpu.memory_space<vmem>> -> memref<80xi32, #tpu.memory_space<vmem>>
    %dma_wait3A_118 = tpu.memref_slice %arg3[%mul3A_2] : memref<640000xi32, #tpu.memory_space<hbm>> -> memref<80xi32, #tpu.memory_space<hbm>>
    tpu.wait_dma2 semaphore(%arg13 : memref<!tpu.dma_semaphore, #tpu.memory_space<semaphore_mem>>) src(%dma_wait3A_118 : memref<80xi32, #tpu.memory_space<hbm>>) dst(%dma_wait3A_117 : memref<80xi32, #tpu.memory_space<vmem>>)
    %dma_start3A_119 = arith.constant 0 : i32
    %dma_start3A_120 = arith.constant 0 : i32
    %dma_start3A_121 = tpu.memref_slice %arg6[%dma_start3A_119, %dma_start3A_120] : memref<2x80xi32, #tpu.memory_space<vmem>> -> memref<1x80xi32, #tpu.memory_space<vmem>>
    %dma_start3A_122 = tpu.memref_squeeze %dma_start3A_121 : memref<1x80xi32, #tpu.memory_space<vmem>> -> memref<80xi32, #tpu.memory_space<vmem>>
    %dma_start3A_123 = arith.constant 0 : i32
    %dma_start3A_124 = arith.constant 0 : i32
    %dma_start3A_125 = tpu.memref_slice %arg2[%dma_start3A_123, %dma_start3A_124] : memref<10000x128xf32, #tpu.memory_space<hbm>> -> memref<10000x128xf32, #tpu.memory_space<hbm>>
    tpu.enqueue_indirect_dma source(%dma_start3A_125 : memref<10000x128xf32, #tpu.memory_space<hbm>>) target(%arg10 : memref<80x128xf32, #tpu.memory_space<vmem>>) offsets(%dma_start3A_122 : memref<80xi32, #tpu.memory_space<vmem>>) semaphore(%arg17 : memref<!tpu.dma_semaphore, #tpu.memory_space<semaphore_mem>>)
    %scan3A = arith.constant 0 : i32
    %scan3A_126 = arith.constant 31 : i32
    %scan3A_127 = arith.addi %scan3A, %scan3A_126 : i32
    %scan3A_128 = arith.constant 1 : i32
    scf.for %scan3A_149 = %scan3A to %scan3A_127 step %scan3A_128  : i32 {
      %mul3A_150 = arith.constant 1 : i32
      %mul3A_151 = arith.muli %scan3A_149, %mul3A_150 : i32
      %add3A_152 = arith.constant 0 : i32
      %add3A_153 = arith.addi %add3A_152, %mul3A_151 : i32
      %mul3A_154 = arith.constant 4 : i32
      %mul3A_155 = arith.muli %mul3A_154, %add3A_153 : i32
      %add3A_156 = arith.constant 0 : i32
      %add3A_157 = arith.addi %mul3A_155, %add3A_156 : i32
      %ge3A = arith.constant 1 : i32
      %ge3A_158 = arith.cmpi sge, %add3A_157, %ge3A : i32
      %convert_element_type3A = arith.extui %ge3A_158 : i1 to i32
      %cond3A = arith.constant 0 : i32
      %cond3A_159 = arith.cmpi ne, %convert_element_type3A, %cond3A : i32
      scf.if %cond3A_159 {
        %dma_wait3A_381 = arith.constant 1 : i32
        %dma_wait3A_382 = arith.constant 0 : i32
        %dma_wait3A_383 = tpu.memref_slice %arg9[%dma_wait3A_381, %dma_wait3A_382] : memref<2x80xi32, #tpu.memory_space<vmem>> -> memref<1x80xi32, #tpu.memory_space<vmem>>
        %dma_wait3A_384 = tpu.memref_squeeze %dma_wait3A_383 : memref<1x80xi32, #tpu.memory_space<vmem>> -> memref<80xi32, #tpu.memory_space<vmem>>
        %dma_wait3A_385 = arith.constant 0 : i32
        %dma_wait3A_386 = arith.constant 0 : i32
        %dma_wait3A_387 = tpu.memref_slice %arg12[%dma_wait3A_385, %dma_wait3A_386] : memref<10240x128xf32, #tpu.memory_space<vmem_shared>> -> memref<10240x128xf32, #tpu.memory_space<vmem_shared>>
        tpu.wait_indirect_dma semaphore(%arg20 : memref<!tpu.dma_semaphore, #tpu.memory_space<semaphore_mem>>) src(%arg11 : memref<80x128xf32, #tpu.memory_space<vmem>>) dst(%dma_wait3A_387 : memref<10240x128xf32, #tpu.memory_space<vmem_shared>>)
      } else {
      }
      %ge3A_160 = arith.constant 1 : i32
      %ge3A_161 = arith.cmpi sge, %add3A_157, %ge3A_160 : i32
      %add3A_162 = arith.constant 3 : i32
      %add3A_163 = arith.addi %add3A_157, %add3A_162 : i32
      %le3A = arith.constant 124 : i32
      %le3A_164 = arith.cmpi sle, %add3A_163, %le3A : i32
      %and3A = arith.andi %ge3A_161, %le3A_164 : i1
      %convert_element_type3A_165 = arith.extui %and3A : i1 to i32
      %cond3A_166 = arith.constant 0 : i32
      %cond3A_167 = arith.cmpi ne, %convert_element_type3A_165, %cond3A_166 : i32
      scf.if %cond3A_167 {
        %add3A_381 = arith.constant 3 : i32
        %add3A_382 = arith.addi %add3A_157, %add3A_381 : i32
        %mul3A_383 = arith.constant 80 : i32
        %mul3A_384 = arith.muli %add3A_382, %mul3A_383 : i32
        %add3A_385 = arith.addi %mul3A_2, %mul3A_384 : i32
        %dma_start3A_386 = arith.constant 0 : i32
        %dma_start3A_387 = arith.constant 0 : i32
        %dma_start3A_388 = tpu.memref_slice %arg9[%dma_start3A_386, %dma_start3A_387] : memref<2x80xi32, #tpu.memory_space<vmem>> -> memref<1x80xi32, #tpu.memory_space<vmem>>
        %dma_start3A_389 = tpu.memref_squeeze %dma_start3A_388 : memref<1x80xi32, #tpu.memory_space<vmem>> -> memref<80xi32, #tpu.memory_space<vmem>>
        %dma_start3A_390 = tpu.memref_slice %arg3[%add3A_385] : memref<640000xi32, #tpu.memory_space<hbm>> -> memref<80xi32, #tpu.memory_space<hbm>>
        %dma_start3A_391 = arith.constant 0 : i32
        %dma_start3A_392 = tpu.memref_slice %arg9[%dma_start3A_386, %dma_start3A_391] : memref<2x80xi32, #tpu.memory_space<vmem>> -> memref<1x80xi32, #tpu.memory_space<vmem>>
        %dma_start3A_393 = tpu.memref_squeeze %dma_start3A_392 : memref<1x80xi32, #tpu.memory_space<vmem>> -> memref<80xi32, #tpu.memory_space<vmem>>
        %dma_start3A_394 = tpu.memref_slice %arg3[%add3A_385] : memref<640000xi32, #tpu.memory_space<hbm>> -> memref<80xi32, #tpu.memory_space<hbm>>
        tpu.enqueue_dma source(%dma_start3A_394 : memref<80xi32, #tpu.memory_space<hbm>>) target(%dma_start3A_393 : memref<80xi32, #tpu.memory_space<vmem>>) target_semaphore(%arg16 : memref<!tpu.dma_semaphore, #tpu.memory_space<semaphore_mem>>)
        %add3A_395 = arith.constant 320000 : i32
        %add3A_396 = arith.addi %add3A_395, %mul3A_2 : i32
        %mul3A_397 = arith.constant 80 : i32
        %mul3A_398 = arith.muli %add3A_382, %mul3A_397 : i32
        %add3A_399 = arith.addi %add3A_396, %mul3A_398 : i32
        %dma_start3A_400 = arith.constant 1 : i32
        %dma_start3A_401 = arith.constant 0 : i32
        %dma_start3A_402 = tpu.memref_slice %arg9[%dma_start3A_400, %dma_start3A_401] : memref<2x80xi32, #tpu.memory_space<vmem>> -> memref<1x80xi32, #tpu.memory_space<vmem>>
        %dma_start3A_403 = tpu.memref_squeeze %dma_start3A_402 : memref<1x80xi32, #tpu.memory_space<vmem>> -> memref<80xi32, #tpu.memory_space<vmem>>
        %dma_start3A_404 = tpu.memref_slice %arg3[%add3A_399] : memref<640000xi32, #tpu.memory_space<hbm>> -> memref<80xi32, #tpu.memory_space<hbm>>
        %dma_start3A_405 = arith.constant 0 : i32
        %dma_start3A_406 = tpu.memref_slice %arg9[%dma_start3A_400, %dma_start3A_405] : memref<2x80xi32, #tpu.memory_space<vmem>> -> memref<1x80xi32, #tpu.memory_space<vmem>>
        %dma_start3A_407 = tpu.memref_squeeze %dma_start3A_406 : memref<1x80xi32, #tpu.memory_space<vmem>> -> memref<80xi32, #tpu.memory_space<vmem>>
        %dma_start3A_408 = tpu.memref_slice %arg3[%add3A_399] : memref<640000xi32, #tpu.memory_space<hbm>> -> memref<80xi32, #tpu.memory_space<hbm>>
        tpu.enqueue_dma source(%dma_start3A_408 : memref<80xi32, #tpu.memory_space<hbm>>) target(%dma_start3A_407 : memref<80xi32, #tpu.memory_space<vmem>>) target_semaphore(%arg16 : memref<!tpu.dma_semaphore, #tpu.memory_space<semaphore_mem>>)
      } else {
      }
      %dma_wait3A_168 = arith.constant 0 : i32
      %dma_wait3A_169 = arith.constant 0 : i32
      %dma_wait3A_170 = tpu.memref_slice %arg7[%dma_wait3A_168, %dma_wait3A_169] : memref<2x80xi32, #tpu.memory_space<vmem>> -> memref<1x80xi32, #tpu.memory_space<vmem>>
      %dma_wait3A_171 = tpu.memref_squeeze %dma_wait3A_170 : memref<1x80xi32, #tpu.memory_space<vmem>> -> memref<80xi32, #tpu.memory_space<vmem>>
      %dma_wait3A_172 = tpu.memref_slice %arg3[%mul3A_2] : memref<640000xi32, #tpu.memory_space<hbm>> -> memref<80xi32, #tpu.memory_space<hbm>>
      %dma_wait3A_173 = arith.constant 0 : i32
      %dma_wait3A_174 = tpu.memref_slice %arg7[%dma_wait3A_168, %dma_wait3A_173] : memref<2x80xi32, #tpu.memory_space<vmem>> -> memref<1x80xi32, #tpu.memory_space<vmem>>
      %dma_wait3A_175 = tpu.memref_squeeze %dma_wait3A_174 : memref<1x80xi32, #tpu.memory_space<vmem>> -> memref<80xi32, #tpu.memory_space<vmem>>
      %dma_wait3A_176 = tpu.memref_slice %arg3[%mul3A_2] : memref<640000xi32, #tpu.memory_space<hbm>> -> memref<80xi32, #tpu.memory_space<hbm>>
      tpu.wait_dma2 semaphore(%arg14 : memref<!tpu.dma_semaphore, #tpu.memory_space<semaphore_mem>>) src(%dma_wait3A_176 : memref<80xi32, #tpu.memory_space<hbm>>) dst(%dma_wait3A_175 : memref<80xi32, #tpu.memory_space<vmem>>)
      %dma_wait3A_177 = arith.constant 1 : i32
      %dma_wait3A_178 = arith.constant 0 : i32
      %dma_wait3A_179 = tpu.memref_slice %arg7[%dma_wait3A_177, %dma_wait3A_178] : memref<2x80xi32, #tpu.memory_space<vmem>> -> memref<1x80xi32, #tpu.memory_space<vmem>>
      %dma_wait3A_180 = tpu.memref_squeeze %dma_wait3A_179 : memref<1x80xi32, #tpu.memory_space<vmem>> -> memref<80xi32, #tpu.memory_space<vmem>>
      %dma_wait3A_181 = tpu.memref_slice %arg3[%mul3A_2] : memref<640000xi32, #tpu.memory_space<hbm>> -> memref<80xi32, #tpu.memory_space<hbm>>
      %dma_wait3A_182 = arith.constant 0 : i32
      %dma_wait3A_183 = tpu.memref_slice %arg7[%dma_wait3A_177, %dma_wait3A_182] : memref<2x80xi32, #tpu.memory_space<vmem>> -> memref<1x80xi32, #tpu.memory_space<vmem>>
      %dma_wait3A_184 = tpu.memref_squeeze %dma_wait3A_183 : memref<1x80xi32, #tpu.memory_space<vmem>> -> memref<80xi32, #tpu.memory_space<vmem>>
      %dma_wait3A_185 = tpu.memref_slice %arg3[%mul3A_2] : memref<640000xi32, #tpu.memory_space<hbm>> -> memref<80xi32, #tpu.memory_space<hbm>>
      tpu.wait_dma2 semaphore(%arg14 : memref<!tpu.dma_semaphore, #tpu.memory_space<semaphore_mem>>) src(%dma_wait3A_185 : memref<80xi32, #tpu.memory_space<hbm>>) dst(%dma_wait3A_184 : memref<80xi32, #tpu.memory_space<vmem>>)
      %dma_start3A_186 = arith.constant 0 : i32
      %dma_start3A_187 = arith.constant 0 : i32
      %dma_start3A_188 = tpu.memref_slice %arg7[%dma_start3A_186, %dma_start3A_187] : memref<2x80xi32, #tpu.memory_space<vmem>> -> memref<1x80xi32, #tpu.memory_space<vmem>>
      %dma_start3A_189 = tpu.memref_squeeze %dma_start3A_188 : memref<1x80xi32, #tpu.memory_space<vmem>> -> memref<80xi32, #tpu.memory_space<vmem>>
      %dma_start3A_190 = arith.constant 0 : i32
      %dma_start3A_191 = arith.constant 0 : i32
      %dma_start3A_192 = tpu.memref_slice %arg2[%dma_start3A_190, %dma_start3A_191] : memref<10000x128xf32, #tpu.memory_space<hbm>> -> memref<10000x128xf32, #tpu.memory_space<hbm>>
      tpu.enqueue_indirect_dma source(%dma_start3A_192 : memref<10000x128xf32, #tpu.memory_space<hbm>>) target(%arg11 : memref<80x128xf32, #tpu.memory_space<vmem>>) offsets(%dma_start3A_189 : memref<80xi32, #tpu.memory_space<vmem>>) semaphore(%arg18 : memref<!tpu.dma_semaphore, #tpu.memory_space<semaphore_mem>>)
      %dma_wait3A_193 = arith.constant 0 : i32
      %dma_wait3A_194 = arith.constant 0 : i32
      %dma_wait3A_195 = tpu.memref_slice %arg6[%dma_wait3A_193, %dma_wait3A_194] : memref<2x80xi32, #tpu.memory_space<vmem>> -> memref<1x80xi32, #tpu.memory_space<vmem>>
      %dma_wait3A_196 = tpu.memref_squeeze %dma_wait3A_195 : memref<1x80xi32, #tpu.memory_space<vmem>> -> memref<80xi32, #tpu.memory_space<vmem>>
      %dma_wait3A_197 = arith.constant 0 : i32
      %dma_wait3A_198 = arith.constant 0 : i32
      %dma_wait3A_199 = tpu.memref_slice %arg2[%dma_wait3A_197, %dma_wait3A_198] : memref<10000x128xf32, #tpu.memory_space<hbm>> -> memref<10000x128xf32, #tpu.memory_space<hbm>>
      tpu.wait_indirect_dma semaphore(%arg17 : memref<!tpu.dma_semaphore, #tpu.memory_space<semaphore_mem>>) src(%dma_wait3A_199 : memref<10000x128xf32, #tpu.memory_space<hbm>>) dst(%arg10 : memref<80x128xf32, #tpu.memory_space<vmem>>)
      %dma_start3A_200 = arith.constant 1 : i32
      %dma_start3A_201 = arith.constant 0 : i32
      %dma_start3A_202 = tpu.memref_slice %arg6[%dma_start3A_200, %dma_start3A_201] : memref<2x80xi32, #tpu.memory_space<vmem>> -> memref<1x80xi32, #tpu.memory_space<vmem>>
      %dma_start3A_203 = tpu.memref_squeeze %dma_start3A_202 : memref<1x80xi32, #tpu.memory_space<vmem>> -> memref<80xi32, #tpu.memory_space<vmem>>
      %dma_start3A_204 = arith.constant 0 : i32
      %dma_start3A_205 = arith.constant 0 : i32
      %dma_start3A_206 = tpu.memref_slice %arg12[%dma_start3A_204, %dma_start3A_205] : memref<10240x128xf32, #tpu.memory_space<vmem_shared>> -> memref<10240x128xf32, #tpu.memory_space<vmem_shared>>
      tpu.enqueue_indirect_dma source(%arg10 : memref<80x128xf32, #tpu.memory_space<vmem>>) target(%dma_start3A_206 : memref<10240x128xf32, #tpu.memory_space<vmem_shared>>) offsets(%dma_start3A_203 : memref<80xi32, #tpu.memory_space<vmem>>) semaphore(%arg19 : memref<!tpu.dma_semaphore, #tpu.memory_space<semaphore_mem>>) {add = true}
      %mul3A_207 = arith.constant 4 : i32
      %mul3A_208 = arith.muli %mul3A_207, %add3A_153 : i32
      %add3A_209 = arith.constant 1 : i32
      %add3A_210 = arith.addi %mul3A_208, %add3A_209 : i32
      %ge3A_211 = arith.constant 1 : i32
      %ge3A_212 = arith.cmpi sge, %add3A_210, %ge3A_211 : i32
      %convert_element_type3A_213 = arith.extui %ge3A_212 : i1 to i32
      %cond3A_214 = arith.constant 0 : i32
      %cond3A_215 = arith.cmpi ne, %convert_element_type3A_213, %cond3A_214 : i32
      scf.if %cond3A_215 {
        %dma_wait3A_381 = arith.constant 1 : i32
        %dma_wait3A_382 = arith.constant 0 : i32
        %dma_wait3A_383 = tpu.memref_slice %arg6[%dma_wait3A_381, %dma_wait3A_382] : memref<2x80xi32, #tpu.memory_space<vmem>> -> memref<1x80xi32, #tpu.memory_space<vmem>>
        %dma_wait3A_384 = tpu.memref_squeeze %dma_wait3A_383 : memref<1x80xi32, #tpu.memory_space<vmem>> -> memref<80xi32, #tpu.memory_space<vmem>>
        %dma_wait3A_385 = arith.constant 0 : i32
        %dma_wait3A_386 = arith.constant 0 : i32
        %dma_wait3A_387 = tpu.memref_slice %arg12[%dma_wait3A_385, %dma_wait3A_386] : memref<10240x128xf32, #tpu.memory_space<vmem_shared>> -> memref<10240x128xf32, #tpu.memory_space<vmem_shared>>
        tpu.wait_indirect_dma semaphore(%arg19 : memref<!tpu.dma_semaphore, #tpu.memory_space<semaphore_mem>>) src(%arg10 : memref<80x128xf32, #tpu.memory_space<vmem>>) dst(%dma_wait3A_387 : memref<10240x128xf32, #tpu.memory_space<vmem_shared>>)
      } else {
      }
      %ge3A_216 = arith.constant 1 : i32
      %ge3A_217 = arith.cmpi sge, %add3A_210, %ge3A_216 : i32
      %add3A_218 = arith.constant 3 : i32
      %add3A_219 = arith.addi %add3A_210, %add3A_218 : i32
      %le3A_220 = arith.constant 124 : i32
      %le3A_221 = arith.cmpi sle, %add3A_219, %le3A_220 : i32
      %and3A_222 = arith.andi %ge3A_217, %le3A_221 : i1
      %convert_element_type3A_223 = arith.extui %and3A_222 : i1 to i32
      %cond3A_224 = arith.constant 0 : i32
      %cond3A_225 = arith.cmpi ne, %convert_element_type3A_223, %cond3A_224 : i32
      scf.if %cond3A_225 {
        %add3A_381 = arith.constant 3 : i32
        %add3A_382 = arith.addi %add3A_210, %add3A_381 : i32
        %mul3A_383 = arith.constant 80 : i32
        %mul3A_384 = arith.muli %add3A_382, %mul3A_383 : i32
        %add3A_385 = arith.addi %mul3A_2, %mul3A_384 : i32
        %dma_start3A_386 = arith.constant 0 : i32
        %dma_start3A_387 = arith.constant 0 : i32
        %dma_start3A_388 = tpu.memref_slice %arg6[%dma_start3A_386, %dma_start3A_387] : memref<2x80xi32, #tpu.memory_space<vmem>> -> memref<1x80xi32, #tpu.memory_space<vmem>>
        %dma_start3A_389 = tpu.memref_squeeze %dma_start3A_388 : memref<1x80xi32, #tpu.memory_space<vmem>> -> memref<80xi32, #tpu.memory_space<vmem>>
        %dma_start3A_390 = tpu.memref_slice %arg3[%add3A_385] : memref<640000xi32, #tpu.memory_space<hbm>> -> memref<80xi32, #tpu.memory_space<hbm>>
        %dma_start3A_391 = arith.constant 0 : i32
        %dma_start3A_392 = tpu.memref_slice %arg6[%dma_start3A_386, %dma_start3A_391] : memref<2x80xi32, #tpu.memory_space<vmem>> -> memref<1x80xi32, #tpu.memory_space<vmem>>
        %dma_start3A_393 = tpu.memref_squeeze %dma_start3A_392 : memref<1x80xi32, #tpu.memory_space<vmem>> -> memref<80xi32, #tpu.memory_space<vmem>>
        %dma_start3A_394 = tpu.memref_slice %arg3[%add3A_385] : memref<640000xi32, #tpu.memory_space<hbm>> -> memref<80xi32, #tpu.memory_space<hbm>>
        tpu.enqueue_dma source(%dma_start3A_394 : memref<80xi32, #tpu.memory_space<hbm>>) target(%dma_start3A_393 : memref<80xi32, #tpu.memory_space<vmem>>) target_semaphore(%arg13 : memref<!tpu.dma_semaphore, #tpu.memory_space<semaphore_mem>>)
        %add3A_395 = arith.constant 320000 : i32
        %add3A_396 = arith.addi %add3A_395, %mul3A_2 : i32
        %mul3A_397 = arith.constant 80 : i32
        %mul3A_398 = arith.muli %add3A_382, %mul3A_397 : i32
        %add3A_399 = arith.addi %add3A_396, %mul3A_398 : i32
        %dma_start3A_400 = arith.constant 1 : i32
        %dma_start3A_401 = arith.constant 0 : i32
        %dma_start3A_402 = tpu.memref_slice %arg6[%dma_start3A_400, %dma_start3A_401] : memref<2x80xi32, #tpu.memory_space<vmem>> -> memref<1x80xi32, #tpu.memory_space<vmem>>
        %dma_start3A_403 = tpu.memref_squeeze %dma_start3A_402 : memref<1x80xi32, #tpu.memory_space<vmem>> -> memref<80xi32, #tpu.memory_space<vmem>>
        %dma_start3A_404 = tpu.memref_slice %arg3[%add3A_399] : memref<640000xi32, #tpu.memory_space<hbm>> -> memref<80xi32, #tpu.memory_space<hbm>>
        %dma_start3A_405 = arith.constant 0 : i32
        %dma_start3A_406 = tpu.memref_slice %arg6[%dma_start3A_400, %dma_start3A_405] : memref<2x80xi32, #tpu.memory_space<vmem>> -> memref<1x80xi32, #tpu.memory_space<vmem>>
        %dma_start3A_407 = tpu.memref_squeeze %dma_start3A_406 : memref<1x80xi32, #tpu.memory_space<vmem>> -> memref<80xi32, #tpu.memory_space<vmem>>
        %dma_start3A_408 = tpu.memref_slice %arg3[%add3A_399] : memref<640000xi32, #tpu.memory_space<hbm>> -> memref<80xi32, #tpu.memory_space<hbm>>
        tpu.enqueue_dma source(%dma_start3A_408 : memref<80xi32, #tpu.memory_space<hbm>>) target(%dma_start3A_407 : memref<80xi32, #tpu.memory_space<vmem>>) target_semaphore(%arg13 : memref<!tpu.dma_semaphore, #tpu.memory_space<semaphore_mem>>)
      } else {
      }
      %dma_wait3A_226 = arith.constant 0 : i32
      %dma_wait3A_227 = arith.constant 0 : i32
      %dma_wait3A_228 = tpu.memref_slice %arg8[%dma_wait3A_226, %dma_wait3A_227] : memref<2x80xi32, #tpu.memory_space<vmem>> -> memref<1x80xi32, #tpu.memory_space<vmem>>
      %dma_wait3A_229 = tpu.memref_squeeze %dma_wait3A_228 : memref<1x80xi32, #tpu.memory_space<vmem>> -> memref<80xi32, #tpu.memory_space<vmem>>
      %dma_wait3A_230 = tpu.memref_slice %arg3[%mul3A_2] : memref<640000xi32, #tpu.memory_space<hbm>> -> memref<80xi32, #tpu.memory_space<hbm>>
      %dma_wait3A_231 = arith.constant 0 : i32
      %dma_wait3A_232 = tpu.memref_slice %arg8[%dma_wait3A_226, %dma_wait3A_231] : memref<2x80xi32, #tpu.memory_space<vmem>> -> memref<1x80xi32, #tpu.memory_space<vmem>>
      %dma_wait3A_233 = tpu.memref_squeeze %dma_wait3A_232 : memref<1x80xi32, #tpu.memory_space<vmem>> -> memref<80xi32, #tpu.memory_space<vmem>>
      %dma_wait3A_234 = tpu.memref_slice %arg3[%mul3A_2] : memref<640000xi32, #tpu.memory_space<hbm>> -> memref<80xi32, #tpu.memory_space<hbm>>
      tpu.wait_dma2 semaphore(%arg15 : memref<!tpu.dma_semaphore, #tpu.memory_space<semaphore_mem>>) src(%dma_wait3A_234 : memref<80xi32, #tpu.memory_space<hbm>>) dst(%dma_wait3A_233 : memref<80xi32, #tpu.memory_space<vmem>>)
      %dma_wait3A_235 = arith.constant 1 : i32
      %dma_wait3A_236 = arith.constant 0 : i32
      %dma_wait3A_237 = tpu.memref_slice %arg8[%dma_wait3A_235, %dma_wait3A_236] : memref<2x80xi32, #tpu.memory_space<vmem>> -> memref<1x80xi32, #tpu.memory_space<vmem>>
      %dma_wait3A_238 = tpu.memref_squeeze %dma_wait3A_237 : memref<1x80xi32, #tpu.memory_space<vmem>> -> memref<80xi32, #tpu.memory_space<vmem>>
      %dma_wait3A_239 = tpu.memref_slice %arg3[%mul3A_2] : memref<640000xi32, #tpu.memory_space<hbm>> -> memref<80xi32, #tpu.memory_space<hbm>>
      %dma_wait3A_240 = arith.constant 0 : i32
      %dma_wait3A_241 = tpu.memref_slice %arg8[%dma_wait3A_235, %dma_wait3A_240] : memref<2x80xi32, #tpu.memory_space<vmem>> -> memref<1x80xi32, #tpu.memory_space<vmem>>
      %dma_wait3A_242 = tpu.memref_squeeze %dma_wait3A_241 : memref<1x80xi32, #tpu.memory_space<vmem>> -> memref<80xi32, #tpu.memory_space<vmem>>
      %dma_wait3A_243 = tpu.memref_slice %arg3[%mul3A_2] : memref<640000xi32, #tpu.memory_space<hbm>> -> memref<80xi32, #tpu.memory_space<hbm>>
      tpu.wait_dma2 semaphore(%arg15 : memref<!tpu.dma_semaphore, #tpu.memory_space<semaphore_mem>>) src(%dma_wait3A_243 : memref<80xi32, #tpu.memory_space<hbm>>) dst(%dma_wait3A_242 : memref<80xi32, #tpu.memory_space<vmem>>)
      %dma_start3A_244 = arith.constant 0 : i32
      %dma_start3A_245 = arith.constant 0 : i32
      %dma_start3A_246 = tpu.memref_slice %arg8[%dma_start3A_244, %dma_start3A_245] : memref<2x80xi32, #tpu.memory_space<vmem>> -> memref<1x80xi32, #tpu.memory_space<vmem>>
      %dma_start3A_247 = tpu.memref_squeeze %dma_start3A_246 : memref<1x80xi32, #tpu.memory_space<vmem>> -> memref<80xi32, #tpu.memory_space<vmem>>
      %dma_start3A_248 = arith.constant 0 : i32
      %dma_start3A_249 = arith.constant 0 : i32
      %dma_start3A_250 = tpu.memref_slice %arg2[%dma_start3A_248, %dma_start3A_249] : memref<10000x128xf32, #tpu.memory_space<hbm>> -> memref<10000x128xf32, #tpu.memory_space<hbm>>
      tpu.enqueue_indirect_dma source(%dma_start3A_250 : memref<10000x128xf32, #tpu.memory_space<hbm>>) target(%arg10 : memref<80x128xf32, #tpu.memory_space<vmem>>) offsets(%dma_start3A_247 : memref<80xi32, #tpu.memory_space<vmem>>) semaphore(%arg17 : memref<!tpu.dma_semaphore, #tpu.memory_space<semaphore_mem>>)
      %dma_wait3A_251 = arith.constant 0 : i32
      %dma_wait3A_252 = arith.constant 0 : i32
      %dma_wait3A_253 = tpu.memref_slice %arg7[%dma_wait3A_251, %dma_wait3A_252] : memref<2x80xi32, #tpu.memory_space<vmem>> -> memref<1x80xi32, #tpu.memory_space<vmem>>
      %dma_wait3A_254 = tpu.memref_squeeze %dma_wait3A_253 : memref<1x80xi32, #tpu.memory_space<vmem>> -> memref<80xi32, #tpu.memory_space<vmem>>
      %dma_wait3A_255 = arith.constant 0 : i32
      %dma_wait3A_256 = arith.constant 0 : i32
      %dma_wait3A_257 = tpu.memref_slice %arg2[%dma_wait3A_255, %dma_wait3A_256] : memref<10000x128xf32, #tpu.memory_space<hbm>> -> memref<10000x128xf32, #tpu.memory_space<hbm>>
      tpu.wait_indirect_dma semaphore(%arg18 : memref<!tpu.dma_semaphore, #tpu.memory_space<semaphore_mem>>) src(%dma_wait3A_257 : memref<10000x128xf32, #tpu.memory_space<hbm>>) dst(%arg11 : memref<80x128xf32, #tpu.memory_space<vmem>>)
      %dma_start3A_258 = arith.constant 1 : i32
      %dma_start3A_259 = arith.constant 0 : i32
      %dma_start3A_260 = tpu.memref_slice %arg7[%dma_start3A_258, %dma_start3A_259] : memref<2x80xi32, #tpu.memory_space<vmem>> -> memref<1x80xi32, #tpu.memory_space<vmem>>
      %dma_start3A_261 = tpu.memref_squeeze %dma_start3A_260 : memref<1x80xi32, #tpu.memory_space<vmem>> -> memref<80xi32, #tpu.memory_space<vmem>>
      %dma_start3A_262 = arith.constant 0 : i32
      %dma_start3A_263 = arith.constant 0 : i32
      %dma_start3A_264 = tpu.memref_slice %arg12[%dma_start3A_262, %dma_start3A_263] : memref<10240x128xf32, #tpu.memory_space<vmem_shared>> -> memref<10240x128xf32, #tpu.memory_space<vmem_shared>>
      tpu.enqueue_indirect_dma source(%arg11 : memref<80x128xf32, #tpu.memory_space<vmem>>) target(%dma_start3A_264 : memref<10240x128xf32, #tpu.memory_space<vmem_shared>>) offsets(%dma_start3A_261 : memref<80xi32, #tpu.memory_space<vmem>>) semaphore(%arg20 : memref<!tpu.dma_semaphore, #tpu.memory_space<semaphore_mem>>) {add = true}
      %mul3A_265 = arith.constant 4 : i32
      %mul3A_266 = arith.muli %mul3A_265, %add3A_153 : i32
      %add3A_267 = arith.constant 2 : i32
      %add3A_268 = arith.addi %mul3A_266, %add3A_267 : i32
      %ge3A_269 = arith.constant 1 : i32
      %ge3A_270 = arith.cmpi sge, %add3A_268, %ge3A_269 : i32
      %convert_element_type3A_271 = arith.extui %ge3A_270 : i1 to i32
      %cond3A_272 = arith.constant 0 : i32
      %cond3A_273 = arith.cmpi ne, %convert_element_type3A_271, %cond3A_272 : i32
      scf.if %cond3A_273 {
        %dma_wait3A_381 = arith.constant 1 : i32
        %dma_wait3A_382 = arith.constant 0 : i32
        %dma_wait3A_383 = tpu.memref_slice %arg7[%dma_wait3A_381, %dma_wait3A_382] : memref<2x80xi32, #tpu.memory_space<vmem>> -> memref<1x80xi32, #tpu.memory_space<vmem>>
        %dma_wait3A_384 = tpu.memref_squeeze %dma_wait3A_383 : memref<1x80xi32, #tpu.memory_space<vmem>> -> memref<80xi32, #tpu.memory_space<vmem>>
        %dma_wait3A_385 = arith.constant 0 : i32
        %dma_wait3A_386 = arith.constant 0 : i32
        %dma_wait3A_387 = tpu.memref_slice %arg12[%dma_wait3A_385, %dma_wait3A_386] : memref<10240x128xf32, #tpu.memory_space<vmem_shared>> -> memref<10240x128xf32, #tpu.memory_space<vmem_shared>>
        tpu.wait_indirect_dma semaphore(%arg20 : memref<!tpu.dma_semaphore, #tpu.memory_space<semaphore_mem>>) src(%arg11 : memref<80x128xf32, #tpu.memory_space<vmem>>) dst(%dma_wait3A_387 : memref<10240x128xf32, #tpu.memory_space<vmem_shared>>)
      } else {
      }
      %ge3A_274 = arith.constant 1 : i32
      %ge3A_275 = arith.cmpi sge, %add3A_268, %ge3A_274 : i32
      %add3A_276 = arith.constant 3 : i32
      %add3A_277 = arith.addi %add3A_268, %add3A_276 : i32
      %le3A_278 = arith.constant 124 : i32
      %le3A_279 = arith.cmpi sle, %add3A_277, %le3A_278 : i32
      %and3A_280 = arith.andi %ge3A_275, %le3A_279 : i1
      %convert_element_type3A_281 = arith.extui %and3A_280 : i1 to i32
      %cond3A_282 = arith.constant 0 : i32
      %cond3A_283 = arith.cmpi ne, %convert_element_type3A_281, %cond3A_282 : i32
      scf.if %cond3A_283 {
        %add3A_381 = arith.constant 3 : i32
        %add3A_382 = arith.addi %add3A_268, %add3A_381 : i32
        %mul3A_383 = arith.constant 80 : i32
        %mul3A_384 = arith.muli %add3A_382, %mul3A_383 : i32
        %add3A_385 = arith.addi %mul3A_2, %mul3A_384 : i32
        %dma_start3A_386 = arith.constant 0 : i32
        %dma_start3A_387 = arith.constant 0 : i32
        %dma_start3A_388 = tpu.memref_slice %arg7[%dma_start3A_386, %dma_start3A_387] : memref<2x80xi32, #tpu.memory_space<vmem>> -> memref<1x80xi32, #tpu.memory_space<vmem>>
        %dma_start3A_389 = tpu.memref_squeeze %dma_start3A_388 : memref<1x80xi32, #tpu.memory_space<vmem>> -> memref<80xi32, #tpu.memory_space<vmem>>
        %dma_start3A_390 = tpu.memref_slice %arg3[%add3A_385] : memref<640000xi32, #tpu.memory_space<hbm>> -> memref<80xi32, #tpu.memory_space<hbm>>
        %dma_start3A_391 = arith.constant 0 : i32
        %dma_start3A_392 = tpu.memref_slice %arg7[%dma_start3A_386, %dma_start3A_391] : memref<2x80xi32, #tpu.memory_space<vmem>> -> memref<1x80xi32, #tpu.memory_space<vmem>>
        %dma_start3A_393 = tpu.memref_squeeze %dma_start3A_392 : memref<1x80xi32, #tpu.memory_space<vmem>> -> memref<80xi32, #tpu.memory_space<vmem>>
        %dma_start3A_394 = tpu.memref_slice %arg3[%add3A_385] : memref<640000xi32, #tpu.memory_space<hbm>> -> memref<80xi32, #tpu.memory_space<hbm>>
        tpu.enqueue_dma source(%dma_start3A_394 : memref<80xi32, #tpu.memory_space<hbm>>) target(%dma_start3A_393 : memref<80xi32, #tpu.memory_space<vmem>>) target_semaphore(%arg14 : memref<!tpu.dma_semaphore, #tpu.memory_space<semaphore_mem>>)
        %add3A_395 = arith.constant 320000 : i32
        %add3A_396 = arith.addi %add3A_395, %mul3A_2 : i32
        %mul3A_397 = arith.constant 80 : i32
        %mul3A_398 = arith.muli %add3A_382, %mul3A_397 : i32
        %add3A_399 = arith.addi %add3A_396, %mul3A_398 : i32
        %dma_start3A_400 = arith.constant 1 : i32
        %dma_start3A_401 = arith.constant 0 : i32
        %dma_start3A_402 = tpu.memref_slice %arg7[%dma_start3A_400, %dma_start3A_401] : memref<2x80xi32, #tpu.memory_space<vmem>> -> memref<1x80xi32, #tpu.memory_space<vmem>>
        %dma_start3A_403 = tpu.memref_squeeze %dma_start3A_402 : memref<1x80xi32, #tpu.memory_space<vmem>> -> memref<80xi32, #tpu.memory_space<vmem>>
        %dma_start3A_404 = tpu.memref_slice %arg3[%add3A_399] : memref<640000xi32, #tpu.memory_space<hbm>> -> memref<80xi32, #tpu.memory_space<hbm>>
        %dma_start3A_405 = arith.constant 0 : i32
        %dma_start3A_406 = tpu.memref_slice %arg7[%dma_start3A_400, %dma_start3A_405] : memref<2x80xi32, #tpu.memory_space<vmem>> -> memref<1x80xi32, #tpu.memory_space<vmem>>
        %dma_start3A_407 = tpu.memref_squeeze %dma_start3A_406 : memref<1x80xi32, #tpu.memory_space<vmem>> -> memref<80xi32, #tpu.memory_space<vmem>>
        %dma_start3A_408 = tpu.memref_slice %arg3[%add3A_399] : memref<640000xi32, #tpu.memory_space<hbm>> -> memref<80xi32, #tpu.memory_space<hbm>>
        tpu.enqueue_dma source(%dma_start3A_408 : memref<80xi32, #tpu.memory_space<hbm>>) target(%dma_start3A_407 : memref<80xi32, #tpu.memory_space<vmem>>) target_semaphore(%arg14 : memref<!tpu.dma_semaphore, #tpu.memory_space<semaphore_mem>>)
      } else {
      }
      %dma_wait3A_284 = arith.constant 0 : i32
      %dma_wait3A_285 = arith.constant 0 : i32
      %dma_wait3A_286 = tpu.memref_slice %arg9[%dma_wait3A_284, %dma_wait3A_285] : memref<2x80xi32, #tpu.memory_space<vmem>> -> memref<1x80xi32, #tpu.memory_space<vmem>>
      %dma_wait3A_287 = tpu.memref_squeeze %dma_wait3A_286 : memref<1x80xi32, #tpu.memory_space<vmem>> -> memref<80xi32, #tpu.memory_space<vmem>>
      %dma_wait3A_288 = tpu.memref_slice %arg3[%mul3A_2] : memref<640000xi32, #tpu.memory_space<hbm>> -> memref<80xi32, #tpu.memory_space<hbm>>
      %dma_wait3A_289 = arith.constant 0 : i32
      %dma_wait3A_290 = tpu.memref_slice %arg9[%dma_wait3A_284, %dma_wait3A_289] : memref<2x80xi32, #tpu.memory_space<vmem>> -> memref<1x80xi32, #tpu.memory_space<vmem>>
      %dma_wait3A_291 = tpu.memref_squeeze %dma_wait3A_290 : memref<1x80xi32, #tpu.memory_space<vmem>> -> memref<80xi32, #tpu.memory_space<vmem>>
      %dma_wait3A_292 = tpu.memref_slice %arg3[%mul3A_2] : memref<640000xi32, #tpu.memory_space<hbm>> -> memref<80xi32, #tpu.memory_space<hbm>>
      tpu.wait_dma2 semaphore(%arg16 : memref<!tpu.dma_semaphore, #tpu.memory_space<semaphore_mem>>) src(%dma_wait3A_292 : memref<80xi32, #tpu.memory_space<hbm>>) dst(%dma_wait3A_291 : memref<80xi32, #tpu.memory_space<vmem>>)
      %dma_wait3A_293 = arith.constant 1 : i32
      %dma_wait3A_294 = arith.constant 0 : i32
      %dma_wait3A_295 = tpu.memref_slice %arg9[%dma_wait3A_293, %dma_wait3A_294] : memref<2x80xi32, #tpu.memory_space<vmem>> -> memref<1x80xi32, #tpu.memory_space<vmem>>
      %dma_wait3A_296 = tpu.memref_squeeze %dma_wait3A_295 : memref<1x80xi32, #tpu.memory_space<vmem>> -> memref<80xi32, #tpu.memory_space<vmem>>
      %dma_wait3A_297 = tpu.memref_slice %arg3[%mul3A_2] : memref<640000xi32, #tpu.memory_space<hbm>> -> memref<80xi32, #tpu.memory_space<hbm>>
      %dma_wait3A_298 = arith.constant 0 : i32
      %dma_wait3A_299 = tpu.memref_slice %arg9[%dma_wait3A_293, %dma_wait3A_298] : memref<2x80xi32, #tpu.memory_space<vmem>> -> memref<1x80xi32, #tpu.memory_space<vmem>>
      %dma_wait3A_300 = tpu.memref_squeeze %dma_wait3A_299 : memref<1x80xi32, #tpu.memory_space<vmem>> -> memref<80xi32, #tpu.memory_space<vmem>>
      %dma_wait3A_301 = tpu.memref_slice %arg3[%mul3A_2] : memref<640000xi32, #tpu.memory_space<hbm>> -> memref<80xi32, #tpu.memory_space<hbm>>
      tpu.wait_dma2 semaphore(%arg16 : memref<!tpu.dma_semaphore, #tpu.memory_space<semaphore_mem>>) src(%dma_wait3A_301 : memref<80xi32, #tpu.memory_space<hbm>>) dst(%dma_wait3A_300 : memref<80xi32, #tpu.memory_space<vmem>>)
      %dma_start3A_302 = arith.constant 0 : i32
      %dma_start3A_303 = arith.constant 0 : i32
      %dma_start3A_304 = tpu.memref_slice %arg9[%dma_start3A_302, %dma_start3A_303] : memref<2x80xi32, #tpu.memory_space<vmem>> -> memref<1x80xi32, #tpu.memory_space<vmem>>
      %dma_start3A_305 = tpu.memref_squeeze %dma_start3A_304 : memref<1x80xi32, #tpu.memory_space<vmem>> -> memref<80xi32, #tpu.memory_space<vmem>>
      %dma_start3A_306 = arith.constant 0 : i32
      %dma_start3A_307 = arith.constant 0 : i32
      %dma_start3A_308 = tpu.memref_slice %arg2[%dma_start3A_306, %dma_start3A_307] : memref<10000x128xf32, #tpu.memory_space<hbm>> -> memref<10000x128xf32, #tpu.memory_space<hbm>>
      tpu.enqueue_indirect_dma source(%dma_start3A_308 : memref<10000x128xf32, #tpu.memory_space<hbm>>) target(%arg11 : memref<80x128xf32, #tpu.memory_space<vmem>>) offsets(%dma_start3A_305 : memref<80xi32, #tpu.memory_space<vmem>>) semaphore(%arg18 : memref<!tpu.dma_semaphore, #tpu.memory_space<semaphore_mem>>)
      %dma_wait3A_309 = arith.constant 0 : i32
      %dma_wait3A_310 = arith.constant 0 : i32
      %dma_wait3A_311 = tpu.memref_slice %arg8[%dma_wait3A_309, %dma_wait3A_310] : memref<2x80xi32, #tpu.memory_space<vmem>> -> memref<1x80xi32, #tpu.memory_space<vmem>>
      %dma_wait3A_312 = tpu.memref_squeeze %dma_wait3A_311 : memref<1x80xi32, #tpu.memory_space<vmem>> -> memref<80xi32, #tpu.memory_space<vmem>>
      %dma_wait3A_313 = arith.constant 0 : i32
      %dma_wait3A_314 = arith.constant 0 : i32
      %dma_wait3A_315 = tpu.memref_slice %arg2[%dma_wait3A_313, %dma_wait3A_314] : memref<10000x128xf32, #tpu.memory_space<hbm>> -> memref<10000x128xf32, #tpu.memory_space<hbm>>
      tpu.wait_indirect_dma semaphore(%arg17 : memref<!tpu.dma_semaphore, #tpu.memory_space<semaphore_mem>>) src(%dma_wait3A_315 : memref<10000x128xf32, #tpu.memory_space<hbm>>) dst(%arg10 : memref<80x128xf32, #tpu.memory_space<vmem>>)
      %dma_start3A_316 = arith.constant 1 : i32
      %dma_start3A_317 = arith.constant 0 : i32
      %dma_start3A_318 = tpu.memref_slice %arg8[%dma_start3A_316, %dma_start3A_317] : memref<2x80xi32, #tpu.memory_space<vmem>> -> memref<1x80xi32, #tpu.memory_space<vmem>>
      %dma_start3A_319 = tpu.memref_squeeze %dma_start3A_318 : memref<1x80xi32, #tpu.memory_space<vmem>> -> memref<80xi32, #tpu.memory_space<vmem>>
      %dma_start3A_320 = arith.constant 0 : i32
      %dma_start3A_321 = arith.constant 0 : i32
      %dma_start3A_322 = tpu.memref_slice %arg12[%dma_start3A_320, %dma_start3A_321] : memref<10240x128xf32, #tpu.memory_space<vmem_shared>> -> memref<10240x128xf32, #tpu.memory_space<vmem_shared>>
      tpu.enqueue_indirect_dma source(%arg10 : memref<80x128xf32, #tpu.memory_space<vmem>>) target(%dma_start3A_322 : memref<10240x128xf32, #tpu.memory_space<vmem_shared>>) offsets(%dma_start3A_319 : memref<80xi32, #tpu.memory_space<vmem>>) semaphore(%arg19 : memref<!tpu.dma_semaphore, #tpu.memory_space<semaphore_mem>>) {add = true}
      %mul3A_323 = arith.constant 4 : i32
      %mul3A_324 = arith.muli %mul3A_323, %add3A_153 : i32
      %add3A_325 = arith.constant 3 : i32
      %add3A_326 = arith.addi %mul3A_324, %add3A_325 : i32
      %ge3A_327 = arith.constant 1 : i32
      %ge3A_328 = arith.cmpi sge, %add3A_326, %ge3A_327 : i32
      %convert_element_type3A_329 = arith.extui %ge3A_328 : i1 to i32
      %cond3A_330 = arith.constant 0 : i32
      %cond3A_331 = arith.cmpi ne, %convert_element_type3A_329, %cond3A_330 : i32
      scf.if %cond3A_331 {
        %dma_wait3A_381 = arith.constant 1 : i32
        %dma_wait3A_382 = arith.constant 0 : i32
        %dma_wait3A_383 = tpu.memref_slice %arg8[%dma_wait3A_381, %dma_wait3A_382] : memref<2x80xi32, #tpu.memory_space<vmem>> -> memref<1x80xi32, #tpu.memory_space<vmem>>
        %dma_wait3A_384 = tpu.memref_squeeze %dma_wait3A_383 : memref<1x80xi32, #tpu.memory_space<vmem>> -> memref<80xi32, #tpu.memory_space<vmem>>
        %dma_wait3A_385 = arith.constant 0 : i32
        %dma_wait3A_386 = arith.constant 0 : i32
        %dma_wait3A_387 = tpu.memref_slice %arg12[%dma_wait3A_385, %dma_wait3A_386] : memref<10240x128xf32, #tpu.memory_space<vmem_shared>> -> memref<10240x128xf32, #tpu.memory_space<vmem_shared>>
        tpu.wait_indirect_dma semaphore(%arg19 : memref<!tpu.dma_semaphore, #tpu.memory_space<semaphore_mem>>) src(%arg10 : memref<80x128xf32, #tpu.memory_space<vmem>>) dst(%dma_wait3A_387 : memref<10240x128xf32, #tpu.memory_space<vmem_shared>>)
      } else {
      }
      %ge3A_332 = arith.constant 1 : i32
      %ge3A_333 = arith.cmpi sge, %add3A_326, %ge3A_332 : i32
      %add3A_334 = arith.constant 3 : i32
      %add3A_335 = arith.addi %add3A_326, %add3A_334 : i32
      %le3A_336 = arith.constant 124 : i32
      %le3A_337 = arith.cmpi sle, %add3A_335, %le3A_336 : i32
      %and3A_338 = arith.andi %ge3A_333, %le3A_337 : i1
      %convert_element_type3A_339 = arith.extui %and3A_338 : i1 to i32
      %cond3A_340 = arith.constant 0 : i32
      %cond3A_341 = arith.cmpi ne, %convert_element_type3A_339, %cond3A_340 : i32
      scf.if %cond3A_341 {
        %add3A_381 = arith.constant 3 : i32
        %add3A_382 = arith.addi %add3A_326, %add3A_381 : i32
        %mul3A_383 = arith.constant 80 : i32
        %mul3A_384 = arith.muli %add3A_382, %mul3A_383 : i32
        %add3A_385 = arith.addi %mul3A_2, %mul3A_384 : i32
        %dma_start3A_386 = arith.constant 0 : i32
        %dma_start3A_387 = arith.constant 0 : i32
        %dma_start3A_388 = tpu.memref_slice %arg8[%dma_start3A_386, %dma_start3A_387] : memref<2x80xi32, #tpu.memory_space<vmem>> -> memref<1x80xi32, #tpu.memory_space<vmem>>
        %dma_start3A_389 = tpu.memref_squeeze %dma_start3A_388 : memref<1x80xi32, #tpu.memory_space<vmem>> -> memref<80xi32, #tpu.memory_space<vmem>>
        %dma_start3A_390 = tpu.memref_slice %arg3[%add3A_385] : memref<640000xi32, #tpu.memory_space<hbm>> -> memref<80xi32, #tpu.memory_space<hbm>>
        %dma_start3A_391 = arith.constant 0 : i32
        %dma_start3A_392 = tpu.memref_slice %arg8[%dma_start3A_386, %dma_start3A_391] : memref<2x80xi32, #tpu.memory_space<vmem>> -> memref<1x80xi32, #tpu.memory_space<vmem>>
        %dma_start3A_393 = tpu.memref_squeeze %dma_start3A_392 : memref<1x80xi32, #tpu.memory_space<vmem>> -> memref<80xi32, #tpu.memory_space<vmem>>
        %dma_start3A_394 = tpu.memref_slice %arg3[%add3A_385] : memref<640000xi32, #tpu.memory_space<hbm>> -> memref<80xi32, #tpu.memory_space<hbm>>
        tpu.enqueue_dma source(%dma_start3A_394 : memref<80xi32, #tpu.memory_space<hbm>>) target(%dma_start3A_393 : memref<80xi32, #tpu.memory_space<vmem>>) target_semaphore(%arg15 : memref<!tpu.dma_semaphore, #tpu.memory_space<semaphore_mem>>)
        %add3A_395 = arith.constant 320000 : i32
        %add3A_396 = arith.addi %add3A_395, %mul3A_2 : i32
        %mul3A_397 = arith.constant 80 : i32
        %mul3A_398 = arith.muli %add3A_382, %mul3A_397 : i32
        %add3A_399 = arith.addi %add3A_396, %mul3A_398 : i32
        %dma_start3A_400 = arith.constant 1 : i32
        %dma_start3A_401 = arith.constant 0 : i32
        %dma_start3A_402 = tpu.memref_slice %arg8[%dma_start3A_400, %dma_start3A_401] : memref<2x80xi32, #tpu.memory_space<vmem>> -> memref<1x80xi32, #tpu.memory_space<vmem>>
        %dma_start3A_403 = tpu.memref_squeeze %dma_start3A_402 : memref<1x80xi32, #tpu.memory_space<vmem>> -> memref<80xi32, #tpu.memory_space<vmem>>
        %dma_start3A_404 = tpu.memref_slice %arg3[%add3A_399] : memref<640000xi32, #tpu.memory_space<hbm>> -> memref<80xi32, #tpu.memory_space<hbm>>
        %dma_start3A_405 = arith.constant 0 : i32
        %dma_start3A_406 = tpu.memref_slice %arg8[%dma_start3A_400, %dma_start3A_405] : memref<2x80xi32, #tpu.memory_space<vmem>> -> memref<1x80xi32, #tpu.memory_space<vmem>>
        %dma_start3A_407 = tpu.memref_squeeze %dma_start3A_406 : memref<1x80xi32, #tpu.memory_space<vmem>> -> memref<80xi32, #tpu.memory_space<vmem>>
        %dma_start3A_408 = tpu.memref_slice %arg3[%add3A_399] : memref<640000xi32, #tpu.memory_space<hbm>> -> memref<80xi32, #tpu.memory_space<hbm>>
        tpu.enqueue_dma source(%dma_start3A_408 : memref<80xi32, #tpu.memory_space<hbm>>) target(%dma_start3A_407 : memref<80xi32, #tpu.memory_space<vmem>>) target_semaphore(%arg15 : memref<!tpu.dma_semaphore, #tpu.memory_space<semaphore_mem>>)
      } else {
      }
      %dma_wait3A_342 = arith.constant 0 : i32
      %dma_wait3A_343 = arith.constant 0 : i32
      %dma_wait3A_344 = tpu.memref_slice %arg6[%dma_wait3A_342, %dma_wait3A_343] : memref<2x80xi32, #tpu.memory_space<vmem>> -> memref<1x80xi32, #tpu.memory_space<vmem>>
      %dma_wait3A_345 = tpu.memref_squeeze %dma_wait3A_344 : memref<1x80xi32, #tpu.memory_space<vmem>> -> memref<80xi32, #tpu.memory_space<vmem>>
      %dma_wait3A_346 = tpu.memref_slice %arg3[%mul3A_2] : memref<640000xi32, #tpu.memory_space<hbm>> -> memref<80xi32, #tpu.memory_space<hbm>>
      %dma_wait3A_347 = arith.constant 0 : i32
      %dma_wait3A_348 = tpu.memref_slice %arg6[%dma_wait3A_342, %dma_wait3A_347] : memref<2x80xi32, #tpu.memory_space<vmem>> -> memref<1x80xi32, #tpu.memory_space<vmem>>
      %dma_wait3A_349 = tpu.memref_squeeze %dma_wait3A_348 : memref<1x80xi32, #tpu.memory_space<vmem>> -> memref<80xi32, #tpu.memory_space<vmem>>
      %dma_wait3A_350 = tpu.memref_slice %arg3[%mul3A_2] : memref<640000xi32, #tpu.memory_space<hbm>> -> memref<80xi32, #tpu.memory_space<hbm>>
      tpu.wait_dma2 semaphore(%arg13 : memref<!tpu.dma_semaphore, #tpu.memory_space<semaphore_mem>>) src(%dma_wait3A_350 : memref<80xi32, #tpu.memory_space<hbm>>) dst(%dma_wait3A_349 : memref<80xi32, #tpu.memory_space<vmem>>)
      %dma_wait3A_351 = arith.constant 1 : i32
      %dma_wait3A_352 = arith.constant 0 : i32
      %dma_wait3A_353 = tpu.memref_slice %arg6[%dma_wait3A_351, %dma_wait3A_352] : memref<2x80xi32, #tpu.memory_space<vmem>> -> memref<1x80xi32, #tpu.memory_space<vmem>>
      %dma_wait3A_354 = tpu.memref_squeeze %dma_wait3A_353 : memref<1x80xi32, #tpu.memory_space<vmem>> -> memref<80xi32, #tpu.memory_space<vmem>>
      %dma_wait3A_355 = tpu.memref_slice %arg3[%mul3A_2] : memref<640000xi32, #tpu.memory_space<hbm>> -> memref<80xi32, #tpu.memory_space<hbm>>
      %dma_wait3A_356 = arith.constant 0 : i32
      %dma_wait3A_357 = tpu.memref_slice %arg6[%dma_wait3A_351, %dma_wait3A_356] : memref<2x80xi32, #tpu.memory_space<vmem>> -> memref<1x80xi32, #tpu.memory_space<vmem>>
      %dma_wait3A_358 = tpu.memref_squeeze %dma_wait3A_357 : memref<1x80xi32, #tpu.memory_space<vmem>> -> memref<80xi32, #tpu.memory_space<vmem>>
      %dma_wait3A_359 = tpu.memref_slice %arg3[%mul3A_2] : memref<640000xi32, #tpu.memory_space<hbm>> -> memref<80xi32, #tpu.memory_space<hbm>>
      tpu.wait_dma2 semaphore(%arg13 : memref<!tpu.dma_semaphore, #tpu.memory_space<semaphore_mem>>) src(%dma_wait3A_359 : memref<80xi32, #tpu.memory_space<hbm>>) dst(%dma_wait3A_358 : memref<80xi32, #tpu.memory_space<vmem>>)
      %dma_start3A_360 = arith.constant 0 : i32
      %dma_start3A_361 = arith.constant 0 : i32
      %dma_start3A_362 = tpu.memref_slice %arg6[%dma_start3A_360, %dma_start3A_361] : memref<2x80xi32, #tpu.memory_space<vmem>> -> memref<1x80xi32, #tpu.memory_space<vmem>>
      %dma_start3A_363 = tpu.memref_squeeze %dma_start3A_362 : memref<1x80xi32, #tpu.memory_space<vmem>> -> memref<80xi32, #tpu.memory_space<vmem>>
      %dma_start3A_364 = arith.constant 0 : i32
      %dma_start3A_365 = arith.constant 0 : i32
      %dma_start3A_366 = tpu.memref_slice %arg2[%dma_start3A_364, %dma_start3A_365] : memref<10000x128xf32, #tpu.memory_space<hbm>> -> memref<10000x128xf32, #tpu.memory_space<hbm>>
      tpu.enqueue_indirect_dma source(%dma_start3A_366 : memref<10000x128xf32, #tpu.memory_space<hbm>>) target(%arg10 : memref<80x128xf32, #tpu.memory_space<vmem>>) offsets(%dma_start3A_363 : memref<80xi32, #tpu.memory_space<vmem>>) semaphore(%arg17 : memref<!tpu.dma_semaphore, #tpu.memory_space<semaphore_mem>>)
      %dma_wait3A_367 = arith.constant 0 : i32
      %dma_wait3A_368 = arith.constant 0 : i32
      %dma_wait3A_369 = tpu.memref_slice %arg9[%dma_wait3A_367, %dma_wait3A_368] : memref<2x80xi32, #tpu.memory_space<vmem>> -> memref<1x80xi32, #tpu.memory_space<vmem>>
      %dma_wait3A_370 = tpu.memref_squeeze %dma_wait3A_369 : memref<1x80xi32, #tpu.memory_space<vmem>> -> memref<80xi32, #tpu.memory_space<vmem>>
      %dma_wait3A_371 = arith.constant 0 : i32
      %dma_wait3A_372 = arith.constant 0 : i32
      %dma_wait3A_373 = tpu.memref_slice %arg2[%dma_wait3A_371, %dma_wait3A_372] : memref<10000x128xf32, #tpu.memory_space<hbm>> -> memref<10000x128xf32, #tpu.memory_space<hbm>>
      tpu.wait_indirect_dma semaphore(%arg18 : memref<!tpu.dma_semaphore, #tpu.memory_space<semaphore_mem>>) src(%dma_wait3A_373 : memref<10000x128xf32, #tpu.memory_space<hbm>>) dst(%arg11 : memref<80x128xf32, #tpu.memory_space<vmem>>)
      %dma_start3A_374 = arith.constant 1 : i32
      %dma_start3A_375 = arith.constant 0 : i32
      %dma_start3A_376 = tpu.memref_slice %arg9[%dma_start3A_374, %dma_start3A_375] : memref<2x80xi32, #tpu.memory_space<vmem>> -> memref<1x80xi32, #tpu.memory_space<vmem>>
      %dma_start3A_377 = tpu.memref_squeeze %dma_start3A_376 : memref<1x80xi32, #tpu.memory_space<vmem>> -> memref<80xi32, #tpu.memory_space<vmem>>
      %dma_start3A_378 = arith.constant 0 : i32
      %dma_start3A_379 = arith.constant 0 : i32
      %dma_start3A_380 = tpu.memref_slice %arg12[%dma_start3A_378, %dma_start3A_379] : memref<10240x128xf32, #tpu.memory_space<vmem_shared>> -> memref<10240x128xf32, #tpu.memory_space<vmem_shared>>
      tpu.enqueue_indirect_dma source(%arg11 : memref<80x128xf32, #tpu.memory_space<vmem>>) target(%dma_start3A_380 : memref<10240x128xf32, #tpu.memory_space<vmem_shared>>) offsets(%dma_start3A_377 : memref<80xi32, #tpu.memory_space<vmem>>) semaphore(%arg20 : memref<!tpu.dma_semaphore, #tpu.memory_space<semaphore_mem>>) {add = true}
    }
    %scan3A_129 = arith.constant 31 : i32
    %dma_wait3A_130 = arith.constant 1 : i32
    %dma_wait3A_131 = arith.constant 0 : i32
    %dma_wait3A_132 = tpu.memref_slice %arg9[%dma_wait3A_130, %dma_wait3A_131] : memref<2x80xi32, #tpu.memory_space<vmem>> -> memref<1x80xi32, #tpu.memory_space<vmem>>
    %dma_wait3A_133 = tpu.memref_squeeze %dma_wait3A_132 : memref<1x80xi32, #tpu.memory_space<vmem>> -> memref<80xi32, #tpu.memory_space<vmem>>
    %dma_wait3A_134 = arith.constant 0 : i32
    %dma_wait3A_135 = arith.constant 0 : i32
    %dma_wait3A_136 = tpu.memref_slice %arg12[%dma_wait3A_134, %dma_wait3A_135] : memref<10240x128xf32, #tpu.memory_space<vmem_shared>> -> memref<10240x128xf32, #tpu.memory_space<vmem_shared>>
    tpu.wait_indirect_dma semaphore(%arg20 : memref<!tpu.dma_semaphore, #tpu.memory_space<semaphore_mem>>) src(%arg11 : memref<80x128xf32, #tpu.memory_space<vmem>>) dst(%dma_wait3A_136 : memref<10240x128xf32, #tpu.memory_space<vmem_shared>>)
    %dma_wait3A_137 = arith.constant 0 : i32
    %dma_wait3A_138 = arith.constant 0 : i32
    %dma_wait3A_139 = tpu.memref_slice %arg6[%dma_wait3A_137, %dma_wait3A_138] : memref<2x80xi32, #tpu.memory_space<vmem>> -> memref<1x80xi32, #tpu.memory_space<vmem>>
    %dma_wait3A_140 = tpu.memref_squeeze %dma_wait3A_139 : memref<1x80xi32, #tpu.memory_space<vmem>> -> memref<80xi32, #tpu.memory_space<vmem>>
    %dma_wait3A_141 = arith.constant 0 : i32
    %dma_wait3A_142 = arith.constant 0 : i32
    %dma_wait3A_143 = tpu.memref_slice %arg2[%dma_wait3A_141, %dma_wait3A_142] : memref<10000x128xf32, #tpu.memory_space<hbm>> -> memref<10000x128xf32, #tpu.memory_space<hbm>>
    tpu.wait_indirect_dma semaphore(%arg17 : memref<!tpu.dma_semaphore, #tpu.memory_space<semaphore_mem>>) src(%dma_wait3A_143 : memref<10000x128xf32, #tpu.memory_space<hbm>>) dst(%arg10 : memref<80x128xf32, #tpu.memory_space<vmem>>)
    %run_scoped3A = arith.constant 1 : i32
    "tpu.region"() ({
      %run_scoped3A_149 = tpu.sem_alloc : memref<!tpu.dma_semaphore, #tpu.memory_space<semaphore_mem>>
      %dma_start3A_150 = arith.constant 0 : i32
      %dma_start3A_151 = tpu.memref_slice %arg6[%run_scoped3A, %dma_start3A_150] : memref<2x80xi32, #tpu.memory_space<vmem>> -> memref<1x80xi32, #tpu.memory_space<vmem>>
      %dma_start3A_152 = tpu.memref_squeeze %dma_start3A_151 : memref<1x80xi32, #tpu.memory_space<vmem>> -> memref<80xi32, #tpu.memory_space<vmem>>
      %dma_start3A_153 = arith.constant 0 : i32
      %dma_start3A_154 = arith.constant 0 : i32
      %dma_start3A_155 = tpu.memref_slice %arg12[%dma_start3A_153, %dma_start3A_154] : memref<10240x128xf32, #tpu.memory_space<vmem_shared>> -> memref<10240x128xf32, #tpu.memory_space<vmem_shared>>
      tpu.enqueue_indirect_dma source(%arg10 : memref<80x128xf32, #tpu.memory_space<vmem>>) target(%dma_start3A_155 : memref<10240x128xf32, #tpu.memory_space<vmem_shared>>) offsets(%dma_start3A_152 : memref<80xi32, #tpu.memory_space<vmem>>) semaphore(%run_scoped3A_149 : memref<!tpu.dma_semaphore, #tpu.memory_space<semaphore_mem>>) {add = true}
      %dma_wait3A_156 = arith.constant 0 : i32
      %dma_wait3A_157 = tpu.memref_slice %arg6[%run_scoped3A, %dma_wait3A_156] : memref<2x80xi32, #tpu.memory_space<vmem>> -> memref<1x80xi32, #tpu.memory_space<vmem>>
      %dma_wait3A_158 = tpu.memref_squeeze %dma_wait3A_157 : memref<1x80xi32, #tpu.memory_space<vmem>> -> memref<80xi32, #tpu.memory_space<vmem>>
      %dma_wait3A_159 = arith.constant 0 : i32
      %dma_wait3A_160 = arith.constant 0 : i32
      %dma_wait3A_161 = tpu.memref_slice %arg12[%dma_wait3A_159, %dma_wait3A_160] : memref<10240x128xf32, #tpu.memory_space<vmem_shared>> -> memref<10240x128xf32, #tpu.memory_space<vmem_shared>>
      tpu.wait_indirect_dma semaphore(%run_scoped3A_149 : memref<!tpu.dma_semaphore, #tpu.memory_space<semaphore_mem>>) src(%arg10 : memref<80x128xf32, #tpu.memory_space<vmem>>) dst(%dma_wait3A_161 : memref<10240x128xf32, #tpu.memory_space<vmem_shared>>)
      tpu.yield
    }) : () -> ()
    %barrier3A_144 = arith.constant 0 : index
    tpu.barrier barrier_id(%barrier3A_144)
    %mul3A_145 = arith.constant 640 : i32
    %mul3A_146 = arith.muli %arg1, %mul3A_145 : i32
    %mul3A_147 = arith.constant 640 : i32
    %mul3A_148 = arith.muli %arg1, %mul3A_147 : i32
    "tpu.region"() ({
      %run_scoped3A_149 = tpu.sem_alloc : memref<!tpu.dma_semaphore, #tpu.memory_space<semaphore_mem>>
      %dma_start3A_150 = arith.constant 0 : i32
      %dma_start3A_151 = tpu.memref_slice %arg5[%arg0, %mul3A_148, %dma_start3A_150] : memref<2x10240x128xf32, #tpu.memory_space<hbm>> -> memref<1x640x128xf32, #tpu.memory_space<hbm>>
      %dma_start3A_152 = tpu.memref_squeeze %dma_start3A_151 : memref<1x640x128xf32, #tpu.memory_space<hbm>> -> memref<640x128xf32, #tpu.memory_space<hbm>>
      %dma_start3A_153 = arith.constant 0 : i32
      %dma_start3A_154 = tpu.memref_slice %arg12[%mul3A_146, %dma_start3A_153] : memref<10240x128xf32, #tpu.memory_space<vmem_shared>> -> memref<640x128xf32, #tpu.memory_space<vmem_shared>>
      tpu.enqueue_dma source(%dma_start3A_154 : memref<640x128xf32, #tpu.memory_space<vmem_shared>>) target(%dma_start3A_152 : memref<640x128xf32, #tpu.memory_space<hbm>>) target_semaphore(%run_scoped3A_149 : memref<!tpu.dma_semaphore, #tpu.memory_space<semaphore_mem>>)
      %dma_wait3A_155 = arith.constant 0 : i32
      %dma_wait3A_156 = tpu.memref_slice %arg5[%arg0, %mul3A_148, %dma_wait3A_155] : memref<2x10240x128xf32, #tpu.memory_space<hbm>> -> memref<1x640x128xf32, #tpu.memory_space<hbm>>
      %dma_wait3A_157 = tpu.memref_squeeze %dma_wait3A_156 : memref<1x640x128xf32, #tpu.memory_space<hbm>> -> memref<640x128xf32, #tpu.memory_space<hbm>>
      %dma_wait3A_158 = arith.constant 0 : i32
      %dma_wait3A_159 = tpu.memref_slice %arg12[%mul3A_146, %dma_wait3A_158] : memref<10240x128xf32, #tpu.memory_space<vmem_shared>> -> memref<640x128xf32, #tpu.memory_space<vmem_shared>>
      tpu.wait_dma2 semaphore(%run_scoped3A_149 : memref<!tpu.dma_semaphore, #tpu.memory_space<semaphore_mem>>) src(%dma_wait3A_159 : memref<640x128xf32, #tpu.memory_space<vmem_shared>>) dst(%dma_wait3A_157 : memref<640x128xf32, #tpu.memory_space<hbm>>)
      tpu.yield
    }) : () -> ()
    return
  }
}

#map = affine_map<(d0, d1) -> (0, 0)>
#map1 = affine_map<(d0, d1) -> (0)>
#map2 = affine_map<(d0, d1) -> (0, 0, 0)>
module attributes {stable_mosaic.version = 14 : i64} {
  func.func @_agg_body(%arg0: i32, %arg1: i32, %arg2: memref<10000x128xf32, #tpu.memory_space<hbm>>, %arg3: memref<640000xi32, #tpu.memory_space<hbm>>, %arg4: memref<10240x128xf32, #tpu.memory_space<hbm>>, %arg5: memref<2x10240x128xf32, #tpu.memory_space<hbm>>, %arg6: memref<2x80xi32, #tpu.memory_space<vmem>>, %arg7: memref<2x80xi32, #tpu.memory_space<vmem>>, %arg8: memref<2x80xi32, #tpu.memory_space<vmem>>, %arg9: memref<2x80xi32, #tpu.memory_space<vmem>>, %arg10: memref<80x128xf32, #tpu.memory_space<vmem>>, %arg11: memref<80x128xf32, #tpu.memory_space<vmem>>, %arg12: memref<10240x128xf32, #tpu.memory_space<vmem_shared>>, %arg13: memref<!tpu.dma_semaphore, #tpu.memory_space<semaphore_mem>>, %arg14: memref<!tpu.dma_semaphore, #tpu.memory_space<semaphore_mem>>, %arg15: memref<!tpu.dma_semaphore, #tpu.memory_space<semaphore_mem>>, %arg16: memref<!tpu.dma_semaphore, #tpu.memory_space<semaphore_mem>>, %arg17: memref<!tpu.dma_semaphore, #tpu.memory_space<semaphore_mem>>, %arg18: memref<!tpu.dma_semaphore, #tpu.memory_space<semaphore_mem>>, %arg19: memref<!tpu.dma_semaphore, #tpu.memory_space<semaphore_mem>>, %arg20: memref<!tpu.dma_semaphore, #tpu.memory_space<semaphore_mem>>) attributes {dimension_semantics = [#tpu.dimension_semantics<core_parallel>, #tpu.dimension_semantics<subcore_parallel>], iteration_bounds = array<i64: 2, 16>, scalar_prefetch = 0 : i64, scratch_operands = 15 : i64, tpu.core_type = #tpu.core_type<sc_vector_subcore>, window_params = [{transform_indices = #map}, {transform_indices = #map1}, {transform_indices = #map}, {transform_indices = #map2}]} {
    %mul3A = arith.constant 2 : i32
    %mul3A_0 = arith.muli %arg1, %mul3A : i32
    %add3A = arith.addi %mul3A_0, %arg0 : i32
    %mul3A_1 = arith.constant 10000 : i32
    %mul3A_2 = arith.muli %add3A, %mul3A_1 : i32
    %mul3A_3 = arith.constant 640 : i32
    %mul3A_4 = arith.muli %arg1, %mul3A_3 : i32
    %mul3A_5 = arith.constant 640 : i32
    %mul3A_6 = arith.muli %arg1, %mul3A_5 : i32
    "tpu.region"() ({
      %run_scoped3A_149 = tpu.sem_alloc : memref<!tpu.dma_semaphore, #tpu.memory_space<semaphore_mem>>
      %dma_start3A_150 = arith.constant 0 : i32
      %dma_start3A_151 = tpu.memref_slice %arg12[%mul3A_6, %dma_start3A_150] : memref<10240x128xf32, #tpu.memory_space<vmem_shared>> -> memref<640x128xf32, #tpu.memory_space<vmem_shared>>
      %dma_start3A_152 = arith.constant 0 : i32
      %dma_start3A_153 = tpu.memref_slice %arg4[%mul3A_4, %dma_start3A_152] : memref<10240x128xf32, #tpu.memory_space<hbm>> -> memref<640x128xf32, #tpu.memory_space<hbm>>
      tpu.enqueue_dma source(%dma_start3A_153 : memref<640x128xf32, #tpu.memory_space<hbm>>) target(%dma_start3A_151 : memref<640x128xf32, #tpu.memory_space<vmem_shared>>) target_semaphore(%run_scoped3A_149 : memref<!tpu.dma_semaphore, #tpu.memory_space<semaphore_mem>>)
      %dma_wait3A_154 = arith.constant 0 : i32
      %dma_wait3A_155 = tpu.memref_slice %arg12[%mul3A_6, %dma_wait3A_154] : memref<10240x128xf32, #tpu.memory_space<vmem_shared>> -> memref<640x128xf32, #tpu.memory_space<vmem_shared>>
      %dma_wait3A_156 = arith.constant 0 : i32
      %dma_wait3A_157 = tpu.memref_slice %arg4[%mul3A_4, %dma_wait3A_156] : memref<10240x128xf32, #tpu.memory_space<hbm>> -> memref<640x128xf32, #tpu.memory_space<hbm>>
      tpu.wait_dma2 semaphore(%run_scoped3A_149 : memref<!tpu.dma_semaphore, #tpu.memory_space<semaphore_mem>>) src(%dma_wait3A_157 : memref<640x128xf32, #tpu.memory_space<hbm>>) dst(%dma_wait3A_155 : memref<640x128xf32, #tpu.memory_space<vmem_shared>>)
      tpu.yield
    }) : () -> ()
    %barrier3A = arith.constant 0 : index
    tpu.barrier barrier_id(%barrier3A)
    %add3A_7 = arith.constant 0 : i32
    %add3A_8 = arith.addi %mul3A_2, %add3A_7 : i32
    %dma_start3A = arith.constant 0 : i32
    %dma_start3A_9 = arith.constant 0 : i32
    %dma_start3A_10 = tpu.memref_slice %arg6[%dma_start3A, %dma_start3A_9] : memref<2x80xi32, #tpu.memory_space<vmem>> -> memref<1x80xi32, #tpu.memory_space<vmem>>
    %dma_start3A_11 = tpu.memref_squeeze %dma_start3A_10 : memref<1x80xi32, #tpu.memory_space<vmem>> -> memref<80xi32, #tpu.memory_space<vmem>>
    %dma_start3A_12 = tpu.memref_slice %arg3[%add3A_8] : memref<640000xi32, #tpu.memory_space<hbm>> -> memref<80xi32, #tpu.memory_space<hbm>>
    %dma_start3A_13 = arith.constant 0 : i32
    %dma_start3A_14 = tpu.memref_slice %arg6[%dma_start3A, %dma_start3A_13] : memref<2x80xi32, #tpu.memory_space<vmem>> -> memref<1x80xi32, #tpu.memory_space<vmem>>
    %dma_start3A_15 = tpu.memref_squeeze %dma_start3A_14 : memref<1x80xi32, #tpu.memory_space<vmem>> -> memref<80xi32, #tpu.memory_space<vmem>>
    %dma_start3A_16 = tpu.memref_slice %arg3[%add3A_8] : memref<640000xi32, #tpu.memory_space<hbm>> -> memref<80xi32, #tpu.memory_space<hbm>>
    tpu.enqueue_dma source(%dma_start3A_16 : memref<80xi32, #tpu.memory_space<hbm>>) target(%dma_start3A_15 : memref<80xi32, #tpu.memory_space<vmem>>) target_semaphore(%arg13 : memref<!tpu.dma_semaphore, #tpu.memory_space<semaphore_mem>>)
    %add3A_17 = arith.constant 320000 : i32
    %add3A_18 = arith.addi %add3A_17, %mul3A_2 : i32
    %add3A_19 = arith.constant 0 : i32
    %add3A_20 = arith.addi %add3A_18, %add3A_19 : i32
    %dma_start3A_21 = arith.constant 1 : i32
    %dma_start3A_22 = arith.constant 0 : i32
    %dma_start3A_23 = tpu.memref_slice %arg6[%dma_start3A_21, %dma_start3A_22] : memref<2x80xi32, #tpu.memory_space<vmem>> -> memref<1x80xi32, #tpu.memory_space<vmem>>
    %dma_start3A_24 = tpu.memref_squeeze %dma_start3A_23 : memref<1x80xi32, #tpu.memory_space<vmem>> -> memref<80xi32, #tpu.memory_space<vmem>>
    %dma_start3A_25 = tpu.memref_slice %arg3[%add3A_20] : memref<640000xi32, #tpu.memory_space<hbm>> -> memref<80xi32, #tpu.memory_space<hbm>>
    %dma_start3A_26 = arith.constant 0 : i32
    %dma_start3A_27 = tpu.memref_slice %arg6[%dma_start3A_21, %dma_start3A_26] : memref<2x80xi32, #tpu.memory_space<vmem>> -> memref<1x80xi32, #tpu.memory_space<vmem>>
    %dma_start3A_28 = tpu.memref_squeeze %dma_start3A_27 : memref<1x80xi32, #tpu.memory_space<vmem>> -> memref<80xi32, #tpu.memory_space<vmem>>
    %dma_start3A_29 = tpu.memref_slice %arg3[%add3A_20] : memref<640000xi32, #tpu.memory_space<hbm>> -> memref<80xi32, #tpu.memory_space<hbm>>
    tpu.enqueue_dma source(%dma_start3A_29 : memref<80xi32, #tpu.memory_space<hbm>>) target(%dma_start3A_28 : memref<80xi32, #tpu.memory_space<vmem>>) target_semaphore(%arg13 : memref<!tpu.dma_semaphore, #tpu.memory_space<semaphore_mem>>)
    %add3A_30 = arith.constant 80 : i32
    %add3A_31 = arith.addi %mul3A_2, %add3A_30 : i32
    %dma_start3A_32 = arith.constant 0 : i32
    %dma_start3A_33 = arith.constant 0 : i32
    %dma_start3A_34 = tpu.memref_slice %arg7[%dma_start3A_32, %dma_start3A_33] : memref<2x80xi32, #tpu.memory_space<vmem>> -> memref<1x80xi32, #tpu.memory_space<vmem>>
    %dma_start3A_35 = tpu.memref_squeeze %dma_start3A_34 : memref<1x80xi32, #tpu.memory_space<vmem>> -> memref<80xi32, #tpu.memory_space<vmem>>
    %dma_start3A_36 = tpu.memref_slice %arg3[%add3A_31] : memref<640000xi32, #tpu.memory_space<hbm>> -> memref<80xi32, #tpu.memory_space<hbm>>
    %dma_start3A_37 = arith.constant 0 : i32
    %dma_start3A_38 = tpu.memref_slice %arg7[%dma_start3A_32, %dma_start3A_37] : memref<2x80xi32, #tpu.memory_space<vmem>> -> memref<1x80xi32, #tpu.memory_space<vmem>>
    %dma_start3A_39 = tpu.memref_squeeze %dma_start3A_38 : memref<1x80xi32, #tpu.memory_space<vmem>> -> memref<80xi32, #tpu.memory_space<vmem>>
    %dma_start3A_40 = tpu.memref_slice %arg3[%add3A_31] : memref<640000xi32, #tpu.memory_space<hbm>> -> memref<80xi32, #tpu.memory_space<hbm>>
    tpu.enqueue_dma source(%dma_start3A_40 : memref<80xi32, #tpu.memory_space<hbm>>) target(%dma_start3A_39 : memref<80xi32, #tpu.memory_space<vmem>>) target_semaphore(%arg14 : memref<!tpu.dma_semaphore, #tpu.memory_space<semaphore_mem>>)
    %add3A_41 = arith.constant 320000 : i32
    %add3A_42 = arith.addi %add3A_41, %mul3A_2 : i32
    %add3A_43 = arith.constant 80 : i32
    %add3A_44 = arith.addi %add3A_42, %add3A_43 : i32
    %dma_start3A_45 = arith.constant 1 : i32
    %dma_start3A_46 = arith.constant 0 : i32
    %dma_start3A_47 = tpu.memref_slice %arg7[%dma_start3A_45, %dma_start3A_46] : memref<2x80xi32, #tpu.memory_space<vmem>> -> memref<1x80xi32, #tpu.memory_space<vmem>>
    %dma_start3A_48 = tpu.memref_squeeze %dma_start3A_47 : memref<1x80xi32, #tpu.memory_space<vmem>> -> memref<80xi32, #tpu.memory_space<vmem>>
    %dma_start3A_49 = tpu.memref_slice %arg3[%add3A_44] : memref<640000xi32, #tpu.memory_space<hbm>> -> memref<80xi32, #tpu.memory_space<hbm>>
    %dma_start3A_50 = arith.constant 0 : i32
    %dma_start3A_51 = tpu.memref_slice %arg7[%dma_start3A_45, %dma_start3A_50] : memref<2x80xi32, #tpu.memory_space<vmem>> -> memref<1x80xi32, #tpu.memory_space<vmem>>
    %dma_start3A_52 = tpu.memref_squeeze %dma_start3A_51 : memref<1x80xi32, #tpu.memory_space<vmem>> -> memref<80xi32, #tpu.memory_space<vmem>>
    %dma_start3A_53 = tpu.memref_slice %arg3[%add3A_44] : memref<640000xi32, #tpu.memory_space<hbm>> -> memref<80xi32, #tpu.memory_space<hbm>>
    tpu.enqueue_dma source(%dma_start3A_53 : memref<80xi32, #tpu.memory_space<hbm>>) target(%dma_start3A_52 : memref<80xi32, #tpu.memory_space<vmem>>) target_semaphore(%arg14 : memref<!tpu.dma_semaphore, #tpu.memory_space<semaphore_mem>>)
    %add3A_54 = arith.constant 160 : i32
    %add3A_55 = arith.addi %mul3A_2, %add3A_54 : i32
    %dma_start3A_56 = arith.constant 0 : i32
    %dma_start3A_57 = arith.constant 0 : i32
    %dma_start3A_58 = tpu.memref_slice %arg8[%dma_start3A_56, %dma_start3A_57] : memref<2x80xi32, #tpu.memory_space<vmem>> -> memref<1x80xi32, #tpu.memory_space<vmem>>
    %dma_start3A_59 = tpu.memref_squeeze %dma_start3A_58 : memref<1x80xi32, #tpu.memory_space<vmem>> -> memref<80xi32, #tpu.memory_space<vmem>>
    %dma_start3A_60 = tpu.memref_slice %arg3[%add3A_55] : memref<640000xi32, #tpu.memory_space<hbm>> -> memref<80xi32, #tpu.memory_space<hbm>>
    %dma_start3A_61 = arith.constant 0 : i32
    %dma_start3A_62 = tpu.memref_slice %arg8[%dma_start3A_56, %dma_start3A_61] : memref<2x80xi32, #tpu.memory_space<vmem>> -> memref<1x80xi32, #tpu.memory_space<vmem>>
    %dma_start3A_63 = tpu.memref_squeeze %dma_start3A_62 : memref<1x80xi32, #tpu.memory_space<vmem>> -> memref<80xi32, #tpu.memory_space<vmem>>
    %dma_start3A_64 = tpu.memref_slice %arg3[%add3A_55] : memref<640000xi32, #tpu.memory_space<hbm>> -> memref<80xi32, #tpu.memory_space<hbm>>
    tpu.enqueue_dma source(%dma_start3A_64 : memref<80xi32, #tpu.memory_space<hbm>>) target(%dma_start3A_63 : memref<80xi32, #tpu.memory_space<vmem>>) target_semaphore(%arg15 : memref<!tpu.dma_semaphore, #tpu.memory_space<semaphore_mem>>)
    %add3A_65 = arith.constant 320000 : i32
    %add3A_66 = arith.addi %add3A_65, %mul3A_2 : i32
    %add3A_67 = arith.constant 160 : i32
    %add3A_68 = arith.addi %add3A_66, %add3A_67 : i32
    %dma_start3A_69 = arith.constant 1 : i32
    %dma_start3A_70 = arith.constant 0 : i32
    %dma_start3A_71 = tpu.memref_slice %arg8[%dma_start3A_69, %dma_start3A_70] : memref<2x80xi32, #tpu.memory_space<vmem>> -> memref<1x80xi32, #tpu.memory_space<vmem>>
    %dma_start3A_72 = tpu.memref_squeeze %dma_start3A_71 : memref<1x80xi32, #tpu.memory_space<vmem>> -> memref<80xi32, #tpu.memory_space<vmem>>
    %dma_start3A_73 = tpu.memref_slice %arg3[%add3A_68] : memref<640000xi32, #tpu.memory_space<hbm>> -> memref<80xi32, #tpu.memory_space<hbm>>
    %dma_start3A_74 = arith.constant 0 : i32
    %dma_start3A_75 = tpu.memref_slice %arg8[%dma_start3A_69, %dma_start3A_74] : memref<2x80xi32, #tpu.memory_space<vmem>> -> memref<1x80xi32, #tpu.memory_space<vmem>>
    %dma_start3A_76 = tpu.memref_squeeze %dma_start3A_75 : memref<1x80xi32, #tpu.memory_space<vmem>> -> memref<80xi32, #tpu.memory_space<vmem>>
    %dma_start3A_77 = tpu.memref_slice %arg3[%add3A_68] : memref<640000xi32, #tpu.memory_space<hbm>> -> memref<80xi32, #tpu.memory_space<hbm>>
    tpu.enqueue_dma source(%dma_start3A_77 : memref<80xi32, #tpu.memory_space<hbm>>) target(%dma_start3A_76 : memref<80xi32, #tpu.memory_space<vmem>>) target_semaphore(%arg15 : memref<!tpu.dma_semaphore, #tpu.memory_space<semaphore_mem>>)
    %add3A_78 = arith.constant 240 : i32
    %add3A_79 = arith.addi %mul3A_2, %add3A_78 : i32
    %dma_start3A_80 = arith.constant 0 : i32
    %dma_start3A_81 = arith.constant 0 : i32
    %dma_start3A_82 = tpu.memref_slice %arg9[%dma_start3A_80, %dma_start3A_81] : memref<2x80xi32, #tpu.memory_space<vmem>> -> memref<1x80xi32, #tpu.memory_space<vmem>>
    %dma_start3A_83 = tpu.memref_squeeze %dma_start3A_82 : memref<1x80xi32, #tpu.memory_space<vmem>> -> memref<80xi32, #tpu.memory_space<vmem>>
    %dma_start3A_84 = tpu.memref_slice %arg3[%add3A_79] : memref<640000xi32, #tpu.memory_space<hbm>> -> memref<80xi32, #tpu.memory_space<hbm>>
    %dma_start3A_85 = arith.constant 0 : i32
    %dma_start3A_86 = tpu.memref_slice %arg9[%dma_start3A_80, %dma_start3A_85] : memref<2x80xi32, #tpu.memory_space<vmem>> -> memref<1x80xi32, #tpu.memory_space<vmem>>
    %dma_start3A_87 = tpu.memref_squeeze %dma_start3A_86 : memref<1x80xi32, #tpu.memory_space<vmem>> -> memref<80xi32, #tpu.memory_space<vmem>>
    %dma_start3A_88 = tpu.memref_slice %arg3[%add3A_79] : memref<640000xi32, #tpu.memory_space<hbm>> -> memref<80xi32, #tpu.memory_space<hbm>>
    tpu.enqueue_dma source(%dma_start3A_88 : memref<80xi32, #tpu.memory_space<hbm>>) target(%dma_start3A_87 : memref<80xi32, #tpu.memory_space<vmem>>) target_semaphore(%arg16 : memref<!tpu.dma_semaphore, #tpu.memory_space<semaphore_mem>>)
    %add3A_89 = arith.constant 320000 : i32
    %add3A_90 = arith.addi %add3A_89, %mul3A_2 : i32
    %add3A_91 = arith.constant 240 : i32
    %add3A_92 = arith.addi %add3A_90, %add3A_91 : i32
    %dma_start3A_93 = arith.constant 1 : i32
    %dma_start3A_94 = arith.constant 0 : i32
    %dma_start3A_95 = tpu.memref_slice %arg9[%dma_start3A_93, %dma_start3A_94] : memref<2x80xi32, #tpu.memory_space<vmem>> -> memref<1x80xi32, #tpu.memory_space<vmem>>
    %dma_start3A_96 = tpu.memref_squeeze %dma_start3A_95 : memref<1x80xi32, #tpu.memory_space<vmem>> -> memref<80xi32, #tpu.memory_space<vmem>>
    %dma_start3A_97 = tpu.memref_slice %arg3[%add3A_92] : memref<640000xi32, #tpu.memory_space<hbm>> -> memref<80xi32, #tpu.memory_space<hbm>>
    %dma_start3A_98 = arith.constant 0 : i32
    %dma_start3A_99 = tpu.memref_slice %arg9[%dma_start3A_93, %dma_start3A_98] : memref<2x80xi32, #tpu.memory_space<vmem>> -> memref<1x80xi32, #tpu.memory_space<vmem>>
    %dma_start3A_100 = tpu.memref_squeeze %dma_start3A_99 : memref<1x80xi32, #tpu.memory_space<vmem>> -> memref<80xi32, #tpu.memory_space<vmem>>
    %dma_start3A_101 = tpu.memref_slice %arg3[%add3A_92] : memref<640000xi32, #tpu.memory_space<hbm>> -> memref<80xi32, #tpu.memory_space<hbm>>
    tpu.enqueue_dma source(%dma_start3A_101 : memref<80xi32, #tpu.memory_space<hbm>>) target(%dma_start3A_100 : memref<80xi32, #tpu.memory_space<vmem>>) target_semaphore(%arg16 : memref<!tpu.dma_semaphore, #tpu.memory_space<semaphore_mem>>)
    %dma_wait3A = arith.constant 0 : i32
    %dma_wait3A_102 = arith.constant 0 : i32
    %dma_wait3A_103 = tpu.memref_slice %arg6[%dma_wait3A, %dma_wait3A_102] : memref<2x80xi32, #tpu.memory_space<vmem>> -> memref<1x80xi32, #tpu.memory_space<vmem>>
    %dma_wait3A_104 = tpu.memref_squeeze %dma_wait3A_103 : memref<1x80xi32, #tpu.memory_space<vmem>> -> memref<80xi32, #tpu.memory_space<vmem>>
    %dma_wait3A_105 = tpu.memref_slice %arg3[%mul3A_2] : memref<640000xi32, #tpu.memory_space<hbm>> -> memref<80xi32, #tpu.memory_space<hbm>>
    %dma_wait3A_106 = arith.constant 0 : i32
    %dma_wait3A_107 = tpu.memref_slice %arg6[%dma_wait3A, %dma_wait3A_106] : memref<2x80xi32, #tpu.memory_space<vmem>> -> memref<1x80xi32, #tpu.memory_space<vmem>>
    %dma_wait3A_108 = tpu.memref_squeeze %dma_wait3A_107 : memref<1x80xi32, #tpu.memory_space<vmem>> -> memref<80xi32, #tpu.memory_space<vmem>>
    %dma_wait3A_109 = tpu.memref_slice %arg3[%mul3A_2] : memref<640000xi32, #tpu.memory_space<hbm>> -> memref<80xi32, #tpu.memory_space<hbm>>
    tpu.wait_dma2 semaphore(%arg13 : memref<!tpu.dma_semaphore, #tpu.memory_space<semaphore_mem>>) src(%dma_wait3A_109 : memref<80xi32, #tpu.memory_space<hbm>>) dst(%dma_wait3A_108 : memref<80xi32, #tpu.memory_space<vmem>>)
    %dma_wait3A_110 = arith.constant 1 : i32
    %dma_wait3A_111 = arith.constant 0 : i32
    %dma_wait3A_112 = tpu.memref_slice %arg6[%dma_wait3A_110, %dma_wait3A_111] : memref<2x80xi32, #tpu.memory_space<vmem>> -> memref<1x80xi32, #tpu.memory_space<vmem>>
    %dma_wait3A_113 = tpu.memref_squeeze %dma_wait3A_112 : memref<1x80xi32, #tpu.memory_space<vmem>> -> memref<80xi32, #tpu.memory_space<vmem>>
    %dma_wait3A_114 = tpu.memref_slice %arg3[%mul3A_2] : memref<640000xi32, #tpu.memory_space<hbm>> -> memref<80xi32, #tpu.memory_space<hbm>>
    %dma_wait3A_115 = arith.constant 0 : i32
    %dma_wait3A_116 = tpu.memref_slice %arg6[%dma_wait3A_110, %dma_wait3A_115] : memref<2x80xi32, #tpu.memory_space<vmem>> -> memref<1x80xi32, #tpu.memory_space<vmem>>
    %dma_wait3A_117 = tpu.memref_squeeze %dma_wait3A_116 : memref<1x80xi32, #tpu.memory_space<vmem>> -> memref<80xi32, #tpu.memory_space<vmem>>
    %dma_wait3A_118 = tpu.memref_slice %arg3[%mul3A_2] : memref<640000xi32, #tpu.memory_space<hbm>> -> memref<80xi32, #tpu.memory_space<hbm>>
    tpu.wait_dma2 semaphore(%arg13 : memref<!tpu.dma_semaphore, #tpu.memory_space<semaphore_mem>>) src(%dma_wait3A_118 : memref<80xi32, #tpu.memory_space<hbm>>) dst(%dma_wait3A_117 : memref<80xi32, #tpu.memory_space<vmem>>)
    %dma_start3A_119 = arith.constant 0 : i32
    %dma_start3A_120 = arith.constant 0 : i32
    %dma_start3A_121 = tpu.memref_slice %arg6[%dma_start3A_119, %dma_start3A_120] : memref<2x80xi32, #tpu.memory_space<vmem>> -> memref<1x80xi32, #tpu.memory_space<vmem>>
    %dma_start3A_122 = tpu.memref_squeeze %dma_start3A_121 : memref<1x80xi32, #tpu.memory_space<vmem>> -> memref<80xi32, #tpu.memory_space<vmem>>
    %dma_start3A_123 = arith.constant 0 : i32
    %dma_start3A_124 = arith.constant 0 : i32
    %dma_start3A_125 = tpu.memref_slice %arg2[%dma_start3A_123, %dma_start3A_124] : memref<10000x128xf32, #tpu.memory_space<hbm>> -> memref<10000x128xf32, #tpu.memory_space<hbm>>
    tpu.enqueue_indirect_dma source(%dma_start3A_125 : memref<10000x128xf32, #tpu.memory_space<hbm>>) target(%arg10 : memref<80x128xf32, #tpu.memory_space<vmem>>) offsets(%dma_start3A_122 : memref<80xi32, #tpu.memory_space<vmem>>) semaphore(%arg17 : memref<!tpu.dma_semaphore, #tpu.memory_space<semaphore_mem>>)
    %scan3A = arith.constant 0 : i32
    %scan3A_126 = arith.constant 31 : i32
    %scan3A_127 = arith.addi %scan3A, %scan3A_126 : i32
    %scan3A_128 = arith.constant 1 : i32
    scf.for %scan3A_149 = %scan3A to %scan3A_127 step %scan3A_128  : i32 {
      %mul3A_150 = arith.constant 1 : i32
      %mul3A_151 = arith.muli %scan3A_149, %mul3A_150 : i32
      %add3A_152 = arith.constant 0 : i32
      %add3A_153 = arith.addi %add3A_152, %mul3A_151 : i32
      %mul3A_154 = arith.constant 4 : i32
      %mul3A_155 = arith.muli %mul3A_154, %add3A_153 : i32
      %add3A_156 = arith.constant 0 : i32
      %add3A_157 = arith.addi %mul3A_155, %add3A_156 : i32
      %ge3A = arith.constant 1 : i32
      %ge3A_158 = arith.cmpi sge, %add3A_157, %ge3A : i32
      %convert_element_type3A = arith.extui %ge3A_158 : i1 to i32
      %cond3A = arith.constant 0 : i32
      %cond3A_159 = arith.cmpi ne, %convert_element_type3A, %cond3A : i32
      scf.if %cond3A_159 {
        %dma_wait3A_381 = arith.constant 1 : i32
        %dma_wait3A_382 = arith.constant 0 : i32
        %dma_wait3A_383 = tpu.memref_slice %arg9[%dma_wait3A_381, %dma_wait3A_382] : memref<2x80xi32, #tpu.memory_space<vmem>> -> memref<1x80xi32, #tpu.memory_space<vmem>>
        %dma_wait3A_384 = tpu.memref_squeeze %dma_wait3A_383 : memref<1x80xi32, #tpu.memory_space<vmem>> -> memref<80xi32, #tpu.memory_space<vmem>>
        %dma_wait3A_385 = arith.constant 0 : i32
        %dma_wait3A_386 = arith.constant 0 : i32
        %dma_wait3A_387 = tpu.memref_slice %arg12[%dma_wait3A_385, %dma_wait3A_386] : memref<10240x128xf32, #tpu.memory_space<vmem_shared>> -> memref<10240x128xf32, #tpu.memory_space<vmem_shared>>
        tpu.wait_indirect_dma semaphore(%arg20 : memref<!tpu.dma_semaphore, #tpu.memory_space<semaphore_mem>>) src(%arg11 : memref<80x128xf32, #tpu.memory_space<vmem>>) dst(%dma_wait3A_387 : memref<10240x128xf32, #tpu.memory_space<vmem_shared>>)
      } else {
      }
      %ge3A_160 = arith.constant 1 : i32
      %ge3A_161 = arith.cmpi sge, %add3A_157, %ge3A_160 : i32
      %add3A_162 = arith.constant 3 : i32
      %add3A_163 = arith.addi %add3A_157, %add3A_162 : i32
      %le3A = arith.constant 124 : i32
      %le3A_164 = arith.cmpi sle, %add3A_163, %le3A : i32
      %and3A = arith.andi %ge3A_161, %le3A_164 : i1
      %convert_element_type3A_165 = arith.extui %and3A : i1 to i32
      %cond3A_166 = arith.constant 0 : i32
      %cond3A_167 = arith.cmpi ne, %convert_element_type3A_165, %cond3A_166 : i32
      scf.if %cond3A_167 {
        %add3A_381 = arith.constant 3 : i32
        %add3A_382 = arith.addi %add3A_157, %add3A_381 : i32
        %mul3A_383 = arith.constant 80 : i32
        %mul3A_384 = arith.muli %add3A_382, %mul3A_383 : i32
        %add3A_385 = arith.addi %mul3A_2, %mul3A_384 : i32
        %dma_start3A_386 = arith.constant 0 : i32
        %dma_start3A_387 = arith.constant 0 : i32
        %dma_start3A_388 = tpu.memref_slice %arg9[%dma_start3A_386, %dma_start3A_387] : memref<2x80xi32, #tpu.memory_space<vmem>> -> memref<1x80xi32, #tpu.memory_space<vmem>>
        %dma_start3A_389 = tpu.memref_squeeze %dma_start3A_388 : memref<1x80xi32, #tpu.memory_space<vmem>> -> memref<80xi32, #tpu.memory_space<vmem>>
        %dma_start3A_390 = tpu.memref_slice %arg3[%add3A_385] : memref<640000xi32, #tpu.memory_space<hbm>> -> memref<80xi32, #tpu.memory_space<hbm>>
        %dma_start3A_391 = arith.constant 0 : i32
        %dma_start3A_392 = tpu.memref_slice %arg9[%dma_start3A_386, %dma_start3A_391] : memref<2x80xi32, #tpu.memory_space<vmem>> -> memref<1x80xi32, #tpu.memory_space<vmem>>
        %dma_start3A_393 = tpu.memref_squeeze %dma_start3A_392 : memref<1x80xi32, #tpu.memory_space<vmem>> -> memref<80xi32, #tpu.memory_space<vmem>>
        %dma_start3A_394 = tpu.memref_slice %arg3[%add3A_385] : memref<640000xi32, #tpu.memory_space<hbm>> -> memref<80xi32, #tpu.memory_space<hbm>>
        tpu.enqueue_dma source(%dma_start3A_394 : memref<80xi32, #tpu.memory_space<hbm>>) target(%dma_start3A_393 : memref<80xi32, #tpu.memory_space<vmem>>) target_semaphore(%arg16 : memref<!tpu.dma_semaphore, #tpu.memory_space<semaphore_mem>>)
        %add3A_395 = arith.constant 320000 : i32
        %add3A_396 = arith.addi %add3A_395, %mul3A_2 : i32
        %mul3A_397 = arith.constant 80 : i32
        %mul3A_398 = arith.muli %add3A_382, %mul3A_397 : i32
        %add3A_399 = arith.addi %add3A_396, %mul3A_398 : i32
        %dma_start3A_400 = arith.constant 1 : i32
        %dma_start3A_401 = arith.constant 0 : i32
        %dma_start3A_402 = tpu.memref_slice %arg9[%dma_start3A_400, %dma_start3A_401] : memref<2x80xi32, #tpu.memory_space<vmem>> -> memref<1x80xi32, #tpu.memory_space<vmem>>
        %dma_start3A_403 = tpu.memref_squeeze %dma_start3A_402 : memref<1x80xi32, #tpu.memory_space<vmem>> -> memref<80xi32, #tpu.memory_space<vmem>>
        %dma_start3A_404 = tpu.memref_slice %arg3[%add3A_399] : memref<640000xi32, #tpu.memory_space<hbm>> -> memref<80xi32, #tpu.memory_space<hbm>>
        %dma_start3A_405 = arith.constant 0 : i32
        %dma_start3A_406 = tpu.memref_slice %arg9[%dma_start3A_400, %dma_start3A_405] : memref<2x80xi32, #tpu.memory_space<vmem>> -> memref<1x80xi32, #tpu.memory_space<vmem>>
        %dma_start3A_407 = tpu.memref_squeeze %dma_start3A_406 : memref<1x80xi32, #tpu.memory_space<vmem>> -> memref<80xi32, #tpu.memory_space<vmem>>
        %dma_start3A_408 = tpu.memref_slice %arg3[%add3A_399] : memref<640000xi32, #tpu.memory_space<hbm>> -> memref<80xi32, #tpu.memory_space<hbm>>
        tpu.enqueue_dma source(%dma_start3A_408 : memref<80xi32, #tpu.memory_space<hbm>>) target(%dma_start3A_407 : memref<80xi32, #tpu.memory_space<vmem>>) target_semaphore(%arg16 : memref<!tpu.dma_semaphore, #tpu.memory_space<semaphore_mem>>)
      } else {
      }
      %dma_wait3A_168 = arith.constant 0 : i32
      %dma_wait3A_169 = arith.constant 0 : i32
      %dma_wait3A_170 = tpu.memref_slice %arg7[%dma_wait3A_168, %dma_wait3A_169] : memref<2x80xi32, #tpu.memory_space<vmem>> -> memref<1x80xi32, #tpu.memory_space<vmem>>
      %dma_wait3A_171 = tpu.memref_squeeze %dma_wait3A_170 : memref<1x80xi32, #tpu.memory_space<vmem>> -> memref<80xi32, #tpu.memory_space<vmem>>
      %dma_wait3A_172 = tpu.memref_slice %arg3[%mul3A_2] : memref<640000xi32, #tpu.memory_space<hbm>> -> memref<80xi32, #tpu.memory_space<hbm>>
      %dma_wait3A_173 = arith.constant 0 : i32
      %dma_wait3A_174 = tpu.memref_slice %arg7[%dma_wait3A_168, %dma_wait3A_173] : memref<2x80xi32, #tpu.memory_space<vmem>> -> memref<1x80xi32, #tpu.memory_space<vmem>>
      %dma_wait3A_175 = tpu.memref_squeeze %dma_wait3A_174 : memref<1x80xi32, #tpu.memory_space<vmem>> -> memref<80xi32, #tpu.memory_space<vmem>>
      %dma_wait3A_176 = tpu.memref_slice %arg3[%mul3A_2] : memref<640000xi32, #tpu.memory_space<hbm>> -> memref<80xi32, #tpu.memory_space<hbm>>
      tpu.wait_dma2 semaphore(%arg14 : memref<!tpu.dma_semaphore, #tpu.memory_space<semaphore_mem>>) src(%dma_wait3A_176 : memref<80xi32, #tpu.memory_space<hbm>>) dst(%dma_wait3A_175 : memref<80xi32, #tpu.memory_space<vmem>>)
      %dma_wait3A_177 = arith.constant 1 : i32
      %dma_wait3A_178 = arith.constant 0 : i32
      %dma_wait3A_179 = tpu.memref_slice %arg7[%dma_wait3A_177, %dma_wait3A_178] : memref<2x80xi32, #tpu.memory_space<vmem>> -> memref<1x80xi32, #tpu.memory_space<vmem>>
      %dma_wait3A_180 = tpu.memref_squeeze %dma_wait3A_179 : memref<1x80xi32, #tpu.memory_space<vmem>> -> memref<80xi32, #tpu.memory_space<vmem>>
      %dma_wait3A_181 = tpu.memref_slice %arg3[%mul3A_2] : memref<640000xi32, #tpu.memory_space<hbm>> -> memref<80xi32, #tpu.memory_space<hbm>>
      %dma_wait3A_182 = arith.constant 0 : i32
      %dma_wait3A_183 = tpu.memref_slice %arg7[%dma_wait3A_177, %dma_wait3A_182] : memref<2x80xi32, #tpu.memory_space<vmem>> -> memref<1x80xi32, #tpu.memory_space<vmem>>
      %dma_wait3A_184 = tpu.memref_squeeze %dma_wait3A_183 : memref<1x80xi32, #tpu.memory_space<vmem>> -> memref<80xi32, #tpu.memory_space<vmem>>
      %dma_wait3A_185 = tpu.memref_slice %arg3[%mul3A_2] : memref<640000xi32, #tpu.memory_space<hbm>> -> memref<80xi32, #tpu.memory_space<hbm>>
      tpu.wait_dma2 semaphore(%arg14 : memref<!tpu.dma_semaphore, #tpu.memory_space<semaphore_mem>>) src(%dma_wait3A_185 : memref<80xi32, #tpu.memory_space<hbm>>) dst(%dma_wait3A_184 : memref<80xi32, #tpu.memory_space<vmem>>)
      %dma_start3A_186 = arith.constant 0 : i32
      %dma_start3A_187 = arith.constant 0 : i32
      %dma_start3A_188 = tpu.memref_slice %arg7[%dma_start3A_186, %dma_start3A_187] : memref<2x80xi32, #tpu.memory_space<vmem>> -> memref<1x80xi32, #tpu.memory_space<vmem>>
      %dma_start3A_189 = tpu.memref_squeeze %dma_start3A_188 : memref<1x80xi32, #tpu.memory_space<vmem>> -> memref<80xi32, #tpu.memory_space<vmem>>
      %dma_start3A_190 = arith.constant 0 : i32
      %dma_start3A_191 = arith.constant 0 : i32
      %dma_start3A_192 = tpu.memref_slice %arg2[%dma_start3A_190, %dma_start3A_191] : memref<10000x128xf32, #tpu.memory_space<hbm>> -> memref<10000x128xf32, #tpu.memory_space<hbm>>
      tpu.enqueue_indirect_dma source(%dma_start3A_192 : memref<10000x128xf32, #tpu.memory_space<hbm>>) target(%arg11 : memref<80x128xf32, #tpu.memory_space<vmem>>) offsets(%dma_start3A_189 : memref<80xi32, #tpu.memory_space<vmem>>) semaphore(%arg18 : memref<!tpu.dma_semaphore, #tpu.memory_space<semaphore_mem>>)
      %dma_wait3A_193 = arith.constant 0 : i32
      %dma_wait3A_194 = arith.constant 0 : i32
      %dma_wait3A_195 = tpu.memref_slice %arg6[%dma_wait3A_193, %dma_wait3A_194] : memref<2x80xi32, #tpu.memory_space<vmem>> -> memref<1x80xi32, #tpu.memory_space<vmem>>
      %dma_wait3A_196 = tpu.memref_squeeze %dma_wait3A_195 : memref<1x80xi32, #tpu.memory_space<vmem>> -> memref<80xi32, #tpu.memory_space<vmem>>
      %dma_wait3A_197 = arith.constant 0 : i32
      %dma_wait3A_198 = arith.constant 0 : i32
      %dma_wait3A_199 = tpu.memref_slice %arg2[%dma_wait3A_197, %dma_wait3A_198] : memref<10000x128xf32, #tpu.memory_space<hbm>> -> memref<10000x128xf32, #tpu.memory_space<hbm>>
      tpu.wait_indirect_dma semaphore(%arg17 : memref<!tpu.dma_semaphore, #tpu.memory_space<semaphore_mem>>) src(%dma_wait3A_199 : memref<10000x128xf32, #tpu.memory_space<hbm>>) dst(%arg10 : memref<80x128xf32, #tpu.memory_space<vmem>>)
      %dma_start3A_200 = arith.constant 1 : i32
      %dma_start3A_201 = arith.constant 0 : i32
      %dma_start3A_202 = tpu.memref_slice %arg6[%dma_start3A_200, %dma_start3A_201] : memref<2x80xi32, #tpu.memory_space<vmem>> -> memref<1x80xi32, #tpu.memory_space<vmem>>
      %dma_start3A_203 = tpu.memref_squeeze %dma_start3A_202 : memref<1x80xi32, #tpu.memory_space<vmem>> -> memref<80xi32, #tpu.memory_space<vmem>>
      %dma_start3A_204 = arith.constant 0 : i32
      %dma_start3A_205 = arith.constant 0 : i32
      %dma_start3A_206 = tpu.memref_slice %arg12[%dma_start3A_204, %dma_start3A_205] : memref<10240x128xf32, #tpu.memory_space<vmem_shared>> -> memref<10240x128xf32, #tpu.memory_space<vmem_shared>>
      tpu.enqueue_indirect_dma source(%arg10 : memref<80x128xf32, #tpu.memory_space<vmem>>) target(%dma_start3A_206 : memref<10240x128xf32, #tpu.memory_space<vmem_shared>>) offsets(%dma_start3A_203 : memref<80xi32, #tpu.memory_space<vmem>>) semaphore(%arg19 : memref<!tpu.dma_semaphore, #tpu.memory_space<semaphore_mem>>) {add = true}
      %mul3A_207 = arith.constant 4 : i32
      %mul3A_208 = arith.muli %mul3A_207, %add3A_153 : i32
      %add3A_209 = arith.constant 1 : i32
      %add3A_210 = arith.addi %mul3A_208, %add3A_209 : i32
      %ge3A_211 = arith.constant 1 : i32
      %ge3A_212 = arith.cmpi sge, %add3A_210, %ge3A_211 : i32
      %convert_element_type3A_213 = arith.extui %ge3A_212 : i1 to i32
      %cond3A_214 = arith.constant 0 : i32
      %cond3A_215 = arith.cmpi ne, %convert_element_type3A_213, %cond3A_214 : i32
      scf.if %cond3A_215 {
        %dma_wait3A_381 = arith.constant 1 : i32
        %dma_wait3A_382 = arith.constant 0 : i32
        %dma_wait3A_383 = tpu.memref_slice %arg6[%dma_wait3A_381, %dma_wait3A_382] : memref<2x80xi32, #tpu.memory_space<vmem>> -> memref<1x80xi32, #tpu.memory_space<vmem>>
        %dma_wait3A_384 = tpu.memref_squeeze %dma_wait3A_383 : memref<1x80xi32, #tpu.memory_space<vmem>> -> memref<80xi32, #tpu.memory_space<vmem>>
        %dma_wait3A_385 = arith.constant 0 : i32
        %dma_wait3A_386 = arith.constant 0 : i32
        %dma_wait3A_387 = tpu.memref_slice %arg12[%dma_wait3A_385, %dma_wait3A_386] : memref<10240x128xf32, #tpu.memory_space<vmem_shared>> -> memref<10240x128xf32, #tpu.memory_space<vmem_shared>>
        tpu.wait_indirect_dma semaphore(%arg19 : memref<!tpu.dma_semaphore, #tpu.memory_space<semaphore_mem>>) src(%arg10 : memref<80x128xf32, #tpu.memory_space<vmem>>) dst(%dma_wait3A_387 : memref<10240x128xf32, #tpu.memory_space<vmem_shared>>)
      } else {
      }
      %ge3A_216 = arith.constant 1 : i32
      %ge3A_217 = arith.cmpi sge, %add3A_210, %ge3A_216 : i32
      %add3A_218 = arith.constant 3 : i32
      %add3A_219 = arith.addi %add3A_210, %add3A_218 : i32
      %le3A_220 = arith.constant 124 : i32
      %le3A_221 = arith.cmpi sle, %add3A_219, %le3A_220 : i32
      %and3A_222 = arith.andi %ge3A_217, %le3A_221 : i1
      %convert_element_type3A_223 = arith.extui %and3A_222 : i1 to i32
      %cond3A_224 = arith.constant 0 : i32
      %cond3A_225 = arith.cmpi ne, %convert_element_type3A_223, %cond3A_224 : i32
      scf.if %cond3A_225 {
        %add3A_381 = arith.constant 3 : i32
        %add3A_382 = arith.addi %add3A_210, %add3A_381 : i32
        %mul3A_383 = arith.constant 80 : i32
        %mul3A_384 = arith.muli %add3A_382, %mul3A_383 : i32
        %add3A_385 = arith.addi %mul3A_2, %mul3A_384 : i32
        %dma_start3A_386 = arith.constant 0 : i32
        %dma_start3A_387 = arith.constant 0 : i32
        %dma_start3A_388 = tpu.memref_slice %arg6[%dma_start3A_386, %dma_start3A_387] : memref<2x80xi32, #tpu.memory_space<vmem>> -> memref<1x80xi32, #tpu.memory_space<vmem>>
        %dma_start3A_389 = tpu.memref_squeeze %dma_start3A_388 : memref<1x80xi32, #tpu.memory_space<vmem>> -> memref<80xi32, #tpu.memory_space<vmem>>
        %dma_start3A_390 = tpu.memref_slice %arg3[%add3A_385] : memref<640000xi32, #tpu.memory_space<hbm>> -> memref<80xi32, #tpu.memory_space<hbm>>
        %dma_start3A_391 = arith.constant 0 : i32
        %dma_start3A_392 = tpu.memref_slice %arg6[%dma_start3A_386, %dma_start3A_391] : memref<2x80xi32, #tpu.memory_space<vmem>> -> memref<1x80xi32, #tpu.memory_space<vmem>>
        %dma_start3A_393 = tpu.memref_squeeze %dma_start3A_392 : memref<1x80xi32, #tpu.memory_space<vmem>> -> memref<80xi32, #tpu.memory_space<vmem>>
        %dma_start3A_394 = tpu.memref_slice %arg3[%add3A_385] : memref<640000xi32, #tpu.memory_space<hbm>> -> memref<80xi32, #tpu.memory_space<hbm>>
        tpu.enqueue_dma source(%dma_start3A_394 : memref<80xi32, #tpu.memory_space<hbm>>) target(%dma_start3A_393 : memref<80xi32, #tpu.memory_space<vmem>>) target_semaphore(%arg13 : memref<!tpu.dma_semaphore, #tpu.memory_space<semaphore_mem>>)
        %add3A_395 = arith.constant 320000 : i32
        %add3A_396 = arith.addi %add3A_395, %mul3A_2 : i32
        %mul3A_397 = arith.constant 80 : i32
        %mul3A_398 = arith.muli %add3A_382, %mul3A_397 : i32
        %add3A_399 = arith.addi %add3A_396, %mul3A_398 : i32
        %dma_start3A_400 = arith.constant 1 : i32
        %dma_start3A_401 = arith.constant 0 : i32
        %dma_start3A_402 = tpu.memref_slice %arg6[%dma_start3A_400, %dma_start3A_401] : memref<2x80xi32, #tpu.memory_space<vmem>> -> memref<1x80xi32, #tpu.memory_space<vmem>>
        %dma_start3A_403 = tpu.memref_squeeze %dma_start3A_402 : memref<1x80xi32, #tpu.memory_space<vmem>> -> memref<80xi32, #tpu.memory_space<vmem>>
        %dma_start3A_404 = tpu.memref_slice %arg3[%add3A_399] : memref<640000xi32, #tpu.memory_space<hbm>> -> memref<80xi32, #tpu.memory_space<hbm>>
        %dma_start3A_405 = arith.constant 0 : i32
        %dma_start3A_406 = tpu.memref_slice %arg6[%dma_start3A_400, %dma_start3A_405] : memref<2x80xi32, #tpu.memory_space<vmem>> -> memref<1x80xi32, #tpu.memory_space<vmem>>
        %dma_start3A_407 = tpu.memref_squeeze %dma_start3A_406 : memref<1x80xi32, #tpu.memory_space<vmem>> -> memref<80xi32, #tpu.memory_space<vmem>>
        %dma_start3A_408 = tpu.memref_slice %arg3[%add3A_399] : memref<640000xi32, #tpu.memory_space<hbm>> -> memref<80xi32, #tpu.memory_space<hbm>>
        tpu.enqueue_dma source(%dma_start3A_408 : memref<80xi32, #tpu.memory_space<hbm>>) target(%dma_start3A_407 : memref<80xi32, #tpu.memory_space<vmem>>) target_semaphore(%arg13 : memref<!tpu.dma_semaphore, #tpu.memory_space<semaphore_mem>>)
      } else {
      }
      %dma_wait3A_226 = arith.constant 0 : i32
      %dma_wait3A_227 = arith.constant 0 : i32
      %dma_wait3A_228 = tpu.memref_slice %arg8[%dma_wait3A_226, %dma_wait3A_227] : memref<2x80xi32, #tpu.memory_space<vmem>> -> memref<1x80xi32, #tpu.memory_space<vmem>>
      %dma_wait3A_229 = tpu.memref_squeeze %dma_wait3A_228 : memref<1x80xi32, #tpu.memory_space<vmem>> -> memref<80xi32, #tpu.memory_space<vmem>>
      %dma_wait3A_230 = tpu.memref_slice %arg3[%mul3A_2] : memref<640000xi32, #tpu.memory_space<hbm>> -> memref<80xi32, #tpu.memory_space<hbm>>
      %dma_wait3A_231 = arith.constant 0 : i32
      %dma_wait3A_232 = tpu.memref_slice %arg8[%dma_wait3A_226, %dma_wait3A_231] : memref<2x80xi32, #tpu.memory_space<vmem>> -> memref<1x80xi32, #tpu.memory_space<vmem>>
      %dma_wait3A_233 = tpu.memref_squeeze %dma_wait3A_232 : memref<1x80xi32, #tpu.memory_space<vmem>> -> memref<80xi32, #tpu.memory_space<vmem>>
      %dma_wait3A_234 = tpu.memref_slice %arg3[%mul3A_2] : memref<640000xi32, #tpu.memory_space<hbm>> -> memref<80xi32, #tpu.memory_space<hbm>>
      tpu.wait_dma2 semaphore(%arg15 : memref<!tpu.dma_semaphore, #tpu.memory_space<semaphore_mem>>) src(%dma_wait3A_234 : memref<80xi32, #tpu.memory_space<hbm>>) dst(%dma_wait3A_233 : memref<80xi32, #tpu.memory_space<vmem>>)
      %dma_wait3A_235 = arith.constant 1 : i32
      %dma_wait3A_236 = arith.constant 0 : i32
      %dma_wait3A_237 = tpu.memref_slice %arg8[%dma_wait3A_235, %dma_wait3A_236] : memref<2x80xi32, #tpu.memory_space<vmem>> -> memref<1x80xi32, #tpu.memory_space<vmem>>
      %dma_wait3A_238 = tpu.memref_squeeze %dma_wait3A_237 : memref<1x80xi32, #tpu.memory_space<vmem>> -> memref<80xi32, #tpu.memory_space<vmem>>
      %dma_wait3A_239 = tpu.memref_slice %arg3[%mul3A_2] : memref<640000xi32, #tpu.memory_space<hbm>> -> memref<80xi32, #tpu.memory_space<hbm>>
      %dma_wait3A_240 = arith.constant 0 : i32
      %dma_wait3A_241 = tpu.memref_slice %arg8[%dma_wait3A_235, %dma_wait3A_240] : memref<2x80xi32, #tpu.memory_space<vmem>> -> memref<1x80xi32, #tpu.memory_space<vmem>>
      %dma_wait3A_242 = tpu.memref_squeeze %dma_wait3A_241 : memref<1x80xi32, #tpu.memory_space<vmem>> -> memref<80xi32, #tpu.memory_space<vmem>>
      %dma_wait3A_243 = tpu.memref_slice %arg3[%mul3A_2] : memref<640000xi32, #tpu.memory_space<hbm>> -> memref<80xi32, #tpu.memory_space<hbm>>
      tpu.wait_dma2 semaphore(%arg15 : memref<!tpu.dma_semaphore, #tpu.memory_space<semaphore_mem>>) src(%dma_wait3A_243 : memref<80xi32, #tpu.memory_space<hbm>>) dst(%dma_wait3A_242 : memref<80xi32, #tpu.memory_space<vmem>>)
      %dma_start3A_244 = arith.constant 0 : i32
      %dma_start3A_245 = arith.constant 0 : i32
      %dma_start3A_246 = tpu.memref_slice %arg8[%dma_start3A_244, %dma_start3A_245] : memref<2x80xi32, #tpu.memory_space<vmem>> -> memref<1x80xi32, #tpu.memory_space<vmem>>
      %dma_start3A_247 = tpu.memref_squeeze %dma_start3A_246 : memref<1x80xi32, #tpu.memory_space<vmem>> -> memref<80xi32, #tpu.memory_space<vmem>>
      %dma_start3A_248 = arith.constant 0 : i32
      %dma_start3A_249 = arith.constant 0 : i32
      %dma_start3A_250 = tpu.memref_slice %arg2[%dma_start3A_248, %dma_start3A_249] : memref<10000x128xf32, #tpu.memory_space<hbm>> -> memref<10000x128xf32, #tpu.memory_space<hbm>>
      tpu.enqueue_indirect_dma source(%dma_start3A_250 : memref<10000x128xf32, #tpu.memory_space<hbm>>) target(%arg10 : memref<80x128xf32, #tpu.memory_space<vmem>>) offsets(%dma_start3A_247 : memref<80xi32, #tpu.memory_space<vmem>>) semaphore(%arg17 : memref<!tpu.dma_semaphore, #tpu.memory_space<semaphore_mem>>)
      %dma_wait3A_251 = arith.constant 0 : i32
      %dma_wait3A_252 = arith.constant 0 : i32
      %dma_wait3A_253 = tpu.memref_slice %arg7[%dma_wait3A_251, %dma_wait3A_252] : memref<2x80xi32, #tpu.memory_space<vmem>> -> memref<1x80xi32, #tpu.memory_space<vmem>>
      %dma_wait3A_254 = tpu.memref_squeeze %dma_wait3A_253 : memref<1x80xi32, #tpu.memory_space<vmem>> -> memref<80xi32, #tpu.memory_space<vmem>>
      %dma_wait3A_255 = arith.constant 0 : i32
      %dma_wait3A_256 = arith.constant 0 : i32
      %dma_wait3A_257 = tpu.memref_slice %arg2[%dma_wait3A_255, %dma_wait3A_256] : memref<10000x128xf32, #tpu.memory_space<hbm>> -> memref<10000x128xf32, #tpu.memory_space<hbm>>
      tpu.wait_indirect_dma semaphore(%arg18 : memref<!tpu.dma_semaphore, #tpu.memory_space<semaphore_mem>>) src(%dma_wait3A_257 : memref<10000x128xf32, #tpu.memory_space<hbm>>) dst(%arg11 : memref<80x128xf32, #tpu.memory_space<vmem>>)
      %dma_start3A_258 = arith.constant 1 : i32
      %dma_start3A_259 = arith.constant 0 : i32
      %dma_start3A_260 = tpu.memref_slice %arg7[%dma_start3A_258, %dma_start3A_259] : memref<2x80xi32, #tpu.memory_space<vmem>> -> memref<1x80xi32, #tpu.memory_space<vmem>>
      %dma_start3A_261 = tpu.memref_squeeze %dma_start3A_260 : memref<1x80xi32, #tpu.memory_space<vmem>> -> memref<80xi32, #tpu.memory_space<vmem>>
      %dma_start3A_262 = arith.constant 0 : i32
      %dma_start3A_263 = arith.constant 0 : i32
      %dma_start3A_264 = tpu.memref_slice %arg12[%dma_start3A_262, %dma_start3A_263] : memref<10240x128xf32, #tpu.memory_space<vmem_shared>> -> memref<10240x128xf32, #tpu.memory_space<vmem_shared>>
      tpu.enqueue_indirect_dma source(%arg11 : memref<80x128xf32, #tpu.memory_space<vmem>>) target(%dma_start3A_264 : memref<10240x128xf32, #tpu.memory_space<vmem_shared>>) offsets(%dma_start3A_261 : memref<80xi32, #tpu.memory_space<vmem>>) semaphore(%arg20 : memref<!tpu.dma_semaphore, #tpu.memory_space<semaphore_mem>>) {add = true}
      %mul3A_265 = arith.constant 4 : i32
      %mul3A_266 = arith.muli %mul3A_265, %add3A_153 : i32
      %add3A_267 = arith.constant 2 : i32
      %add3A_268 = arith.addi %mul3A_266, %add3A_267 : i32
      %ge3A_269 = arith.constant 1 : i32
      %ge3A_270 = arith.cmpi sge, %add3A_268, %ge3A_269 : i32
      %convert_element_type3A_271 = arith.extui %ge3A_270 : i1 to i32
      %cond3A_272 = arith.constant 0 : i32
      %cond3A_273 = arith.cmpi ne, %convert_element_type3A_271, %cond3A_272 : i32
      scf.if %cond3A_273 {
        %dma_wait3A_381 = arith.constant 1 : i32
        %dma_wait3A_382 = arith.constant 0 : i32
        %dma_wait3A_383 = tpu.memref_slice %arg7[%dma_wait3A_381, %dma_wait3A_382] : memref<2x80xi32, #tpu.memory_space<vmem>> -> memref<1x80xi32, #tpu.memory_space<vmem>>
        %dma_wait3A_384 = tpu.memref_squeeze %dma_wait3A_383 : memref<1x80xi32, #tpu.memory_space<vmem>> -> memref<80xi32, #tpu.memory_space<vmem>>
        %dma_wait3A_385 = arith.constant 0 : i32
        %dma_wait3A_386 = arith.constant 0 : i32
        %dma_wait3A_387 = tpu.memref_slice %arg12[%dma_wait3A_385, %dma_wait3A_386] : memref<10240x128xf32, #tpu.memory_space<vmem_shared>> -> memref<10240x128xf32, #tpu.memory_space<vmem_shared>>
        tpu.wait_indirect_dma semaphore(%arg20 : memref<!tpu.dma_semaphore, #tpu.memory_space<semaphore_mem>>) src(%arg11 : memref<80x128xf32, #tpu.memory_space<vmem>>) dst(%dma_wait3A_387 : memref<10240x128xf32, #tpu.memory_space<vmem_shared>>)
      } else {
      }
      %ge3A_274 = arith.constant 1 : i32
      %ge3A_275 = arith.cmpi sge, %add3A_268, %ge3A_274 : i32
      %add3A_276 = arith.constant 3 : i32
      %add3A_277 = arith.addi %add3A_268, %add3A_276 : i32
      %le3A_278 = arith.constant 124 : i32
      %le3A_279 = arith.cmpi sle, %add3A_277, %le3A_278 : i32
      %and3A_280 = arith.andi %ge3A_275, %le3A_279 : i1
      %convert_element_type3A_281 = arith.extui %and3A_280 : i1 to i32
      %cond3A_282 = arith.constant 0 : i32
      %cond3A_283 = arith.cmpi ne, %convert_element_type3A_281, %cond3A_282 : i32
      scf.if %cond3A_283 {
        %add3A_381 = arith.constant 3 : i32
        %add3A_382 = arith.addi %add3A_268, %add3A_381 : i32
        %mul3A_383 = arith.constant 80 : i32
        %mul3A_384 = arith.muli %add3A_382, %mul3A_383 : i32
        %add3A_385 = arith.addi %mul3A_2, %mul3A_384 : i32
        %dma_start3A_386 = arith.constant 0 : i32
        %dma_start3A_387 = arith.constant 0 : i32
        %dma_start3A_388 = tpu.memref_slice %arg7[%dma_start3A_386, %dma_start3A_387] : memref<2x80xi32, #tpu.memory_space<vmem>> -> memref<1x80xi32, #tpu.memory_space<vmem>>
        %dma_start3A_389 = tpu.memref_squeeze %dma_start3A_388 : memref<1x80xi32, #tpu.memory_space<vmem>> -> memref<80xi32, #tpu.memory_space<vmem>>
        %dma_start3A_390 = tpu.memref_slice %arg3[%add3A_385] : memref<640000xi32, #tpu.memory_space<hbm>> -> memref<80xi32, #tpu.memory_space<hbm>>
        %dma_start3A_391 = arith.constant 0 : i32
        %dma_start3A_392 = tpu.memref_slice %arg7[%dma_start3A_386, %dma_start3A_391] : memref<2x80xi32, #tpu.memory_space<vmem>> -> memref<1x80xi32, #tpu.memory_space<vmem>>
        %dma_start3A_393 = tpu.memref_squeeze %dma_start3A_392 : memref<1x80xi32, #tpu.memory_space<vmem>> -> memref<80xi32, #tpu.memory_space<vmem>>
        %dma_start3A_394 = tpu.memref_slice %arg3[%add3A_385] : memref<640000xi32, #tpu.memory_space<hbm>> -> memref<80xi32, #tpu.memory_space<hbm>>
        tpu.enqueue_dma source(%dma_start3A_394 : memref<80xi32, #tpu.memory_space<hbm>>) target(%dma_start3A_393 : memref<80xi32, #tpu.memory_space<vmem>>) target_semaphore(%arg14 : memref<!tpu.dma_semaphore, #tpu.memory_space<semaphore_mem>>)
        %add3A_395 = arith.constant 320000 : i32
        %add3A_396 = arith.addi %add3A_395, %mul3A_2 : i32
        %mul3A_397 = arith.constant 80 : i32
        %mul3A_398 = arith.muli %add3A_382, %mul3A_397 : i32
        %add3A_399 = arith.addi %add3A_396, %mul3A_398 : i32
        %dma_start3A_400 = arith.constant 1 : i32
        %dma_start3A_401 = arith.constant 0 : i32
        %dma_start3A_402 = tpu.memref_slice %arg7[%dma_start3A_400, %dma_start3A_401] : memref<2x80xi32, #tpu.memory_space<vmem>> -> memref<1x80xi32, #tpu.memory_space<vmem>>
        %dma_start3A_403 = tpu.memref_squeeze %dma_start3A_402 : memref<1x80xi32, #tpu.memory_space<vmem>> -> memref<80xi32, #tpu.memory_space<vmem>>
        %dma_start3A_404 = tpu.memref_slice %arg3[%add3A_399] : memref<640000xi32, #tpu.memory_space<hbm>> -> memref<80xi32, #tpu.memory_space<hbm>>
        %dma_start3A_405 = arith.constant 0 : i32
        %dma_start3A_406 = tpu.memref_slice %arg7[%dma_start3A_400, %dma_start3A_405] : memref<2x80xi32, #tpu.memory_space<vmem>> -> memref<1x80xi32, #tpu.memory_space<vmem>>
        %dma_start3A_407 = tpu.memref_squeeze %dma_start3A_406 : memref<1x80xi32, #tpu.memory_space<vmem>> -> memref<80xi32, #tpu.memory_space<vmem>>
        %dma_start3A_408 = tpu.memref_slice %arg3[%add3A_399] : memref<640000xi32, #tpu.memory_space<hbm>> -> memref<80xi32, #tpu.memory_space<hbm>>
        tpu.enqueue_dma source(%dma_start3A_408 : memref<80xi32, #tpu.memory_space<hbm>>) target(%dma_start3A_407 : memref<80xi32, #tpu.memory_space<vmem>>) target_semaphore(%arg14 : memref<!tpu.dma_semaphore, #tpu.memory_space<semaphore_mem>>)
      } else {
      }
      %dma_wait3A_284 = arith.constant 0 : i32
      %dma_wait3A_285 = arith.constant 0 : i32
      %dma_wait3A_286 = tpu.memref_slice %arg9[%dma_wait3A_284, %dma_wait3A_285] : memref<2x80xi32, #tpu.memory_space<vmem>> -> memref<1x80xi32, #tpu.memory_space<vmem>>
      %dma_wait3A_287 = tpu.memref_squeeze %dma_wait3A_286 : memref<1x80xi32, #tpu.memory_space<vmem>> -> memref<80xi32, #tpu.memory_space<vmem>>
      %dma_wait3A_288 = tpu.memref_slice %arg3[%mul3A_2] : memref<640000xi32, #tpu.memory_space<hbm>> -> memref<80xi32, #tpu.memory_space<hbm>>
      %dma_wait3A_289 = arith.constant 0 : i32
      %dma_wait3A_290 = tpu.memref_slice %arg9[%dma_wait3A_284, %dma_wait3A_289] : memref<2x80xi32, #tpu.memory_space<vmem>> -> memref<1x80xi32, #tpu.memory_space<vmem>>
      %dma_wait3A_291 = tpu.memref_squeeze %dma_wait3A_290 : memref<1x80xi32, #tpu.memory_space<vmem>> -> memref<80xi32, #tpu.memory_space<vmem>>
      %dma_wait3A_292 = tpu.memref_slice %arg3[%mul3A_2] : memref<640000xi32, #tpu.memory_space<hbm>> -> memref<80xi32, #tpu.memory_space<hbm>>
      tpu.wait_dma2 semaphore(%arg16 : memref<!tpu.dma_semaphore, #tpu.memory_space<semaphore_mem>>) src(%dma_wait3A_292 : memref<80xi32, #tpu.memory_space<hbm>>) dst(%dma_wait3A_291 : memref<80xi32, #tpu.memory_space<vmem>>)
      %dma_wait3A_293 = arith.constant 1 : i32
      %dma_wait3A_294 = arith.constant 0 : i32
      %dma_wait3A_295 = tpu.memref_slice %arg9[%dma_wait3A_293, %dma_wait3A_294] : memref<2x80xi32, #tpu.memory_space<vmem>> -> memref<1x80xi32, #tpu.memory_space<vmem>>
      %dma_wait3A_296 = tpu.memref_squeeze %dma_wait3A_295 : memref<1x80xi32, #tpu.memory_space<vmem>> -> memref<80xi32, #tpu.memory_space<vmem>>
      %dma_wait3A_297 = tpu.memref_slice %arg3[%mul3A_2] : memref<640000xi32, #tpu.memory_space<hbm>> -> memref<80xi32, #tpu.memory_space<hbm>>
      %dma_wait3A_298 = arith.constant 0 : i32
      %dma_wait3A_299 = tpu.memref_slice %arg9[%dma_wait3A_293, %dma_wait3A_298] : memref<2x80xi32, #tpu.memory_space<vmem>> -> memref<1x80xi32, #tpu.memory_space<vmem>>
      %dma_wait3A_300 = tpu.memref_squeeze %dma_wait3A_299 : memref<1x80xi32, #tpu.memory_space<vmem>> -> memref<80xi32, #tpu.memory_space<vmem>>
      %dma_wait3A_301 = tpu.memref_slice %arg3[%mul3A_2] : memref<640000xi32, #tpu.memory_space<hbm>> -> memref<80xi32, #tpu.memory_space<hbm>>
      tpu.wait_dma2 semaphore(%arg16 : memref<!tpu.dma_semaphore, #tpu.memory_space<semaphore_mem>>) src(%dma_wait3A_301 : memref<80xi32, #tpu.memory_space<hbm>>) dst(%dma_wait3A_300 : memref<80xi32, #tpu.memory_space<vmem>>)
      %dma_start3A_302 = arith.constant 0 : i32
      %dma_start3A_303 = arith.constant 0 : i32
      %dma_start3A_304 = tpu.memref_slice %arg9[%dma_start3A_302, %dma_start3A_303] : memref<2x80xi32, #tpu.memory_space<vmem>> -> memref<1x80xi32, #tpu.memory_space<vmem>>
      %dma_start3A_305 = tpu.memref_squeeze %dma_start3A_304 : memref<1x80xi32, #tpu.memory_space<vmem>> -> memref<80xi32, #tpu.memory_space<vmem>>
      %dma_start3A_306 = arith.constant 0 : i32
      %dma_start3A_307 = arith.constant 0 : i32
      %dma_start3A_308 = tpu.memref_slice %arg2[%dma_start3A_306, %dma_start3A_307] : memref<10000x128xf32, #tpu.memory_space<hbm>> -> memref<10000x128xf32, #tpu.memory_space<hbm>>
      tpu.enqueue_indirect_dma source(%dma_start3A_308 : memref<10000x128xf32, #tpu.memory_space<hbm>>) target(%arg11 : memref<80x128xf32, #tpu.memory_space<vmem>>) offsets(%dma_start3A_305 : memref<80xi32, #tpu.memory_space<vmem>>) semaphore(%arg18 : memref<!tpu.dma_semaphore, #tpu.memory_space<semaphore_mem>>)
      %dma_wait3A_309 = arith.constant 0 : i32
      %dma_wait3A_310 = arith.constant 0 : i32
      %dma_wait3A_311 = tpu.memref_slice %arg8[%dma_wait3A_309, %dma_wait3A_310] : memref<2x80xi32, #tpu.memory_space<vmem>> -> memref<1x80xi32, #tpu.memory_space<vmem>>
      %dma_wait3A_312 = tpu.memref_squeeze %dma_wait3A_311 : memref<1x80xi32, #tpu.memory_space<vmem>> -> memref<80xi32, #tpu.memory_space<vmem>>
      %dma_wait3A_313 = arith.constant 0 : i32
      %dma_wait3A_314 = arith.constant 0 : i32
      %dma_wait3A_315 = tpu.memref_slice %arg2[%dma_wait3A_313, %dma_wait3A_314] : memref<10000x128xf32, #tpu.memory_space<hbm>> -> memref<10000x128xf32, #tpu.memory_space<hbm>>
      tpu.wait_indirect_dma semaphore(%arg17 : memref<!tpu.dma_semaphore, #tpu.memory_space<semaphore_mem>>) src(%dma_wait3A_315 : memref<10000x128xf32, #tpu.memory_space<hbm>>) dst(%arg10 : memref<80x128xf32, #tpu.memory_space<vmem>>)
      %dma_start3A_316 = arith.constant 1 : i32
      %dma_start3A_317 = arith.constant 0 : i32
      %dma_start3A_318 = tpu.memref_slice %arg8[%dma_start3A_316, %dma_start3A_317] : memref<2x80xi32, #tpu.memory_space<vmem>> -> memref<1x80xi32, #tpu.memory_space<vmem>>
      %dma_start3A_319 = tpu.memref_squeeze %dma_start3A_318 : memref<1x80xi32, #tpu.memory_space<vmem>> -> memref<80xi32, #tpu.memory_space<vmem>>
      %dma_start3A_320 = arith.constant 0 : i32
      %dma_start3A_321 = arith.constant 0 : i32
      %dma_start3A_322 = tpu.memref_slice %arg12[%dma_start3A_320, %dma_start3A_321] : memref<10240x128xf32, #tpu.memory_space<vmem_shared>> -> memref<10240x128xf32, #tpu.memory_space<vmem_shared>>
      tpu.enqueue_indirect_dma source(%arg10 : memref<80x128xf32, #tpu.memory_space<vmem>>) target(%dma_start3A_322 : memref<10240x128xf32, #tpu.memory_space<vmem_shared>>) offsets(%dma_start3A_319 : memref<80xi32, #tpu.memory_space<vmem>>) semaphore(%arg19 : memref<!tpu.dma_semaphore, #tpu.memory_space<semaphore_mem>>) {add = true}
      %mul3A_323 = arith.constant 4 : i32
      %mul3A_324 = arith.muli %mul3A_323, %add3A_153 : i32
      %add3A_325 = arith.constant 3 : i32
      %add3A_326 = arith.addi %mul3A_324, %add3A_325 : i32
      %ge3A_327 = arith.constant 1 : i32
      %ge3A_328 = arith.cmpi sge, %add3A_326, %ge3A_327 : i32
      %convert_element_type3A_329 = arith.extui %ge3A_328 : i1 to i32
      %cond3A_330 = arith.constant 0 : i32
      %cond3A_331 = arith.cmpi ne, %convert_element_type3A_329, %cond3A_330 : i32
      scf.if %cond3A_331 {
        %dma_wait3A_381 = arith.constant 1 : i32
        %dma_wait3A_382 = arith.constant 0 : i32
        %dma_wait3A_383 = tpu.memref_slice %arg8[%dma_wait3A_381, %dma_wait3A_382] : memref<2x80xi32, #tpu.memory_space<vmem>> -> memref<1x80xi32, #tpu.memory_space<vmem>>
        %dma_wait3A_384 = tpu.memref_squeeze %dma_wait3A_383 : memref<1x80xi32, #tpu.memory_space<vmem>> -> memref<80xi32, #tpu.memory_space<vmem>>
        %dma_wait3A_385 = arith.constant 0 : i32
        %dma_wait3A_386 = arith.constant 0 : i32
        %dma_wait3A_387 = tpu.memref_slice %arg12[%dma_wait3A_385, %dma_wait3A_386] : memref<10240x128xf32, #tpu.memory_space<vmem_shared>> -> memref<10240x128xf32, #tpu.memory_space<vmem_shared>>
        tpu.wait_indirect_dma semaphore(%arg19 : memref<!tpu.dma_semaphore, #tpu.memory_space<semaphore_mem>>) src(%arg10 : memref<80x128xf32, #tpu.memory_space<vmem>>) dst(%dma_wait3A_387 : memref<10240x128xf32, #tpu.memory_space<vmem_shared>>)
      } else {
      }
      %ge3A_332 = arith.constant 1 : i32
      %ge3A_333 = arith.cmpi sge, %add3A_326, %ge3A_332 : i32
      %add3A_334 = arith.constant 3 : i32
      %add3A_335 = arith.addi %add3A_326, %add3A_334 : i32
      %le3A_336 = arith.constant 124 : i32
      %le3A_337 = arith.cmpi sle, %add3A_335, %le3A_336 : i32
      %and3A_338 = arith.andi %ge3A_333, %le3A_337 : i1
      %convert_element_type3A_339 = arith.extui %and3A_338 : i1 to i32
      %cond3A_340 = arith.constant 0 : i32
      %cond3A_341 = arith.cmpi ne, %convert_element_type3A_339, %cond3A_340 : i32
      scf.if %cond3A_341 {
        %add3A_381 = arith.constant 3 : i32
        %add3A_382 = arith.addi %add3A_326, %add3A_381 : i32
        %mul3A_383 = arith.constant 80 : i32
        %mul3A_384 = arith.muli %add3A_382, %mul3A_383 : i32
        %add3A_385 = arith.addi %mul3A_2, %mul3A_384 : i32
        %dma_start3A_386 = arith.constant 0 : i32
        %dma_start3A_387 = arith.constant 0 : i32
        %dma_start3A_388 = tpu.memref_slice %arg8[%dma_start3A_386, %dma_start3A_387] : memref<2x80xi32, #tpu.memory_space<vmem>> -> memref<1x80xi32, #tpu.memory_space<vmem>>
        %dma_start3A_389 = tpu.memref_squeeze %dma_start3A_388 : memref<1x80xi32, #tpu.memory_space<vmem>> -> memref<80xi32, #tpu.memory_space<vmem>>
        %dma_start3A_390 = tpu.memref_slice %arg3[%add3A_385] : memref<640000xi32, #tpu.memory_space<hbm>> -> memref<80xi32, #tpu.memory_space<hbm>>
        %dma_start3A_391 = arith.constant 0 : i32
        %dma_start3A_392 = tpu.memref_slice %arg8[%dma_start3A_386, %dma_start3A_391] : memref<2x80xi32, #tpu.memory_space<vmem>> -> memref<1x80xi32, #tpu.memory_space<vmem>>
        %dma_start3A_393 = tpu.memref_squeeze %dma_start3A_392 : memref<1x80xi32, #tpu.memory_space<vmem>> -> memref<80xi32, #tpu.memory_space<vmem>>
        %dma_start3A_394 = tpu.memref_slice %arg3[%add3A_385] : memref<640000xi32, #tpu.memory_space<hbm>> -> memref<80xi32, #tpu.memory_space<hbm>>
        tpu.enqueue_dma source(%dma_start3A_394 : memref<80xi32, #tpu.memory_space<hbm>>) target(%dma_start3A_393 : memref<80xi32, #tpu.memory_space<vmem>>) target_semaphore(%arg15 : memref<!tpu.dma_semaphore, #tpu.memory_space<semaphore_mem>>)
        %add3A_395 = arith.constant 320000 : i32
        %add3A_396 = arith.addi %add3A_395, %mul3A_2 : i32
        %mul3A_397 = arith.constant 80 : i32
        %mul3A_398 = arith.muli %add3A_382, %mul3A_397 : i32
        %add3A_399 = arith.addi %add3A_396, %mul3A_398 : i32
        %dma_start3A_400 = arith.constant 1 : i32
        %dma_start3A_401 = arith.constant 0 : i32
        %dma_start3A_402 = tpu.memref_slice %arg8[%dma_start3A_400, %dma_start3A_401] : memref<2x80xi32, #tpu.memory_space<vmem>> -> memref<1x80xi32, #tpu.memory_space<vmem>>
        %dma_start3A_403 = tpu.memref_squeeze %dma_start3A_402 : memref<1x80xi32, #tpu.memory_space<vmem>> -> memref<80xi32, #tpu.memory_space<vmem>>
        %dma_start3A_404 = tpu.memref_slice %arg3[%add3A_399] : memref<640000xi32, #tpu.memory_space<hbm>> -> memref<80xi32, #tpu.memory_space<hbm>>
        %dma_start3A_405 = arith.constant 0 : i32
        %dma_start3A_406 = tpu.memref_slice %arg8[%dma_start3A_400, %dma_start3A_405] : memref<2x80xi32, #tpu.memory_space<vmem>> -> memref<1x80xi32, #tpu.memory_space<vmem>>
        %dma_start3A_407 = tpu.memref_squeeze %dma_start3A_406 : memref<1x80xi32, #tpu.memory_space<vmem>> -> memref<80xi32, #tpu.memory_space<vmem>>
        %dma_start3A_408 = tpu.memref_slice %arg3[%add3A_399] : memref<640000xi32, #tpu.memory_space<hbm>> -> memref<80xi32, #tpu.memory_space<hbm>>
        tpu.enqueue_dma source(%dma_start3A_408 : memref<80xi32, #tpu.memory_space<hbm>>) target(%dma_start3A_407 : memref<80xi32, #tpu.memory_space<vmem>>) target_semaphore(%arg15 : memref<!tpu.dma_semaphore, #tpu.memory_space<semaphore_mem>>)
      } else {
      }
      %dma_wait3A_342 = arith.constant 0 : i32
      %dma_wait3A_343 = arith.constant 0 : i32
      %dma_wait3A_344 = tpu.memref_slice %arg6[%dma_wait3A_342, %dma_wait3A_343] : memref<2x80xi32, #tpu.memory_space<vmem>> -> memref<1x80xi32, #tpu.memory_space<vmem>>
      %dma_wait3A_345 = tpu.memref_squeeze %dma_wait3A_344 : memref<1x80xi32, #tpu.memory_space<vmem>> -> memref<80xi32, #tpu.memory_space<vmem>>
      %dma_wait3A_346 = tpu.memref_slice %arg3[%mul3A_2] : memref<640000xi32, #tpu.memory_space<hbm>> -> memref<80xi32, #tpu.memory_space<hbm>>
      %dma_wait3A_347 = arith.constant 0 : i32
      %dma_wait3A_348 = tpu.memref_slice %arg6[%dma_wait3A_342, %dma_wait3A_347] : memref<2x80xi32, #tpu.memory_space<vmem>> -> memref<1x80xi32, #tpu.memory_space<vmem>>
      %dma_wait3A_349 = tpu.memref_squeeze %dma_wait3A_348 : memref<1x80xi32, #tpu.memory_space<vmem>> -> memref<80xi32, #tpu.memory_space<vmem>>
      %dma_wait3A_350 = tpu.memref_slice %arg3[%mul3A_2] : memref<640000xi32, #tpu.memory_space<hbm>> -> memref<80xi32, #tpu.memory_space<hbm>>
      tpu.wait_dma2 semaphore(%arg13 : memref<!tpu.dma_semaphore, #tpu.memory_space<semaphore_mem>>) src(%dma_wait3A_350 : memref<80xi32, #tpu.memory_space<hbm>>) dst(%dma_wait3A_349 : memref<80xi32, #tpu.memory_space<vmem>>)
      %dma_wait3A_351 = arith.constant 1 : i32
      %dma_wait3A_352 = arith.constant 0 : i32
      %dma_wait3A_353 = tpu.memref_slice %arg6[%dma_wait3A_351, %dma_wait3A_352] : memref<2x80xi32, #tpu.memory_space<vmem>> -> memref<1x80xi32, #tpu.memory_space<vmem>>
      %dma_wait3A_354 = tpu.memref_squeeze %dma_wait3A_353 : memref<1x80xi32, #tpu.memory_space<vmem>> -> memref<80xi32, #tpu.memory_space<vmem>>
      %dma_wait3A_355 = tpu.memref_slice %arg3[%mul3A_2] : memref<640000xi32, #tpu.memory_space<hbm>> -> memref<80xi32, #tpu.memory_space<hbm>>
      %dma_wait3A_356 = arith.constant 0 : i32
      %dma_wait3A_357 = tpu.memref_slice %arg6[%dma_wait3A_351, %dma_wait3A_356] : memref<2x80xi32, #tpu.memory_space<vmem>> -> memref<1x80xi32, #tpu.memory_space<vmem>>
      %dma_wait3A_358 = tpu.memref_squeeze %dma_wait3A_357 : memref<1x80xi32, #tpu.memory_space<vmem>> -> memref<80xi32, #tpu.memory_space<vmem>>
      %dma_wait3A_359 = tpu.memref_slice %arg3[%mul3A_2] : memref<640000xi32, #tpu.memory_space<hbm>> -> memref<80xi32, #tpu.memory_space<hbm>>
      tpu.wait_dma2 semaphore(%arg13 : memref<!tpu.dma_semaphore, #tpu.memory_space<semaphore_mem>>) src(%dma_wait3A_359 : memref<80xi32, #tpu.memory_space<hbm>>) dst(%dma_wait3A_358 : memref<80xi32, #tpu.memory_space<vmem>>)
      %dma_start3A_360 = arith.constant 0 : i32
      %dma_start3A_361 = arith.constant 0 : i32
      %dma_start3A_362 = tpu.memref_slice %arg6[%dma_start3A_360, %dma_start3A_361] : memref<2x80xi32, #tpu.memory_space<vmem>> -> memref<1x80xi32, #tpu.memory_space<vmem>>
      %dma_start3A_363 = tpu.memref_squeeze %dma_start3A_362 : memref<1x80xi32, #tpu.memory_space<vmem>> -> memref<80xi32, #tpu.memory_space<vmem>>
      %dma_start3A_364 = arith.constant 0 : i32
      %dma_start3A_365 = arith.constant 0 : i32
      %dma_start3A_366 = tpu.memref_slice %arg2[%dma_start3A_364, %dma_start3A_365] : memref<10000x128xf32, #tpu.memory_space<hbm>> -> memref<10000x128xf32, #tpu.memory_space<hbm>>
      tpu.enqueue_indirect_dma source(%dma_start3A_366 : memref<10000x128xf32, #tpu.memory_space<hbm>>) target(%arg10 : memref<80x128xf32, #tpu.memory_space<vmem>>) offsets(%dma_start3A_363 : memref<80xi32, #tpu.memory_space<vmem>>) semaphore(%arg17 : memref<!tpu.dma_semaphore, #tpu.memory_space<semaphore_mem>>)
      %dma_wait3A_367 = arith.constant 0 : i32
      %dma_wait3A_368 = arith.constant 0 : i32
      %dma_wait3A_369 = tpu.memref_slice %arg9[%dma_wait3A_367, %dma_wait3A_368] : memref<2x80xi32, #tpu.memory_space<vmem>> -> memref<1x80xi32, #tpu.memory_space<vmem>>
      %dma_wait3A_370 = tpu.memref_squeeze %dma_wait3A_369 : memref<1x80xi32, #tpu.memory_space<vmem>> -> memref<80xi32, #tpu.memory_space<vmem>>
      %dma_wait3A_371 = arith.constant 0 : i32
      %dma_wait3A_372 = arith.constant 0 : i32
      %dma_wait3A_373 = tpu.memref_slice %arg2[%dma_wait3A_371, %dma_wait3A_372] : memref<10000x128xf32, #tpu.memory_space<hbm>> -> memref<10000x128xf32, #tpu.memory_space<hbm>>
      tpu.wait_indirect_dma semaphore(%arg18 : memref<!tpu.dma_semaphore, #tpu.memory_space<semaphore_mem>>) src(%dma_wait3A_373 : memref<10000x128xf32, #tpu.memory_space<hbm>>) dst(%arg11 : memref<80x128xf32, #tpu.memory_space<vmem>>)
      %dma_start3A_374 = arith.constant 1 : i32
      %dma_start3A_375 = arith.constant 0 : i32
      %dma_start3A_376 = tpu.memref_slice %arg9[%dma_start3A_374, %dma_start3A_375] : memref<2x80xi32, #tpu.memory_space<vmem>> -> memref<1x80xi32, #tpu.memory_space<vmem>>
      %dma_start3A_377 = tpu.memref_squeeze %dma_start3A_376 : memref<1x80xi32, #tpu.memory_space<vmem>> -> memref<80xi32, #tpu.memory_space<vmem>>
      %dma_start3A_378 = arith.constant 0 : i32
      %dma_start3A_379 = arith.constant 0 : i32
      %dma_start3A_380 = tpu.memref_slice %arg12[%dma_start3A_378, %dma_start3A_379] : memref<10240x128xf32, #tpu.memory_space<vmem_shared>> -> memref<10240x128xf32, #tpu.memory_space<vmem_shared>>
      tpu.enqueue_indirect_dma source(%arg11 : memref<80x128xf32, #tpu.memory_space<vmem>>) target(%dma_start3A_380 : memref<10240x128xf32, #tpu.memory_space<vmem_shared>>) offsets(%dma_start3A_377 : memref<80xi32, #tpu.memory_space<vmem>>) semaphore(%arg20 : memref<!tpu.dma_semaphore, #tpu.memory_space<semaphore_mem>>) {add = true}
    }
    %scan3A_129 = arith.constant 31 : i32
    %dma_wait3A_130 = arith.constant 1 : i32
    %dma_wait3A_131 = arith.constant 0 : i32
    %dma_wait3A_132 = tpu.memref_slice %arg9[%dma_wait3A_130, %dma_wait3A_131] : memref<2x80xi32, #tpu.memory_space<vmem>> -> memref<1x80xi32, #tpu.memory_space<vmem>>
    %dma_wait3A_133 = tpu.memref_squeeze %dma_wait3A_132 : memref<1x80xi32, #tpu.memory_space<vmem>> -> memref<80xi32, #tpu.memory_space<vmem>>
    %dma_wait3A_134 = arith.constant 0 : i32
    %dma_wait3A_135 = arith.constant 0 : i32
    %dma_wait3A_136 = tpu.memref_slice %arg12[%dma_wait3A_134, %dma_wait3A_135] : memref<10240x128xf32, #tpu.memory_space<vmem_shared>> -> memref<10240x128xf32, #tpu.memory_space<vmem_shared>>
    tpu.wait_indirect_dma semaphore(%arg20 : memref<!tpu.dma_semaphore, #tpu.memory_space<semaphore_mem>>) src(%arg11 : memref<80x128xf32, #tpu.memory_space<vmem>>) dst(%dma_wait3A_136 : memref<10240x128xf32, #tpu.memory_space<vmem_shared>>)
    %dma_wait3A_137 = arith.constant 0 : i32
    %dma_wait3A_138 = arith.constant 0 : i32
    %dma_wait3A_139 = tpu.memref_slice %arg6[%dma_wait3A_137, %dma_wait3A_138] : memref<2x80xi32, #tpu.memory_space<vmem>> -> memref<1x80xi32, #tpu.memory_space<vmem>>
    %dma_wait3A_140 = tpu.memref_squeeze %dma_wait3A_139 : memref<1x80xi32, #tpu.memory_space<vmem>> -> memref<80xi32, #tpu.memory_space<vmem>>
    %dma_wait3A_141 = arith.constant 0 : i32
    %dma_wait3A_142 = arith.constant 0 : i32
    %dma_wait3A_143 = tpu.memref_slice %arg2[%dma_wait3A_141, %dma_wait3A_142] : memref<10000x128xf32, #tpu.memory_space<hbm>> -> memref<10000x128xf32, #tpu.memory_space<hbm>>
    tpu.wait_indirect_dma semaphore(%arg17 : memref<!tpu.dma_semaphore, #tpu.memory_space<semaphore_mem>>) src(%dma_wait3A_143 : memref<10000x128xf32, #tpu.memory_space<hbm>>) dst(%arg10 : memref<80x128xf32, #tpu.memory_space<vmem>>)
    %run_scoped3A = arith.constant 1 : i32
    "tpu.region"() ({
      %run_scoped3A_149 = tpu.sem_alloc : memref<!tpu.dma_semaphore, #tpu.memory_space<semaphore_mem>>
      %dma_start3A_150 = arith.constant 0 : i32
      %dma_start3A_151 = tpu.memref_slice %arg6[%run_scoped3A, %dma_start3A_150] : memref<2x80xi32, #tpu.memory_space<vmem>> -> memref<1x80xi32, #tpu.memory_space<vmem>>
      %dma_start3A_152 = tpu.memref_squeeze %dma_start3A_151 : memref<1x80xi32, #tpu.memory_space<vmem>> -> memref<80xi32, #tpu.memory_space<vmem>>
      %dma_start3A_153 = arith.constant 0 : i32
      %dma_start3A_154 = arith.constant 0 : i32
      %dma_start3A_155 = tpu.memref_slice %arg12[%dma_start3A_153, %dma_start3A_154] : memref<10240x128xf32, #tpu.memory_space<vmem_shared>> -> memref<10240x128xf32, #tpu.memory_space<vmem_shared>>
      tpu.enqueue_indirect_dma source(%arg10 : memref<80x128xf32, #tpu.memory_space<vmem>>) target(%dma_start3A_155 : memref<10240x128xf32, #tpu.memory_space<vmem_shared>>) offsets(%dma_start3A_152 : memref<80xi32, #tpu.memory_space<vmem>>) semaphore(%run_scoped3A_149 : memref<!tpu.dma_semaphore, #tpu.memory_space<semaphore_mem>>) {add = true}
      %dma_wait3A_156 = arith.constant 0 : i32
      %dma_wait3A_157 = tpu.memref_slice %arg6[%run_scoped3A, %dma_wait3A_156] : memref<2x80xi32, #tpu.memory_space<vmem>> -> memref<1x80xi32, #tpu.memory_space<vmem>>
      %dma_wait3A_158 = tpu.memref_squeeze %dma_wait3A_157 : memref<1x80xi32, #tpu.memory_space<vmem>> -> memref<80xi32, #tpu.memory_space<vmem>>
      %dma_wait3A_159 = arith.constant 0 : i32
      %dma_wait3A_160 = arith.constant 0 : i32
      %dma_wait3A_161 = tpu.memref_slice %arg12[%dma_wait3A_159, %dma_wait3A_160] : memref<10240x128xf32, #tpu.memory_space<vmem_shared>> -> memref<10240x128xf32, #tpu.memory_space<vmem_shared>>
      tpu.wait_indirect_dma semaphore(%run_scoped3A_149 : memref<!tpu.dma_semaphore, #tpu.memory_space<semaphore_mem>>) src(%arg10 : memref<80x128xf32, #tpu.memory_space<vmem>>) dst(%dma_wait3A_161 : memref<10240x128xf32, #tpu.memory_space<vmem_shared>>)
      tpu.yield
    }) : () -> ()
    %barrier3A_144 = arith.constant 0 : index
    tpu.barrier barrier_id(%barrier3A_144)
    %mul3A_145 = arith.constant 640 : i32
    %mul3A_146 = arith.muli %arg1, %mul3A_145 : i32
    %mul3A_147 = arith.constant 640 : i32
    %mul3A_148 = arith.muli %arg1, %mul3A_147 : i32
    "tpu.region"() ({
      %run_scoped3A_149 = tpu.sem_alloc : memref<!tpu.dma_semaphore, #tpu.memory_space<semaphore_mem>>
      %dma_start3A_150 = arith.constant 0 : i32
      %dma_start3A_151 = tpu.memref_slice %arg5[%arg0, %mul3A_148, %dma_start3A_150] : memref<2x10240x128xf32, #tpu.memory_space<hbm>> -> memref<1x640x128xf32, #tpu.memory_space<hbm>>
      %dma_start3A_152 = tpu.memref_squeeze %dma_start3A_151 : memref<1x640x128xf32, #tpu.memory_space<hbm>> -> memref<640x128xf32, #tpu.memory_space<hbm>>
      %dma_start3A_153 = arith.constant 0 : i32
      %dma_start3A_154 = tpu.memref_slice %arg12[%mul3A_146, %dma_start3A_153] : memref<10240x128xf32, #tpu.memory_space<vmem_shared>> -> memref<640x128xf32, #tpu.memory_space<vmem_shared>>
      tpu.enqueue_dma source(%dma_start3A_154 : memref<640x128xf32, #tpu.memory_space<vmem_shared>>) target(%dma_start3A_152 : memref<640x128xf32, #tpu.memory_space<hbm>>) target_semaphore(%run_scoped3A_149 : memref<!tpu.dma_semaphore, #tpu.memory_space<semaphore_mem>>)
      %dma_wait3A_155 = arith.constant 0 : i32
      %dma_wait3A_156 = tpu.memref_slice %arg5[%arg0, %mul3A_148, %dma_wait3A_155] : memref<2x10240x128xf32, #tpu.memory_space<hbm>> -> memref<1x640x128xf32, #tpu.memory_space<hbm>>
      %dma_wait3A_157 = tpu.memref_squeeze %dma_wait3A_156 : memref<1x640x128xf32, #tpu.memory_space<hbm>> -> memref<640x128xf32, #tpu.memory_space<hbm>>
      %dma_wait3A_158 = arith.constant 0 : i32
      %dma_wait3A_159 = tpu.memref_slice %arg12[%mul3A_146, %dma_wait3A_158] : memref<10240x128xf32, #tpu.memory_space<vmem_shared>> -> memref<640x128xf32, #tpu.memory_space<vmem_shared>>
      tpu.wait_dma2 semaphore(%run_scoped3A_149 : memref<!tpu.dma_semaphore, #tpu.memory_space<semaphore_mem>>) src(%dma_wait3A_159 : memref<640x128xf32, #tpu.memory_space<vmem_shared>>) dst(%dma_wait3A_157 : memref<640x128xf32, #tpu.memory_space<hbm>>)
      tpu.yield
    }) : () -> ()
    return
  }
}

#map = affine_map<(d0, d1) -> (0, 0)>
#map1 = affine_map<(d0, d1) -> (0)>
#map2 = affine_map<(d0, d1) -> (0, 0, 0)>
module attributes {stable_mosaic.version = 14 : i64} {
  func.func @_agg_body(%arg0: i32, %arg1: i32, %arg2: memref<10000x128xf32, #tpu.memory_space<hbm>>, %arg3: memref<640000xi32, #tpu.memory_space<hbm>>, %arg4: memref<10240x128xf32, #tpu.memory_space<hbm>>, %arg5: memref<2x10240x128xf32, #tpu.memory_space<hbm>>, %arg6: memref<2x80xi32, #tpu.memory_space<vmem>>, %arg7: memref<2x80xi32, #tpu.memory_space<vmem>>, %arg8: memref<2x80xi32, #tpu.memory_space<vmem>>, %arg9: memref<2x80xi32, #tpu.memory_space<vmem>>, %arg10: memref<80x128xf32, #tpu.memory_space<vmem>>, %arg11: memref<80x128xf32, #tpu.memory_space<vmem>>, %arg12: memref<10240x128xf32, #tpu.memory_space<vmem_shared>>, %arg13: memref<!tpu.dma_semaphore, #tpu.memory_space<semaphore_mem>>, %arg14: memref<!tpu.dma_semaphore, #tpu.memory_space<semaphore_mem>>, %arg15: memref<!tpu.dma_semaphore, #tpu.memory_space<semaphore_mem>>, %arg16: memref<!tpu.dma_semaphore, #tpu.memory_space<semaphore_mem>>, %arg17: memref<!tpu.dma_semaphore, #tpu.memory_space<semaphore_mem>>, %arg18: memref<!tpu.dma_semaphore, #tpu.memory_space<semaphore_mem>>, %arg19: memref<!tpu.dma_semaphore, #tpu.memory_space<semaphore_mem>>, %arg20: memref<!tpu.dma_semaphore, #tpu.memory_space<semaphore_mem>>) attributes {dimension_semantics = [#tpu.dimension_semantics<core_parallel>, #tpu.dimension_semantics<subcore_parallel>], iteration_bounds = array<i64: 2, 16>, scalar_prefetch = 0 : i64, scratch_operands = 15 : i64, tpu.core_type = #tpu.core_type<sc_vector_subcore>, window_params = [{transform_indices = #map}, {transform_indices = #map1}, {transform_indices = #map}, {transform_indices = #map2}]} {
    %mul3A = arith.constant 2 : i32
    %mul3A_0 = arith.muli %arg1, %mul3A : i32
    %add3A = arith.addi %mul3A_0, %arg0 : i32
    %mul3A_1 = arith.constant 10000 : i32
    %mul3A_2 = arith.muli %add3A, %mul3A_1 : i32
    %mul3A_3 = arith.constant 640 : i32
    %mul3A_4 = arith.muli %arg1, %mul3A_3 : i32
    %mul3A_5 = arith.constant 640 : i32
    %mul3A_6 = arith.muli %arg1, %mul3A_5 : i32
    "tpu.region"() ({
      %run_scoped3A_149 = tpu.sem_alloc : memref<!tpu.dma_semaphore, #tpu.memory_space<semaphore_mem>>
      %dma_start3A_150 = arith.constant 0 : i32
      %dma_start3A_151 = tpu.memref_slice %arg12[%mul3A_6, %dma_start3A_150] : memref<10240x128xf32, #tpu.memory_space<vmem_shared>> -> memref<640x128xf32, #tpu.memory_space<vmem_shared>>
      %dma_start3A_152 = arith.constant 0 : i32
      %dma_start3A_153 = tpu.memref_slice %arg4[%mul3A_4, %dma_start3A_152] : memref<10240x128xf32, #tpu.memory_space<hbm>> -> memref<640x128xf32, #tpu.memory_space<hbm>>
      tpu.enqueue_dma source(%dma_start3A_153 : memref<640x128xf32, #tpu.memory_space<hbm>>) target(%dma_start3A_151 : memref<640x128xf32, #tpu.memory_space<vmem_shared>>) target_semaphore(%run_scoped3A_149 : memref<!tpu.dma_semaphore, #tpu.memory_space<semaphore_mem>>)
      %dma_wait3A_154 = arith.constant 0 : i32
      %dma_wait3A_155 = tpu.memref_slice %arg12[%mul3A_6, %dma_wait3A_154] : memref<10240x128xf32, #tpu.memory_space<vmem_shared>> -> memref<640x128xf32, #tpu.memory_space<vmem_shared>>
      %dma_wait3A_156 = arith.constant 0 : i32
      %dma_wait3A_157 = tpu.memref_slice %arg4[%mul3A_4, %dma_wait3A_156] : memref<10240x128xf32, #tpu.memory_space<hbm>> -> memref<640x128xf32, #tpu.memory_space<hbm>>
      tpu.wait_dma2 semaphore(%run_scoped3A_149 : memref<!tpu.dma_semaphore, #tpu.memory_space<semaphore_mem>>) src(%dma_wait3A_157 : memref<640x128xf32, #tpu.memory_space<hbm>>) dst(%dma_wait3A_155 : memref<640x128xf32, #tpu.memory_space<vmem_shared>>)
      tpu.yield
    }) : () -> ()
    %barrier3A = arith.constant 0 : index
    tpu.barrier barrier_id(%barrier3A)
    %add3A_7 = arith.constant 0 : i32
    %add3A_8 = arith.addi %mul3A_2, %add3A_7 : i32
    %dma_start3A = arith.constant 0 : i32
    %dma_start3A_9 = arith.constant 0 : i32
    %dma_start3A_10 = tpu.memref_slice %arg6[%dma_start3A, %dma_start3A_9] : memref<2x80xi32, #tpu.memory_space<vmem>> -> memref<1x80xi32, #tpu.memory_space<vmem>>
    %dma_start3A_11 = tpu.memref_squeeze %dma_start3A_10 : memref<1x80xi32, #tpu.memory_space<vmem>> -> memref<80xi32, #tpu.memory_space<vmem>>
    %dma_start3A_12 = tpu.memref_slice %arg3[%add3A_8] : memref<640000xi32, #tpu.memory_space<hbm>> -> memref<80xi32, #tpu.memory_space<hbm>>
    %dma_start3A_13 = arith.constant 0 : i32
    %dma_start3A_14 = tpu.memref_slice %arg6[%dma_start3A, %dma_start3A_13] : memref<2x80xi32, #tpu.memory_space<vmem>> -> memref<1x80xi32, #tpu.memory_space<vmem>>
    %dma_start3A_15 = tpu.memref_squeeze %dma_start3A_14 : memref<1x80xi32, #tpu.memory_space<vmem>> -> memref<80xi32, #tpu.memory_space<vmem>>
    %dma_start3A_16 = tpu.memref_slice %arg3[%add3A_8] : memref<640000xi32, #tpu.memory_space<hbm>> -> memref<80xi32, #tpu.memory_space<hbm>>
    tpu.enqueue_dma source(%dma_start3A_16 : memref<80xi32, #tpu.memory_space<hbm>>) target(%dma_start3A_15 : memref<80xi32, #tpu.memory_space<vmem>>) target_semaphore(%arg13 : memref<!tpu.dma_semaphore, #tpu.memory_space<semaphore_mem>>)
    %add3A_17 = arith.constant 320000 : i32
    %add3A_18 = arith.addi %add3A_17, %mul3A_2 : i32
    %add3A_19 = arith.constant 0 : i32
    %add3A_20 = arith.addi %add3A_18, %add3A_19 : i32
    %dma_start3A_21 = arith.constant 1 : i32
    %dma_start3A_22 = arith.constant 0 : i32
    %dma_start3A_23 = tpu.memref_slice %arg6[%dma_start3A_21, %dma_start3A_22] : memref<2x80xi32, #tpu.memory_space<vmem>> -> memref<1x80xi32, #tpu.memory_space<vmem>>
    %dma_start3A_24 = tpu.memref_squeeze %dma_start3A_23 : memref<1x80xi32, #tpu.memory_space<vmem>> -> memref<80xi32, #tpu.memory_space<vmem>>
    %dma_start3A_25 = tpu.memref_slice %arg3[%add3A_20] : memref<640000xi32, #tpu.memory_space<hbm>> -> memref<80xi32, #tpu.memory_space<hbm>>
    %dma_start3A_26 = arith.constant 0 : i32
    %dma_start3A_27 = tpu.memref_slice %arg6[%dma_start3A_21, %dma_start3A_26] : memref<2x80xi32, #tpu.memory_space<vmem>> -> memref<1x80xi32, #tpu.memory_space<vmem>>
    %dma_start3A_28 = tpu.memref_squeeze %dma_start3A_27 : memref<1x80xi32, #tpu.memory_space<vmem>> -> memref<80xi32, #tpu.memory_space<vmem>>
    %dma_start3A_29 = tpu.memref_slice %arg3[%add3A_20] : memref<640000xi32, #tpu.memory_space<hbm>> -> memref<80xi32, #tpu.memory_space<hbm>>
    tpu.enqueue_dma source(%dma_start3A_29 : memref<80xi32, #tpu.memory_space<hbm>>) target(%dma_start3A_28 : memref<80xi32, #tpu.memory_space<vmem>>) target_semaphore(%arg13 : memref<!tpu.dma_semaphore, #tpu.memory_space<semaphore_mem>>)
    %add3A_30 = arith.constant 80 : i32
    %add3A_31 = arith.addi %mul3A_2, %add3A_30 : i32
    %dma_start3A_32 = arith.constant 0 : i32
    %dma_start3A_33 = arith.constant 0 : i32
    %dma_start3A_34 = tpu.memref_slice %arg7[%dma_start3A_32, %dma_start3A_33] : memref<2x80xi32, #tpu.memory_space<vmem>> -> memref<1x80xi32, #tpu.memory_space<vmem>>
    %dma_start3A_35 = tpu.memref_squeeze %dma_start3A_34 : memref<1x80xi32, #tpu.memory_space<vmem>> -> memref<80xi32, #tpu.memory_space<vmem>>
    %dma_start3A_36 = tpu.memref_slice %arg3[%add3A_31] : memref<640000xi32, #tpu.memory_space<hbm>> -> memref<80xi32, #tpu.memory_space<hbm>>
    %dma_start3A_37 = arith.constant 0 : i32
    %dma_start3A_38 = tpu.memref_slice %arg7[%dma_start3A_32, %dma_start3A_37] : memref<2x80xi32, #tpu.memory_space<vmem>> -> memref<1x80xi32, #tpu.memory_space<vmem>>
    %dma_start3A_39 = tpu.memref_squeeze %dma_start3A_38 : memref<1x80xi32, #tpu.memory_space<vmem>> -> memref<80xi32, #tpu.memory_space<vmem>>
    %dma_start3A_40 = tpu.memref_slice %arg3[%add3A_31] : memref<640000xi32, #tpu.memory_space<hbm>> -> memref<80xi32, #tpu.memory_space<hbm>>
    tpu.enqueue_dma source(%dma_start3A_40 : memref<80xi32, #tpu.memory_space<hbm>>) target(%dma_start3A_39 : memref<80xi32, #tpu.memory_space<vmem>>) target_semaphore(%arg14 : memref<!tpu.dma_semaphore, #tpu.memory_space<semaphore_mem>>)
    %add3A_41 = arith.constant 320000 : i32
    %add3A_42 = arith.addi %add3A_41, %mul3A_2 : i32
    %add3A_43 = arith.constant 80 : i32
    %add3A_44 = arith.addi %add3A_42, %add3A_43 : i32
    %dma_start3A_45 = arith.constant 1 : i32
    %dma_start3A_46 = arith.constant 0 : i32
    %dma_start3A_47 = tpu.memref_slice %arg7[%dma_start3A_45, %dma_start3A_46] : memref<2x80xi32, #tpu.memory_space<vmem>> -> memref<1x80xi32, #tpu.memory_space<vmem>>
    %dma_start3A_48 = tpu.memref_squeeze %dma_start3A_47 : memref<1x80xi32, #tpu.memory_space<vmem>> -> memref<80xi32, #tpu.memory_space<vmem>>
    %dma_start3A_49 = tpu.memref_slice %arg3[%add3A_44] : memref<640000xi32, #tpu.memory_space<hbm>> -> memref<80xi32, #tpu.memory_space<hbm>>
    %dma_start3A_50 = arith.constant 0 : i32
    %dma_start3A_51 = tpu.memref_slice %arg7[%dma_start3A_45, %dma_start3A_50] : memref<2x80xi32, #tpu.memory_space<vmem>> -> memref<1x80xi32, #tpu.memory_space<vmem>>
    %dma_start3A_52 = tpu.memref_squeeze %dma_start3A_51 : memref<1x80xi32, #tpu.memory_space<vmem>> -> memref<80xi32, #tpu.memory_space<vmem>>
    %dma_start3A_53 = tpu.memref_slice %arg3[%add3A_44] : memref<640000xi32, #tpu.memory_space<hbm>> -> memref<80xi32, #tpu.memory_space<hbm>>
    tpu.enqueue_dma source(%dma_start3A_53 : memref<80xi32, #tpu.memory_space<hbm>>) target(%dma_start3A_52 : memref<80xi32, #tpu.memory_space<vmem>>) target_semaphore(%arg14 : memref<!tpu.dma_semaphore, #tpu.memory_space<semaphore_mem>>)
    %add3A_54 = arith.constant 160 : i32
    %add3A_55 = arith.addi %mul3A_2, %add3A_54 : i32
    %dma_start3A_56 = arith.constant 0 : i32
    %dma_start3A_57 = arith.constant 0 : i32
    %dma_start3A_58 = tpu.memref_slice %arg8[%dma_start3A_56, %dma_start3A_57] : memref<2x80xi32, #tpu.memory_space<vmem>> -> memref<1x80xi32, #tpu.memory_space<vmem>>
    %dma_start3A_59 = tpu.memref_squeeze %dma_start3A_58 : memref<1x80xi32, #tpu.memory_space<vmem>> -> memref<80xi32, #tpu.memory_space<vmem>>
    %dma_start3A_60 = tpu.memref_slice %arg3[%add3A_55] : memref<640000xi32, #tpu.memory_space<hbm>> -> memref<80xi32, #tpu.memory_space<hbm>>
    %dma_start3A_61 = arith.constant 0 : i32
    %dma_start3A_62 = tpu.memref_slice %arg8[%dma_start3A_56, %dma_start3A_61] : memref<2x80xi32, #tpu.memory_space<vmem>> -> memref<1x80xi32, #tpu.memory_space<vmem>>
    %dma_start3A_63 = tpu.memref_squeeze %dma_start3A_62 : memref<1x80xi32, #tpu.memory_space<vmem>> -> memref<80xi32, #tpu.memory_space<vmem>>
    %dma_start3A_64 = tpu.memref_slice %arg3[%add3A_55] : memref<640000xi32, #tpu.memory_space<hbm>> -> memref<80xi32, #tpu.memory_space<hbm>>
    tpu.enqueue_dma source(%dma_start3A_64 : memref<80xi32, #tpu.memory_space<hbm>>) target(%dma_start3A_63 : memref<80xi32, #tpu.memory_space<vmem>>) target_semaphore(%arg15 : memref<!tpu.dma_semaphore, #tpu.memory_space<semaphore_mem>>)
    %add3A_65 = arith.constant 320000 : i32
    %add3A_66 = arith.addi %add3A_65, %mul3A_2 : i32
    %add3A_67 = arith.constant 160 : i32
    %add3A_68 = arith.addi %add3A_66, %add3A_67 : i32
    %dma_start3A_69 = arith.constant 1 : i32
    %dma_start3A_70 = arith.constant 0 : i32
    %dma_start3A_71 = tpu.memref_slice %arg8[%dma_start3A_69, %dma_start3A_70] : memref<2x80xi32, #tpu.memory_space<vmem>> -> memref<1x80xi32, #tpu.memory_space<vmem>>
    %dma_start3A_72 = tpu.memref_squeeze %dma_start3A_71 : memref<1x80xi32, #tpu.memory_space<vmem>> -> memref<80xi32, #tpu.memory_space<vmem>>
    %dma_start3A_73 = tpu.memref_slice %arg3[%add3A_68] : memref<640000xi32, #tpu.memory_space<hbm>> -> memref<80xi32, #tpu.memory_space<hbm>>
    %dma_start3A_74 = arith.constant 0 : i32
    %dma_start3A_75 = tpu.memref_slice %arg8[%dma_start3A_69, %dma_start3A_74] : memref<2x80xi32, #tpu.memory_space<vmem>> -> memref<1x80xi32, #tpu.memory_space<vmem>>
    %dma_start3A_76 = tpu.memref_squeeze %dma_start3A_75 : memref<1x80xi32, #tpu.memory_space<vmem>> -> memref<80xi32, #tpu.memory_space<vmem>>
    %dma_start3A_77 = tpu.memref_slice %arg3[%add3A_68] : memref<640000xi32, #tpu.memory_space<hbm>> -> memref<80xi32, #tpu.memory_space<hbm>>
    tpu.enqueue_dma source(%dma_start3A_77 : memref<80xi32, #tpu.memory_space<hbm>>) target(%dma_start3A_76 : memref<80xi32, #tpu.memory_space<vmem>>) target_semaphore(%arg15 : memref<!tpu.dma_semaphore, #tpu.memory_space<semaphore_mem>>)
    %add3A_78 = arith.constant 240 : i32
    %add3A_79 = arith.addi %mul3A_2, %add3A_78 : i32
    %dma_start3A_80 = arith.constant 0 : i32
    %dma_start3A_81 = arith.constant 0 : i32
    %dma_start3A_82 = tpu.memref_slice %arg9[%dma_start3A_80, %dma_start3A_81] : memref<2x80xi32, #tpu.memory_space<vmem>> -> memref<1x80xi32, #tpu.memory_space<vmem>>
    %dma_start3A_83 = tpu.memref_squeeze %dma_start3A_82 : memref<1x80xi32, #tpu.memory_space<vmem>> -> memref<80xi32, #tpu.memory_space<vmem>>
    %dma_start3A_84 = tpu.memref_slice %arg3[%add3A_79] : memref<640000xi32, #tpu.memory_space<hbm>> -> memref<80xi32, #tpu.memory_space<hbm>>
    %dma_start3A_85 = arith.constant 0 : i32
    %dma_start3A_86 = tpu.memref_slice %arg9[%dma_start3A_80, %dma_start3A_85] : memref<2x80xi32, #tpu.memory_space<vmem>> -> memref<1x80xi32, #tpu.memory_space<vmem>>
    %dma_start3A_87 = tpu.memref_squeeze %dma_start3A_86 : memref<1x80xi32, #tpu.memory_space<vmem>> -> memref<80xi32, #tpu.memory_space<vmem>>
    %dma_start3A_88 = tpu.memref_slice %arg3[%add3A_79] : memref<640000xi32, #tpu.memory_space<hbm>> -> memref<80xi32, #tpu.memory_space<hbm>>
    tpu.enqueue_dma source(%dma_start3A_88 : memref<80xi32, #tpu.memory_space<hbm>>) target(%dma_start3A_87 : memref<80xi32, #tpu.memory_space<vmem>>) target_semaphore(%arg16 : memref<!tpu.dma_semaphore, #tpu.memory_space<semaphore_mem>>)
    %add3A_89 = arith.constant 320000 : i32
    %add3A_90 = arith.addi %add3A_89, %mul3A_2 : i32
    %add3A_91 = arith.constant 240 : i32
    %add3A_92 = arith.addi %add3A_90, %add3A_91 : i32
    %dma_start3A_93 = arith.constant 1 : i32
    %dma_start3A_94 = arith.constant 0 : i32
    %dma_start3A_95 = tpu.memref_slice %arg9[%dma_start3A_93, %dma_start3A_94] : memref<2x80xi32, #tpu.memory_space<vmem>> -> memref<1x80xi32, #tpu.memory_space<vmem>>
    %dma_start3A_96 = tpu.memref_squeeze %dma_start3A_95 : memref<1x80xi32, #tpu.memory_space<vmem>> -> memref<80xi32, #tpu.memory_space<vmem>>
    %dma_start3A_97 = tpu.memref_slice %arg3[%add3A_92] : memref<640000xi32, #tpu.memory_space<hbm>> -> memref<80xi32, #tpu.memory_space<hbm>>
    %dma_start3A_98 = arith.constant 0 : i32
    %dma_start3A_99 = tpu.memref_slice %arg9[%dma_start3A_93, %dma_start3A_98] : memref<2x80xi32, #tpu.memory_space<vmem>> -> memref<1x80xi32, #tpu.memory_space<vmem>>
    %dma_start3A_100 = tpu.memref_squeeze %dma_start3A_99 : memref<1x80xi32, #tpu.memory_space<vmem>> -> memref<80xi32, #tpu.memory_space<vmem>>
    %dma_start3A_101 = tpu.memref_slice %arg3[%add3A_92] : memref<640000xi32, #tpu.memory_space<hbm>> -> memref<80xi32, #tpu.memory_space<hbm>>
    tpu.enqueue_dma source(%dma_start3A_101 : memref<80xi32, #tpu.memory_space<hbm>>) target(%dma_start3A_100 : memref<80xi32, #tpu.memory_space<vmem>>) target_semaphore(%arg16 : memref<!tpu.dma_semaphore, #tpu.memory_space<semaphore_mem>>)
    %dma_wait3A = arith.constant 0 : i32
    %dma_wait3A_102 = arith.constant 0 : i32
    %dma_wait3A_103 = tpu.memref_slice %arg6[%dma_wait3A, %dma_wait3A_102] : memref<2x80xi32, #tpu.memory_space<vmem>> -> memref<1x80xi32, #tpu.memory_space<vmem>>
    %dma_wait3A_104 = tpu.memref_squeeze %dma_wait3A_103 : memref<1x80xi32, #tpu.memory_space<vmem>> -> memref<80xi32, #tpu.memory_space<vmem>>
    %dma_wait3A_105 = tpu.memref_slice %arg3[%mul3A_2] : memref<640000xi32, #tpu.memory_space<hbm>> -> memref<80xi32, #tpu.memory_space<hbm>>
    %dma_wait3A_106 = arith.constant 0 : i32
    %dma_wait3A_107 = tpu.memref_slice %arg6[%dma_wait3A, %dma_wait3A_106] : memref<2x80xi32, #tpu.memory_space<vmem>> -> memref<1x80xi32, #tpu.memory_space<vmem>>
    %dma_wait3A_108 = tpu.memref_squeeze %dma_wait3A_107 : memref<1x80xi32, #tpu.memory_space<vmem>> -> memref<80xi32, #tpu.memory_space<vmem>>
    %dma_wait3A_109 = tpu.memref_slice %arg3[%mul3A_2] : memref<640000xi32, #tpu.memory_space<hbm>> -> memref<80xi32, #tpu.memory_space<hbm>>
    tpu.wait_dma2 semaphore(%arg13 : memref<!tpu.dma_semaphore, #tpu.memory_space<semaphore_mem>>) src(%dma_wait3A_109 : memref<80xi32, #tpu.memory_space<hbm>>) dst(%dma_wait3A_108 : memref<80xi32, #tpu.memory_space<vmem>>)
    %dma_wait3A_110 = arith.constant 1 : i32
    %dma_wait3A_111 = arith.constant 0 : i32
    %dma_wait3A_112 = tpu.memref_slice %arg6[%dma_wait3A_110, %dma_wait3A_111] : memref<2x80xi32, #tpu.memory_space<vmem>> -> memref<1x80xi32, #tpu.memory_space<vmem>>
    %dma_wait3A_113 = tpu.memref_squeeze %dma_wait3A_112 : memref<1x80xi32, #tpu.memory_space<vmem>> -> memref<80xi32, #tpu.memory_space<vmem>>
    %dma_wait3A_114 = tpu.memref_slice %arg3[%mul3A_2] : memref<640000xi32, #tpu.memory_space<hbm>> -> memref<80xi32, #tpu.memory_space<hbm>>
    %dma_wait3A_115 = arith.constant 0 : i32
    %dma_wait3A_116 = tpu.memref_slice %arg6[%dma_wait3A_110, %dma_wait3A_115] : memref<2x80xi32, #tpu.memory_space<vmem>> -> memref<1x80xi32, #tpu.memory_space<vmem>>
    %dma_wait3A_117 = tpu.memref_squeeze %dma_wait3A_116 : memref<1x80xi32, #tpu.memory_space<vmem>> -> memref<80xi32, #tpu.memory_space<vmem>>
    %dma_wait3A_118 = tpu.memref_slice %arg3[%mul3A_2] : memref<640000xi32, #tpu.memory_space<hbm>> -> memref<80xi32, #tpu.memory_space<hbm>>
    tpu.wait_dma2 semaphore(%arg13 : memref<!tpu.dma_semaphore, #tpu.memory_space<semaphore_mem>>) src(%dma_wait3A_118 : memref<80xi32, #tpu.memory_space<hbm>>) dst(%dma_wait3A_117 : memref<80xi32, #tpu.memory_space<vmem>>)
    %dma_start3A_119 = arith.constant 0 : i32
    %dma_start3A_120 = arith.constant 0 : i32
    %dma_start3A_121 = tpu.memref_slice %arg6[%dma_start3A_119, %dma_start3A_120] : memref<2x80xi32, #tpu.memory_space<vmem>> -> memref<1x80xi32, #tpu.memory_space<vmem>>
    %dma_start3A_122 = tpu.memref_squeeze %dma_start3A_121 : memref<1x80xi32, #tpu.memory_space<vmem>> -> memref<80xi32, #tpu.memory_space<vmem>>
    %dma_start3A_123 = arith.constant 0 : i32
    %dma_start3A_124 = arith.constant 0 : i32
    %dma_start3A_125 = tpu.memref_slice %arg2[%dma_start3A_123, %dma_start3A_124] : memref<10000x128xf32, #tpu.memory_space<hbm>> -> memref<10000x128xf32, #tpu.memory_space<hbm>>
    tpu.enqueue_indirect_dma source(%dma_start3A_125 : memref<10000x128xf32, #tpu.memory_space<hbm>>) target(%arg10 : memref<80x128xf32, #tpu.memory_space<vmem>>) offsets(%dma_start3A_122 : memref<80xi32, #tpu.memory_space<vmem>>) semaphore(%arg17 : memref<!tpu.dma_semaphore, #tpu.memory_space<semaphore_mem>>)
    %scan3A = arith.constant 0 : i32
    %scan3A_126 = arith.constant 31 : i32
    %scan3A_127 = arith.addi %scan3A, %scan3A_126 : i32
    %scan3A_128 = arith.constant 1 : i32
    scf.for %scan3A_149 = %scan3A to %scan3A_127 step %scan3A_128  : i32 {
      %mul3A_150 = arith.constant 1 : i32
      %mul3A_151 = arith.muli %scan3A_149, %mul3A_150 : i32
      %add3A_152 = arith.constant 0 : i32
      %add3A_153 = arith.addi %add3A_152, %mul3A_151 : i32
      %mul3A_154 = arith.constant 4 : i32
      %mul3A_155 = arith.muli %mul3A_154, %add3A_153 : i32
      %add3A_156 = arith.constant 0 : i32
      %add3A_157 = arith.addi %mul3A_155, %add3A_156 : i32
      %ge3A = arith.constant 1 : i32
      %ge3A_158 = arith.cmpi sge, %add3A_157, %ge3A : i32
      %convert_element_type3A = arith.extui %ge3A_158 : i1 to i32
      %cond3A = arith.constant 0 : i32
      %cond3A_159 = arith.cmpi ne, %convert_element_type3A, %cond3A : i32
      scf.if %cond3A_159 {
        %dma_wait3A_381 = arith.constant 1 : i32
        %dma_wait3A_382 = arith.constant 0 : i32
        %dma_wait3A_383 = tpu.memref_slice %arg9[%dma_wait3A_381, %dma_wait3A_382] : memref<2x80xi32, #tpu.memory_space<vmem>> -> memref<1x80xi32, #tpu.memory_space<vmem>>
        %dma_wait3A_384 = tpu.memref_squeeze %dma_wait3A_383 : memref<1x80xi32, #tpu.memory_space<vmem>> -> memref<80xi32, #tpu.memory_space<vmem>>
        %dma_wait3A_385 = arith.constant 0 : i32
        %dma_wait3A_386 = arith.constant 0 : i32
        %dma_wait3A_387 = tpu.memref_slice %arg12[%dma_wait3A_385, %dma_wait3A_386] : memref<10240x128xf32, #tpu.memory_space<vmem_shared>> -> memref<10240x128xf32, #tpu.memory_space<vmem_shared>>
        tpu.wait_indirect_dma semaphore(%arg20 : memref<!tpu.dma_semaphore, #tpu.memory_space<semaphore_mem>>) src(%arg11 : memref<80x128xf32, #tpu.memory_space<vmem>>) dst(%dma_wait3A_387 : memref<10240x128xf32, #tpu.memory_space<vmem_shared>>)
      } else {
      }
      %ge3A_160 = arith.constant 1 : i32
      %ge3A_161 = arith.cmpi sge, %add3A_157, %ge3A_160 : i32
      %add3A_162 = arith.constant 3 : i32
      %add3A_163 = arith.addi %add3A_157, %add3A_162 : i32
      %le3A = arith.constant 124 : i32
      %le3A_164 = arith.cmpi sle, %add3A_163, %le3A : i32
      %and3A = arith.andi %ge3A_161, %le3A_164 : i1
      %convert_element_type3A_165 = arith.extui %and3A : i1 to i32
      %cond3A_166 = arith.constant 0 : i32
      %cond3A_167 = arith.cmpi ne, %convert_element_type3A_165, %cond3A_166 : i32
      scf.if %cond3A_167 {
        %add3A_381 = arith.constant 3 : i32
        %add3A_382 = arith.addi %add3A_157, %add3A_381 : i32
        %mul3A_383 = arith.constant 80 : i32
        %mul3A_384 = arith.muli %add3A_382, %mul3A_383 : i32
        %add3A_385 = arith.addi %mul3A_2, %mul3A_384 : i32
        %dma_start3A_386 = arith.constant 0 : i32
        %dma_start3A_387 = arith.constant 0 : i32
        %dma_start3A_388 = tpu.memref_slice %arg9[%dma_start3A_386, %dma_start3A_387] : memref<2x80xi32, #tpu.memory_space<vmem>> -> memref<1x80xi32, #tpu.memory_space<vmem>>
        %dma_start3A_389 = tpu.memref_squeeze %dma_start3A_388 : memref<1x80xi32, #tpu.memory_space<vmem>> -> memref<80xi32, #tpu.memory_space<vmem>>
        %dma_start3A_390 = tpu.memref_slice %arg3[%add3A_385] : memref<640000xi32, #tpu.memory_space<hbm>> -> memref<80xi32, #tpu.memory_space<hbm>>
        %dma_start3A_391 = arith.constant 0 : i32
        %dma_start3A_392 = tpu.memref_slice %arg9[%dma_start3A_386, %dma_start3A_391] : memref<2x80xi32, #tpu.memory_space<vmem>> -> memref<1x80xi32, #tpu.memory_space<vmem>>
        %dma_start3A_393 = tpu.memref_squeeze %dma_start3A_392 : memref<1x80xi32, #tpu.memory_space<vmem>> -> memref<80xi32, #tpu.memory_space<vmem>>
        %dma_start3A_394 = tpu.memref_slice %arg3[%add3A_385] : memref<640000xi32, #tpu.memory_space<hbm>> -> memref<80xi32, #tpu.memory_space<hbm>>
        tpu.enqueue_dma source(%dma_start3A_394 : memref<80xi32, #tpu.memory_space<hbm>>) target(%dma_start3A_393 : memref<80xi32, #tpu.memory_space<vmem>>) target_semaphore(%arg16 : memref<!tpu.dma_semaphore, #tpu.memory_space<semaphore_mem>>)
        %add3A_395 = arith.constant 320000 : i32
        %add3A_396 = arith.addi %add3A_395, %mul3A_2 : i32
        %mul3A_397 = arith.constant 80 : i32
        %mul3A_398 = arith.muli %add3A_382, %mul3A_397 : i32
        %add3A_399 = arith.addi %add3A_396, %mul3A_398 : i32
        %dma_start3A_400 = arith.constant 1 : i32
        %dma_start3A_401 = arith.constant 0 : i32
        %dma_start3A_402 = tpu.memref_slice %arg9[%dma_start3A_400, %dma_start3A_401] : memref<2x80xi32, #tpu.memory_space<vmem>> -> memref<1x80xi32, #tpu.memory_space<vmem>>
        %dma_start3A_403 = tpu.memref_squeeze %dma_start3A_402 : memref<1x80xi32, #tpu.memory_space<vmem>> -> memref<80xi32, #tpu.memory_space<vmem>>
        %dma_start3A_404 = tpu.memref_slice %arg3[%add3A_399] : memref<640000xi32, #tpu.memory_space<hbm>> -> memref<80xi32, #tpu.memory_space<hbm>>
        %dma_start3A_405 = arith.constant 0 : i32
        %dma_start3A_406 = tpu.memref_slice %arg9[%dma_start3A_400, %dma_start3A_405] : memref<2x80xi32, #tpu.memory_space<vmem>> -> memref<1x80xi32, #tpu.memory_space<vmem>>
        %dma_start3A_407 = tpu.memref_squeeze %dma_start3A_406 : memref<1x80xi32, #tpu.memory_space<vmem>> -> memref<80xi32, #tpu.memory_space<vmem>>
        %dma_start3A_408 = tpu.memref_slice %arg3[%add3A_399] : memref<640000xi32, #tpu.memory_space<hbm>> -> memref<80xi32, #tpu.memory_space<hbm>>
        tpu.enqueue_dma source(%dma_start3A_408 : memref<80xi32, #tpu.memory_space<hbm>>) target(%dma_start3A_407 : memref<80xi32, #tpu.memory_space<vmem>>) target_semaphore(%arg16 : memref<!tpu.dma_semaphore, #tpu.memory_space<semaphore_mem>>)
      } else {
      }
      %dma_wait3A_168 = arith.constant 0 : i32
      %dma_wait3A_169 = arith.constant 0 : i32
      %dma_wait3A_170 = tpu.memref_slice %arg7[%dma_wait3A_168, %dma_wait3A_169] : memref<2x80xi32, #tpu.memory_space<vmem>> -> memref<1x80xi32, #tpu.memory_space<vmem>>
      %dma_wait3A_171 = tpu.memref_squeeze %dma_wait3A_170 : memref<1x80xi32, #tpu.memory_space<vmem>> -> memref<80xi32, #tpu.memory_space<vmem>>
      %dma_wait3A_172 = tpu.memref_slice %arg3[%mul3A_2] : memref<640000xi32, #tpu.memory_space<hbm>> -> memref<80xi32, #tpu.memory_space<hbm>>
      %dma_wait3A_173 = arith.constant 0 : i32
      %dma_wait3A_174 = tpu.memref_slice %arg7[%dma_wait3A_168, %dma_wait3A_173] : memref<2x80xi32, #tpu.memory_space<vmem>> -> memref<1x80xi32, #tpu.memory_space<vmem>>
      %dma_wait3A_175 = tpu.memref_squeeze %dma_wait3A_174 : memref<1x80xi32, #tpu.memory_space<vmem>> -> memref<80xi32, #tpu.memory_space<vmem>>
      %dma_wait3A_176 = tpu.memref_slice %arg3[%mul3A_2] : memref<640000xi32, #tpu.memory_space<hbm>> -> memref<80xi32, #tpu.memory_space<hbm>>
      tpu.wait_dma2 semaphore(%arg14 : memref<!tpu.dma_semaphore, #tpu.memory_space<semaphore_mem>>) src(%dma_wait3A_176 : memref<80xi32, #tpu.memory_space<hbm>>) dst(%dma_wait3A_175 : memref<80xi32, #tpu.memory_space<vmem>>)
      %dma_wait3A_177 = arith.constant 1 : i32
      %dma_wait3A_178 = arith.constant 0 : i32
      %dma_wait3A_179 = tpu.memref_slice %arg7[%dma_wait3A_177, %dma_wait3A_178] : memref<2x80xi32, #tpu.memory_space<vmem>> -> memref<1x80xi32, #tpu.memory_space<vmem>>
      %dma_wait3A_180 = tpu.memref_squeeze %dma_wait3A_179 : memref<1x80xi32, #tpu.memory_space<vmem>> -> memref<80xi32, #tpu.memory_space<vmem>>
      %dma_wait3A_181 = tpu.memref_slice %arg3[%mul3A_2] : memref<640000xi32, #tpu.memory_space<hbm>> -> memref<80xi32, #tpu.memory_space<hbm>>
      %dma_wait3A_182 = arith.constant 0 : i32
      %dma_wait3A_183 = tpu.memref_slice %arg7[%dma_wait3A_177, %dma_wait3A_182] : memref<2x80xi32, #tpu.memory_space<vmem>> -> memref<1x80xi32, #tpu.memory_space<vmem>>
      %dma_wait3A_184 = tpu.memref_squeeze %dma_wait3A_183 : memref<1x80xi32, #tpu.memory_space<vmem>> -> memref<80xi32, #tpu.memory_space<vmem>>
      %dma_wait3A_185 = tpu.memref_slice %arg3[%mul3A_2] : memref<640000xi32, #tpu.memory_space<hbm>> -> memref<80xi32, #tpu.memory_space<hbm>>
      tpu.wait_dma2 semaphore(%arg14 : memref<!tpu.dma_semaphore, #tpu.memory_space<semaphore_mem>>) src(%dma_wait3A_185 : memref<80xi32, #tpu.memory_space<hbm>>) dst(%dma_wait3A_184 : memref<80xi32, #tpu.memory_space<vmem>>)
      %dma_start3A_186 = arith.constant 0 : i32
      %dma_start3A_187 = arith.constant 0 : i32
      %dma_start3A_188 = tpu.memref_slice %arg7[%dma_start3A_186, %dma_start3A_187] : memref<2x80xi32, #tpu.memory_space<vmem>> -> memref<1x80xi32, #tpu.memory_space<vmem>>
      %dma_start3A_189 = tpu.memref_squeeze %dma_start3A_188 : memref<1x80xi32, #tpu.memory_space<vmem>> -> memref<80xi32, #tpu.memory_space<vmem>>
      %dma_start3A_190 = arith.constant 0 : i32
      %dma_start3A_191 = arith.constant 0 : i32
      %dma_start3A_192 = tpu.memref_slice %arg2[%dma_start3A_190, %dma_start3A_191] : memref<10000x128xf32, #tpu.memory_space<hbm>> -> memref<10000x128xf32, #tpu.memory_space<hbm>>
      tpu.enqueue_indirect_dma source(%dma_start3A_192 : memref<10000x128xf32, #tpu.memory_space<hbm>>) target(%arg11 : memref<80x128xf32, #tpu.memory_space<vmem>>) offsets(%dma_start3A_189 : memref<80xi32, #tpu.memory_space<vmem>>) semaphore(%arg18 : memref<!tpu.dma_semaphore, #tpu.memory_space<semaphore_mem>>)
      %dma_wait3A_193 = arith.constant 0 : i32
      %dma_wait3A_194 = arith.constant 0 : i32
      %dma_wait3A_195 = tpu.memref_slice %arg6[%dma_wait3A_193, %dma_wait3A_194] : memref<2x80xi32, #tpu.memory_space<vmem>> -> memref<1x80xi32, #tpu.memory_space<vmem>>
      %dma_wait3A_196 = tpu.memref_squeeze %dma_wait3A_195 : memref<1x80xi32, #tpu.memory_space<vmem>> -> memref<80xi32, #tpu.memory_space<vmem>>
      %dma_wait3A_197 = arith.constant 0 : i32
      %dma_wait3A_198 = arith.constant 0 : i32
      %dma_wait3A_199 = tpu.memref_slice %arg2[%dma_wait3A_197, %dma_wait3A_198] : memref<10000x128xf32, #tpu.memory_space<hbm>> -> memref<10000x128xf32, #tpu.memory_space<hbm>>
      tpu.wait_indirect_dma semaphore(%arg17 : memref<!tpu.dma_semaphore, #tpu.memory_space<semaphore_mem>>) src(%dma_wait3A_199 : memref<10000x128xf32, #tpu.memory_space<hbm>>) dst(%arg10 : memref<80x128xf32, #tpu.memory_space<vmem>>)
      %dma_start3A_200 = arith.constant 1 : i32
      %dma_start3A_201 = arith.constant 0 : i32
      %dma_start3A_202 = tpu.memref_slice %arg6[%dma_start3A_200, %dma_start3A_201] : memref<2x80xi32, #tpu.memory_space<vmem>> -> memref<1x80xi32, #tpu.memory_space<vmem>>
      %dma_start3A_203 = tpu.memref_squeeze %dma_start3A_202 : memref<1x80xi32, #tpu.memory_space<vmem>> -> memref<80xi32, #tpu.memory_space<vmem>>
      %dma_start3A_204 = arith.constant 0 : i32
      %dma_start3A_205 = arith.constant 0 : i32
      %dma_start3A_206 = tpu.memref_slice %arg12[%dma_start3A_204, %dma_start3A_205] : memref<10240x128xf32, #tpu.memory_space<vmem_shared>> -> memref<10240x128xf32, #tpu.memory_space<vmem_shared>>
      tpu.enqueue_indirect_dma source(%arg10 : memref<80x128xf32, #tpu.memory_space<vmem>>) target(%dma_start3A_206 : memref<10240x128xf32, #tpu.memory_space<vmem_shared>>) offsets(%dma_start3A_203 : memref<80xi32, #tpu.memory_space<vmem>>) semaphore(%arg19 : memref<!tpu.dma_semaphore, #tpu.memory_space<semaphore_mem>>) {add = true}
      %mul3A_207 = arith.constant 4 : i32
      %mul3A_208 = arith.muli %mul3A_207, %add3A_153 : i32
      %add3A_209 = arith.constant 1 : i32
      %add3A_210 = arith.addi %mul3A_208, %add3A_209 : i32
      %ge3A_211 = arith.constant 1 : i32
      %ge3A_212 = arith.cmpi sge, %add3A_210, %ge3A_211 : i32
      %convert_element_type3A_213 = arith.extui %ge3A_212 : i1 to i32
      %cond3A_214 = arith.constant 0 : i32
      %cond3A_215 = arith.cmpi ne, %convert_element_type3A_213, %cond3A_214 : i32
      scf.if %cond3A_215 {
        %dma_wait3A_381 = arith.constant 1 : i32
        %dma_wait3A_382 = arith.constant 0 : i32
        %dma_wait3A_383 = tpu.memref_slice %arg6[%dma_wait3A_381, %dma_wait3A_382] : memref<2x80xi32, #tpu.memory_space<vmem>> -> memref<1x80xi32, #tpu.memory_space<vmem>>
        %dma_wait3A_384 = tpu.memref_squeeze %dma_wait3A_383 : memref<1x80xi32, #tpu.memory_space<vmem>> -> memref<80xi32, #tpu.memory_space<vmem>>
        %dma_wait3A_385 = arith.constant 0 : i32
        %dma_wait3A_386 = arith.constant 0 : i32
        %dma_wait3A_387 = tpu.memref_slice %arg12[%dma_wait3A_385, %dma_wait3A_386] : memref<10240x128xf32, #tpu.memory_space<vmem_shared>> -> memref<10240x128xf32, #tpu.memory_space<vmem_shared>>
        tpu.wait_indirect_dma semaphore(%arg19 : memref<!tpu.dma_semaphore, #tpu.memory_space<semaphore_mem>>) src(%arg10 : memref<80x128xf32, #tpu.memory_space<vmem>>) dst(%dma_wait3A_387 : memref<10240x128xf32, #tpu.memory_space<vmem_shared>>)
      } else {
      }
      %ge3A_216 = arith.constant 1 : i32
      %ge3A_217 = arith.cmpi sge, %add3A_210, %ge3A_216 : i32
      %add3A_218 = arith.constant 3 : i32
      %add3A_219 = arith.addi %add3A_210, %add3A_218 : i32
      %le3A_220 = arith.constant 124 : i32
      %le3A_221 = arith.cmpi sle, %add3A_219, %le3A_220 : i32
      %and3A_222 = arith.andi %ge3A_217, %le3A_221 : i1
      %convert_element_type3A_223 = arith.extui %and3A_222 : i1 to i32
      %cond3A_224 = arith.constant 0 : i32
      %cond3A_225 = arith.cmpi ne, %convert_element_type3A_223, %cond3A_224 : i32
      scf.if %cond3A_225 {
        %add3A_381 = arith.constant 3 : i32
        %add3A_382 = arith.addi %add3A_210, %add3A_381 : i32
        %mul3A_383 = arith.constant 80 : i32
        %mul3A_384 = arith.muli %add3A_382, %mul3A_383 : i32
        %add3A_385 = arith.addi %mul3A_2, %mul3A_384 : i32
        %dma_start3A_386 = arith.constant 0 : i32
        %dma_start3A_387 = arith.constant 0 : i32
        %dma_start3A_388 = tpu.memref_slice %arg6[%dma_start3A_386, %dma_start3A_387] : memref<2x80xi32, #tpu.memory_space<vmem>> -> memref<1x80xi32, #tpu.memory_space<vmem>>
        %dma_start3A_389 = tpu.memref_squeeze %dma_start3A_388 : memref<1x80xi32, #tpu.memory_space<vmem>> -> memref<80xi32, #tpu.memory_space<vmem>>
        %dma_start3A_390 = tpu.memref_slice %arg3[%add3A_385] : memref<640000xi32, #tpu.memory_space<hbm>> -> memref<80xi32, #tpu.memory_space<hbm>>
        %dma_start3A_391 = arith.constant 0 : i32
        %dma_start3A_392 = tpu.memref_slice %arg6[%dma_start3A_386, %dma_start3A_391] : memref<2x80xi32, #tpu.memory_space<vmem>> -> memref<1x80xi32, #tpu.memory_space<vmem>>
        %dma_start3A_393 = tpu.memref_squeeze %dma_start3A_392 : memref<1x80xi32, #tpu.memory_space<vmem>> -> memref<80xi32, #tpu.memory_space<vmem>>
        %dma_start3A_394 = tpu.memref_slice %arg3[%add3A_385] : memref<640000xi32, #tpu.memory_space<hbm>> -> memref<80xi32, #tpu.memory_space<hbm>>
        tpu.enqueue_dma source(%dma_start3A_394 : memref<80xi32, #tpu.memory_space<hbm>>) target(%dma_start3A_393 : memref<80xi32, #tpu.memory_space<vmem>>) target_semaphore(%arg13 : memref<!tpu.dma_semaphore, #tpu.memory_space<semaphore_mem>>)
        %add3A_395 = arith.constant 320000 : i32
        %add3A_396 = arith.addi %add3A_395, %mul3A_2 : i32
        %mul3A_397 = arith.constant 80 : i32
        %mul3A_398 = arith.muli %add3A_382, %mul3A_397 : i32
        %add3A_399 = arith.addi %add3A_396, %mul3A_398 : i32
        %dma_start3A_400 = arith.constant 1 : i32
        %dma_start3A_401 = arith.constant 0 : i32
        %dma_start3A_402 = tpu.memref_slice %arg6[%dma_start3A_400, %dma_start3A_401] : memref<2x80xi32, #tpu.memory_space<vmem>> -> memref<1x80xi32, #tpu.memory_space<vmem>>
        %dma_start3A_403 = tpu.memref_squeeze %dma_start3A_402 : memref<1x80xi32, #tpu.memory_space<vmem>> -> memref<80xi32, #tpu.memory_space<vmem>>
        %dma_start3A_404 = tpu.memref_slice %arg3[%add3A_399] : memref<640000xi32, #tpu.memory_space<hbm>> -> memref<80xi32, #tpu.memory_space<hbm>>
        %dma_start3A_405 = arith.constant 0 : i32
        %dma_start3A_406 = tpu.memref_slice %arg6[%dma_start3A_400, %dma_start3A_405] : memref<2x80xi32, #tpu.memory_space<vmem>> -> memref<1x80xi32, #tpu.memory_space<vmem>>
        %dma_start3A_407 = tpu.memref_squeeze %dma_start3A_406 : memref<1x80xi32, #tpu.memory_space<vmem>> -> memref<80xi32, #tpu.memory_space<vmem>>
        %dma_start3A_408 = tpu.memref_slice %arg3[%add3A_399] : memref<640000xi32, #tpu.memory_space<hbm>> -> memref<80xi32, #tpu.memory_space<hbm>>
        tpu.enqueue_dma source(%dma_start3A_408 : memref<80xi32, #tpu.memory_space<hbm>>) target(%dma_start3A_407 : memref<80xi32, #tpu.memory_space<vmem>>) target_semaphore(%arg13 : memref<!tpu.dma_semaphore, #tpu.memory_space<semaphore_mem>>)
      } else {
      }
      %dma_wait3A_226 = arith.constant 0 : i32
      %dma_wait3A_227 = arith.constant 0 : i32
      %dma_wait3A_228 = tpu.memref_slice %arg8[%dma_wait3A_226, %dma_wait3A_227] : memref<2x80xi32, #tpu.memory_space<vmem>> -> memref<1x80xi32, #tpu.memory_space<vmem>>
      %dma_wait3A_229 = tpu.memref_squeeze %dma_wait3A_228 : memref<1x80xi32, #tpu.memory_space<vmem>> -> memref<80xi32, #tpu.memory_space<vmem>>
      %dma_wait3A_230 = tpu.memref_slice %arg3[%mul3A_2] : memref<640000xi32, #tpu.memory_space<hbm>> -> memref<80xi32, #tpu.memory_space<hbm>>
      %dma_wait3A_231 = arith.constant 0 : i32
      %dma_wait3A_232 = tpu.memref_slice %arg8[%dma_wait3A_226, %dma_wait3A_231] : memref<2x80xi32, #tpu.memory_space<vmem>> -> memref<1x80xi32, #tpu.memory_space<vmem>>
      %dma_wait3A_233 = tpu.memref_squeeze %dma_wait3A_232 : memref<1x80xi32, #tpu.memory_space<vmem>> -> memref<80xi32, #tpu.memory_space<vmem>>
      %dma_wait3A_234 = tpu.memref_slice %arg3[%mul3A_2] : memref<640000xi32, #tpu.memory_space<hbm>> -> memref<80xi32, #tpu.memory_space<hbm>>
      tpu.wait_dma2 semaphore(%arg15 : memref<!tpu.dma_semaphore, #tpu.memory_space<semaphore_mem>>) src(%dma_wait3A_234 : memref<80xi32, #tpu.memory_space<hbm>>) dst(%dma_wait3A_233 : memref<80xi32, #tpu.memory_space<vmem>>)
      %dma_wait3A_235 = arith.constant 1 : i32
      %dma_wait3A_236 = arith.constant 0 : i32
      %dma_wait3A_237 = tpu.memref_slice %arg8[%dma_wait3A_235, %dma_wait3A_236] : memref<2x80xi32, #tpu.memory_space<vmem>> -> memref<1x80xi32, #tpu.memory_space<vmem>>
      %dma_wait3A_238 = tpu.memref_squeeze %dma_wait3A_237 : memref<1x80xi32, #tpu.memory_space<vmem>> -> memref<80xi32, #tpu.memory_space<vmem>>
      %dma_wait3A_239 = tpu.memref_slice %arg3[%mul3A_2] : memref<640000xi32, #tpu.memory_space<hbm>> -> memref<80xi32, #tpu.memory_space<hbm>>
      %dma_wait3A_240 = arith.constant 0 : i32
      %dma_wait3A_241 = tpu.memref_slice %arg8[%dma_wait3A_235, %dma_wait3A_240] : memref<2x80xi32, #tpu.memory_space<vmem>> -> memref<1x80xi32, #tpu.memory_space<vmem>>
      %dma_wait3A_242 = tpu.memref_squeeze %dma_wait3A_241 : memref<1x80xi32, #tpu.memory_space<vmem>> -> memref<80xi32, #tpu.memory_space<vmem>>
      %dma_wait3A_243 = tpu.memref_slice %arg3[%mul3A_2] : memref<640000xi32, #tpu.memory_space<hbm>> -> memref<80xi32, #tpu.memory_space<hbm>>
      tpu.wait_dma2 semaphore(%arg15 : memref<!tpu.dma_semaphore, #tpu.memory_space<semaphore_mem>>) src(%dma_wait3A_243 : memref<80xi32, #tpu.memory_space<hbm>>) dst(%dma_wait3A_242 : memref<80xi32, #tpu.memory_space<vmem>>)
      %dma_start3A_244 = arith.constant 0 : i32
      %dma_start3A_245 = arith.constant 0 : i32
      %dma_start3A_246 = tpu.memref_slice %arg8[%dma_start3A_244, %dma_start3A_245] : memref<2x80xi32, #tpu.memory_space<vmem>> -> memref<1x80xi32, #tpu.memory_space<vmem>>
      %dma_start3A_247 = tpu.memref_squeeze %dma_start3A_246 : memref<1x80xi32, #tpu.memory_space<vmem>> -> memref<80xi32, #tpu.memory_space<vmem>>
      %dma_start3A_248 = arith.constant 0 : i32
      %dma_start3A_249 = arith.constant 0 : i32
      %dma_start3A_250 = tpu.memref_slice %arg2[%dma_start3A_248, %dma_start3A_249] : memref<10000x128xf32, #tpu.memory_space<hbm>> -> memref<10000x128xf32, #tpu.memory_space<hbm>>
      tpu.enqueue_indirect_dma source(%dma_start3A_250 : memref<10000x128xf32, #tpu.memory_space<hbm>>) target(%arg10 : memref<80x128xf32, #tpu.memory_space<vmem>>) offsets(%dma_start3A_247 : memref<80xi32, #tpu.memory_space<vmem>>) semaphore(%arg17 : memref<!tpu.dma_semaphore, #tpu.memory_space<semaphore_mem>>)
      %dma_wait3A_251 = arith.constant 0 : i32
      %dma_wait3A_252 = arith.constant 0 : i32
      %dma_wait3A_253 = tpu.memref_slice %arg7[%dma_wait3A_251, %dma_wait3A_252] : memref<2x80xi32, #tpu.memory_space<vmem>> -> memref<1x80xi32, #tpu.memory_space<vmem>>
      %dma_wait3A_254 = tpu.memref_squeeze %dma_wait3A_253 : memref<1x80xi32, #tpu.memory_space<vmem>> -> memref<80xi32, #tpu.memory_space<vmem>>
      %dma_wait3A_255 = arith.constant 0 : i32
      %dma_wait3A_256 = arith.constant 0 : i32
      %dma_wait3A_257 = tpu.memref_slice %arg2[%dma_wait3A_255, %dma_wait3A_256] : memref<10000x128xf32, #tpu.memory_space<hbm>> -> memref<10000x128xf32, #tpu.memory_space<hbm>>
      tpu.wait_indirect_dma semaphore(%arg18 : memref<!tpu.dma_semaphore, #tpu.memory_space<semaphore_mem>>) src(%dma_wait3A_257 : memref<10000x128xf32, #tpu.memory_space<hbm>>) dst(%arg11 : memref<80x128xf32, #tpu.memory_space<vmem>>)
      %dma_start3A_258 = arith.constant 1 : i32
      %dma_start3A_259 = arith.constant 0 : i32
      %dma_start3A_260 = tpu.memref_slice %arg7[%dma_start3A_258, %dma_start3A_259] : memref<2x80xi32, #tpu.memory_space<vmem>> -> memref<1x80xi32, #tpu.memory_space<vmem>>
      %dma_start3A_261 = tpu.memref_squeeze %dma_start3A_260 : memref<1x80xi32, #tpu.memory_space<vmem>> -> memref<80xi32, #tpu.memory_space<vmem>>
      %dma_start3A_262 = arith.constant 0 : i32
      %dma_start3A_263 = arith.constant 0 : i32
      %dma_start3A_264 = tpu.memref_slice %arg12[%dma_start3A_262, %dma_start3A_263] : memref<10240x128xf32, #tpu.memory_space<vmem_shared>> -> memref<10240x128xf32, #tpu.memory_space<vmem_shared>>
      tpu.enqueue_indirect_dma source(%arg11 : memref<80x128xf32, #tpu.memory_space<vmem>>) target(%dma_start3A_264 : memref<10240x128xf32, #tpu.memory_space<vmem_shared>>) offsets(%dma_start3A_261 : memref<80xi32, #tpu.memory_space<vmem>>) semaphore(%arg20 : memref<!tpu.dma_semaphore, #tpu.memory_space<semaphore_mem>>) {add = true}
      %mul3A_265 = arith.constant 4 : i32
      %mul3A_266 = arith.muli %mul3A_265, %add3A_153 : i32
      %add3A_267 = arith.constant 2 : i32
      %add3A_268 = arith.addi %mul3A_266, %add3A_267 : i32
      %ge3A_269 = arith.constant 1 : i32
      %ge3A_270 = arith.cmpi sge, %add3A_268, %ge3A_269 : i32
      %convert_element_type3A_271 = arith.extui %ge3A_270 : i1 to i32
      %cond3A_272 = arith.constant 0 : i32
      %cond3A_273 = arith.cmpi ne, %convert_element_type3A_271, %cond3A_272 : i32
      scf.if %cond3A_273 {
        %dma_wait3A_381 = arith.constant 1 : i32
        %dma_wait3A_382 = arith.constant 0 : i32
        %dma_wait3A_383 = tpu.memref_slice %arg7[%dma_wait3A_381, %dma_wait3A_382] : memref<2x80xi32, #tpu.memory_space<vmem>> -> memref<1x80xi32, #tpu.memory_space<vmem>>
        %dma_wait3A_384 = tpu.memref_squeeze %dma_wait3A_383 : memref<1x80xi32, #tpu.memory_space<vmem>> -> memref<80xi32, #tpu.memory_space<vmem>>
        %dma_wait3A_385 = arith.constant 0 : i32
        %dma_wait3A_386 = arith.constant 0 : i32
        %dma_wait3A_387 = tpu.memref_slice %arg12[%dma_wait3A_385, %dma_wait3A_386] : memref<10240x128xf32, #tpu.memory_space<vmem_shared>> -> memref<10240x128xf32, #tpu.memory_space<vmem_shared>>
        tpu.wait_indirect_dma semaphore(%arg20 : memref<!tpu.dma_semaphore, #tpu.memory_space<semaphore_mem>>) src(%arg11 : memref<80x128xf32, #tpu.memory_space<vmem>>) dst(%dma_wait3A_387 : memref<10240x128xf32, #tpu.memory_space<vmem_shared>>)
      } else {
      }
      %ge3A_274 = arith.constant 1 : i32
      %ge3A_275 = arith.cmpi sge, %add3A_268, %ge3A_274 : i32
      %add3A_276 = arith.constant 3 : i32
      %add3A_277 = arith.addi %add3A_268, %add3A_276 : i32
      %le3A_278 = arith.constant 124 : i32
      %le3A_279 = arith.cmpi sle, %add3A_277, %le3A_278 : i32
      %and3A_280 = arith.andi %ge3A_275, %le3A_279 : i1
      %convert_element_type3A_281 = arith.extui %and3A_280 : i1 to i32
      %cond3A_282 = arith.constant 0 : i32
      %cond3A_283 = arith.cmpi ne, %convert_element_type3A_281, %cond3A_282 : i32
      scf.if %cond3A_283 {
        %add3A_381 = arith.constant 3 : i32
        %add3A_382 = arith.addi %add3A_268, %add3A_381 : i32
        %mul3A_383 = arith.constant 80 : i32
        %mul3A_384 = arith.muli %add3A_382, %mul3A_383 : i32
        %add3A_385 = arith.addi %mul3A_2, %mul3A_384 : i32
        %dma_start3A_386 = arith.constant 0 : i32
        %dma_start3A_387 = arith.constant 0 : i32
        %dma_start3A_388 = tpu.memref_slice %arg7[%dma_start3A_386, %dma_start3A_387] : memref<2x80xi32, #tpu.memory_space<vmem>> -> memref<1x80xi32, #tpu.memory_space<vmem>>
        %dma_start3A_389 = tpu.memref_squeeze %dma_start3A_388 : memref<1x80xi32, #tpu.memory_space<vmem>> -> memref<80xi32, #tpu.memory_space<vmem>>
        %dma_start3A_390 = tpu.memref_slice %arg3[%add3A_385] : memref<640000xi32, #tpu.memory_space<hbm>> -> memref<80xi32, #tpu.memory_space<hbm>>
        %dma_start3A_391 = arith.constant 0 : i32
        %dma_start3A_392 = tpu.memref_slice %arg7[%dma_start3A_386, %dma_start3A_391] : memref<2x80xi32, #tpu.memory_space<vmem>> -> memref<1x80xi32, #tpu.memory_space<vmem>>
        %dma_start3A_393 = tpu.memref_squeeze %dma_start3A_392 : memref<1x80xi32, #tpu.memory_space<vmem>> -> memref<80xi32, #tpu.memory_space<vmem>>
        %dma_start3A_394 = tpu.memref_slice %arg3[%add3A_385] : memref<640000xi32, #tpu.memory_space<hbm>> -> memref<80xi32, #tpu.memory_space<hbm>>
        tpu.enqueue_dma source(%dma_start3A_394 : memref<80xi32, #tpu.memory_space<hbm>>) target(%dma_start3A_393 : memref<80xi32, #tpu.memory_space<vmem>>) target_semaphore(%arg14 : memref<!tpu.dma_semaphore, #tpu.memory_space<semaphore_mem>>)
        %add3A_395 = arith.constant 320000 : i32
        %add3A_396 = arith.addi %add3A_395, %mul3A_2 : i32
        %mul3A_397 = arith.constant 80 : i32
        %mul3A_398 = arith.muli %add3A_382, %mul3A_397 : i32
        %add3A_399 = arith.addi %add3A_396, %mul3A_398 : i32
        %dma_start3A_400 = arith.constant 1 : i32
        %dma_start3A_401 = arith.constant 0 : i32
        %dma_start3A_402 = tpu.memref_slice %arg7[%dma_start3A_400, %dma_start3A_401] : memref<2x80xi32, #tpu.memory_space<vmem>> -> memref<1x80xi32, #tpu.memory_space<vmem>>
        %dma_start3A_403 = tpu.memref_squeeze %dma_start3A_402 : memref<1x80xi32, #tpu.memory_space<vmem>> -> memref<80xi32, #tpu.memory_space<vmem>>
        %dma_start3A_404 = tpu.memref_slice %arg3[%add3A_399] : memref<640000xi32, #tpu.memory_space<hbm>> -> memref<80xi32, #tpu.memory_space<hbm>>
        %dma_start3A_405 = arith.constant 0 : i32
        %dma_start3A_406 = tpu.memref_slice %arg7[%dma_start3A_400, %dma_start3A_405] : memref<2x80xi32, #tpu.memory_space<vmem>> -> memref<1x80xi32, #tpu.memory_space<vmem>>
        %dma_start3A_407 = tpu.memref_squeeze %dma_start3A_406 : memref<1x80xi32, #tpu.memory_space<vmem>> -> memref<80xi32, #tpu.memory_space<vmem>>
        %dma_start3A_408 = tpu.memref_slice %arg3[%add3A_399] : memref<640000xi32, #tpu.memory_space<hbm>> -> memref<80xi32, #tpu.memory_space<hbm>>
        tpu.enqueue_dma source(%dma_start3A_408 : memref<80xi32, #tpu.memory_space<hbm>>) target(%dma_start3A_407 : memref<80xi32, #tpu.memory_space<vmem>>) target_semaphore(%arg14 : memref<!tpu.dma_semaphore, #tpu.memory_space<semaphore_mem>>)
      } else {
      }
      %dma_wait3A_284 = arith.constant 0 : i32
      %dma_wait3A_285 = arith.constant 0 : i32
      %dma_wait3A_286 = tpu.memref_slice %arg9[%dma_wait3A_284, %dma_wait3A_285] : memref<2x80xi32, #tpu.memory_space<vmem>> -> memref<1x80xi32, #tpu.memory_space<vmem>>
      %dma_wait3A_287 = tpu.memref_squeeze %dma_wait3A_286 : memref<1x80xi32, #tpu.memory_space<vmem>> -> memref<80xi32, #tpu.memory_space<vmem>>
      %dma_wait3A_288 = tpu.memref_slice %arg3[%mul3A_2] : memref<640000xi32, #tpu.memory_space<hbm>> -> memref<80xi32, #tpu.memory_space<hbm>>
      %dma_wait3A_289 = arith.constant 0 : i32
      %dma_wait3A_290 = tpu.memref_slice %arg9[%dma_wait3A_284, %dma_wait3A_289] : memref<2x80xi32, #tpu.memory_space<vmem>> -> memref<1x80xi32, #tpu.memory_space<vmem>>
      %dma_wait3A_291 = tpu.memref_squeeze %dma_wait3A_290 : memref<1x80xi32, #tpu.memory_space<vmem>> -> memref<80xi32, #tpu.memory_space<vmem>>
      %dma_wait3A_292 = tpu.memref_slice %arg3[%mul3A_2] : memref<640000xi32, #tpu.memory_space<hbm>> -> memref<80xi32, #tpu.memory_space<hbm>>
      tpu.wait_dma2 semaphore(%arg16 : memref<!tpu.dma_semaphore, #tpu.memory_space<semaphore_mem>>) src(%dma_wait3A_292 : memref<80xi32, #tpu.memory_space<hbm>>) dst(%dma_wait3A_291 : memref<80xi32, #tpu.memory_space<vmem>>)
      %dma_wait3A_293 = arith.constant 1 : i32
      %dma_wait3A_294 = arith.constant 0 : i32
      %dma_wait3A_295 = tpu.memref_slice %arg9[%dma_wait3A_293, %dma_wait3A_294] : memref<2x80xi32, #tpu.memory_space<vmem>> -> memref<1x80xi32, #tpu.memory_space<vmem>>
      %dma_wait3A_296 = tpu.memref_squeeze %dma_wait3A_295 : memref<1x80xi32, #tpu.memory_space<vmem>> -> memref<80xi32, #tpu.memory_space<vmem>>
      %dma_wait3A_297 = tpu.memref_slice %arg3[%mul3A_2] : memref<640000xi32, #tpu.memory_space<hbm>> -> memref<80xi32, #tpu.memory_space<hbm>>
      %dma_wait3A_298 = arith.constant 0 : i32
      %dma_wait3A_299 = tpu.memref_slice %arg9[%dma_wait3A_293, %dma_wait3A_298] : memref<2x80xi32, #tpu.memory_space<vmem>> -> memref<1x80xi32, #tpu.memory_space<vmem>>
      %dma_wait3A_300 = tpu.memref_squeeze %dma_wait3A_299 : memref<1x80xi32, #tpu.memory_space<vmem>> -> memref<80xi32, #tpu.memory_space<vmem>>
      %dma_wait3A_301 = tpu.memref_slice %arg3[%mul3A_2] : memref<640000xi32, #tpu.memory_space<hbm>> -> memref<80xi32, #tpu.memory_space<hbm>>
      tpu.wait_dma2 semaphore(%arg16 : memref<!tpu.dma_semaphore, #tpu.memory_space<semaphore_mem>>) src(%dma_wait3A_301 : memref<80xi32, #tpu.memory_space<hbm>>) dst(%dma_wait3A_300 : memref<80xi32, #tpu.memory_space<vmem>>)
      %dma_start3A_302 = arith.constant 0 : i32
      %dma_start3A_303 = arith.constant 0 : i32
      %dma_start3A_304 = tpu.memref_slice %arg9[%dma_start3A_302, %dma_start3A_303] : memref<2x80xi32, #tpu.memory_space<vmem>> -> memref<1x80xi32, #tpu.memory_space<vmem>>
      %dma_start3A_305 = tpu.memref_squeeze %dma_start3A_304 : memref<1x80xi32, #tpu.memory_space<vmem>> -> memref<80xi32, #tpu.memory_space<vmem>>
      %dma_start3A_306 = arith.constant 0 : i32
      %dma_start3A_307 = arith.constant 0 : i32
      %dma_start3A_308 = tpu.memref_slice %arg2[%dma_start3A_306, %dma_start3A_307] : memref<10000x128xf32, #tpu.memory_space<hbm>> -> memref<10000x128xf32, #tpu.memory_space<hbm>>
      tpu.enqueue_indirect_dma source(%dma_start3A_308 : memref<10000x128xf32, #tpu.memory_space<hbm>>) target(%arg11 : memref<80x128xf32, #tpu.memory_space<vmem>>) offsets(%dma_start3A_305 : memref<80xi32, #tpu.memory_space<vmem>>) semaphore(%arg18 : memref<!tpu.dma_semaphore, #tpu.memory_space<semaphore_mem>>)
      %dma_wait3A_309 = arith.constant 0 : i32
      %dma_wait3A_310 = arith.constant 0 : i32
      %dma_wait3A_311 = tpu.memref_slice %arg8[%dma_wait3A_309, %dma_wait3A_310] : memref<2x80xi32, #tpu.memory_space<vmem>> -> memref<1x80xi32, #tpu.memory_space<vmem>>
      %dma_wait3A_312 = tpu.memref_squeeze %dma_wait3A_311 : memref<1x80xi32, #tpu.memory_space<vmem>> -> memref<80xi32, #tpu.memory_space<vmem>>
      %dma_wait3A_313 = arith.constant 0 : i32
      %dma_wait3A_314 = arith.constant 0 : i32
      %dma_wait3A_315 = tpu.memref_slice %arg2[%dma_wait3A_313, %dma_wait3A_314] : memref<10000x128xf32, #tpu.memory_space<hbm>> -> memref<10000x128xf32, #tpu.memory_space<hbm>>
      tpu.wait_indirect_dma semaphore(%arg17 : memref<!tpu.dma_semaphore, #tpu.memory_space<semaphore_mem>>) src(%dma_wait3A_315 : memref<10000x128xf32, #tpu.memory_space<hbm>>) dst(%arg10 : memref<80x128xf32, #tpu.memory_space<vmem>>)
      %dma_start3A_316 = arith.constant 1 : i32
      %dma_start3A_317 = arith.constant 0 : i32
      %dma_start3A_318 = tpu.memref_slice %arg8[%dma_start3A_316, %dma_start3A_317] : memref<2x80xi32, #tpu.memory_space<vmem>> -> memref<1x80xi32, #tpu.memory_space<vmem>>
      %dma_start3A_319 = tpu.memref_squeeze %dma_start3A_318 : memref<1x80xi32, #tpu.memory_space<vmem>> -> memref<80xi32, #tpu.memory_space<vmem>>
      %dma_start3A_320 = arith.constant 0 : i32
      %dma_start3A_321 = arith.constant 0 : i32
      %dma_start3A_322 = tpu.memref_slice %arg12[%dma_start3A_320, %dma_start3A_321] : memref<10240x128xf32, #tpu.memory_space<vmem_shared>> -> memref<10240x128xf32, #tpu.memory_space<vmem_shared>>
      tpu.enqueue_indirect_dma source(%arg10 : memref<80x128xf32, #tpu.memory_space<vmem>>) target(%dma_start3A_322 : memref<10240x128xf32, #tpu.memory_space<vmem_shared>>) offsets(%dma_start3A_319 : memref<80xi32, #tpu.memory_space<vmem>>) semaphore(%arg19 : memref<!tpu.dma_semaphore, #tpu.memory_space<semaphore_mem>>) {add = true}
      %mul3A_323 = arith.constant 4 : i32
      %mul3A_324 = arith.muli %mul3A_323, %add3A_153 : i32
      %add3A_325 = arith.constant 3 : i32
      %add3A_326 = arith.addi %mul3A_324, %add3A_325 : i32
      %ge3A_327 = arith.constant 1 : i32
      %ge3A_328 = arith.cmpi sge, %add3A_326, %ge3A_327 : i32
      %convert_element_type3A_329 = arith.extui %ge3A_328 : i1 to i32
      %cond3A_330 = arith.constant 0 : i32
      %cond3A_331 = arith.cmpi ne, %convert_element_type3A_329, %cond3A_330 : i32
      scf.if %cond3A_331 {
        %dma_wait3A_381 = arith.constant 1 : i32
        %dma_wait3A_382 = arith.constant 0 : i32
        %dma_wait3A_383 = tpu.memref_slice %arg8[%dma_wait3A_381, %dma_wait3A_382] : memref<2x80xi32, #tpu.memory_space<vmem>> -> memref<1x80xi32, #tpu.memory_space<vmem>>
        %dma_wait3A_384 = tpu.memref_squeeze %dma_wait3A_383 : memref<1x80xi32, #tpu.memory_space<vmem>> -> memref<80xi32, #tpu.memory_space<vmem>>
        %dma_wait3A_385 = arith.constant 0 : i32
        %dma_wait3A_386 = arith.constant 0 : i32
        %dma_wait3A_387 = tpu.memref_slice %arg12[%dma_wait3A_385, %dma_wait3A_386] : memref<10240x128xf32, #tpu.memory_space<vmem_shared>> -> memref<10240x128xf32, #tpu.memory_space<vmem_shared>>
        tpu.wait_indirect_dma semaphore(%arg19 : memref<!tpu.dma_semaphore, #tpu.memory_space<semaphore_mem>>) src(%arg10 : memref<80x128xf32, #tpu.memory_space<vmem>>) dst(%dma_wait3A_387 : memref<10240x128xf32, #tpu.memory_space<vmem_shared>>)
      } else {
      }
      %ge3A_332 = arith.constant 1 : i32
      %ge3A_333 = arith.cmpi sge, %add3A_326, %ge3A_332 : i32
      %add3A_334 = arith.constant 3 : i32
      %add3A_335 = arith.addi %add3A_326, %add3A_334 : i32
      %le3A_336 = arith.constant 124 : i32
      %le3A_337 = arith.cmpi sle, %add3A_335, %le3A_336 : i32
      %and3A_338 = arith.andi %ge3A_333, %le3A_337 : i1
      %convert_element_type3A_339 = arith.extui %and3A_338 : i1 to i32
      %cond3A_340 = arith.constant 0 : i32
      %cond3A_341 = arith.cmpi ne, %convert_element_type3A_339, %cond3A_340 : i32
      scf.if %cond3A_341 {
        %add3A_381 = arith.constant 3 : i32
        %add3A_382 = arith.addi %add3A_326, %add3A_381 : i32
        %mul3A_383 = arith.constant 80 : i32
        %mul3A_384 = arith.muli %add3A_382, %mul3A_383 : i32
        %add3A_385 = arith.addi %mul3A_2, %mul3A_384 : i32
        %dma_start3A_386 = arith.constant 0 : i32
        %dma_start3A_387 = arith.constant 0 : i32
        %dma_start3A_388 = tpu.memref_slice %arg8[%dma_start3A_386, %dma_start3A_387] : memref<2x80xi32, #tpu.memory_space<vmem>> -> memref<1x80xi32, #tpu.memory_space<vmem>>
        %dma_start3A_389 = tpu.memref_squeeze %dma_start3A_388 : memref<1x80xi32, #tpu.memory_space<vmem>> -> memref<80xi32, #tpu.memory_space<vmem>>
        %dma_start3A_390 = tpu.memref_slice %arg3[%add3A_385] : memref<640000xi32, #tpu.memory_space<hbm>> -> memref<80xi32, #tpu.memory_space<hbm>>
        %dma_start3A_391 = arith.constant 0 : i32
        %dma_start3A_392 = tpu.memref_slice %arg8[%dma_start3A_386, %dma_start3A_391] : memref<2x80xi32, #tpu.memory_space<vmem>> -> memref<1x80xi32, #tpu.memory_space<vmem>>
        %dma_start3A_393 = tpu.memref_squeeze %dma_start3A_392 : memref<1x80xi32, #tpu.memory_space<vmem>> -> memref<80xi32, #tpu.memory_space<vmem>>
        %dma_start3A_394 = tpu.memref_slice %arg3[%add3A_385] : memref<640000xi32, #tpu.memory_space<hbm>> -> memref<80xi32, #tpu.memory_space<hbm>>
        tpu.enqueue_dma source(%dma_start3A_394 : memref<80xi32, #tpu.memory_space<hbm>>) target(%dma_start3A_393 : memref<80xi32, #tpu.memory_space<vmem>>) target_semaphore(%arg15 : memref<!tpu.dma_semaphore, #tpu.memory_space<semaphore_mem>>)
        %add3A_395 = arith.constant 320000 : i32
        %add3A_396 = arith.addi %add3A_395, %mul3A_2 : i32
        %mul3A_397 = arith.constant 80 : i32
        %mul3A_398 = arith.muli %add3A_382, %mul3A_397 : i32
        %add3A_399 = arith.addi %add3A_396, %mul3A_398 : i32
        %dma_start3A_400 = arith.constant 1 : i32
        %dma_start3A_401 = arith.constant 0 : i32
        %dma_start3A_402 = tpu.memref_slice %arg8[%dma_start3A_400, %dma_start3A_401] : memref<2x80xi32, #tpu.memory_space<vmem>> -> memref<1x80xi32, #tpu.memory_space<vmem>>
        %dma_start3A_403 = tpu.memref_squeeze %dma_start3A_402 : memref<1x80xi32, #tpu.memory_space<vmem>> -> memref<80xi32, #tpu.memory_space<vmem>>
        %dma_start3A_404 = tpu.memref_slice %arg3[%add3A_399] : memref<640000xi32, #tpu.memory_space<hbm>> -> memref<80xi32, #tpu.memory_space<hbm>>
        %dma_start3A_405 = arith.constant 0 : i32
        %dma_start3A_406 = tpu.memref_slice %arg8[%dma_start3A_400, %dma_start3A_405] : memref<2x80xi32, #tpu.memory_space<vmem>> -> memref<1x80xi32, #tpu.memory_space<vmem>>
        %dma_start3A_407 = tpu.memref_squeeze %dma_start3A_406 : memref<1x80xi32, #tpu.memory_space<vmem>> -> memref<80xi32, #tpu.memory_space<vmem>>
        %dma_start3A_408 = tpu.memref_slice %arg3[%add3A_399] : memref<640000xi32, #tpu.memory_space<hbm>> -> memref<80xi32, #tpu.memory_space<hbm>>
        tpu.enqueue_dma source(%dma_start3A_408 : memref<80xi32, #tpu.memory_space<hbm>>) target(%dma_start3A_407 : memref<80xi32, #tpu.memory_space<vmem>>) target_semaphore(%arg15 : memref<!tpu.dma_semaphore, #tpu.memory_space<semaphore_mem>>)
      } else {
      }
      %dma_wait3A_342 = arith.constant 0 : i32
      %dma_wait3A_343 = arith.constant 0 : i32
      %dma_wait3A_344 = tpu.memref_slice %arg6[%dma_wait3A_342, %dma_wait3A_343] : memref<2x80xi32, #tpu.memory_space<vmem>> -> memref<1x80xi32, #tpu.memory_space<vmem>>
      %dma_wait3A_345 = tpu.memref_squeeze %dma_wait3A_344 : memref<1x80xi32, #tpu.memory_space<vmem>> -> memref<80xi32, #tpu.memory_space<vmem>>
      %dma_wait3A_346 = tpu.memref_slice %arg3[%mul3A_2] : memref<640000xi32, #tpu.memory_space<hbm>> -> memref<80xi32, #tpu.memory_space<hbm>>
      %dma_wait3A_347 = arith.constant 0 : i32
      %dma_wait3A_348 = tpu.memref_slice %arg6[%dma_wait3A_342, %dma_wait3A_347] : memref<2x80xi32, #tpu.memory_space<vmem>> -> memref<1x80xi32, #tpu.memory_space<vmem>>
      %dma_wait3A_349 = tpu.memref_squeeze %dma_wait3A_348 : memref<1x80xi32, #tpu.memory_space<vmem>> -> memref<80xi32, #tpu.memory_space<vmem>>
      %dma_wait3A_350 = tpu.memref_slice %arg3[%mul3A_2] : memref<640000xi32, #tpu.memory_space<hbm>> -> memref<80xi32, #tpu.memory_space<hbm>>
      tpu.wait_dma2 semaphore(%arg13 : memref<!tpu.dma_semaphore, #tpu.memory_space<semaphore_mem>>) src(%dma_wait3A_350 : memref<80xi32, #tpu.memory_space<hbm>>) dst(%dma_wait3A_349 : memref<80xi32, #tpu.memory_space<vmem>>)
      %dma_wait3A_351 = arith.constant 1 : i32
      %dma_wait3A_352 = arith.constant 0 : i32
      %dma_wait3A_353 = tpu.memref_slice %arg6[%dma_wait3A_351, %dma_wait3A_352] : memref<2x80xi32, #tpu.memory_space<vmem>> -> memref<1x80xi32, #tpu.memory_space<vmem>>
      %dma_wait3A_354 = tpu.memref_squeeze %dma_wait3A_353 : memref<1x80xi32, #tpu.memory_space<vmem>> -> memref<80xi32, #tpu.memory_space<vmem>>
      %dma_wait3A_355 = tpu.memref_slice %arg3[%mul3A_2] : memref<640000xi32, #tpu.memory_space<hbm>> -> memref<80xi32, #tpu.memory_space<hbm>>
      %dma_wait3A_356 = arith.constant 0 : i32
      %dma_wait3A_357 = tpu.memref_slice %arg6[%dma_wait3A_351, %dma_wait3A_356] : memref<2x80xi32, #tpu.memory_space<vmem>> -> memref<1x80xi32, #tpu.memory_space<vmem>>
      %dma_wait3A_358 = tpu.memref_squeeze %dma_wait3A_357 : memref<1x80xi32, #tpu.memory_space<vmem>> -> memref<80xi32, #tpu.memory_space<vmem>>
      %dma_wait3A_359 = tpu.memref_slice %arg3[%mul3A_2] : memref<640000xi32, #tpu.memory_space<hbm>> -> memref<80xi32, #tpu.memory_space<hbm>>
      tpu.wait_dma2 semaphore(%arg13 : memref<!tpu.dma_semaphore, #tpu.memory_space<semaphore_mem>>) src(%dma_wait3A_359 : memref<80xi32, #tpu.memory_space<hbm>>) dst(%dma_wait3A_358 : memref<80xi32, #tpu.memory_space<vmem>>)
      %dma_start3A_360 = arith.constant 0 : i32
      %dma_start3A_361 = arith.constant 0 : i32
      %dma_start3A_362 = tpu.memref_slice %arg6[%dma_start3A_360, %dma_start3A_361] : memref<2x80xi32, #tpu.memory_space<vmem>> -> memref<1x80xi32, #tpu.memory_space<vmem>>
      %dma_start3A_363 = tpu.memref_squeeze %dma_start3A_362 : memref<1x80xi32, #tpu.memory_space<vmem>> -> memref<80xi32, #tpu.memory_space<vmem>>
      %dma_start3A_364 = arith.constant 0 : i32
      %dma_start3A_365 = arith.constant 0 : i32
      %dma_start3A_366 = tpu.memref_slice %arg2[%dma_start3A_364, %dma_start3A_365] : memref<10000x128xf32, #tpu.memory_space<hbm>> -> memref<10000x128xf32, #tpu.memory_space<hbm>>
      tpu.enqueue_indirect_dma source(%dma_start3A_366 : memref<10000x128xf32, #tpu.memory_space<hbm>>) target(%arg10 : memref<80x128xf32, #tpu.memory_space<vmem>>) offsets(%dma_start3A_363 : memref<80xi32, #tpu.memory_space<vmem>>) semaphore(%arg17 : memref<!tpu.dma_semaphore, #tpu.memory_space<semaphore_mem>>)
      %dma_wait3A_367 = arith.constant 0 : i32
      %dma_wait3A_368 = arith.constant 0 : i32
      %dma_wait3A_369 = tpu.memref_slice %arg9[%dma_wait3A_367, %dma_wait3A_368] : memref<2x80xi32, #tpu.memory_space<vmem>> -> memref<1x80xi32, #tpu.memory_space<vmem>>
      %dma_wait3A_370 = tpu.memref_squeeze %dma_wait3A_369 : memref<1x80xi32, #tpu.memory_space<vmem>> -> memref<80xi32, #tpu.memory_space<vmem>>
      %dma_wait3A_371 = arith.constant 0 : i32
      %dma_wait3A_372 = arith.constant 0 : i32
      %dma_wait3A_373 = tpu.memref_slice %arg2[%dma_wait3A_371, %dma_wait3A_372] : memref<10000x128xf32, #tpu.memory_space<hbm>> -> memref<10000x128xf32, #tpu.memory_space<hbm>>
      tpu.wait_indirect_dma semaphore(%arg18 : memref<!tpu.dma_semaphore, #tpu.memory_space<semaphore_mem>>) src(%dma_wait3A_373 : memref<10000x128xf32, #tpu.memory_space<hbm>>) dst(%arg11 : memref<80x128xf32, #tpu.memory_space<vmem>>)
      %dma_start3A_374 = arith.constant 1 : i32
      %dma_start3A_375 = arith.constant 0 : i32
      %dma_start3A_376 = tpu.memref_slice %arg9[%dma_start3A_374, %dma_start3A_375] : memref<2x80xi32, #tpu.memory_space<vmem>> -> memref<1x80xi32, #tpu.memory_space<vmem>>
      %dma_start3A_377 = tpu.memref_squeeze %dma_start3A_376 : memref<1x80xi32, #tpu.memory_space<vmem>> -> memref<80xi32, #tpu.memory_space<vmem>>
      %dma_start3A_378 = arith.constant 0 : i32
      %dma_start3A_379 = arith.constant 0 : i32
      %dma_start3A_380 = tpu.memref_slice %arg12[%dma_start3A_378, %dma_start3A_379] : memref<10240x128xf32, #tpu.memory_space<vmem_shared>> -> memref<10240x128xf32, #tpu.memory_space<vmem_shared>>
      tpu.enqueue_indirect_dma source(%arg11 : memref<80x128xf32, #tpu.memory_space<vmem>>) target(%dma_start3A_380 : memref<10240x128xf32, #tpu.memory_space<vmem_shared>>) offsets(%dma_start3A_377 : memref<80xi32, #tpu.memory_space<vmem>>) semaphore(%arg20 : memref<!tpu.dma_semaphore, #tpu.memory_space<semaphore_mem>>) {add = true}
    }
    %scan3A_129 = arith.constant 31 : i32
    %dma_wait3A_130 = arith.constant 1 : i32
    %dma_wait3A_131 = arith.constant 0 : i32
    %dma_wait3A_132 = tpu.memref_slice %arg9[%dma_wait3A_130, %dma_wait3A_131] : memref<2x80xi32, #tpu.memory_space<vmem>> -> memref<1x80xi32, #tpu.memory_space<vmem>>
    %dma_wait3A_133 = tpu.memref_squeeze %dma_wait3A_132 : memref<1x80xi32, #tpu.memory_space<vmem>> -> memref<80xi32, #tpu.memory_space<vmem>>
    %dma_wait3A_134 = arith.constant 0 : i32
    %dma_wait3A_135 = arith.constant 0 : i32
    %dma_wait3A_136 = tpu.memref_slice %arg12[%dma_wait3A_134, %dma_wait3A_135] : memref<10240x128xf32, #tpu.memory_space<vmem_shared>> -> memref<10240x128xf32, #tpu.memory_space<vmem_shared>>
    tpu.wait_indirect_dma semaphore(%arg20 : memref<!tpu.dma_semaphore, #tpu.memory_space<semaphore_mem>>) src(%arg11 : memref<80x128xf32, #tpu.memory_space<vmem>>) dst(%dma_wait3A_136 : memref<10240x128xf32, #tpu.memory_space<vmem_shared>>)
    %dma_wait3A_137 = arith.constant 0 : i32
    %dma_wait3A_138 = arith.constant 0 : i32
    %dma_wait3A_139 = tpu.memref_slice %arg6[%dma_wait3A_137, %dma_wait3A_138] : memref<2x80xi32, #tpu.memory_space<vmem>> -> memref<1x80xi32, #tpu.memory_space<vmem>>
    %dma_wait3A_140 = tpu.memref_squeeze %dma_wait3A_139 : memref<1x80xi32, #tpu.memory_space<vmem>> -> memref<80xi32, #tpu.memory_space<vmem>>
    %dma_wait3A_141 = arith.constant 0 : i32
    %dma_wait3A_142 = arith.constant 0 : i32
    %dma_wait3A_143 = tpu.memref_slice %arg2[%dma_wait3A_141, %dma_wait3A_142] : memref<10000x128xf32, #tpu.memory_space<hbm>> -> memref<10000x128xf32, #tpu.memory_space<hbm>>
    tpu.wait_indirect_dma semaphore(%arg17 : memref<!tpu.dma_semaphore, #tpu.memory_space<semaphore_mem>>) src(%dma_wait3A_143 : memref<10000x128xf32, #tpu.memory_space<hbm>>) dst(%arg10 : memref<80x128xf32, #tpu.memory_space<vmem>>)
    %run_scoped3A = arith.constant 1 : i32
    "tpu.region"() ({
      %run_scoped3A_149 = tpu.sem_alloc : memref<!tpu.dma_semaphore, #tpu.memory_space<semaphore_mem>>
      %dma_start3A_150 = arith.constant 0 : i32
      %dma_start3A_151 = tpu.memref_slice %arg6[%run_scoped3A, %dma_start3A_150] : memref<2x80xi32, #tpu.memory_space<vmem>> -> memref<1x80xi32, #tpu.memory_space<vmem>>
      %dma_start3A_152 = tpu.memref_squeeze %dma_start3A_151 : memref<1x80xi32, #tpu.memory_space<vmem>> -> memref<80xi32, #tpu.memory_space<vmem>>
      %dma_start3A_153 = arith.constant 0 : i32
      %dma_start3A_154 = arith.constant 0 : i32
      %dma_start3A_155 = tpu.memref_slice %arg12[%dma_start3A_153, %dma_start3A_154] : memref<10240x128xf32, #tpu.memory_space<vmem_shared>> -> memref<10240x128xf32, #tpu.memory_space<vmem_shared>>
      tpu.enqueue_indirect_dma source(%arg10 : memref<80x128xf32, #tpu.memory_space<vmem>>) target(%dma_start3A_155 : memref<10240x128xf32, #tpu.memory_space<vmem_shared>>) offsets(%dma_start3A_152 : memref<80xi32, #tpu.memory_space<vmem>>) semaphore(%run_scoped3A_149 : memref<!tpu.dma_semaphore, #tpu.memory_space<semaphore_mem>>) {add = true}
      %dma_wait3A_156 = arith.constant 0 : i32
      %dma_wait3A_157 = tpu.memref_slice %arg6[%run_scoped3A, %dma_wait3A_156] : memref<2x80xi32, #tpu.memory_space<vmem>> -> memref<1x80xi32, #tpu.memory_space<vmem>>
      %dma_wait3A_158 = tpu.memref_squeeze %dma_wait3A_157 : memref<1x80xi32, #tpu.memory_space<vmem>> -> memref<80xi32, #tpu.memory_space<vmem>>
      %dma_wait3A_159 = arith.constant 0 : i32
      %dma_wait3A_160 = arith.constant 0 : i32
      %dma_wait3A_161 = tpu.memref_slice %arg12[%dma_wait3A_159, %dma_wait3A_160] : memref<10240x128xf32, #tpu.memory_space<vmem_shared>> -> memref<10240x128xf32, #tpu.memory_space<vmem_shared>>
      tpu.wait_indirect_dma semaphore(%run_scoped3A_149 : memref<!tpu.dma_semaphore, #tpu.memory_space<semaphore_mem>>) src(%arg10 : memref<80x128xf32, #tpu.memory_space<vmem>>) dst(%dma_wait3A_161 : memref<10240x128xf32, #tpu.memory_space<vmem_shared>>)
      tpu.yield
    }) : () -> ()
    %barrier3A_144 = arith.constant 0 : index
    tpu.barrier barrier_id(%barrier3A_144)
    %mul3A_145 = arith.constant 640 : i32
    %mul3A_146 = arith.muli %arg1, %mul3A_145 : i32
    %mul3A_147 = arith.constant 640 : i32
    %mul3A_148 = arith.muli %arg1, %mul3A_147 : i32
    "tpu.region"() ({
      %run_scoped3A_149 = tpu.sem_alloc : memref<!tpu.dma_semaphore, #tpu.memory_space<semaphore_mem>>
      %dma_start3A_150 = arith.constant 0 : i32
      %dma_start3A_151 = tpu.memref_slice %arg5[%arg0, %mul3A_148, %dma_start3A_150] : memref<2x10240x128xf32, #tpu.memory_space<hbm>> -> memref<1x640x128xf32, #tpu.memory_space<hbm>>
      %dma_start3A_152 = tpu.memref_squeeze %dma_start3A_151 : memref<1x640x128xf32, #tpu.memory_space<hbm>> -> memref<640x128xf32, #tpu.memory_space<hbm>>
      %dma_start3A_153 = arith.constant 0 : i32
      %dma_start3A_154 = tpu.memref_slice %arg12[%mul3A_146, %dma_start3A_153] : memref<10240x128xf32, #tpu.memory_space<vmem_shared>> -> memref<640x128xf32, #tpu.memory_space<vmem_shared>>
      tpu.enqueue_dma source(%dma_start3A_154 : memref<640x128xf32, #tpu.memory_space<vmem_shared>>) target(%dma_start3A_152 : memref<640x128xf32, #tpu.memory_space<hbm>>) target_semaphore(%run_scoped3A_149 : memref<!tpu.dma_semaphore, #tpu.memory_space<semaphore_mem>>)
      %dma_wait3A_155 = arith.constant 0 : i32
      %dma_wait3A_156 = tpu.memref_slice %arg5[%arg0, %mul3A_148, %dma_wait3A_155] : memref<2x10240x128xf32, #tpu.memory_space<hbm>> -> memref<1x640x128xf32, #tpu.memory_space<hbm>>
      %dma_wait3A_157 = tpu.memref_squeeze %dma_wait3A_156 : memref<1x640x128xf32, #tpu.memory_space<hbm>> -> memref<640x128xf32, #tpu.memory_space<hbm>>
      %dma_wait3A_158 = arith.constant 0 : i32
      %dma_wait3A_159 = tpu.memref_slice %arg12[%mul3A_146, %dma_wait3A_158] : memref<10240x128xf32, #tpu.memory_space<vmem_shared>> -> memref<640x128xf32, #tpu.memory_space<vmem_shared>>
      tpu.wait_dma2 semaphore(%run_scoped3A_149 : memref<!tpu.dma_semaphore, #tpu.memory_space<semaphore_mem>>) src(%dma_wait3A_159 : memref<640x128xf32, #tpu.memory_space<vmem_shared>>) dst(%dma_wait3A_157 : memref<640x128xf32, #tpu.memory_space<hbm>>)
      tpu.yield
    }) : () -> ()
    return
  }
}

module attributes {stable_mosaic.version = 14 : i64} {
  func.func @body(%arg0: i32, %arg1: memref<2x2000x128xf32, #tpu.memory_space<vmem>>, %arg2: memref<2000x128xf32, #tpu.memory_space<vmem>>, %arg3: memref<2000x128xf32, #tpu.memory_space<vmem>>, %arg4: memref<128x128xf32, #tpu.memory_space<vmem>>, %arg5: memref<1x128xf32, #tpu.memory_space<vmem>>, %arg6: memref<128x128xf32, #tpu.memory_space<vmem>>, %arg7: memref<2000x128xf32, #tpu.memory_space<vmem>>) attributes {dimension_semantics = [#tpu.dimension_semantics<arbitrary>], iteration_bounds = array<i64: 5>, scalar_prefetch = 0 : i64, scratch_operands = 0 : i64, tpu.core_type = #tpu.core_type<tc>, window_params = [{transform_indices = @transform_0, window_bounds = array<i64: 2, 2000, 128>}, {transform_indices = @transform_1, window_bounds = array<i64: 2000, 128>}, {transform_indices = @transform_2, window_bounds = array<i64: 2000, 128>}, {pipeline_mode = #tpu.pipeline_mode<synchronous>, transform_indices = @transform_3, window_bounds = array<i64: 128, 128>}, {pipeline_mode = #tpu.pipeline_mode<synchronous>, transform_indices = @transform_4, window_bounds = array<i64: 1, 128>}, {pipeline_mode = #tpu.pipeline_mode<synchronous>, transform_indices = @transform_5, window_bounds = array<i64: 128, 128>}, {transform_indices = @transform_6, window_bounds = array<i64: 2000, 128>}]} {
    %get3A = arith.constant 0 : index
    %get3A_0 = arith.constant 0 : index
    %get3A_1 = arith.constant 0 : index
    %get3A_2 = vector.load %arg1[%get3A, %get3A_0, %get3A_1] : memref<2x2000x128xf32, #tpu.memory_space<vmem>>, vector<1x2000x128xf32>
    %get3A_3 = vector.shape_cast %get3A_2 : vector<1x2000x128xf32> to vector<2000x128xf32>
    %get3A_4 = arith.constant 1 : index
    %get3A_5 = arith.constant 0 : index
    %get3A_6 = arith.constant 0 : index
    %get3A_7 = vector.load %arg1[%get3A_4, %get3A_5, %get3A_6] : memref<2x2000x128xf32, #tpu.memory_space<vmem>>, vector<1x2000x128xf32>
    %get3A_8 = vector.shape_cast %get3A_7 : vector<1x2000x128xf32> to vector<2000x128xf32>
    %add3A = arith.addf %get3A_3, %get3A_8 : vector<2000x128xf32>
    %get3A_9 = arith.constant 0 : index
    %get3A_10 = arith.constant 0 : index
    %get3A_11 = vector.load %arg2[%get3A_9, %get3A_10] : memref<2000x128xf32, #tpu.memory_space<vmem>>, vector<2000x128xf32>
    %mul3A = arith.mulf %add3A, %get3A_11 : vector<2000x128xf32>
    %get3A_12 = arith.constant 0 : index
    %get3A_13 = arith.constant 0 : index
    %get3A_14 = vector.load %arg4[%get3A_12, %get3A_13] : memref<128x128xf32, #tpu.memory_space<vmem>>, vector<128x128xf32>
    %dot_general3A = arith.constant dense<0.000000e+00> : vector<2000x128xf32>
    %dot_general3A_15 = tpu.matmul %mul3A, %get3A_14, %dot_general3A {dimension_numbers = #tpu.dot_dimension_numbers<[1], [1], [0], [0], [0, 0, 1, 0], [], []>, transpose_lhs_hint = false} : vector<2000x128xf32>, vector<128x128xf32>, vector<2000x128xf32> -> vector<2000x128xf32>
    %get3A_16 = arith.constant 0 : index
    %get3A_17 = arith.constant 0 : index
    %get3A_18 = vector.load %arg3[%get3A_16, %get3A_17] : memref<2000x128xf32, #tpu.memory_space<vmem>>, vector<2000x128xf32>
    %get3A_19 = arith.constant 0 : index
    %get3A_20 = arith.constant 0 : index
    %get3A_21 = vector.load %arg6[%get3A_19, %get3A_20] : memref<128x128xf32, #tpu.memory_space<vmem>>, vector<128x128xf32>
    %dot_general3A_22 = arith.constant dense<0.000000e+00> : vector<2000x128xf32>
    %dot_general3A_23 = tpu.matmul %get3A_18, %get3A_21, %dot_general3A_22 {dimension_numbers = #tpu.dot_dimension_numbers<[1], [1], [0], [0], [0, 0, 1, 0], [], []>, transpose_lhs_hint = false} : vector<2000x128xf32>, vector<128x128xf32>, vector<2000x128xf32> -> vector<2000x128xf32>
    %add3A_24 = arith.addf %dot_general3A_15, %dot_general3A_23 : vector<2000x128xf32>
    %get3A_25 = arith.constant 0 : index
    %get3A_26 = arith.constant 0 : index
    %get3A_27 = vector.load %arg5[%get3A_25, %get3A_26] : memref<1x128xf32, #tpu.memory_space<vmem>>, vector<1x128xf32>
    %add3A_28 = vector.broadcast %get3A_27 : vector<1x128xf32> to vector<2000x128xf32>
    %add3A_29 = arith.addf %add3A_24, %add3A_28 : vector<2000x128xf32>
    %max3A = arith.constant 0.000000e+00 : f32
    %max3A_30 = vector.broadcast %max3A : f32 to vector<2000x128xf32>
    %max3A_31 = arith.maximumf %add3A_29, %max3A_30 : vector<2000x128xf32>
    %swap3A = arith.constant 0 : index
    %swap3A_32 = arith.constant 0 : index
    %swap3A_33 = vector.load %arg7[%swap3A, %swap3A_32] : memref<2000x128xf32, #tpu.memory_space<vmem>>, vector<2000x128xf32>
    tpu.vector_store %arg7[%swap3A, %swap3A_32], %max3A_31 {strides = array<i32>} : memref<2000x128xf32, #tpu.memory_space<vmem>>, vector<2000x128xf32>,
    return
  }
  func.func @transform_0(%arg0: i32) -> (i32, i32, i32) {
    %c0_i32 = arith.constant 0 : i32
    %c0_i32_0 = arith.constant 0 : i32
    %c0_i32_1 = arith.constant 0 : i32
    return %c0_i32, %arg0, %c0_i32_0 : i32, i32, i32
  }
  func.func @transform_1(%arg0: i32) -> (i32, i32) {
    %c0_i32 = arith.constant 0 : i32
    %c0_i32_0 = arith.constant 0 : i32
    return %arg0, %c0_i32 : i32, i32
  }
  func.func @transform_2(%arg0: i32) -> (i32, i32) {
    %c0_i32 = arith.constant 0 : i32
    %c0_i32_0 = arith.constant 0 : i32
    return %arg0, %c0_i32 : i32, i32
  }
  func.func @transform_3(%arg0: i32) -> (i32, i32) {
    %c0_i32 = arith.constant 0 : i32
    %c0_i32_0 = arith.constant 0 : i32
    %c0_i32_1 = arith.constant 0 : i32
    return %c0_i32, %c0_i32_0 : i32, i32
  }
  func.func @transform_4(%arg0: i32) -> (i32, i32) {
    %c0_i32 = arith.constant 0 : i32
    %c0_i32_0 = arith.constant 0 : i32
    %c0_i32_1 = arith.constant 0 : i32
    return %c0_i32, %c0_i32_0 : i32, i32
  }
  func.func @transform_5(%arg0: i32) -> (i32, i32) {
    %c0_i32 = arith.constant 0 : i32
    %c0_i32_0 = arith.constant 0 : i32
    %c0_i32_1 = arith.constant 0 : i32
    return %c0_i32, %c0_i32_0 : i32, i32
  }
  func.func @transform_6(%arg0: i32) -> (i32, i32) {
    %c0_i32 = arith.constant 0 : i32
    %c0_i32_0 = arith.constant 0 : i32
    return %arg0, %c0_i32 : i32, i32
  }
}

module attributes {stable_mosaic.version = 14 : i64} {
  func.func @body(%arg0: i32, %arg1: memref<32x1024xf32, #tpu.memory_space<vmem>>, %arg2: memref<1024x128xf32, #tpu.memory_space<vmem>>) attributes {dimension_semantics = [#tpu.dimension_semantics<arbitrary>], iteration_bounds = array<i64: 10>, scalar_prefetch = 0 : i64, scratch_operands = 0 : i64, tpu.core_type = #tpu.core_type<tc>, window_params = [{transform_indices = @transform_0, window_bounds = array<i64: 32, 1024>}, {transform_indices = @transform_1, window_bounds = array<i64: 1024, 128>}]} {
    %broadcast_in_dim3A = arith.constant 1.000000e+00 : f32
    %broadcast_in_dim3A_0 = vector.broadcast %broadcast_in_dim3A : f32 to vector<32x1xf32>
    %get3A = arith.constant 0 : index
    %get3A_1 = arith.constant 0 : index
    %get3A_2 = vector.load %arg1[%get3A, %get3A_1] : memref<32x1024xf32, #tpu.memory_space<vmem>>, vector<32x1024xf32>
    %dot_general3A = arith.constant dense<0.000000e+00> : vector<1024x1xf32>
    %dot_general3A_3 = tpu.matmul %get3A_2, %broadcast_in_dim3A_0, %dot_general3A {dimension_numbers = #tpu.dot_dimension_numbers<[0], [0], [1], [1], [0, 1, 1, 1], [], []>, transpose_lhs_hint = false} : vector<32x1024xf32>, vector<32x1xf32>, vector<1024x1xf32> -> vector<1024x1xf32>
    %max3A = arith.constant 1.000000e+00 : f32
    %max3A_4 = vector.broadcast %max3A : f32 to vector<1024x1xf32>
    %max3A_5 = arith.maximumf %dot_general3A_3, %max3A_4 : vector<1024x1xf32>
    %div3A = arith.constant 1.000000e+00 : f32
    %div3A_6 = vector.broadcast %div3A : f32 to vector<1024x1xf32>
    %div3A_7 = arith.divf %div3A_6, %max3A_5 : vector<1024x1xf32>
    %broadcast_in_dim3A_8 = vector.shape_cast %div3A_7 : vector<1024x1xf32> to vector<1024x1xf32>
    %broadcast_in_dim3A_9 = vector.broadcast %broadcast_in_dim3A_8 : vector<1024x1xf32> to vector<1024x128xf32>
    %swap3A = arith.constant 0 : index
    %swap3A_10 = arith.constant 0 : index
    %swap3A_11 = vector.load %arg2[%swap3A, %swap3A_10] : memref<1024x128xf32, #tpu.memory_space<vmem>>, vector<1024x128xf32>
    tpu.vector_store %arg2[%swap3A, %swap3A_10], %broadcast_in_dim3A_9 {strides = array<i32>} : memref<1024x128xf32, #tpu.memory_space<vmem>>, vector<1024x128xf32>,
    return
  }
  func.func @transform_0(%arg0: i32) -> (i32, i32) {
    %c0_i32 = arith.constant 0 : i32
    %c0_i32_0 = arith.constant 0 : i32
    return %c0_i32, %arg0 : i32, i32
  }
  func.func @transform_1(%arg0: i32) -> (i32, i32) {
    %c0_i32 = arith.constant 0 : i32
    %c0_i32_0 = arith.constant 0 : i32
    return %arg0, %c0_i32 : i32, i32
  }
}

module attributes {stable_mosaic.version = 14 : i64} {
  func.func @body(%arg0: i32, %arg1: memref<2x2000x128xf32, #tpu.memory_space<vmem>>, %arg2: memref<2000x128xf32, #tpu.memory_space<vmem>>, %arg3: memref<2000x128xf32, #tpu.memory_space<vmem>>, %arg4: memref<128x128xf32, #tpu.memory_space<vmem>>, %arg5: memref<1x128xf32, #tpu.memory_space<vmem>>, %arg6: memref<128x128xf32, #tpu.memory_space<vmem>>, %arg7: memref<2000x128xf32, #tpu.memory_space<vmem>>) attributes {dimension_semantics = [#tpu.dimension_semantics<arbitrary>], iteration_bounds = array<i64: 5>, scalar_prefetch = 0 : i64, scratch_operands = 0 : i64, tpu.core_type = #tpu.core_type<tc>, window_params = [{transform_indices = @transform_0, window_bounds = array<i64: 2, 2000, 128>}, {transform_indices = @transform_1, window_bounds = array<i64: 2000, 128>}, {transform_indices = @transform_2, window_bounds = array<i64: 2000, 128>}, {pipeline_mode = #tpu.pipeline_mode<synchronous>, transform_indices = @transform_3, window_bounds = array<i64: 128, 128>}, {pipeline_mode = #tpu.pipeline_mode<synchronous>, transform_indices = @transform_4, window_bounds = array<i64: 1, 128>}, {pipeline_mode = #tpu.pipeline_mode<synchronous>, transform_indices = @transform_5, window_bounds = array<i64: 128, 128>}, {transform_indices = @transform_6, window_bounds = array<i64: 2000, 128>}]} {
    %get3A = arith.constant 0 : index
    %get3A_0 = arith.constant 0 : index
    %get3A_1 = arith.constant 0 : index
    %get3A_2 = vector.load %arg1[%get3A, %get3A_0, %get3A_1] : memref<2x2000x128xf32, #tpu.memory_space<vmem>>, vector<1x2000x128xf32>
    %get3A_3 = vector.shape_cast %get3A_2 : vector<1x2000x128xf32> to vector<2000x128xf32>
    %get3A_4 = arith.constant 1 : index
    %get3A_5 = arith.constant 0 : index
    %get3A_6 = arith.constant 0 : index
    %get3A_7 = vector.load %arg1[%get3A_4, %get3A_5, %get3A_6] : memref<2x2000x128xf32, #tpu.memory_space<vmem>>, vector<1x2000x128xf32>
    %get3A_8 = vector.shape_cast %get3A_7 : vector<1x2000x128xf32> to vector<2000x128xf32>
    %add3A = arith.addf %get3A_3, %get3A_8 : vector<2000x128xf32>
    %get3A_9 = arith.constant 0 : index
    %get3A_10 = arith.constant 0 : index
    %get3A_11 = vector.load %arg2[%get3A_9, %get3A_10] : memref<2000x128xf32, #tpu.memory_space<vmem>>, vector<2000x128xf32>
    %mul3A = arith.mulf %add3A, %get3A_11 : vector<2000x128xf32>
    %get3A_12 = arith.constant 0 : index
    %get3A_13 = arith.constant 0 : index
    %get3A_14 = vector.load %arg4[%get3A_12, %get3A_13] : memref<128x128xf32, #tpu.memory_space<vmem>>, vector<128x128xf32>
    %dot_general3A = arith.constant dense<0.000000e+00> : vector<2000x128xf32>
    %dot_general3A_15 = tpu.matmul %mul3A, %get3A_14, %dot_general3A {dimension_numbers = #tpu.dot_dimension_numbers<[1], [1], [0], [0], [0, 0, 1, 0], [], []>, transpose_lhs_hint = false} : vector<2000x128xf32>, vector<128x128xf32>, vector<2000x128xf32> -> vector<2000x128xf32>
    %get3A_16 = arith.constant 0 : index
    %get3A_17 = arith.constant 0 : index
    %get3A_18 = vector.load %arg3[%get3A_16, %get3A_17] : memref<2000x128xf32, #tpu.memory_space<vmem>>, vector<2000x128xf32>
    %get3A_19 = arith.constant 0 : index
    %get3A_20 = arith.constant 0 : index
    %get3A_21 = vector.load %arg6[%get3A_19, %get3A_20] : memref<128x128xf32, #tpu.memory_space<vmem>>, vector<128x128xf32>
    %dot_general3A_22 = arith.constant dense<0.000000e+00> : vector<2000x128xf32>
    %dot_general3A_23 = tpu.matmul %get3A_18, %get3A_21, %dot_general3A_22 {dimension_numbers = #tpu.dot_dimension_numbers<[1], [1], [0], [0], [0, 0, 1, 0], [], []>, transpose_lhs_hint = false} : vector<2000x128xf32>, vector<128x128xf32>, vector<2000x128xf32> -> vector<2000x128xf32>
    %add3A_24 = arith.addf %dot_general3A_15, %dot_general3A_23 : vector<2000x128xf32>
    %get3A_25 = arith.constant 0 : index
    %get3A_26 = arith.constant 0 : index
    %get3A_27 = vector.load %arg5[%get3A_25, %get3A_26] : memref<1x128xf32, #tpu.memory_space<vmem>>, vector<1x128xf32>
    %add3A_28 = vector.broadcast %get3A_27 : vector<1x128xf32> to vector<2000x128xf32>
    %add3A_29 = arith.addf %add3A_24, %add3A_28 : vector<2000x128xf32>
    %swap3A = arith.constant 0 : index
    %swap3A_30 = arith.constant 0 : index
    %swap3A_31 = vector.load %arg7[%swap3A, %swap3A_30] : memref<2000x128xf32, #tpu.memory_space<vmem>>, vector<2000x128xf32>
    tpu.vector_store %arg7[%swap3A, %swap3A_30], %add3A_29 {strides = array<i32>} : memref<2000x128xf32, #tpu.memory_space<vmem>>, vector<2000x128xf32>,
    return
  }
  func.func @transform_0(%arg0: i32) -> (i32, i32, i32) {
    %c0_i32 = arith.constant 0 : i32
    %c0_i32_0 = arith.constant 0 : i32
    %c0_i32_1 = arith.constant 0 : i32
    return %c0_i32, %arg0, %c0_i32_0 : i32, i32, i32
  }
  func.func @transform_1(%arg0: i32) -> (i32, i32) {
    %c0_i32 = arith.constant 0 : i32
    %c0_i32_0 = arith.constant 0 : i32
    return %arg0, %c0_i32 : i32, i32
  }
  func.func @transform_2(%arg0: i32) -> (i32, i32) {
    %c0_i32 = arith.constant 0 : i32
    %c0_i32_0 = arith.constant 0 : i32
    return %arg0, %c0_i32 : i32, i32
  }
  func.func @transform_3(%arg0: i32) -> (i32, i32) {
    %c0_i32 = arith.constant 0 : i32
    %c0_i32_0 = arith.constant 0 : i32
    %c0_i32_1 = arith.constant 0 : i32
    return %c0_i32, %c0_i32_0 : i32, i32
  }
  func.func @transform_4(%arg0: i32) -> (i32, i32) {
    %c0_i32 = arith.constant 0 : i32
    %c0_i32_0 = arith.constant 0 : i32
    %c0_i32_1 = arith.constant 0 : i32
    return %c0_i32, %c0_i32_0 : i32, i32
  }
  func.func @transform_5(%arg0: i32) -> (i32, i32) {
    %c0_i32 = arith.constant 0 : i32
    %c0_i32_0 = arith.constant 0 : i32
    %c0_i32_1 = arith.constant 0 : i32
    return %c0_i32, %c0_i32_0 : i32, i32
  }
  func.func @transform_6(%arg0: i32) -> (i32, i32) {
    %c0_i32 = arith.constant 0 : i32
    %c0_i32_0 = arith.constant 0 : i32
    return %arg0, %c0_i32 : i32, i32
  }
}

</mosaic_0001>

<sc_bundles>
// kernel: kernel.10.cloned.1.call-start
scs
__scs_entry_jumppad:
0x0: {  	(pc) =	sbr.rel $0x88, $3  }
0x1: {  	(tag) =	ssettag $0x0;
	lr =	simm.s32 $0x1  }
0x2: {  	[smem:$0x3F96] =	sst lr;
	_ =	strace $0xD0000000  }
0x3: {  	_ = 	snop  }
0x4: {  	_ = 	snop  }
0x5: {  	_ = 	snop  }
0x6: {  	_ = 	snop  }
0x7: {  	_ = 	snop  }
__scs_overlays_trampoline_lowered:
0x8: {  	[smem:$0x3FA5] =	sst s0  }
0x9: {  	[smem:$0x3FA6] =	sst s1  }
0xa: {  	[smem:$0x3FA7] =	sst s2  }
0xb: {  	[smem:$0x3FA8] =	sst s3  }
0xc: {  	[smem:$0x3FA9] =	sst s4  }
0xd: {  	[smem:$0x3FAA] =	sst s5  }
0xe: {  	[smem:$0x3FAB] =	sst s6  }
0xf: {  	[smem:$0x3FAC] =	sst s7  }
0x10: {  	[smem:$0x3FAD] =	sst s8  }
0x11: {  	[smem:$0x3FAE] =	sst s9;
	s0 =	simm.s32 @!p0 $0x0  }
0x12: {  	s1 =	sld [smem:$0x3F94];
	s0 =	simm.s32 @p0 $0x1  }
0x13: {  	[smem:$0x3FAF] =	sst s0;
	s0 =	simm.s32 @!p1 $0x0  }
0x14: {  	s2 =	sld [smem:$0x3F93];
	s0 =	simm.s32 @p1 $0x1  }
0x15: {  	[smem:$0x3FB0] =	sst s0;
	s0 =	simm.s32 @!p2 $0x0  }
0x16: {  	s3 =	sld [smem:$0x3FDB];
	s0 =	simm.s32 @p2 $0x1  }
0x17: {  	s4 =	simm.s32 $0x1BF5;
	[smem:$0x3FB2] =	sst s0  }
0x18: {  	s0 =	sld [smem:$0x3F95];
	_ =	swait.ge [sflag:s4], $0x0  }
0x19: {  	s7 =	sld [smem:$0x3F96]  }
0x1a: {  	s8 =	sadd.s32 $0xFFFFE003, lr  }
0x1b: {  	s9 =	sadd.s32 $0xFFFFFEF7, lr;
	s5 =	simm.s32 $0xFFFFFFFF;
	p2 =	slt.u32 s8, $0xFFFFF086  }
0x1c: {  	p1 =	slt.u32 s9, $0xF7A;
	s5 =	simm.s32 @!p2 $0x0  }
0x1d: {  	s5 =	simm.s32 @p1 $0x1;
	p0 =	seq.s32 s7, s2  }
0x1e: {  	s7 =	smul.u32 @!p0 $0xF7A, s2;
	p2 =	seq.s32 @!p0 s5, $0x0  }
0x1f: {  	s9 =	smul.u32 $0xF7A, s1;
	s8 =	simm.s32 @!p0 $0x1BF5;
	p2 =	por !p2, p0  }
0x20: {  	[sflag:s8] =	ssyncset.s32 @!p0 $0xFFFFF086;
	s6 =	sadd.s32 @!p0 s3, s7;
	s7 =	simm.s32 @!p0 $0x108  }
0x21: {  	s3 =	sadd.s32 s3, s9;
	s6 =	sadd.s32 @!p0 $0x88, s6;
	s7 =	simm.s32 @p2 $0x1082  }
0x22: {  	[simem:s7], [sflag:s8] =	dma.local @!p0 [hbm:s6], $0xF7A  }
0x23: {  	s9 =	sor.u32 $0xD0000000, s2;
	s6 =	simm.s32 $0x108;
	_ =	swait.ge @!p0 [sflag:s8], $0x0  }
0x24: {  	s3 =	sadd.s32 $0x88, s3;
	s6 =	simm.s32 @!p1 $0x1082;
	[sflag:s4] =	ssyncset.s32 $0xFFFFF086  }
0x25: {  	[simem:s6], [sflag:s4] =	dma.local [hbm:s3], $0xF7A  }
0x26: {  	[smem:$0x3F96] =	sst s1;
	(tag) =	ssettag s2;
	_ =	strace s9  }
0x27: {  	s1 =	sld [smem:$0x3FA6]  }
0x28: {  	s2 =	sld [smem:$0x3FA7]  }
0x29: {  	s4 =	sld [smem:$0x3FA9]  }
0x2a: {  	p0 =	seq.s32 s5, $0x0;
	s5 =	sld [smem:$0x3FAA]  }
0x2b: {  	s6 =	sld [smem:$0x3FAB]  }
0x2c: {  	s7 =	sld [smem:$0x3FAC]  }
0x2d: {  	s3 =	simm.s32 $0x108;
	s8 =	sld [smem:$0x3FAD]  }
0x2e: {  	s3 =	simm.s32 @!p0 $0x1082;
	s9 =	sld [smem:$0x3FAE]  }
0x2f: {  	lr =	sadd.s32 s0, s3;
	s0 =	sld [smem:$0x3FA5]  }
0x30: {  	s3 =	sld [smem:$0x3FA8]  }
0x31: {  	[smem:$0x3FB1] =	sst s10  }
0x32: {  	s10 =	sld [smem:$0x3FAF];
	_ =	sdelay $0x3  }
0x33: {  	p0 =	seq.s32 s10, $0x1;
	s10 =	sld [smem:$0x3FB1];
	_ =	sdelay $0x3  }
0x34: {  	[smem:$0x3FB1] =	sst s10  }
0x35: {  	s10 =	sld [smem:$0x3FB0];
	_ =	sdelay $0x3  }
0x36: {  	p1 =	seq.s32 s10, $0x1;
	s10 =	sld [smem:$0x3FB1];
	_ =	sdelay $0x3  }
0x37: {  	[smem:$0x3FB1] =	sst s10  }
0x38: {  	s10 =	sld [smem:$0x3FB2]  }
0x39: {  	_ = 	snop;
	(pc) =	sbr.ind lr, $3  }
0x3a: {  	_ = 	snop  }
0x3b: {  	_ = 	snop  }
0x3c: {  	p2 =	seq.s32 s10, $0x1;
	s10 =	sld [smem:$0x3FB1]  }
0x3d: {  	_ =	shalt  }
0x3e: {  	_ =	shalt  }
0x3f: {  	_ =	shalt  }
0x40: {  	_ =	shalt  }
0x41: {  	_ =	shalt  }
0x42: {  	_ =	shalt  }
0x43: {  	_ =	shalt  }
0x44: {  	_ =	shalt  }
0x45: {  	_ =	shalt  }
0x46: {  	_ =	shalt  }
0x47: {  	_ =	shalt  }
0x48: {  	_ =	shalt  }
0x49: {  	_ =	shalt  }
0x4a: {  	_ =	shalt  }
0x4b: {  	_ =	shalt  }
0x4c: {  	_ =	shalt  }
0x4d: {  	_ =	shalt  }
0x4e: {  	_ =	shalt  }
0x4f: {  	_ =	shalt  }
0x50: {  	_ =	shalt  }
0x51: {  	_ =	shalt  }
0x52: {  	_ =	shalt  }
0x53: {  	_ =	shalt  }
0x54: {  	_ =	shalt  }
0x55: {  	_ =	shalt  }
0x56: {  	_ =	shalt  }
0x57: {  	_ =	shalt  }
0x58: {  	_ =	shalt  }
0x59: {  	_ =	shalt  }
0x5a: {  	_ =	shalt  }
0x5b: {  	_ =	shalt  }
0x5c: {  	_ =	shalt  }
0x5d: {  	_ =	shalt  }
0x5e: {  	_ =	shalt  }
0x5f: {  	_ =	shalt  }
0x60: {  	_ =	shalt  }
0x61: {  	_ =	shalt  }
0x62: {  	_ =	shalt  }
0x63: {  	_ =	shalt  }
0x64: {  	_ =	shalt  }
0x65: {  	_ =	shalt  }
0x66: {  	_ =	shalt  }
0x67: {  	_ =	shalt  }
0x68: {  	_ =	shalt  }
0x69: {  	_ =	shalt  }
0x6a: {  	_ =	shalt  }
0x6b: {  	_ =	shalt  }
0x6c: {  	_ =	shalt  }
0x6d: {  	_ =	shalt  }
0x6e: {  	_ =	shalt  }
0x6f: {  	_ =	shalt  }
0x70: {  	_ =	shalt  }
0x71: {  	_ =	shalt  }
0x72: {  	_ =	shalt  }
0x73: {  	_ =	shalt  }
0x74: {  	_ =	shalt  }
0x75: {  	_ =	shalt  }
0x76: {  	_ =	shalt  }
0x77: {  	_ =	shalt  }
0x78: {  	_ =	shalt  }
0x79: {  	_ =	shalt  }
0x7a: {  	_ =	shalt  }
0x7b: {  	_ =	shalt  }
0x7c: {  	_ =	shalt  }
0x7d: {  	_ =	shalt  }
0x7e: {  	_ =	shalt  }
0x7f: {  	_ =	shalt  }
0x80: {  	_ =	shalt  }
0x81: {  	_ =	shalt  }
0x82: {  	_ =	shalt  }
0x83: {  	_ =	shalt  }
0x84: {  	_ =	shalt  }
0x85: {  	_ =	shalt  }
0x86: {  	_ =	shalt  }
0x87: {  	_ =	shalt  }
.Lfunc_end0:
.L_simem_size_0:
called_computation_lowered:
.L_overlay_start_0:
0x88: {  	s2 =	sld [smem:$0x3FD9]  }
0x89: {  	s3 =	sld [smem:$0x3FFE];
	_ =	sdelay $0x1  }
0x8a: {  	s1 =	srdreg.scid  }
0x8b: {  	s0 =	sand.u32 $0x1, s1  }
0x8c: {  	s17 =	sshll.u32 s0, $0xA;
	s2 =	sadd.s32 s3, s2  }
0x8d: {  	s2 =	sadd.s32 s2, s17  }
0x8e: {  	[smem:$0x3FBD] =	sst s2  }
0x8f: {  	_ = 	snop  }
0x90: {  	s2 =	sld [smem:$0x3FD0];
	(tm) =	ssettm $0x1  }
0x91: {  	s18 =	sld [smem:$0x3FFB];
	_ =	sdelay $0x3  }
0x92: {  	_ =	strace s18  }
0x93: {  	s3 =	sld [smem:$0x3FFC];
	_ =	sdelay $0x3  }
0x94: {  	_ =	strace s3  }
0x95: {  	s3 =	sld [smem:$0x3FFD];
	_ =	sdelay $0x3  }
0x96: {  	_ =	strace s3  }
0x97: {  	_ =	strace $0x8FFFFFFF  }
0x98: {  	s19 =	sld [smem:$0x3FDB];
	_ =	sdelay $0x1  }
0x99: {  	s4 =	simm.s32 $_scs_section_size  }
0x9a: {  	s5 =	simm.s32 $_size__tile_overlayer_lowered;
	s6 =	simm.s32 $_tile_overlayer_lowered  }
0x9b: {  	s22 =	simm.s32 $0x1BFF;
	s21 =	sshll.u32 s6, $0x1;
	s3 =	sadd.s32 s4, s19  }
0x9c: {  	s7 =	simm.s32 $0x0;
	s20 =	sshll.u32 s5, $0x1;
	s5 =	sadd.s32 s21, s3  }
0x9d: {  	[timem:s7], [sflag:s22] =	dma.local [hbm:s5], s20  }
0x9e: {  	_ =	swait.ge [sflag:s22], s20  }
0x9f: {  	s4 =	ssub.s32 $0x0, s20;
	[sflag:s22] =	ssyncset.done $0x0  }
0xa0: {  	[sflag:s22] =	ssyncadd.s32 s4;
	_ =	sdelay $0x1  }
0xa1: {  	s23 =	simm.s32 $0x1B8B  }
0xa2: {  	_ =	swait.ge [sflag:s23], $0x1  }
0xa3: {  	[sflag:s23] =	ssyncset.done $0x0  }
0xa4: {  	s25 =	simm.s32 $0x1B8E;
	s24 =	sld [smem:$0x3FFE];
	[sflag:s23] =	ssyncadd.s32 $0xFFFFFFFF  }
0xa5: {  	s26 =	simm.s32 $execute0_lowered;
	[smem:$0x3FD2] =	sst s25  }
0xa6: {  	s5 =	sshll.u32 s26, $0x1;
	_ =	strace $0x80000046;
	[dreg:$0x1] =	wrdreg $0xFFFFFFFF  }
0xa7: {  	s28 =	simm.s32 $_size_execute0_lowered;
	s3 =	sadd.s32 s3, s5;
	[dreg:$0x0] =	wrdreg $0x0  }
0xa8: {  	s5 =	sshll.u32 s28, $0x1;
	[dreg:$0x2] =	wrdreg s3  }
0xa9: {  	[dreg:$0x3] =	wrdreg s5  }
0xaa: {  	[dreg:$0x4] =	wrdreg $0xC0  }
0xab: {  	_ =	task [dreg:s7], $0x5FFFF  }
0xac: {  	[dreg:$0x1] =	wrdreg $0xFFFFFFFF  }
0xad: {  	[dreg:$0x0] =	wrdreg $0x60  }
0xae: {  	[dreg:$0x2] =	wrdreg s24  }
0xaf: {  	[dreg:$0x3] =	wrdreg s2  }
0xb0: {  	[dreg:$0x4] =	wrdreg $0x9  }
0xb1: {  	_ =	task.clear_ibuf [dreg:s7], $0x5FFFF;
	_ =	strace $0x90000046  }
0xb2: {  	s29 =	simm.s32 $0x9;
	_ =	strace $0x80000048  }
0xb3: {  	_ =	swait.ge [sflag:s29], $0x1  }
0xb4: {  	[sflag:s29] =	ssyncadd.s32 $0xFFFFFFFF  }
0xb5: {  	_ =	strace $0x90000048  }
0xb6: {  	_ =	sfence  }
0xb7: {  	s30 =	sld [smem:$0x0];
	_ =	sdelay $0x2  }
0xb8: {  	s31 =	sshll.u32 s1, $0xD;
	s1 =	sshrl.u32 s1, $0x2  }
0xb9: {  	s3 =	sand.u32 $0x4000, s31;
	s1 =	sadd.s32 s1, s30  }
0xba: {  	s0 =	sor.u32 s3, s0;
	s1 =	sshll.u32 s1, $0x11  }
0xbb: {  	s0 =	sor.u32 s1, s0  }
0xbc: {  	s0 =	sadd.s32 $0x8F2B, s0  }
0xbd: {  	[sflag:s0] =	ssyncadd.remote.s32 $0x1  }
0xbe: {  	_ =	sfence.sel $0xFFFF  }
0xbf: {  	[dreg:$0x0] =	wrdreg $0xFFFFFFFF;
	(pc) =	sbr.abs _section_cstart, $3  }
0xc0: {  	[dreg:$0x1] =	wrdreg $0xFFFFFFFF  }
0xc1: {  	_ =	task.clear_ibuf [dreg:s7], $0x2FFFF;
	_ =	strace $0x9FFFFFFF  }
0xc2: {  	(tm) =	ssettm $0x7FFFFFFF  }
0xc3: {  	_ =	shalt  }
tec
execute0_lowered:
.L_overlay_start_1:
0x0: {  	(tag) =	ssettag $0x1  }
0x1: {  	s3 =	rddreg [dreg:$0x0];
	s1 =	srdreg.scid  }
0x2: {  	s0 =	stileid.u32;
	s4 =	rddreg [dreg:$0x1]  }
0x3: {  	s2 =	simm.s32 $0x0;
	s5 =	sand.u32 $0x1, s1;
	s1 =	rddreg [dreg:$0x2]  }
0x4: {  	s6 =	sshll.u32 s0, $0x1;
	[smem:$0x7FF] =	sst s2  }
0x5: {  	s8 =	sshrl.u32 s0, $0x2;
	s6 =	sor.u32 s5, s6;
	_ =	strace $0x80000047  }
0x6: {  	s5 =	ssub.s32 $0x2, s5;
	s7 =	smul.u32 $0x2710, s6;
	s6 =	sshll.u32 s6, $0x7  }
0x7: {  	s8 =	smul.u32 $0x14000, s8;
	s9 =	sshrl.u32 s5, $0x1;
	s6 =	sand.u32 $0x380, s6  }
0x8: {  	s5 =	ssub.s32 s5, s9;
	s9 =	simm.s32 $0x400;
	s7 =	sshrl.u32 s7, $0x3  }
0x9: {  	s6 =	sor.u32 s8, s6;
	s5 =	smax.u32 s5, $0x1;
	s8 =	simm.s32 $0x80  }
0xa: {  	s3 =	sadd.s32 s3, s7;
	s6 =	sshrl.u32 s6, $0x3;
	s7 =	simm.s32 $0x2780  }
0xb: {  	v0 =	vimm.f32 $0.0e+00;
	v1 =	vimm.f32 $1.000000000e+00;
	s3 =	sadd.s32 $0xD240, s3;
	s4 =	sadd.s32 s4, s6;
	s6 =	simm.s32 $0x1  }
.LBB2_1:
0xc: {  	s10 =	simm.s32 $0x40;
	s11 =	simm.s32 $0x0  }
.LBB2_2:
0xd: {  	p0 =	sne.s32 s10, $0x9FC0;
	[tilespmem:s11+$0x2780] =	vst v0;
	s11 =	smov.u32 s10;
	s10 =	sadd.s32 $0x40, s10  }
.Ltmp0:
0xe: {  	(pc) =	sbr.rel @p0 .LBB2_2-.Ltmp0, $2  }
0xf: {  	_ =	sdelay $0x2  }
0x10: {  	s11 =	sshra.s32 s11, $0x2  }
0x11: {  	[tilespmem:s11+$0x2780] =	vst v0;
	s10 =	simm.s32 $0x0  }
0x12: {  	[tilespmem:s10], [sflag:$0x1] =	stream.linear.gather [hbm4b:s3+s10], $0x2710, $0x38;
	[tilespmem:$0x4F80] =	vst v63  }
0x13: {  	_ =	swait.ge [sflag:s6], $0x2710  }
0x14: {  	[sflag:s6] =	ssyncset.done $0x0  }
0x15: {  	s11 =	simm.s32 $0x0;
	s10 =	simm.s32 $0x40;
	[sflag:s6] =	ssyncadd.s32 $0xFFFFD8F0  }
.LBB2_4:
0x16: {  	p0 =	sne.s32 s10, $0x9C00;
	v2 =	vld [tilespmem:s11+$0x0];
	_ =	sdelay $0x3  }
.Ltmp1:
0x17: {  	(pc) =	sbr.rel @p0 .LBB2_4-.Ltmp1, $2  }
0x18: {  	_ =	sdelay $0x2  }
0x19: {  	s11 =	sshra.s32 s10, $0x2;
	s10 =	sadd.s32 $0x40, s10;
	[tilespmem:v2+s7+$0x0] =	vst.idx.add.f32.msk $0xffff, v1  }
0x1a: {  	v2 =	vld [tilespmem:s11+$0x0];
	_ =	sdelay $0x5  }
0x1b: {  	s2 =	sadd.s32 $0x1, s2  }
0x1c: {  	p0 =	sne.s32 s2, s5  }
.Ltmp2:
0x1d: {  	[tilespmem:v2+s7+$0x0] =	vst.idx.add.f32.msk $0xffff, v1;
	(pc) =	sbr.rel @p0 .LBB2_1-.Ltmp2, $4  }
0x1e: {  	[hbm4b:s4+s8] =	stream.strided.scatter [tilespmem:s7], [sflag:$0x1], $0x2800, s9, s8, $0x38;
	[tilespmem:$0x4F80] =	vst v63  }
0x1f: {  	_ =	swait.ge [sflag:s6], $0x2800  }
0x20: {  	[sflag:s6] =	ssyncset.done $0x0  }
0x21: {  	[sflag:s6] =	ssyncadd.s32 $0xFFFFD800  }
0x22: {  	_ =	sfence.sel $0x180000  }
0x23: {  	[bflag:$0x0] =	sbarrier.arrive $0xFFFF  }
0x24: {  	p0 =	sne.s32 s0, $0x0;
	_ =	strace $0x90000047  }
0x25: {  	s0 =	sadd.s32 @!p0 $0x100000, s1;
	[bflag:$0x2] =	sbarrier.arrive $0xFFFF  }
0x26: {  	[sflag:s0] =	ssyncadd.tile.s32 @!p0 $0x1;
	_ =	shalt  }
.Lfunc_end2:
_tile_overlayer_lowered:
.L_overlay_start_2:
0x27: {  	(tag) =	ssettag $0x2  }
0x28: {  	s0 =	rddreg [dreg:$0x0];
	s2 =	stileid.u32  }
0x29: {  	s1 =	rddreg [dreg:$0x1];
	p0 =	sne.s32 s2, $0x0  }
0x2a: {  	s3 =	rddreg [dreg:$0x2];
	[bflag:$0x3] =	sbarrier.arrive $0xFFFF;
	s2 =	simm.s32 @!p0 $0x1C01  }
0x2b: {  	[timem:s3], [sflag:s2] =	dma.local @!p0 [hbm:s0], s1  }
0x2c: {  	s0 =	simm.s32 @!p0 $0x1  }
0x2d: {  	_ =	swait.ge @!p0 [sflag:s0], s1  }
0x2e: {  	s1 =	ssub.s32 @!p0 $0x0, s1;
	[sflag:s0] =	ssyncset.done @!p0 $0x0  }
0x2f: {  	[sflag:s0] =	ssyncadd.s32 @!p0 s1  }
0x30: {  	[bflag:$0x3] =	sbarrier.arrive $0xFFFF  }
0x31: {  	_ =	shalt  }

// kernel: kernel.13.cloned.1.call-start
scs
__scs_entry_jumppad:
0x0: {  	(pc) =	sbr.rel $0x88, $3  }
0x1: {  	(tag) =	ssettag $0x0;
	lr =	simm.s32 $0x1  }
0x2: {  	[smem:$0x3F96] =	sst lr;
	_ =	strace $0xD0000000  }
0x3: {  	_ = 	snop  }
0x4: {  	_ = 	snop  }
0x5: {  	_ = 	snop  }
0x6: {  	_ = 	snop  }
0x7: {  	_ = 	snop  }
__scs_overlays_trampoline_lowered:
0x8: {  	[smem:$0x3FA5] =	sst s0  }
0x9: {  	[smem:$0x3FA6] =	sst s1  }
0xa: {  	[smem:$0x3FA7] =	sst s2  }
0xb: {  	[smem:$0x3FA8] =	sst s3  }
0xc: {  	[smem:$0x3FA9] =	sst s4  }
0xd: {  	[smem:$0x3FAA] =	sst s5  }
0xe: {  	[smem:$0x3FAB] =	sst s6  }
0xf: {  	[smem:$0x3FAC] =	sst s7  }
0x10: {  	[smem:$0x3FAD] =	sst s8  }
0x11: {  	[smem:$0x3FAE] =	sst s9;
	s0 =	simm.s32 @!p0 $0x0  }
0x12: {  	s1 =	sld [smem:$0x3F94];
	s0 =	simm.s32 @p0 $0x1  }
0x13: {  	[smem:$0x3FAF] =	sst s0;
	s0 =	simm.s32 @!p1 $0x0  }
0x14: {  	s2 =	sld [smem:$0x3F93];
	s0 =	simm.s32 @p1 $0x1  }
0x15: {  	[smem:$0x3FB0] =	sst s0;
	s0 =	simm.s32 @!p2 $0x0  }
0x16: {  	s3 =	sld [smem:$0x3FDB];
	s0 =	simm.s32 @p2 $0x1  }
0x17: {  	s4 =	simm.s32 $0x1BF5;
	[smem:$0x3FB2] =	sst s0  }
0x18: {  	s0 =	sld [smem:$0x3F95];
	_ =	swait.ge [sflag:s4], $0x0  }
0x19: {  	s7 =	sld [smem:$0x3F96]  }
0x1a: {  	s8 =	sadd.s32 $0xFFFFE003, lr  }
0x1b: {  	s9 =	sadd.s32 $0xFFFFFEF7, lr;
	s5 =	simm.s32 $0xFFFFFFFF;
	p2 =	slt.u32 s8, $0xFFFFF086  }
0x1c: {  	p1 =	slt.u32 s9, $0xF7A;
	s5 =	simm.s32 @!p2 $0x0  }
0x1d: {  	s5 =	simm.s32 @p1 $0x1;
	p0 =	seq.s32 s7, s2  }
0x1e: {  	s7 =	smul.u32 @!p0 $0xF7A, s2;
	p2 =	seq.s32 @!p0 s5, $0x0  }
0x1f: {  	s9 =	smul.u32 $0xF7A, s1;
	s8 =	simm.s32 @!p0 $0x1BF5;
	p2 =	por !p2, p0  }
0x20: {  	[sflag:s8] =	ssyncset.s32 @!p0 $0xFFFFF086;
	s6 =	sadd.s32 @!p0 s3, s7;
	s7 =	simm.s32 @!p0 $0x108  }
0x21: {  	s3 =	sadd.s32 s3, s9;
	s6 =	sadd.s32 @!p0 $0x88, s6;
	s7 =	simm.s32 @p2 $0x1082  }
0x22: {  	[simem:s7], [sflag:s8] =	dma.local @!p0 [hbm:s6], $0xF7A  }
0x23: {  	s9 =	sor.u32 $0xD0000000, s2;
	s6 =	simm.s32 $0x108;
	_ =	swait.ge @!p0 [sflag:s8], $0x0  }
0x24: {  	s3 =	sadd.s32 $0x88, s3;
	s6 =	simm.s32 @!p1 $0x1082;
	[sflag:s4] =	ssyncset.s32 $0xFFFFF086  }
0x25: {  	[simem:s6], [sflag:s4] =	dma.local [hbm:s3], $0xF7A  }
0x26: {  	[smem:$0x3F96] =	sst s1;
	(tag) =	ssettag s2;
	_ =	strace s9  }
0x27: {  	s1 =	sld [smem:$0x3FA6]  }
0x28: {  	s2 =	sld [smem:$0x3FA7]  }
0x29: {  	s4 =	sld [smem:$0x3FA9]  }
0x2a: {  	p0 =	seq.s32 s5, $0x0;
	s5 =	sld [smem:$0x3FAA]  }
0x2b: {  	s6 =	sld [smem:$0x3FAB]  }
0x2c: {  	s7 =	sld [smem:$0x3FAC]  }
0x2d: {  	s3 =	simm.s32 $0x108;
	s8 =	sld [smem:$0x3FAD]  }
0x2e: {  	s3 =	simm.s32 @!p0 $0x1082;
	s9 =	sld [smem:$0x3FAE]  }
0x2f: {  	lr =	sadd.s32 s0, s3;
	s0 =	sld [smem:$0x3FA5]  }
0x30: {  	s3 =	sld [smem:$0x3FA8]  }
0x31: {  	[smem:$0x3FB1] =	sst s10  }
0x32: {  	s10 =	sld [smem:$0x3FAF];
	_ =	sdelay $0x3  }
0x33: {  	p0 =	seq.s32 s10, $0x1;
	s10 =	sld [smem:$0x3FB1];
	_ =	sdelay $0x3  }
0x34: {  	[smem:$0x3FB1] =	sst s10  }
0x35: {  	s10 =	sld [smem:$0x3FB0];
	_ =	sdelay $0x3  }
0x36: {  	p1 =	seq.s32 s10, $0x1;
	s10 =	sld [smem:$0x3FB1];
	_ =	sdelay $0x3  }
0x37: {  	[smem:$0x3FB1] =	sst s10  }
0x38: {  	s10 =	sld [smem:$0x3FB2]  }
0x39: {  	_ = 	snop;
	(pc) =	sbr.ind lr, $3  }
0x3a: {  	_ = 	snop  }
0x3b: {  	_ = 	snop  }
0x3c: {  	p2 =	seq.s32 s10, $0x1;
	s10 =	sld [smem:$0x3FB1]  }
0x3d: {  	_ =	shalt  }
0x3e: {  	_ =	shalt  }
0x3f: {  	_ =	shalt  }
0x40: {  	_ =	shalt  }
0x41: {  	_ =	shalt  }
0x42: {  	_ =	shalt  }
0x43: {  	_ =	shalt  }
0x44: {  	_ =	shalt  }
0x45: {  	_ =	shalt  }
0x46: {  	_ =	shalt  }
0x47: {  	_ =	shalt  }
0x48: {  	_ =	shalt  }
0x49: {  	_ =	shalt  }
0x4a: {  	_ =	shalt  }
0x4b: {  	_ =	shalt  }
0x4c: {  	_ =	shalt  }
0x4d: {  	_ =	shalt  }
0x4e: {  	_ =	shalt  }
0x4f: {  	_ =	shalt  }
0x50: {  	_ =	shalt  }
0x51: {  	_ =	shalt  }
0x52: {  	_ =	shalt  }
0x53: {  	_ =	shalt  }
0x54: {  	_ =	shalt  }
0x55: {  	_ =	shalt  }
0x56: {  	_ =	shalt  }
0x57: {  	_ =	shalt  }
0x58: {  	_ =	shalt  }
0x59: {  	_ =	shalt  }
0x5a: {  	_ =	shalt  }
0x5b: {  	_ =	shalt  }
0x5c: {  	_ =	shalt  }
0x5d: {  	_ =	shalt  }
0x5e: {  	_ =	shalt  }
0x5f: {  	_ =	shalt  }
0x60: {  	_ =	shalt  }
0x61: {  	_ =	shalt  }
0x62: {  	_ =	shalt  }
0x63: {  	_ =	shalt  }
0x64: {  	_ =	shalt  }
0x65: {  	_ =	shalt  }
0x66: {  	_ =	shalt  }
0x67: {  	_ =	shalt  }
0x68: {  	_ =	shalt  }
0x69: {  	_ =	shalt  }
0x6a: {  	_ =	shalt  }
0x6b: {  	_ =	shalt  }
0x6c: {  	_ =	shalt  }
0x6d: {  	_ =	shalt  }
0x6e: {  	_ =	shalt  }
0x6f: {  	_ =	shalt  }
0x70: {  	_ =	shalt  }
0x71: {  	_ =	shalt  }
0x72: {  	_ =	shalt  }
0x73: {  	_ =	shalt  }
0x74: {  	_ =	shalt  }
0x75: {  	_ =	shalt  }
0x76: {  	_ =	shalt  }
0x77: {  	_ =	shalt  }
0x78: {  	_ =	shalt  }
0x79: {  	_ =	shalt  }
0x7a: {  	_ =	shalt  }
0x7b: {  	_ =	shalt  }
0x7c: {  	_ =	shalt  }
0x7d: {  	_ =	shalt  }
0x7e: {  	_ =	shalt  }
0x7f: {  	_ =	shalt  }
0x80: {  	_ =	shalt  }
0x81: {  	_ =	shalt  }
0x82: {  	_ =	shalt  }
0x83: {  	_ =	shalt  }
0x84: {  	_ =	shalt  }
0x85: {  	_ =	shalt  }
0x86: {  	_ =	shalt  }
0x87: {  	_ =	shalt  }
.Lfunc_end0:
.L_simem_size_0:
called_computation.1_lowered:
.L_overlay_start_0:
0x88: {  	s2 =	sld [smem:$0x3FD9]  }
0x89: {  	s3 =	sld [smem:$0x3FFE];
	_ =	sdelay $0x1  }
0x8a: {  	s1 =	srdreg.scid  }
0x8b: {  	s0 =	sand.u32 $0x1, s1  }
0x8c: {  	s17 =	sshll.u32 s0, $0xA;
	s2 =	sadd.s32 s3, s2  }
0x8d: {  	s2 =	sadd.s32 s2, s17  }
0x8e: {  	[smem:$0x3FBD] =	sst s2  }
0x8f: {  	_ = 	snop  }
0x90: {  	s18 =	sld [smem:$0x3FC9];
	(tm) =	ssettm $0x1  }
0x91: {  	s19 =	sld [smem:$0x3FFB];
	_ =	sdelay $0x3  }
0x92: {  	_ =	strace s19  }
0x93: {  	s2 =	sld [smem:$0x3FFC];
	_ =	sdelay $0x3  }
0x94: {  	_ =	strace s2  }
0x95: {  	s2 =	sld [smem:$0x3FFD];
	_ =	sdelay $0x3  }
0x96: {  	_ =	strace s2  }
0x97: {  	_ =	strace $0x8FFFFFFF  }
0x98: {  	s20 =	sld [smem:$0x3FDB];
	_ =	sdelay $0x1  }
0x99: {  	s4 =	simm.s32 $_scs_section_size  }
0x9a: {  	s5 =	simm.s32 $_size__tile_overlayer_lowered;
	s6 =	simm.s32 $_tile_overlayer_lowered  }
0x9b: {  	s7 =	simm.s32 $0x1BFF;
	s21 =	sshll.u32 s6, $0x1;
	s4 =	sadd.s32 s4, s20  }
0x9c: {  	s22 =	simm.s32 $0x0;
	s5 =	sshll.u32 s5, $0x1;
	s6 =	sadd.s32 s21, s4  }
0x9d: {  	[timem:s22], [sflag:s7] =	dma.local [hbm:s6], s5  }
0x9e: {  	_ =	swait.ge [sflag:s7], s5  }
0x9f: {  	s5 =	ssub.s32 $0x0, s5;
	[sflag:s7] =	ssyncset.done $0x0  }
0xa0: {  	[sflag:s7] =	ssyncadd.s32 s5;
	_ =	sdelay $0x1  }
0xa1: {  	s23 =	simm.s32 $0x1B8B  }
0xa2: {  	_ =	swait.ge [sflag:s23], $0x1  }
0xa3: {  	[sflag:s23] =	ssyncset.done $0x0  }
0xa4: {  	[sflag:s23] =	ssyncadd.s32 $0xFFFFFFFF  }
0xa5: {  	s5 =	sld [smem:$0x0]  }
0xa6: {  	s6 =	sand.u32 $0xFFFFFFFE, s1  }
0xa7: {  	p0 =	sne.s32 s1, s6  }
0xa8: {  	s6 =	sshll.u32 @p0 s6, $0xE  }
0xa9: {  	s6 =	sadd.s32 @p0 $0x11B8D, s6;
	s7 =	sshll.u32 @p0 s5, $0x11  }
0xaa: {  	s6 =	sor.u32 @p0 s7, s6  }
0xab: {  	[sflag:s6] =	ssyncadd.remote.s32 @p0 $0x1;
	_ =	sdelay $0x1  }
0xac: {  	s6 =	simm.s32 @p0 $0x1B8D  }
0xad: {  	_ =	swait.eq @p0 [sflag:s6], $0x1  }
0xae: {  	[sflag:s6] =	ssyncadd.s32 @p0 $0xFFFFFFFF  }
0xaf: {  	s7 =	sshll.u32 @!p0 s1, $0xE  }
0xb0: {  	s7 =	sor.u32 @!p0 $0x4000, s7;
	s6 =	simm.s32 @!p0 $0x1B8D  }
0xb1: {  	s5 =	sshll.u32 @!p0 s5, $0x11;
	s7 =	sadd.s32 @!p0 $0x11B8D, s7;
	_ =	swait.eq @!p0 [sflag:s6], $0x1  }
0xb2: {  	s5 =	sor.u32 @!p0 s5, s7;
	[sflag:s6] =	ssyncadd.s32 @!p0 $0xFFFFFFFF  }
0xb3: {  	s25 =	simm.s32 $0x1B8E;
	s24 =	sld [smem:$0x3FFE];
	[sflag:s5] =	ssyncadd.remote.s32 @!p0 $0x1  }
0xb4: {  	s26 =	simm.s32 $execute0_lowered;
	[smem:$0x3FD2] =	sst s25  }
0xb5: {  	s6 =	sshll.u32 s26, $0x1;
	_ =	strace $0x80000049;
	[dreg:$0x1] =	wrdreg $0xFFFFFFFF  }
0xb6: {  	s28 =	simm.s32 $_size_execute0_lowered;
	s4 =	sadd.s32 s4, s6;
	[dreg:$0x0] =	wrdreg $0x0  }
0xb7: {  	s6 =	sshll.u32 s28, $0x1;
	[dreg:$0x2] =	wrdreg s4  }
0xb8: {  	[dreg:$0x3] =	wrdreg s6  }
0xb9: {  	[dreg:$0x4] =	wrdreg $0xC0  }
0xba: {  	_ =	task [dreg:s22], $0x5FFFF  }
0xbb: {  	[dreg:$0x1] =	wrdreg $0xFFFFFFFF  }
0xbc: {  	[dreg:$0x0] =	wrdreg $0x60  }
0xbd: {  	[dreg:$0x2] =	wrdreg s18  }
0xbe: {  	[dreg:$0x3] =	wrdreg s24  }
0xbf: {  	[dreg:$0x4] =	wrdreg $0x54000  }
0xc0: {  	[dreg:$0x5] =	wrdreg $0xA  }
0xc1: {  	_ =	task.clear_ibuf [dreg:s22], $0x6FFFF;
	_ =	strace $0x90000049  }
0xc2: {  	s29 =	simm.s32 $0xA;
	_ =	strace $0x8000004B  }
0xc3: {  	_ =	swait.ge [sflag:s29], $0x1  }
0xc4: {  	[sflag:s29] =	ssyncadd.s32 $0xFFFFFFFF  }
0xc5: {  	_ =	strace $0x9000004B  }
0xc6: {  	_ =	sfence  }
0xc7: {  	s30 =	sld [smem:$0x0];
	_ =	sdelay $0x2  }
0xc8: {  	s31 =	sshll.u32 s1, $0xD;
	s1 =	sshrl.u32 s1, $0x2  }
0xc9: {  	s4 =	sand.u32 $0x4000, s31;
	s1 =	sadd.s32 s1, s30  }
0xca: {  	s0 =	sor.u32 s4, s0;
	s1 =	sshll.u32 s1, $0x11  }
0xcb: {  	s0 =	sor.u32 s1, s0  }
0xcc: {  	s0 =	sadd.s32 $0x8F2B, s0  }
0xcd: {  	[sflag:s0] =	ssyncadd.remote.s32 $0x1  }
0xce: {  	_ =	sfence.sel $0xFFFF  }
0xcf: {  	[dreg:$0x0] =	wrdreg $0xFFFFFFFF;
	(pc) =	sbr.abs _section_cstart, $3  }
0xd0: {  	[dreg:$0x1] =	wrdreg $0xFFFFFFFF  }
0xd1: {  	_ =	task.clear_ibuf [dreg:s22], $0x2FFFF;
	_ =	strace $0x9FFFFFFF  }
0xd2: {  	(tm) =	ssettm $0x7FFFFFFF  }
0xd3: {  	_ =	shalt  }
tec
execute0_lowered:
.L_overlay_start_1:
0x0: {  	(tag) =	ssettag $0x1  }
0x1: {  	s2 =	rddreg [dreg:$0x0]  }
0x2: {  	s0 =	rddreg [dreg:$0x1]  }
0x3: {  	s3 =	rddreg [dreg:$0x2]  }
0x4: {  	s11 =	stileid.u32;
	s1 =	srdreg.scid;
	s4 =	simm.s32 $0x0  }
0x5: {  	s30 =	simm.s32 $0x1;
	s31 =	simm.s32 $0x50;
	s13 =	simm.s32 $0x3  }
0x6: {  	s14 =	simm.s32 $0x6;
	s6 =	smul.u32 $0x14000, s11;
	s1 =	sand.u32 $0x1, s1  }
0x7: {  	[smem:$0x7FF] =	sst s4;
	s5 =	sadd.s32 $0x3600, s0;
	s16 =	smul.u32 $0x50000, s11  }
0x8: {  	s9 =	sshll.u32 s11, $0x1;
	s19 =	sshll.u32 s11, $0x6;
	s11 =	smul.u32 $0x4E20, s11  }
0x9: {  	s7 =	smul.u32 $0x140000, s1;
	_ =	strace $0x8000004A;
	s17 =	ssub.s32 $0x2, s1  }
0xa: {  	s9 =	sor.u32 s1, s9;
	s1 =	smul.u32 $0x2710, s1;
	s8 =	sshrl.u32 s6, $0x3  }
0xb: {  	s10 =	sshrl.u32 s17, $0x1;
	s6 =	sadd.s32 s6, s7;
	s15 =	sadd.s32 s8, s0  }
0xc: {  	s8 =	sshrl.u32 s16, $0x2;
	s10 =	ssub.s32 s17, s10;
	s17 =	sor.u32 $0x1C09, s19  }
0xd: {  	s1 =	sadd.s32 s1, s11;
	s11 =	simm.s32 $0x5;
	s6 =	sshrl.u32 s6, $0x3  }
0xe: {  	s18 =	sadd.s32 s8, s3;
	s7 =	sadd.s32 $0x17000, s15;
	s24 =	sadd.s32 $0xF0, s1  }
0xf: {  	s1 =	sadd.s32 $0x4E2F0, s1;
	s29 =	smax.u32 s10, $0x1;
	[dreg:$0x7] =	wrdreg s17  }
0x10: {  	s0 =	sadd.s32 s6, s0;
	s6 =	smul.u32 $0x2710, s9;
	[dreg:$0x6] =	wrdreg s7  }
0x11: {  	s1 =	sshrl.u32 s1, $0x3;
	[dreg:$0x11] =	wrdreg s29;
	s10 =	sshrl.u32 s18, $0x3  }
0x12: {  	s1 =	sadd.s32 s1, s5;
	s0 =	sadd.s32 $0x3F000, s0;
	[dreg:$0x12] =	wrdreg s10  }
0x13: {  	s12 =	sshrl.u32 s6, $0x3;
	s8 =	sadd.s32 $0x4E200, s6;
	[dreg:$0x10] =	wrdreg s0  }
0x14: {  	[dreg:$0x5] =	wrdreg s1;
	s12 =	sadd.s32 s5, s12;
	s20 =	sshrl.u32 s8, $0x3  }
0x15: {  	s16 =	simm.s32 $0x4;
	s7 =	sadd.s32 s5, s20;
	[dreg:$0x8] =	wrdreg s12  }
0x16: {  	s19 =	simm.s32 $0x0;
	s21 =	sadd.s32 $0xA, s12;
	[dreg:$0x9] =	wrdreg s7  }
0x17: {  	s15 =	simm.s32 $0x8;
	s22 =	sadd.s32 $0x9C4A, s12;
	[dreg:$0xa] =	wrdreg s21  }
0x18: {  	s18 =	simm.s32 $0x9;
	s23 =	sadd.s32 $0x14, s12;
	[dreg:$0xb] =	wrdreg s22  }
0x19: {  	s0 =	simm.s32 $0x400;
	s25 =	sadd.s32 $0x9C54, s12;
	[dreg:$0xc] =	wrdreg s23  }
0x1a: {  	s1 =	simm.s32 $0x2;
	s26 =	sadd.s32 $0x1E, s12;
	[dreg:$0xd] =	wrdreg s25  }
0x1b: {  	s28 =	sadd.s32 $0x9C5E, s12;
	s7 =	sshrl.u32 s24, $0x3;
	[dreg:$0xe] =	wrdreg s26  }
0x1c: {  	s12 =	simm.s32 $0x7;
	[dreg:$0xf] =	wrdreg s28;
	s7 =	sadd.s32 s7, s5  }
0x1d: {  	s22 =	simm.s32 $0x380;
	[dreg:$0x4] =	wrdreg s7;
	s7 =	simm.s32 $0x2C00  }
.LBB2_1:
0x1e: {  	[dreg:$0x13] =	wrdreg s19  }
0x1f: {  	s9 =	rddreg [dreg:$0x6]  }
0x20: {  	[spmem:s10], [sflag:s17] =	dma.local [hbm:s9], $0x2800  }
0x21: {  	_ =	swait.ge [sflag:s18], $0x2800  }
0x22: {  	[sflag:s18] =	ssyncset.done $0x0  }
0x23: {  	[sflag:s18] =	ssyncadd.s32 $0xFFFFD800  }
0x24: {  	[bflag:$0x0] =	sbarrier.arrive $0xFFFF  }
0x25: {  	s23 =	rddreg [dreg:$0x8]  }
0x26: {  	[tilespmem:s4], [sflag:$0x1] =	stream.linear.gather [hbm4b:s23+s4], $0x50, $0x38;
	[tilespmem:$0x19400] =	vst v63  }
0x27: {  	s25 =	simm.s32 $0x80;
	s24 =	rddreg [dreg:$0x9]  }
0x28: {  	[tilespmem:s25], [sflag:$0x1] =	stream.linear.gather [hbm4b:s24+s4], $0x50, $0x38;
	[tilespmem:$0x19400] =	vst v63  }
0x29: {  	s28 =	simm.s32 $0x100;
	s26 =	rddreg [dreg:$0xa]  }
0x2a: {  	[tilespmem:s28], [sflag:$0x2] =	stream.linear.gather [hbm4b:s26+s4], $0x50, $0x38;
	[tilespmem:$0x19400] =	vst v63  }
0x2b: {  	s20 =	simm.s32 $0x180;
	s29 =	rddreg [dreg:$0xb]  }
0x2c: {  	[tilespmem:s20], [sflag:$0x2] =	stream.linear.gather [hbm4b:s29+s4], $0x50, $0x38;
	[tilespmem:$0x19400] =	vst v63  }
0x2d: {  	s21 =	simm.s32 $0x200;
	s10 =	rddreg [dreg:$0xc]  }
0x2e: {  	[tilespmem:s21], [sflag:$0x3] =	stream.linear.gather [hbm4b:s10+s4], $0x50, $0x38;
	[tilespmem:$0x19400] =	vst v63  }
0x2f: {  	s17 =	rddreg [dreg:$0xd];
	s23 =	simm.s32 $0x280  }
0x30: {  	[tilespmem:s23], [sflag:$0x3] =	stream.linear.gather [hbm4b:s17+s4], $0x50, $0x38;
	[tilespmem:$0x19400] =	vst v63  }
0x31: {  	s18 =	rddreg [dreg:$0xe];
	s24 =	simm.s32 $0x300  }
0x32: {  	[tilespmem:s24], [sflag:$0x4] =	stream.linear.gather [hbm4b:s18+s4], $0x50, $0x38;
	[tilespmem:$0x19400] =	vst v63  }
0x33: {  	s26 =	rddreg [dreg:$0xf]  }
0x34: {  	[tilespmem:s22], [sflag:$0x4] =	stream.linear.gather [hbm4b:s26+s4], $0x50, $0x38;
	[tilespmem:$0x19400] =	vst v63  }
0x35: {  	_ =	swait.ge [sflag:s30], $0x50  }
0x36: {  	[sflag:s30] =	ssyncset.done $0x0  }
0x37: {  	[sflag:s30] =	ssyncadd.s32 $0xFFFFFFB0  }
0x38: {  	_ =	swait.ge [sflag:s30], $0x50  }
0x39: {  	p0 =	por $0x1, $0x1;
	[sflag:s30] =	ssyncset.done $0x0  }
0x3a: {  	s9 =	simm.s32 @!p0 $0x8;
	[sflag:s30] =	ssyncadd.s32 $0xFFFFFFB0  }
0x3b: {  	[tilespmem:s0], [sflag:$0x5] =	stream.indirect.gather [hbm4b:s2+s31], $0x80, s4, s31, $0xb8;
	[tilespmem:$0x19400] =	vst v63  }
0x3c: {  	s17 =	simm.s32 @!p0 $0x0;
	_ =	swait.ge @!p0 [sflag:s9], $0x2800  }
0x3d: {  	s18 =	simm.s32 @!p0 $0x300;
	s10 =	rddreg [dreg:$0x4];
	[sflag:s9] =	ssyncset.done @!p0 $0x0  }
0x3e: {  	[sflag:s9] =	ssyncadd.s32 @!p0 $0xFFFFD800;
	s9 =	rddreg [dreg:$0x5];
	s10 =	sadd.s32 @!p0 $0x0, s10  }
0x3f: {  	[tilespmem:s18], [sflag:$0x4] =	stream.linear.gather @!p0 [hbm4b:s10+s17], $0x50, $0x38;
	[tilespmem:$0x19400] =	vst v63  }
0x40: {  	s9 =	sadd.s32 @!p0 $0x0, s9;
	s10 =	simm.s32 @!p0 $0x380  }
0x41: {  	[tilespmem:s10], [sflag:$0x4] =	stream.linear.gather @!p0 [hbm4b:s9+s17], $0x50, $0x38;
	[tilespmem:$0x19400] =	vst v63  }
0x42: {  	_ =	swait.ge [sflag:s1], $0x50  }
0x43: {  	[sflag:s1] =	ssyncset.done $0x0  }
0x44: {  	[sflag:s1] =	ssyncadd.s32 $0xFFFFFFB0  }
0x45: {  	_ =	swait.ge [sflag:s1], $0x50  }
0x46: {  	[sflag:s1] =	ssyncset.done $0x0  }
0x47: {  	[sflag:s1] =	ssyncadd.s32 $0xFFFFFFB0  }
0x48: {  	[tilespmem:s7], [sflag:$0x6] =	stream.indirect.gather [hbm4b:s2+s31], $0x80, s28, s31, $0xb8;
	[tilespmem:$0x19400] =	vst v63  }
0x49: {  	s9 =	simm.s32 $0x0;
	_ =	swait.ge [sflag:s11], $0x2800  }
0x4a: {  	s9 =	simm.s32 @p0 $0x0;
	[sflag:s11] =	ssyncset.done $0x0  }
0x4b: {  	s28 =	sadd.s32 $0x140, s9;
	[sflag:s11] =	ssyncadd.s32 $0xFFFFD800  }
0x4c: {  	[spmem:s3] =	stream.indirect.scatter.add.f32 [tilespmem:s0], [sflag:$0x7], $0x80, s25, s31, $0xb8;
	[tilespmem:$0x19400] =	vst v63  }
0x4d: {  	s29 =	sadd.s32 s6, s28;
	_ =	swait.ge [sflag:s12], $0x2800  }
0x4e: {  	s10 =	sadd.s32 s8, s28;
	s17 =	sshrl.u32 s29, $0x3;
	[sflag:s12] =	ssyncset.done $0x0  }
0x4f: {  	s10 =	sshrl.u32 s10, $0x3;
	s17 =	sadd.s32 s5, s17;
	[sflag:s12] =	ssyncadd.s32 $0xFFFFD800  }
0x50: {  	[tilespmem:s4], [sflag:$0x1] =	stream.linear.gather [hbm4b:s17+s4], $0x50, $0x38;
	[tilespmem:$0x19400] =	vst v63  }
0x51: {  	s10 =	sadd.s32 s5, s10  }
0x52: {  	[tilespmem:s25], [sflag:$0x1] =	stream.linear.gather [hbm4b:s10+s4], $0x50, $0x38;
	[tilespmem:$0x19400] =	vst v63  }
0x53: {  	_ =	swait.ge [sflag:s13], $0x50  }
0x54: {  	[sflag:s13] =	ssyncset.done $0x0  }
0x55: {  	[sflag:s13] =	ssyncadd.s32 $0xFFFFFFB0  }
0x56: {  	_ =	swait.ge [sflag:s13], $0x50  }
0x57: {  	[sflag:s13] =	ssyncset.done $0x0  }
0x58: {  	[sflag:s13] =	ssyncadd.s32 $0xFFFFFFB0  }
0x59: {  	[tilespmem:s0], [sflag:$0x5] =	stream.indirect.gather [hbm4b:s2+s31], $0x80, s21, s31, $0xb8;
	[tilespmem:$0x19400] =	vst v63  }
0x5a: {  	_ =	swait.ge [sflag:s14], $0x2800  }
0x5b: {  	p0 =	por $0x0, $0x0;
	[sflag:s14] =	ssyncset.done $0x0  }
0x5c: {  	s18 =	simm.s32 @!p0 $0x100;
	s10 =	sadd.s32 @!p0 $0x190, s9;
	[sflag:s14] =	ssyncadd.s32 $0xFFFFD800  }
0x5d: {  	[spmem:s3] =	stream.indirect.scatter.add.f32 [tilespmem:s7], [sflag:$0x8], $0x80, s20, s31, $0xb8;
	[tilespmem:$0x19400] =	vst v63  }
0x5e: {  	s19 =	simm.s32 @!p0 $0x0;
	s17 =	sadd.s32 @!p0 s6, s10;
	_ =	swait.ge [sflag:s15], $0x2800  }
0x5f: {  	s10 =	sadd.s32 @!p0 s8, s10;
	s17 =	sshrl.u32 @!p0 s17, $0x3;
	[sflag:s15] =	ssyncset.done $0x0  }
0x60: {  	s10 =	sshrl.u32 @!p0 s10, $0x3;
	s17 =	sadd.s32 @!p0 s5, s17;
	[sflag:s15] =	ssyncadd.s32 $0xFFFFD800  }
0x61: {  	[tilespmem:s18], [sflag:$0x2] =	stream.linear.gather @!p0 [hbm4b:s17+s19], $0x50, $0x38;
	[tilespmem:$0x19400] =	vst v63  }
0x62: {  	s10 =	sadd.s32 @!p0 s5, s10;
	s17 =	simm.s32 @!p0 $0x180  }
0x63: {  	[tilespmem:s17], [sflag:$0x2] =	stream.linear.gather @!p0 [hbm4b:s10+s19], $0x50, $0x38;
	[tilespmem:$0x19400] =	vst v63  }
0x64: {  	_ =	swait.ge [sflag:s16], $0x50  }
0x65: {  	[sflag:s16] =	ssyncset.done $0x0  }
0x66: {  	[sflag:s16] =	ssyncadd.s32 $0xFFFFFFB0  }
0x67: {  	_ =	swait.ge [sflag:s16], $0x50  }
0x68: {  	[sflag:s16] =	ssyncset.done $0x0  }
0x69: {  	[sflag:s16] =	ssyncadd.s32 $0xFFFFFFB0  }
0x6a: {  	[tilespmem:s7], [sflag:$0x6] =	stream.indirect.gather [hbm4b:s2+s31], $0x80, s24, s31, $0xb8;
	[tilespmem:$0x19400] =	vst v63  }
0x6b: {  	_ =	swait.ge [sflag:s11], $0x2800  }
0x6c: {  	[sflag:s11] =	ssyncset.done $0x0  }
0x6d: {  	s9 =	sadd.s32 @!p0 $0x1E0, s9;
	[sflag:s11] =	ssyncadd.s32 $0xFFFFD800  }
0x6e: {  	[spmem:s3] =	stream.indirect.scatter.add.f32 [tilespmem:s0], [sflag:$0x7], $0x80, s23, s31, $0xb8;
	[tilespmem:$0x19400] =	vst v63  }
0x6f: {  	s10 =	sadd.s32 @!p0 s6, s9;
	s17 =	simm.s32 @!p0 $0x200;
	_ =	swait.ge [sflag:s12], $0x2800  }
0x70: {  	s9 =	sadd.s32 @!p0 s8, s9;
	s10 =	sshrl.u32 @!p0 s10, $0x3;
	[sflag:s12] =	ssyncset.done $0x0  }
0x71: {  	s9 =	sshrl.u32 @!p0 s9, $0x3;
	s10 =	sadd.s32 @!p0 s5, s10;
	[sflag:s12] =	ssyncadd.s32 $0xFFFFD800  }
0x72: {  	[tilespmem:s17], [sflag:$0x3] =	stream.linear.gather @!p0 [hbm4b:s10+s19], $0x50, $0x38;
	[tilespmem:$0x19400] =	vst v63  }
0x73: {  	s9 =	sadd.s32 @!p0 s5, s9;
	s10 =	simm.s32 @!p0 $0x280  }
0x74: {  	[tilespmem:s10], [sflag:$0x3] =	stream.linear.gather @!p0 [hbm4b:s9+s19], $0x50, $0x38;
	[tilespmem:$0x19400] =	vst v63  }
0x75: {  	_ =	swait.ge [sflag:s30], $0x50  }
0x76: {  	[sflag:s30] =	ssyncset.done $0x0  }
0x77: {  	[sflag:s30] =	ssyncadd.s32 $0xFFFFFFB0  }
0x78: {  	_ =	swait.ge [sflag:s30], $0x50  }
0x79: {  	[sflag:s30] =	ssyncset.done $0x0  }
0x7a: {  	p2 =	por $0x0, $0x0;
	[sflag:s30] =	ssyncadd.s32 $0xFFFFFFB0  }
0x7b: {  	[tilespmem:s0], [sflag:$0x5] =	stream.indirect.gather [hbm4b:s2+s31], $0x80, s4, s31, $0xb8;
	[tilespmem:$0x19400] =	vst v63  }
0x7c: {  	s18 =	simm.s32 $0x140;
	s10 =	simm.s32 $0x28;
	_ =	swait.ge [sflag:s14], $0x2800  }
0x7d: {  	s19 =	simm.s32 $0x50;
	p0 =	por $0x0, $0x0;
	[sflag:s14] =	ssyncset.done $0x0  }
.LBB2_2:
0x7e: {  	s17 =	smov.u32 s18  }
0x7f: {  	s9 =	simm.s32 @!p2 $0x8;
	[sflag:s14] =	ssyncadd.s32 $0xFFFFD800;
	s17 =	simm.s32 @p2 $0x0  }
0x80: {  	[spmem:s3] =	stream.indirect.scatter.add.f32 [tilespmem:s7], [sflag:$0x8], $0x80, s22, s31, $0xb8;
	[tilespmem:$0x19400] =	vst v63  }
0x81: {  	s28 =	simm.s32 @!p2 $0x0;
	_ =	swait.ge @!p2 [sflag:s9], $0x2800;
	s20 =	sadd.s32 $0x140, s17  }
0x82: {  	[sflag:s9] =	ssyncset.done @!p2 $0x0;
	s21 =	rddreg [dreg:$0x4];
	s25 =	sadd.s32 s6, s20  }
0x83: {  	s29 =	sadd.s32 s8, s20;
	s20 =	rddreg [dreg:$0x5];
	[sflag:s9] =	ssyncadd.s32 @!p2 $0xFFFFD800  }
0x84: {  	s26 =	sshrl.u32 s29, $0x3;
	s21 =	sadd.s32 @!p2 s10, s21;
	s29 =	simm.s32 @!p2 $0x300  }
0x85: {  	[tilespmem:s29], [sflag:$0x4] =	stream.linear.gather @!p2 [hbm4b:s21+s28], $0x50, $0x38;
	[tilespmem:$0x19400] =	vst v63  }
0x86: {  	s10 =	sadd.s32 @!p2 s10, s20;
	s20 =	simm.s32 @!p2 $0x380  }
0x87: {  	[tilespmem:s20], [sflag:$0x4] =	stream.linear.gather @!p2 [hbm4b:s10+s28], $0x50, $0x38;
	[tilespmem:$0x19400] =	vst v63  }
0x88: {  	_ =	swait.ge [sflag:s1], $0x50  }
0x89: {  	[sflag:s1] =	ssyncset.done $0x0  }
0x8a: {  	s24 =	sadd.s32 @!p0 $0x190, s17;
	[sflag:s1] =	ssyncadd.s32 $0xFFFFFFB0  }
0x8b: {  	s9 =	sadd.s32 @!p0 s6, s24;
	_ =	swait.ge [sflag:s1], $0x50  }
0x8c: {  	s21 =	sshrl.u32 @!p0 s9, $0x3;
	[sflag:s1] =	ssyncset.done $0x0  }
0x8d: {  	s9 =	sadd.s32 @!p0 s8, s24;
	s24 =	simm.s32 $0x100;
	[sflag:s1] =	ssyncadd.s32 $0xFFFFFFB0  }
0x8e: {  	[tilespmem:s7], [sflag:$0x6] =	stream.indirect.gather [hbm4b:s2+s31], $0x80, s24, s31, $0xb8;
	[tilespmem:$0x19400] =	vst v63  }
0x8f: {  	_ =	swait.ge [sflag:s11], $0x2800  }
0x90: {  	[sflag:s11] =	ssyncset.done $0x0  }
0x91: {  	s24 =	simm.s32 $0x80;
	[sflag:s11] =	ssyncadd.s32 $0xFFFFD800  }
0x92: {  	[spmem:s3] =	stream.indirect.scatter.add.f32 [tilespmem:s0], [sflag:$0x7], $0x80, s24, s31, $0xb8;
	[tilespmem:$0x19400] =	vst v63  }
0x93: {  	_ =	swait.ge [sflag:s12], $0x2800  }
0x94: {  	s25 =	sshrl.u32 s25, $0x3;
	[sflag:s12] =	ssyncset.done $0x0  }
0x95: {  	s28 =	sadd.s32 s5, s25;
	[sflag:s12] =	ssyncadd.s32 $0xFFFFD800  }
0x96: {  	[tilespmem:s4], [sflag:$0x1] =	stream.linear.gather [hbm4b:s28+s4], $0x50, $0x38;
	[tilespmem:$0x19400] =	vst v63  }
0x97: {  	s29 =	sadd.s32 s5, s26  }
0x98: {  	[tilespmem:s24], [sflag:$0x1] =	stream.linear.gather [hbm4b:s29+s4], $0x50, $0x38;
	[tilespmem:$0x19400] =	vst v63  }
0x99: {  	_ =	swait.ge [sflag:s13], $0x50  }
0x9a: {  	[sflag:s13] =	ssyncset.done $0x0  }
0x9b: {  	[sflag:s13] =	ssyncadd.s32 $0xFFFFFFB0  }
0x9c: {  	_ =	swait.ge [sflag:s13], $0x50  }
0x9d: {  	[sflag:s13] =	ssyncset.done $0x0  }
0x9e: {  	s25 =	simm.s32 $0x200;
	[sflag:s13] =	ssyncadd.s32 $0xFFFFFFB0  }
0x9f: {  	[tilespmem:s0], [sflag:$0x5] =	stream.indirect.gather [hbm4b:s2+s31], $0x80, s25, s31, $0xb8;
	[tilespmem:$0x19400] =	vst v63  }
0xa0: {  	s23 =	smov.u32 s19;
	_ =	swait.ge [sflag:s14], $0x2800  }
0xa1: {  	s26 =	simm.s32 $0x180;
	s21 =	sadd.s32 @!p0 s5, s21;
	[sflag:s14] =	ssyncset.done $0x0  }
0xa2: {  	s10 =	sadd.s32 @!p0 $0x1E0, s17;
	s17 =	sshrl.u32 @!p0 s9, $0x3;
	[sflag:s14] =	ssyncadd.s32 $0xFFFFD800  }
0xa3: {  	[spmem:s3] =	stream.indirect.scatter.add.f32 [tilespmem:s7], [sflag:$0x8], $0x80, s26, s31, $0xb8;
	[tilespmem:$0x19400] =	vst v63  }
0xa4: {  	s9 =	sadd.s32 @!p0 s6, s10;
	s10 =	sadd.s32 @!p0 s8, s10;
	_ =	swait.ge [sflag:s15], $0x2800  }
0xa5: {  	s20 =	sshrl.u32 @!p0 s10, $0x3;
	s10 =	smov.u32 s23;
	[sflag:s15] =	ssyncset.done $0x0  }
0xa6: {  	s23 =	simm.s32 @!p0 $0x100;
	s24 =	simm.s32 @!p0 $0x0;
	[sflag:s15] =	ssyncadd.s32 $0xFFFFD800  }
0xa7: {  	[tilespmem:s23], [sflag:$0x2] =	stream.linear.gather @!p0 [hbm4b:s21+s24], $0x50, $0x38;
	[tilespmem:$0x19400] =	vst v63  }
0xa8: {  	s17 =	sadd.s32 @!p0 s5, s17;
	s21 =	simm.s32 @!p0 $0x180  }
0xa9: {  	[tilespmem:s21], [sflag:$0x2] =	stream.linear.gather @!p0 [hbm4b:s17+s24], $0x50, $0x38;
	[tilespmem:$0x19400] =	vst v63  }
0xaa: {  	_ =	swait.ge [sflag:s16], $0x50  }
0xab: {  	[sflag:s16] =	ssyncset.done $0x0  }
0xac: {  	[sflag:s16] =	ssyncadd.s32 $0xFFFFFFB0  }
0xad: {  	_ =	swait.ge [sflag:s16], $0x50  }
0xae: {  	[sflag:s16] =	ssyncset.done $0x0  }
0xaf: {  	s28 =	simm.s32 $0x300;
	[sflag:s16] =	ssyncadd.s32 $0xFFFFFFB0  }
0xb0: {  	[tilespmem:s7], [sflag:$0x6] =	stream.indirect.gather [hbm4b:s2+s31], $0x80, s28, s31, $0xb8;
	[tilespmem:$0x19400] =	vst v63  }
0xb1: {  	_ =	swait.ge [sflag:s11], $0x2800  }
0xb2: {  	[sflag:s11] =	ssyncset.done $0x0  }
0xb3: {  	s29 =	simm.s32 $0x280;
	[sflag:s11] =	ssyncadd.s32 $0xFFFFD800  }
0xb4: {  	[spmem:s3] =	stream.indirect.scatter.add.f32 [tilespmem:s0], [sflag:$0x7], $0x80, s29, s31, $0xb8;
	[tilespmem:$0x19400] =	vst v63  }
0xb5: {  	_ =	swait.ge [sflag:s12], $0x2800  }
0xb6: {  	s9 =	sshrl.u32 @!p0 s9, $0x3;
	[sflag:s12] =	ssyncset.done $0x0  }
0xb7: {  	s9 =	sadd.s32 @!p0 s5, s9;
	s17 =	simm.s32 @!p0 $0x200;
	[sflag:s12] =	ssyncadd.s32 $0xFFFFD800  }
0xb8: {  	[tilespmem:s17], [sflag:$0x3] =	stream.linear.gather @!p0 [hbm4b:s9+s24], $0x50, $0x38;
	[tilespmem:$0x19400] =	vst v63  }
0xb9: {  	s9 =	sadd.s32 @!p0 s5, s20;
	s17 =	simm.s32 @!p0 $0x280  }
0xba: {  	[tilespmem:s17], [sflag:$0x3] =	stream.linear.gather @!p0 [hbm4b:s9+s24], $0x50, $0x38;
	[tilespmem:$0x19400] =	vst v63  }
0xbb: {  	_ =	swait.ge [sflag:s30], $0x50  }
0xbc: {  	[sflag:s30] =	ssyncset.done $0x0  }
0xbd: {  	s19 =	sadd.s32 $0x28, s19;
	[sflag:s30] =	ssyncadd.s32 $0xFFFFFFB0  }
0xbe: {  	p1 =	sne.s32 s19, $0x4D8;
	_ =	swait.ge [sflag:s30], $0x50  }
.Ltmp0:
0xbf: {  	[sflag:s30] =	ssyncset.done $0x0;
	(pc) =	sbr.rel @p1 .LBB2_2-.Ltmp0, $4  }
0xc0: {  	[sflag:s30] =	ssyncadd.s32 $0xFFFFFFB0  }
0xc1: {  	[tilespmem:s0], [sflag:$0x5] =	stream.indirect.gather [hbm4b:s2+s31], $0x80, s4, s31, $0xb8;
	[tilespmem:$0x19400] =	vst v63  }
0xc2: {  	s18 =	sadd.s32 $0x140, s18;
	_ =	swait.ge [sflag:s14], $0x2800  }
0xc3: {  	p2 =	seq.s32 s10, $0x0;
	p0 =	seq.s32 s10, $0x4B0;
	[sflag:s14] =	ssyncset.done $0x0  }
0xc4: {  	s9 =	simm.s32 @!p2 $0x8;
	[sflag:s14] =	ssyncadd.s32 $0xFFFFD800;
	s21 =	simm.s32 $0x380  }
0xc5: {  	[spmem:s3] =	stream.indirect.scatter.add.f32 [tilespmem:s7], [sflag:$0x8], $0x80, s21, s31, $0xb8;
	[tilespmem:$0x19400] =	vst v63  }
0xc6: {  	s19 =	simm.s32 @!p2 $0x0;
	_ =	swait.ge @!p2 [sflag:s9], $0x2800  }
0xc7: {  	s20 =	simm.s32 @!p2 $0x300;
	s17 =	rddreg [dreg:$0x4];
	[sflag:s9] =	ssyncset.done @!p2 $0x0  }
0xc8: {  	[sflag:s9] =	ssyncadd.s32 @!p2 $0xFFFFD800;
	s9 =	rddreg [dreg:$0x5];
	s17 =	sadd.s32 @!p2 s10, s17  }
0xc9: {  	[tilespmem:s20], [sflag:$0x4] =	stream.linear.gather @!p2 [hbm4b:s17+s19], $0x50, $0x38;
	[tilespmem:$0x19400] =	vst v63  }
0xca: {  	s9 =	sadd.s32 @!p2 s10, s9;
	s10 =	simm.s32 @!p2 $0x380  }
0xcb: {  	[tilespmem:s10], [sflag:$0x4] =	stream.linear.gather @!p2 [hbm4b:s9+s19], $0x50, $0x38;
	[tilespmem:$0x19400] =	vst v63  }
0xcc: {  	_ =	swait.ge [sflag:s1], $0x50  }
0xcd: {  	[sflag:s1] =	ssyncset.done $0x0  }
0xce: {  	[sflag:s1] =	ssyncadd.s32 $0xFFFFFFB0  }
0xcf: {  	_ =	swait.ge [sflag:s1], $0x50  }
0xd0: {  	[sflag:s1] =	ssyncset.done $0x0  }
0xd1: {  	s26 =	simm.s32 $0x100;
	[sflag:s1] =	ssyncadd.s32 $0xFFFFFFB0  }
0xd2: {  	[tilespmem:s7], [sflag:$0x6] =	stream.indirect.gather [hbm4b:s2+s31], $0x80, s26, s31, $0xb8;
	[tilespmem:$0x19400] =	vst v63  }
0xd3: {  	_ =	swait.ge [sflag:s11], $0x2800  }
0xd4: {  	s18 =	simm.s32 @p2 $0x0;
	[sflag:s11] =	ssyncset.done $0x0  }
0xd5: {  	s29 =	simm.s32 $0x80;
	s28 =	sadd.s32 $0x140, s18;
	[sflag:s11] =	ssyncadd.s32 $0xFFFFD800  }
0xd6: {  	[spmem:s3] =	stream.indirect.scatter.add.f32 [tilespmem:s0], [sflag:$0x7], $0x80, s29, s31, $0xb8;
	[tilespmem:$0x19400] =	vst v63  }
0xd7: {  	s19 =	sadd.s32 s6, s28;
	_ =	swait.ge [sflag:s12], $0x2800  }
0xd8: {  	s9 =	sadd.s32 s8, s28;
	s10 =	sshrl.u32 s19, $0x3;
	[sflag:s12] =	ssyncset.done $0x0  }
0xd9: {  	s9 =	sshrl.u32 s9, $0x3;
	s10 =	sadd.s32 s5, s10;
	[sflag:s12] =	ssyncadd.s32 $0xFFFFD800  }
0xda: {  	[tilespmem:s4], [sflag:$0x1] =	stream.linear.gather [hbm4b:s10+s4], $0x50, $0x38;
	[tilespmem:$0x19400] =	vst v63  }
0xdb: {  	s9 =	sadd.s32 s5, s9  }
0xdc: {  	[tilespmem:s29], [sflag:$0x1] =	stream.linear.gather [hbm4b:s9+s4], $0x50, $0x38;
	[tilespmem:$0x19400] =	vst v63  }
0xdd: {  	_ =	swait.ge [sflag:s13], $0x50  }
0xde: {  	[sflag:s13] =	ssyncset.done $0x0  }
0xdf: {  	[sflag:s13] =	ssyncadd.s32 $0xFFFFFFB0  }
0xe0: {  	_ =	swait.ge [sflag:s13], $0x50  }
0xe1: {  	[sflag:s13] =	ssyncset.done $0x0  }
0xe2: {  	s22 =	simm.s32 $0x200;
	[sflag:s13] =	ssyncadd.s32 $0xFFFFFFB0  }
0xe3: {  	[tilespmem:s0], [sflag:$0x5] =	stream.indirect.gather [hbm4b:s2+s31], $0x80, s22, s31, $0xb8;
	[tilespmem:$0x19400] =	vst v63  }
0xe4: {  	_ =	swait.ge [sflag:s14], $0x2800  }
0xe5: {  	s23 =	simm.s32 $0x180;
	[sflag:s14] =	ssyncset.done $0x0  }
0xe6: {  	s17 =	simm.s32 @!p0 $0x100;
	s9 =	sadd.s32 @!p0 $0x190, s18;
	[sflag:s14] =	ssyncadd.s32 $0xFFFFD800  }
0xe7: {  	[spmem:s3] =	stream.indirect.scatter.add.f32 [tilespmem:s7], [sflag:$0x8], $0x80, s23, s31, $0xb8;
	[tilespmem:$0x19400] =	vst v63  }
0xe8: {  	s19 =	simm.s32 @!p0 $0x0;
	s10 =	sadd.s32 @!p0 s6, s9;
	_ =	swait.ge [sflag:s15], $0x2800  }
0xe9: {  	s9 =	sadd.s32 @!p0 s8, s9;
	s10 =	sshrl.u32 @!p0 s10, $0x3;
	[sflag:s15] =	ssyncset.done $0x0  }
0xea: {  	s9 =	sshrl.u32 @!p0 s9, $0x3;
	s10 =	sadd.s32 @!p0 s5, s10;
	[sflag:s15] =	ssyncadd.s32 $0xFFFFD800  }
0xeb: {  	[tilespmem:s17], [sflag:$0x2] =	stream.linear.gather @!p0 [hbm4b:s10+s19], $0x50, $0x38;
	[tilespmem:$0x19400] =	vst v63  }
0xec: {  	s9 =	sadd.s32 @!p0 s5, s9;
	s10 =	simm.s32 @!p0 $0x180  }
0xed: {  	[tilespmem:s10], [sflag:$0x2] =	stream.linear.gather @!p0 [hbm4b:s9+s19], $0x50, $0x38;
	[tilespmem:$0x19400] =	vst v63  }
0xee: {  	_ =	swait.ge [sflag:s16], $0x50  }
0xef: {  	[sflag:s16] =	ssyncset.done $0x0  }
0xf0: {  	[sflag:s16] =	ssyncadd.s32 $0xFFFFFFB0  }
0xf1: {  	_ =	swait.ge [sflag:s16], $0x50  }
0xf2: {  	[sflag:s16] =	ssyncset.done $0x0  }
0xf3: {  	s24 =	simm.s32 $0x300;
	[sflag:s16] =	ssyncadd.s32 $0xFFFFFFB0  }
0xf4: {  	[tilespmem:s7], [sflag:$0x6] =	stream.indirect.gather [hbm4b:s2+s31], $0x80, s24, s31, $0xb8;
	[tilespmem:$0x19400] =	vst v63  }
0xf5: {  	_ =	swait.ge [sflag:s11], $0x2800  }
0xf6: {  	[sflag:s11] =	ssyncset.done $0x0  }
0xf7: {  	s25 =	simm.s32 $0x280;
	s9 =	sadd.s32 @!p0 $0x1E0, s18;
	[sflag:s11] =	ssyncadd.s32 $0xFFFFD800  }
0xf8: {  	[spmem:s3] =	stream.indirect.scatter.add.f32 [tilespmem:s0], [sflag:$0x7], $0x80, s25, s31, $0xb8;
	[tilespmem:$0x19400] =	vst v63  }
0xf9: {  	s17 =	simm.s32 @!p0 $0x200;
	s10 =	sadd.s32 @!p0 s6, s9;
	_ =	swait.ge [sflag:s12], $0x2800  }
0xfa: {  	s9 =	sadd.s32 @!p0 s8, s9;
	s10 =	sshrl.u32 @!p0 s10, $0x3;
	[sflag:s12] =	ssyncset.done $0x0  }
0xfb: {  	s9 =	sshrl.u32 @!p0 s9, $0x3;
	s10 =	sadd.s32 @!p0 s5, s10;
	[sflag:s12] =	ssyncadd.s32 $0xFFFFD800  }
0xfc: {  	[tilespmem:s17], [sflag:$0x3] =	stream.linear.gather @!p0 [hbm4b:s10+s19], $0x50, $0x38;
	[tilespmem:$0x19400] =	vst v63  }
0xfd: {  	s9 =	sadd.s32 @!p0 s5, s9;
	s10 =	simm.s32 @!p0 $0x280  }
0xfe: {  	[tilespmem:s10], [sflag:$0x3] =	stream.linear.gather @!p0 [hbm4b:s9+s19], $0x50, $0x38;
	[tilespmem:$0x19400] =	vst v63  }
0xff: {  	_ =	swait.ge [sflag:s30], $0x50  }
0x100: {  	[sflag:s30] =	ssyncset.done $0x0  }
0x101: {  	[sflag:s30] =	ssyncadd.s32 $0xFFFFFFB0  }
0x102: {  	_ =	swait.ge [sflag:s30], $0x50  }
0x103: {  	[sflag:s30] =	ssyncset.done $0x0  }
0x104: {  	[sflag:s30] =	ssyncadd.s32 $0xFFFFFFB0  }
0x105: {  	[tilespmem:s0], [sflag:$0x5] =	stream.indirect.gather [hbm4b:s2+s31], $0x80, s4, s31, $0xb8;
	[tilespmem:$0x19400] =	vst v63  }
0x106: {  	_ =	swait.ge [sflag:s14], $0x2800  }
0x107: {  	[sflag:s14] =	ssyncset.done $0x0  }
0x108: {  	[sflag:s14] =	ssyncadd.s32 $0xFFFFD800  }
0x109: {  	[spmem:s3] =	stream.indirect.scatter.add.f32 [tilespmem:s7], [sflag:$0x8], $0x80, s21, s31, $0xb8;
	[tilespmem:$0x19400] =	vst v63  }
0x10a: {  	_ =	swait.ge [sflag:s15], $0x2800  }
0x10b: {  	[sflag:s15] =	ssyncset.done $0x0  }
0x10c: {  	[sflag:s15] =	ssyncadd.s32 $0xFFFFD800  }
0x10d: {  	_ =	swait.ge [sflag:s11], $0x2800  }
0x10e: {  	[sflag:s11] =	ssyncset.done $0x0  }
0x10f: {  	s18 =	simm.s32 $0x9;
	[sflag:s11] =	ssyncadd.s32 $0xFFFFD800  }
0x110: {  	[spmem:s3] =	stream.indirect.scatter.add.f32 [tilespmem:s0], [sflag:$0x9], $0x80, s29, s31, $0xb8;
	[tilespmem:$0x19400] =	vst v63  }
0x111: {  	_ =	swait.ge [sflag:s18], $0x2800  }
0x112: {  	[sflag:s18] =	ssyncset.done $0x0  }
0x113: {  	[sflag:s18] =	ssyncadd.s32 $0xFFFFD800  }
0x114: {  	[bflag:$0x0] =	sbarrier.arrive $0xFFFF  }
0x115: {  	s17 =	rddreg [dreg:$0x7]  }
0x116: {  	s26 =	rddreg [dreg:$0x10]  }
0x117: {  	s10 =	rddreg [dreg:$0x12]  }
0x118: {  	[hbm:s26], [sflag:s17] =	dma.local [spmem:s10], $0x2800  }
0x119: {  	_ =	swait.ge [sflag:s18], $0x2800  }
0x11a: {  	s28 =	rddreg [dreg:$0x13]  }
0x11b: {  	s29 =	rddreg [dreg:$0x11];
	s19 =	sadd.s32 $0x1, s28  }
0x11c: {  	p0 =	sne.s32 s19, s29  }
.Ltmp1:
0x11d: {  	_ = 	snop;
	(pc) =	sbr.rel @p0 .LBB2_1-.Ltmp1, $3  }
0x11e: {  	_ =	sdelay $0x1  }
0x11f: {  	[sflag:s18] =	ssyncset.done $0x0  }
0x120: {  	s22 =	simm.s32 $0x380;
	[sflag:s18] =	ssyncadd.s32 $0xFFFFD800  }
0x121: {  	_ =	sfence.sel $0x180000  }
0x122: {  	[bflag:$0x0] =	sbarrier.arrive $0xFFFF  }
0x123: {  	_ =	strace $0x9000004A  }
0x124: {  	s0 =	stileid.u32;
	[bflag:$0x2] =	sbarrier.arrive $0xFFFF  }
0x125: {  	p0 =	sne.s32 s0, $0x0;
	s0 =	rddreg [dreg:$0x3]  }
0x126: {  	s0 =	sadd.s32 @!p0 $0x100000, s0  }
0x127: {  	[sflag:s0] =	ssyncadd.tile.s32 @!p0 $0x1;
	_ =	shalt  }
.Lfunc_end2:
_tile_overlayer_lowered:
.L_overlay_start_2:
0x128: {  	(tag) =	ssettag $0x2  }
0x129: {  	s0 =	rddreg [dreg:$0x0];
	s2 =	stileid.u32  }
0x12a: {  	s1 =	rddreg [dreg:$0x1];
	p0 =	sne.s32 s2, $0x0  }
0x12b: {  	s3 =	rddreg [dreg:$0x2];
	[bflag:$0x3] =	sbarrier.arrive $0xFFFF;
	s2 =	simm.s32 @!p0 $0x1C09  }
0x12c: {  	[timem:s3], [sflag:s2] =	dma.local @!p0 [hbm:s0], s1  }
0x12d: {  	s0 =	simm.s32 @!p0 $0x9  }
0x12e: {  	_ =	swait.ge @!p0 [sflag:s0], s1  }
0x12f: {  	s1 =	ssub.s32 @!p0 $0x0, s1;
	[sflag:s0] =	ssyncset.done @!p0 $0x0  }
0x130: {  	[sflag:s0] =	ssyncadd.s32 @!p0 s1  }
0x131: {  	[bflag:$0x3] =	sbarrier.arrive $0xFFFF  }
0x132: {  	_ =	shalt  }

// kernel: kernel.16.cloned.1.call-start
scs
__scs_entry_jumppad:
0x0: {  	(pc) =	sbr.rel $0x88, $3  }
0x1: {  	(tag) =	ssettag $0x0;
	lr =	simm.s32 $0x1  }
0x2: {  	[smem:$0x3F96] =	sst lr;
	_ =	strace $0xD0000000  }
0x3: {  	_ = 	snop  }
0x4: {  	_ = 	snop  }
0x5: {  	_ = 	snop  }
0x6: {  	_ = 	snop  }
0x7: {  	_ = 	snop  }
__scs_overlays_trampoline_lowered:
0x8: {  	[smem:$0x3FA5] =	sst s0  }
0x9: {  	[smem:$0x3FA6] =	sst s1  }
0xa: {  	[smem:$0x3FA7] =	sst s2  }
0xb: {  	[smem:$0x3FA8] =	sst s3  }
0xc: {  	[smem:$0x3FA9] =	sst s4  }
0xd: {  	[smem:$0x3FAA] =	sst s5  }
0xe: {  	[smem:$0x3FAB] =	sst s6  }
0xf: {  	[smem:$0x3FAC] =	sst s7  }
0x10: {  	[smem:$0x3FAD] =	sst s8  }
0x11: {  	[smem:$0x3FAE] =	sst s9;
	s0 =	simm.s32 @!p0 $0x0  }
0x12: {  	s1 =	sld [smem:$0x3F94];
	s0 =	simm.s32 @p0 $0x1  }
0x13: {  	[smem:$0x3FAF] =	sst s0;
	s0 =	simm.s32 @!p1 $0x0  }
0x14: {  	s2 =	sld [smem:$0x3F93];
	s0 =	simm.s32 @p1 $0x1  }
0x15: {  	[smem:$0x3FB0] =	sst s0;
	s0 =	simm.s32 @!p2 $0x0  }
0x16: {  	s3 =	sld [smem:$0x3FDB];
	s0 =	simm.s32 @p2 $0x1  }
0x17: {  	s4 =	simm.s32 $0x1BF5;
	[smem:$0x3FB2] =	sst s0  }
0x18: {  	s0 =	sld [smem:$0x3F95];
	_ =	swait.ge [sflag:s4], $0x0  }
0x19: {  	s7 =	sld [smem:$0x3F96]  }
0x1a: {  	s8 =	sadd.s32 $0xFFFFE003, lr  }
0x1b: {  	s9 =	sadd.s32 $0xFFFFFEF7, lr;
	s5 =	simm.s32 $0xFFFFFFFF;
	p2 =	slt.u32 s8, $0xFFFFF086  }
0x1c: {  	p1 =	slt.u32 s9, $0xF7A;
	s5 =	simm.s32 @!p2 $0x0  }
0x1d: {  	s5 =	simm.s32 @p1 $0x1;
	p0 =	seq.s32 s7, s2  }
0x1e: {  	s7 =	smul.u32 @!p0 $0xF7A, s2;
	p2 =	seq.s32 @!p0 s5, $0x0  }
0x1f: {  	s9 =	smul.u32 $0xF7A, s1;
	s8 =	simm.s32 @!p0 $0x1BF5;
	p2 =	por !p2, p0  }
0x20: {  	[sflag:s8] =	ssyncset.s32 @!p0 $0xFFFFF086;
	s6 =	sadd.s32 @!p0 s3, s7;
	s7 =	simm.s32 @!p0 $0x108  }
0x21: {  	s3 =	sadd.s32 s3, s9;
	s6 =	sadd.s32 @!p0 $0x88, s6;
	s7 =	simm.s32 @p2 $0x1082  }
0x22: {  	[simem:s7], [sflag:s8] =	dma.local @!p0 [hbm:s6], $0xF7A  }
0x23: {  	s9 =	sor.u32 $0xD0000000, s2;
	s6 =	simm.s32 $0x108;
	_ =	swait.ge @!p0 [sflag:s8], $0x0  }
0x24: {  	s3 =	sadd.s32 $0x88, s3;
	s6 =	simm.s32 @!p1 $0x1082;
	[sflag:s4] =	ssyncset.s32 $0xFFFFF086  }
0x25: {  	[simem:s6], [sflag:s4] =	dma.local [hbm:s3], $0xF7A  }
0x26: {  	[smem:$0x3F96] =	sst s1;
	(tag) =	ssettag s2;
	_ =	strace s9  }
0x27: {  	s1 =	sld [smem:$0x3FA6]  }
0x28: {  	s2 =	sld [smem:$0x3FA7]  }
0x29: {  	s4 =	sld [smem:$0x3FA9]  }
0x2a: {  	p0 =	seq.s32 s5, $0x0;
	s5 =	sld [smem:$0x3FAA]  }
0x2b: {  	s6 =	sld [smem:$0x3FAB]  }
0x2c: {  	s7 =	sld [smem:$0x3FAC]  }
0x2d: {  	s3 =	simm.s32 $0x108;
	s8 =	sld [smem:$0x3FAD]  }
0x2e: {  	s3 =	simm.s32 @!p0 $0x1082;
	s9 =	sld [smem:$0x3FAE]  }
0x2f: {  	lr =	sadd.s32 s0, s3;
	s0 =	sld [smem:$0x3FA5]  }
0x30: {  	s3 =	sld [smem:$0x3FA8]  }
0x31: {  	[smem:$0x3FB1] =	sst s10  }
0x32: {  	s10 =	sld [smem:$0x3FAF];
	_ =	sdelay $0x3  }
0x33: {  	p0 =	seq.s32 s10, $0x1;
	s10 =	sld [smem:$0x3FB1];
	_ =	sdelay $0x3  }
0x34: {  	[smem:$0x3FB1] =	sst s10  }
0x35: {  	s10 =	sld [smem:$0x3FB0];
	_ =	sdelay $0x3  }
0x36: {  	p1 =	seq.s32 s10, $0x1;
	s10 =	sld [smem:$0x3FB1];
	_ =	sdelay $0x3  }
0x37: {  	[smem:$0x3FB1] =	sst s10  }
0x38: {  	s10 =	sld [smem:$0x3FB2]  }
0x39: {  	_ = 	snop;
	(pc) =	sbr.ind lr, $3  }
0x3a: {  	_ = 	snop  }
0x3b: {  	_ = 	snop  }
0x3c: {  	p2 =	seq.s32 s10, $0x1;
	s10 =	sld [smem:$0x3FB1]  }
0x3d: {  	_ =	shalt  }
0x3e: {  	_ =	shalt  }
0x3f: {  	_ =	shalt  }
0x40: {  	_ =	shalt  }
0x41: {  	_ =	shalt  }
0x42: {  	_ =	shalt  }
0x43: {  	_ =	shalt  }
0x44: {  	_ =	shalt  }
0x45: {  	_ =	shalt  }
0x46: {  	_ =	shalt  }
0x47: {  	_ =	shalt  }
0x48: {  	_ =	shalt  }
0x49: {  	_ =	shalt  }
0x4a: {  	_ =	shalt  }
0x4b: {  	_ =	shalt  }
0x4c: {  	_ =	shalt  }
0x4d: {  	_ =	shalt  }
0x4e: {  	_ =	shalt  }
0x4f: {  	_ =	shalt  }
0x50: {  	_ =	shalt  }
0x51: {  	_ =	shalt  }
0x52: {  	_ =	shalt  }
0x53: {  	_ =	shalt  }
0x54: {  	_ =	shalt  }
0x55: {  	_ =	shalt  }
0x56: {  	_ =	shalt  }
0x57: {  	_ =	shalt  }
0x58: {  	_ =	shalt  }
0x59: {  	_ =	shalt  }
0x5a: {  	_ =	shalt  }
0x5b: {  	_ =	shalt  }
0x5c: {  	_ =	shalt  }
0x5d: {  	_ =	shalt  }
0x5e: {  	_ =	shalt  }
0x5f: {  	_ =	shalt  }
0x60: {  	_ =	shalt  }
0x61: {  	_ =	shalt  }
0x62: {  	_ =	shalt  }
0x63: {  	_ =	shalt  }
0x64: {  	_ =	shalt  }
0x65: {  	_ =	shalt  }
0x66: {  	_ =	shalt  }
0x67: {  	_ =	shalt  }
0x68: {  	_ =	shalt  }
0x69: {  	_ =	shalt  }
0x6a: {  	_ =	shalt  }
0x6b: {  	_ =	shalt  }
0x6c: {  	_ =	shalt  }
0x6d: {  	_ =	shalt  }
0x6e: {  	_ =	shalt  }
0x6f: {  	_ =	shalt  }
0x70: {  	_ =	shalt  }
0x71: {  	_ =	shalt  }
0x72: {  	_ =	shalt  }
0x73: {  	_ =	shalt  }
0x74: {  	_ =	shalt  }
0x75: {  	_ =	shalt  }
0x76: {  	_ =	shalt  }
0x77: {  	_ =	shalt  }
0x78: {  	_ =	shalt  }
0x79: {  	_ =	shalt  }
0x7a: {  	_ =	shalt  }
0x7b: {  	_ =	shalt  }
0x7c: {  	_ =	shalt  }
0x7d: {  	_ =	shalt  }
0x7e: {  	_ =	shalt  }
0x7f: {  	_ =	shalt  }
0x80: {  	_ =	shalt  }
0x81: {  	_ =	shalt  }
0x82: {  	_ =	shalt  }
0x83: {  	_ =	shalt  }
0x84: {  	_ =	shalt  }
0x85: {  	_ =	shalt  }
0x86: {  	_ =	shalt  }
0x87: {  	_ =	shalt  }
.Lfunc_end0:
.L_simem_size_0:
called_computation.2_lowered:
.L_overlay_start_0:
0x88: {  	s2 =	sld [smem:$0x3FD9]  }
0x89: {  	s3 =	sld [smem:$0x3FFE];
	_ =	sdelay $0x1  }
0x8a: {  	s1 =	srdreg.scid  }
0x8b: {  	s0 =	sand.u32 $0x1, s1  }
0x8c: {  	s17 =	sshll.u32 s0, $0xA;
	s2 =	sadd.s32 s3, s2  }
0x8d: {  	s2 =	sadd.s32 s2, s17  }
0x8e: {  	[smem:$0x3FBD] =	sst s2  }
0x8f: {  	_ = 	snop  }
0x90: {  	s2 =	sld [smem:$0x3FD0];
	(tm) =	ssettm $0x1  }
0x91: {  	s18 =	sld [smem:$0x3FFB];
	_ =	sdelay $0x3  }
0x92: {  	_ =	strace s18  }
0x93: {  	s3 =	sld [smem:$0x3FFC];
	_ =	sdelay $0x3  }
0x94: {  	_ =	strace s3  }
0x95: {  	s3 =	sld [smem:$0x3FFD];
	_ =	sdelay $0x3  }
0x96: {  	_ =	strace s3  }
0x97: {  	_ =	strace $0x8FFFFFFF  }
0x98: {  	s19 =	sld [smem:$0x3FDB];
	_ =	sdelay $0x1  }
0x99: {  	s4 =	simm.s32 $_scs_section_size  }
0x9a: {  	s5 =	simm.s32 $_size__tile_overlayer_lowered;
	s6 =	simm.s32 $_tile_overlayer_lowered  }
0x9b: {  	s22 =	simm.s32 $0x1BFF;
	s21 =	sshll.u32 s6, $0x1;
	s3 =	sadd.s32 s4, s19  }
0x9c: {  	s7 =	simm.s32 $0x0;
	s20 =	sshll.u32 s5, $0x1;
	s5 =	sadd.s32 s21, s3  }
0x9d: {  	[timem:s7], [sflag:s22] =	dma.local [hbm:s5], s20  }
0x9e: {  	_ =	swait.ge [sflag:s22], s20  }
0x9f: {  	s4 =	ssub.s32 $0x0, s20;
	[sflag:s22] =	ssyncset.done $0x0  }
0xa0: {  	[sflag:s22] =	ssyncadd.s32 s4;
	_ =	sdelay $0x1  }
0xa1: {  	s23 =	simm.s32 $0x1B8B  }
0xa2: {  	_ =	swait.ge [sflag:s23], $0x1  }
0xa3: {  	[sflag:s23] =	ssyncset.done $0x0  }
0xa4: {  	s25 =	simm.s32 $0x1B8E;
	s24 =	sld [smem:$0x3FFE];
	[sflag:s23] =	ssyncadd.s32 $0xFFFFFFFF  }
0xa5: {  	s26 =	simm.s32 $execute0_lowered;
	[smem:$0x3FD2] =	sst s25  }
0xa6: {  	s5 =	sshll.u32 s26, $0x1;
	_ =	strace $0x8000004C;
	[dreg:$0x1] =	wrdreg $0xFFFFFFFF  }
0xa7: {  	s28 =	simm.s32 $_size_execute0_lowered;
	s3 =	sadd.s32 s3, s5;
	[dreg:$0x0] =	wrdreg $0x0  }
0xa8: {  	s5 =	sshll.u32 s28, $0x1;
	[dreg:$0x2] =	wrdreg s3  }
0xa9: {  	[dreg:$0x3] =	wrdreg s5  }
0xaa: {  	[dreg:$0x4] =	wrdreg $0xC0  }
0xab: {  	_ =	task [dreg:s7], $0x5FFFF  }
0xac: {  	[dreg:$0x1] =	wrdreg $0xFFFFFFFF  }
0xad: {  	[dreg:$0x0] =	wrdreg $0x60  }
0xae: {  	[dreg:$0x2] =	wrdreg s2  }
0xaf: {  	[dreg:$0x3] =	wrdreg s24  }
0xb0: {  	[dreg:$0x4] =	wrdreg $0x54000  }
0xb1: {  	[dreg:$0x5] =	wrdreg $0x9  }
0xb2: {  	_ =	task.clear_ibuf [dreg:s7], $0x6FFFF;
	_ =	strace $0x9000004C  }
0xb3: {  	s29 =	simm.s32 $0x9;
	_ =	strace $0x8000004E  }
0xb4: {  	_ =	swait.ge [sflag:s29], $0x1  }
0xb5: {  	[sflag:s29] =	ssyncadd.s32 $0xFFFFFFFF  }
0xb6: {  	_ =	strace $0x9000004E  }
0xb7: {  	_ =	sfence  }
0xb8: {  	s30 =	sld [smem:$0x0];
	_ =	sdelay $0x2  }
0xb9: {  	s31 =	sshll.u32 s1, $0xD;
	s1 =	sshrl.u32 s1, $0x2  }
0xba: {  	s3 =	sand.u32 $0x4000, s31;
	s1 =	sadd.s32 s1, s30  }
0xbb: {  	s0 =	sor.u32 s3, s0;
	s1 =	sshll.u32 s1, $0x11  }
0xbc: {  	s0 =	sor.u32 s1, s0  }
0xbd: {  	s0 =	sadd.s32 $0x8F2B, s0  }
0xbe: {  	[sflag:s0] =	ssyncadd.remote.s32 $0x1  }
0xbf: {  	_ =	sfence.sel $0xFFFF  }
0xc0: {  	[dreg:$0x0] =	wrdreg $0xFFFFFFFF;
	(pc) =	sbr.abs _section_cstart, $3  }
0xc1: {  	[dreg:$0x1] =	wrdreg $0xFFFFFFFF  }
0xc2: {  	_ =	task.clear_ibuf [dreg:s7], $0x2FFFF;
	_ =	strace $0x9FFFFFFF  }
0xc3: {  	(tm) =	ssettm $0x7FFFFFFF  }
tec
execute0_lowered:
.L_overlay_start_1:
0x0: {  	(tag) =	ssettag $0x1  }
0x1: {  	s2 =	rddreg [dreg:$0x0]  }
0x2: {  	s0 =	rddreg [dreg:$0x1]  }
0x3: {  	s3 =	rddreg [dreg:$0x2]  }
0x4: {  	s11 =	stileid.u32;
	s1 =	srdreg.scid;
	s4 =	simm.s32 $0x0  }
0x5: {  	s30 =	simm.s32 $0x1;
	s31 =	simm.s32 $0x50;
	s13 =	simm.s32 $0x3  }
0x6: {  	s14 =	simm.s32 $0x6;
	s6 =	smul.u32 $0x14000, s11;
	s1 =	sand.u32 $0x1, s1  }
0x7: {  	[smem:$0x7FF] =	sst s4;
	s5 =	sadd.s32 $0x3600, s0;
	s16 =	smul.u32 $0x50000, s11  }
0x8: {  	s9 =	sshll.u32 s11, $0x1;
	s19 =	sshll.u32 s11, $0x6;
	s11 =	smul.u32 $0x4E20, s11  }
0x9: {  	s7 =	smul.u32 $0x140000, s1;
	_ =	strace $0x8000004D;
	s17 =	ssub.s32 $0x2, s1  }
0xa: {  	s9 =	sor.u32 s1, s9;
	s1 =	smul.u32 $0x2710, s1;
	s8 =	sshrl.u32 s6, $0x3  }
0xb: {  	s10 =	sshrl.u32 s17, $0x1;
	s6 =	sadd.s32 s6, s7;
	s15 =	sadd.s32 s8, s0  }
0xc: {  	s8 =	sshrl.u32 s16, $0x2;
	s10 =	ssub.s32 s17, s10;
	s17 =	sor.u32 $0x1C09, s19  }
0xd: {  	s1 =	sadd.s32 s1, s11;
	s11 =	simm.s32 $0x5;
	s6 =	sshrl.u32 s6, $0x3  }
0xe: {  	s18 =	sadd.s32 s8, s3;
	s7 =	sadd.s32 $0x17000, s15;
	s24 =	sadd.s32 $0xF0, s1  }
0xf: {  	s1 =	sadd.s32 $0x4E2F0, s1;
	s29 =	smax.u32 s10, $0x1;
	[dreg:$0x7] =	wrdreg s17  }
0x10: {  	s0 =	sadd.s32 s6, s0;
	s6 =	smul.u32 $0x2710, s9;
	[dreg:$0x6] =	wrdreg s7  }
0x11: {  	s1 =	sshrl.u32 s1, $0x3;
	[dreg:$0x11] =	wrdreg s29;
	s10 =	sshrl.u32 s18, $0x3  }
0x12: {  	s1 =	sadd.s32 s1, s5;
	s0 =	sadd.s32 $0x3F000, s0;
	[dreg:$0x12] =	wrdreg s10  }
0x13: {  	s12 =	sshrl.u32 s6, $0x3;
	s8 =	sadd.s32 $0x4E200, s6;
	[dreg:$0x10] =	wrdreg s0  }
0x14: {  	[dreg:$0x5] =	wrdreg s1;
	s12 =	sadd.s32 s5, s12;
	s20 =	sshrl.u32 s8, $0x3  }
0x15: {  	s16 =	simm.s32 $0x4;
	s7 =	sadd.s32 s5, s20;
	[dreg:$0x8] =	wrdreg s12  }
0x16: {  	s19 =	simm.s32 $0x0;
	s21 =	sadd.s32 $0xA, s12;
	[dreg:$0x9] =	wrdreg s7  }
0x17: {  	s15 =	simm.s32 $0x8;
	s22 =	sadd.s32 $0x9C4A, s12;
	[dreg:$0xa] =	wrdreg s21  }
0x18: {  	s18 =	simm.s32 $0x9;
	s23 =	sadd.s32 $0x14, s12;
	[dreg:$0xb] =	wrdreg s22  }
0x19: {  	s0 =	simm.s32 $0x400;
	s25 =	sadd.s32 $0x9C54, s12;
	[dreg:$0xc] =	wrdreg s23  }
0x1a: {  	s1 =	simm.s32 $0x2;
	s26 =	sadd.s32 $0x1E, s12;
	[dreg:$0xd] =	wrdreg s25  }
0x1b: {  	s28 =	sadd.s32 $0x9C5E, s12;
	s7 =	sshrl.u32 s24, $0x3;
	[dreg:$0xe] =	wrdreg s26  }
0x1c: {  	s12 =	simm.s32 $0x7;
	[dreg:$0xf] =	wrdreg s28;
	s7 =	sadd.s32 s7, s5  }
0x1d: {  	s22 =	simm.s32 $0x380;
	[dreg:$0x4] =	wrdreg s7;
	s7 =	simm.s32 $0x2C00  }
.LBB2_1:
0x1e: {  	[dreg:$0x13] =	wrdreg s19  }
0x1f: {  	s9 =	rddreg [dreg:$0x6]  }
0x20: {  	[spmem:s10], [sflag:s17] =	dma.local [hbm:s9], $0x2800  }
0x21: {  	_ =	swait.ge [sflag:s18], $0x2800  }
0x22: {  	[sflag:s18] =	ssyncset.done $0x0  }
0x23: {  	[sflag:s18] =	ssyncadd.s32 $0xFFFFD800  }
0x24: {  	[bflag:$0x0] =	sbarrier.arrive $0xFFFF  }
0x25: {  	s23 =	rddreg [dreg:$0x8]  }
0x26: {  	[tilespmem:s4], [sflag:$0x1] =	stream.linear.gather [hbm4b:s23+s4], $0x50, $0x38;
	[tilespmem:$0x19400] =	vst v63  }
0x27: {  	s25 =	simm.s32 $0x80;
	s24 =	rddreg [dreg:$0x9]  }
0x28: {  	[tilespmem:s25], [sflag:$0x1] =	stream.linear.gather [hbm4b:s24+s4], $0x50, $0x38;
	[tilespmem:$0x19400] =	vst v63  }
0x29: {  	s28 =	simm.s32 $0x100;
	s26 =	rddreg [dreg:$0xa]  }
0x2a: {  	[tilespmem:s28], [sflag:$0x2] =	stream.linear.gather [hbm4b:s26+s4], $0x50, $0x38;
	[tilespmem:$0x19400] =	vst v63  }
0x2b: {  	s20 =	simm.s32 $0x180;
	s29 =	rddreg [dreg:$0xb]  }
0x2c: {  	[tilespmem:s20], [sflag:$0x2] =	stream.linear.gather [hbm4b:s29+s4], $0x50, $0x38;
	[tilespmem:$0x19400] =	vst v63  }
0x2d: {  	s21 =	simm.s32 $0x200;
	s10 =	rddreg [dreg:$0xc]  }
0x2e: {  	[tilespmem:s21], [sflag:$0x3] =	stream.linear.gather [hbm4b:s10+s4], $0x50, $0x38;
	[tilespmem:$0x19400] =	vst v63  }
0x2f: {  	s17 =	rddreg [dreg:$0xd];
	s23 =	simm.s32 $0x280  }
0x30: {  	[tilespmem:s23], [sflag:$0x3] =	stream.linear.gather [hbm4b:s17+s4], $0x50, $0x38;
	[tilespmem:$0x19400] =	vst v63  }
0x31: {  	s18 =	rddreg [dreg:$0xe];
	s24 =	simm.s32 $0x300  }
0x32: {  	[tilespmem:s24], [sflag:$0x4] =	stream.linear.gather [hbm4b:s18+s4], $0x50, $0x38;
	[tilespmem:$0x19400] =	vst v63  }
0x33: {  	s26 =	rddreg [dreg:$0xf]  }
0x34: {  	[tilespmem:s22], [sflag:$0x4] =	stream.linear.gather [hbm4b:s26+s4], $0x50, $0x38;
	[tilespmem:$0x19400] =	vst v63  }
0x35: {  	_ =	swait.ge [sflag:s30], $0x50  }
0x36: {  	[sflag:s30] =	ssyncset.done $0x0  }
0x37: {  	[sflag:s30] =	ssyncadd.s32 $0xFFFFFFB0  }
0x38: {  	_ =	swait.ge [sflag:s30], $0x50  }
0x39: {  	p0 =	por $0x1, $0x1;
	[sflag:s30] =	ssyncset.done $0x0  }
0x3a: {  	s9 =	simm.s32 @!p0 $0x8;
	[sflag:s30] =	ssyncadd.s32 $0xFFFFFFB0  }
0x3b: {  	[tilespmem:s0], [sflag:$0x5] =	stream.indirect.gather [hbm4b:s2+s31], $0x80, s4, s31, $0xb8;
	[tilespmem:$0x19400] =	vst v63  }
0x3c: {  	s17 =	simm.s32 @!p0 $0x0;
	_ =	swait.ge @!p0 [sflag:s9], $0x2800  }
0x3d: {  	s18 =	simm.s32 @!p0 $0x300;
	s10 =	rddreg [dreg:$0x4];
	[sflag:s9] =	ssyncset.done @!p0 $0x0  }
0x3e: {  	[sflag:s9] =	ssyncadd.s32 @!p0 $0xFFFFD800;
	s9 =	rddreg [dreg:$0x5];
	s10 =	sadd.s32 @!p0 $0x0, s10  }
0x3f: {  	[tilespmem:s18], [sflag:$0x4] =	stream.linear.gather @!p0 [hbm4b:s10+s17], $0x50, $0x38;
	[tilespmem:$0x19400] =	vst v63  }
0x40: {  	s9 =	sadd.s32 @!p0 $0x0, s9;
	s10 =	simm.s32 @!p0 $0x380  }
0x41: {  	[tilespmem:s10], [sflag:$0x4] =	stream.linear.gather @!p0 [hbm4b:s9+s17], $0x50, $0x38;
	[tilespmem:$0x19400] =	vst v63  }
0x42: {  	_ =	swait.ge [sflag:s1], $0x50  }
0x43: {  	[sflag:s1] =	ssyncset.done $0x0  }
0x44: {  	[sflag:s1] =	ssyncadd.s32 $0xFFFFFFB0  }
0x45: {  	_ =	swait.ge [sflag:s1], $0x50  }
0x46: {  	[sflag:s1] =	ssyncset.done $0x0  }
0x47: {  	[sflag:s1] =	ssyncadd.s32 $0xFFFFFFB0  }
0x48: {  	[tilespmem:s7], [sflag:$0x6] =	stream.indirect.gather [hbm4b:s2+s31], $0x80, s28, s31, $0xb8;
	[tilespmem:$0x19400] =	vst v63  }
0x49: {  	s9 =	simm.s32 $0x0;
	_ =	swait.ge [sflag:s11], $0x2800  }
0x4a: {  	s9 =	simm.s32 @p0 $0x0;
	[sflag:s11] =	ssyncset.done $0x0  }
0x4b: {  	s28 =	sadd.s32 $0x140, s9;
	[sflag:s11] =	ssyncadd.s32 $0xFFFFD800  }
0x4c: {  	[spmem:s3] =	stream.indirect.scatter.add.f32 [tilespmem:s0], [sflag:$0x7], $0x80, s25, s31, $0xb8;
	[tilespmem:$0x19400] =	vst v63  }
0x4d: {  	s29 =	sadd.s32 s6, s28;
	_ =	swait.ge [sflag:s12], $0x2800  }
0x4e: {  	s10 =	sadd.s32 s8, s28;
	s17 =	sshrl.u32 s29, $0x3;
	[sflag:s12] =	ssyncset.done $0x0  }
0x4f: {  	s10 =	sshrl.u32 s10, $0x3;
	s17 =	sadd.s32 s5, s17;
	[sflag:s12] =	ssyncadd.s32 $0xFFFFD800  }
0x50: {  	[tilespmem:s4], [sflag:$0x1] =	stream.linear.gather [hbm4b:s17+s4], $0x50, $0x38;
	[tilespmem:$0x19400] =	vst v63  }
0x51: {  	s10 =	sadd.s32 s5, s10  }
0x52: {  	[tilespmem:s25], [sflag:$0x1] =	stream.linear.gather [hbm4b:s10+s4], $0x50, $0x38;
	[tilespmem:$0x19400] =	vst v63  }
0x53: {  	_ =	swait.ge [sflag:s13], $0x50  }
0x54: {  	[sflag:s13] =	ssyncset.done $0x0  }
0x55: {  	[sflag:s13] =	ssyncadd.s32 $0xFFFFFFB0  }
0x56: {  	_ =	swait.ge [sflag:s13], $0x50  }
0x57: {  	[sflag:s13] =	ssyncset.done $0x0  }
0x58: {  	[sflag:s13] =	ssyncadd.s32 $0xFFFFFFB0  }
0x59: {  	[tilespmem:s0], [sflag:$0x5] =	stream.indirect.gather [hbm4b:s2+s31], $0x80, s21, s31, $0xb8;
	[tilespmem:$0x19400] =	vst v63  }
0x5a: {  	_ =	swait.ge [sflag:s14], $0x2800  }
0x5b: {  	p0 =	por $0x0, $0x0;
	[sflag:s14] =	ssyncset.done $0x0  }
0x5c: {  	s18 =	simm.s32 @!p0 $0x100;
	s10 =	sadd.s32 @!p0 $0x190, s9;
	[sflag:s14] =	ssyncadd.s32 $0xFFFFD800  }
0x5d: {  	[spmem:s3] =	stream.indirect.scatter.add.f32 [tilespmem:s7], [sflag:$0x8], $0x80, s20, s31, $0xb8;
	[tilespmem:$0x19400] =	vst v63  }
0x5e: {  	s19 =	simm.s32 @!p0 $0x0;
	s17 =	sadd.s32 @!p0 s6, s10;
	_ =	swait.ge [sflag:s15], $0x2800  }
0x5f: {  	s10 =	sadd.s32 @!p0 s8, s10;
	s17 =	sshrl.u32 @!p0 s17, $0x3;
	[sflag:s15] =	ssyncset.done $0x0  }
0x60: {  	s10 =	sshrl.u32 @!p0 s10, $0x3;
	s17 =	sadd.s32 @!p0 s5, s17;
	[sflag:s15] =	ssyncadd.s32 $0xFFFFD800  }
0x61: {  	[tilespmem:s18], [sflag:$0x2] =	stream.linear.gather @!p0 [hbm4b:s17+s19], $0x50, $0x38;
	[tilespmem:$0x19400] =	vst v63  }
0x62: {  	s10 =	sadd.s32 @!p0 s5, s10;
	s17 =	simm.s32 @!p0 $0x180  }
0x63: {  	[tilespmem:s17], [sflag:$0x2] =	stream.linear.gather @!p0 [hbm4b:s10+s19], $0x50, $0x38;
	[tilespmem:$0x19400] =	vst v63  }
0x64: {  	_ =	swait.ge [sflag:s16], $0x50  }
0x65: {  	[sflag:s16] =	ssyncset.done $0x0  }
0x66: {  	[sflag:s16] =	ssyncadd.s32 $0xFFFFFFB0  }
0x67: {  	_ =	swait.ge [sflag:s16], $0x50  }
0x68: {  	[sflag:s16] =	ssyncset.done $0x0  }
0x69: {  	[sflag:s16] =	ssyncadd.s32 $0xFFFFFFB0  }
0x6a: {  	[tilespmem:s7], [sflag:$0x6] =	stream.indirect.gather [hbm4b:s2+s31], $0x80, s24, s31, $0xb8;
	[tilespmem:$0x19400] =	vst v63  }
0x6b: {  	_ =	swait.ge [sflag:s11], $0x2800  }
0x6c: {  	[sflag:s11] =	ssyncset.done $0x0  }
0x6d: {  	s9 =	sadd.s32 @!p0 $0x1E0, s9;
	[sflag:s11] =	ssyncadd.s32 $0xFFFFD800  }
0x6e: {  	[spmem:s3] =	stream.indirect.scatter.add.f32 [tilespmem:s0], [sflag:$0x7], $0x80, s23, s31, $0xb8;
	[tilespmem:$0x19400] =	vst v63  }
0x6f: {  	s10 =	sadd.s32 @!p0 s6, s9;
	s17 =	simm.s32 @!p0 $0x200;
	_ =	swait.ge [sflag:s12], $0x2800  }
0x70: {  	s9 =	sadd.s32 @!p0 s8, s9;
	s10 =	sshrl.u32 @!p0 s10, $0x3;
	[sflag:s12] =	ssyncset.done $0x0  }
0x71: {  	s9 =	sshrl.u32 @!p0 s9, $0x3;
	s10 =	sadd.s32 @!p0 s5, s10;
	[sflag:s12] =	ssyncadd.s32 $0xFFFFD800  }
0x72: {  	[tilespmem:s17], [sflag:$0x3] =	stream.linear.gather @!p0 [hbm4b:s10+s19], $0x50, $0x38;
	[tilespmem:$0x19400] =	vst v63  }
0x73: {  	s9 =	sadd.s32 @!p0 s5, s9;
	s10 =	simm.s32 @!p0 $0x280  }
0x74: {  	[tilespmem:s10], [sflag:$0x3] =	stream.linear.gather @!p0 [hbm4b:s9+s19], $0x50, $0x38;
	[tilespmem:$0x19400] =	vst v63  }
0x75: {  	_ =	swait.ge [sflag:s30], $0x50  }
0x76: {  	[sflag:s30] =	ssyncset.done $0x0  }
0x77: {  	[sflag:s30] =	ssyncadd.s32 $0xFFFFFFB0  }
0x78: {  	_ =	swait.ge [sflag:s30], $0x50  }
0x79: {  	[sflag:s30] =	ssyncset.done $0x0  }
0x7a: {  	p2 =	por $0x0, $0x0;
	[sflag:s30] =	ssyncadd.s32 $0xFFFFFFB0  }
0x7b: {  	[tilespmem:s0], [sflag:$0x5] =	stream.indirect.gather [hbm4b:s2+s31], $0x80, s4, s31, $0xb8;
	[tilespmem:$0x19400] =	vst v63  }
0x7c: {  	s18 =	simm.s32 $0x140;
	s10 =	simm.s32 $0x28;
	_ =	swait.ge [sflag:s14], $0x2800  }
0x7d: {  	s19 =	simm.s32 $0x50;
	p0 =	por $0x0, $0x0;
	[sflag:s14] =	ssyncset.done $0x0  }
.LBB2_2:
0x7e: {  	s17 =	smov.u32 s18  }
0x7f: {  	s9 =	simm.s32 @!p2 $0x8;
	[sflag:s14] =	ssyncadd.s32 $0xFFFFD800;
	s17 =	simm.s32 @p2 $0x0  }
0x80: {  	[spmem:s3] =	stream.indirect.scatter.add.f32 [tilespmem:s7], [sflag:$0x8], $0x80, s22, s31, $0xb8;
	[tilespmem:$0x19400] =	vst v63  }
0x81: {  	s28 =	simm.s32 @!p2 $0x0;
	_ =	swait.ge @!p2 [sflag:s9], $0x2800;
	s20 =	sadd.s32 $0x140, s17  }
0x82: {  	[sflag:s9] =	ssyncset.done @!p2 $0x0;
	s21 =	rddreg [dreg:$0x4];
	s25 =	sadd.s32 s6, s20  }
0x83: {  	s29 =	sadd.s32 s8, s20;
	s20 =	rddreg [dreg:$0x5];
	[sflag:s9] =	ssyncadd.s32 @!p2 $0xFFFFD800  }
0x84: {  	s26 =	sshrl.u32 s29, $0x3;
	s21 =	sadd.s32 @!p2 s10, s21;
	s29 =	simm.s32 @!p2 $0x300  }
0x85: {  	[tilespmem:s29], [sflag:$0x4] =	stream.linear.gather @!p2 [hbm4b:s21+s28], $0x50, $0x38;
	[tilespmem:$0x19400] =	vst v63  }
0x86: {  	s10 =	sadd.s32 @!p2 s10, s20;
	s20 =	simm.s32 @!p2 $0x380  }
0x87: {  	[tilespmem:s20], [sflag:$0x4] =	stream.linear.gather @!p2 [hbm4b:s10+s28], $0x50, $0x38;
	[tilespmem:$0x19400] =	vst v63  }
0x88: {  	_ =	swait.ge [sflag:s1], $0x50  }
0x89: {  	[sflag:s1] =	ssyncset.done $0x0  }
0x8a: {  	s24 =	sadd.s32 @!p0 $0x190, s17;
	[sflag:s1] =	ssyncadd.s32 $0xFFFFFFB0  }
0x8b: {  	s9 =	sadd.s32 @!p0 s6, s24;
	_ =	swait.ge [sflag:s1], $0x50  }
0x8c: {  	s21 =	sshrl.u32 @!p0 s9, $0x3;
	[sflag:s1] =	ssyncset.done $0x0  }
0x8d: {  	s9 =	sadd.s32 @!p0 s8, s24;
	s24 =	simm.s32 $0x100;
	[sflag:s1] =	ssyncadd.s32 $0xFFFFFFB0  }
0x8e: {  	[tilespmem:s7], [sflag:$0x6] =	stream.indirect.gather [hbm4b:s2+s31], $0x80, s24, s31, $0xb8;
	[tilespmem:$0x19400] =	vst v63  }
0x8f: {  	_ =	swait.ge [sflag:s11], $0x2800  }
0x90: {  	[sflag:s11] =	ssyncset.done $0x0  }
0x91: {  	s24 =	simm.s32 $0x80;
	[sflag:s11] =	ssyncadd.s32 $0xFFFFD800  }
0x92: {  	[spmem:s3] =	stream.indirect.scatter.add.f32 [tilespmem:s0], [sflag:$0x7], $0x80, s24, s31, $0xb8;
	[tilespmem:$0x19400] =	vst v63  }
0x93: {  	_ =	swait.ge [sflag:s12], $0x2800  }
0x94: {  	s25 =	sshrl.u32 s25, $0x3;
	[sflag:s12] =	ssyncset.done $0x0  }
0x95: {  	s28 =	sadd.s32 s5, s25;
	[sflag:s12] =	ssyncadd.s32 $0xFFFFD800  }
0x96: {  	[tilespmem:s4], [sflag:$0x1] =	stream.linear.gather [hbm4b:s28+s4], $0x50, $0x38;
	[tilespmem:$0x19400] =	vst v63  }
0x97: {  	s29 =	sadd.s32 s5, s26  }
0x98: {  	[tilespmem:s24], [sflag:$0x1] =	stream.linear.gather [hbm4b:s29+s4], $0x50, $0x38;
	[tilespmem:$0x19400] =	vst v63  }
0x99: {  	_ =	swait.ge [sflag:s13], $0x50  }
0x9a: {  	[sflag:s13] =	ssyncset.done $0x0  }
0x9b: {  	[sflag:s13] =	ssyncadd.s32 $0xFFFFFFB0  }
0x9c: {  	_ =	swait.ge [sflag:s13], $0x50  }
0x9d: {  	[sflag:s13] =	ssyncset.done $0x0  }
0x9e: {  	s25 =	simm.s32 $0x200;
	[sflag:s13] =	ssyncadd.s32 $0xFFFFFFB0  }
0x9f: {  	[tilespmem:s0], [sflag:$0x5] =	stream.indirect.gather [hbm4b:s2+s31], $0x80, s25, s31, $0xb8;
	[tilespmem:$0x19400] =	vst v63  }
0xa0: {  	s23 =	smov.u32 s19;
	_ =	swait.ge [sflag:s14], $0x2800  }
0xa1: {  	s26 =	simm.s32 $0x180;
	s21 =	sadd.s32 @!p0 s5, s21;
	[sflag:s14] =	ssyncset.done $0x0  }
0xa2: {  	s10 =	sadd.s32 @!p0 $0x1E0, s17;
	s17 =	sshrl.u32 @!p0 s9, $0x3;
	[sflag:s14] =	ssyncadd.s32 $0xFFFFD800  }
0xa3: {  	[spmem:s3] =	stream.indirect.scatter.add.f32 [tilespmem:s7], [sflag:$0x8], $0x80, s26, s31, $0xb8;
	[tilespmem:$0x19400] =	vst v63  }
0xa4: {  	s9 =	sadd.s32 @!p0 s6, s10;
	s10 =	sadd.s32 @!p0 s8, s10;
	_ =	swait.ge [sflag:s15], $0x2800  }
0xa5: {  	s20 =	sshrl.u32 @!p0 s10, $0x3;
	s10 =	smov.u32 s23;
	[sflag:s15] =	ssyncset.done $0x0  }
0xa6: {  	s23 =	simm.s32 @!p0 $0x100;
	s24 =	simm.s32 @!p0 $0x0;
	[sflag:s15] =	ssyncadd.s32 $0xFFFFD800  }
0xa7: {  	[tilespmem:s23], [sflag:$0x2] =	stream.linear.gather @!p0 [hbm4b:s21+s24], $0x50, $0x38;
	[tilespmem:$0x19400] =	vst v63  }
0xa8: {  	s17 =	sadd.s32 @!p0 s5, s17;
	s21 =	simm.s32 @!p0 $0x180  }
0xa9: {  	[tilespmem:s21], [sflag:$0x2] =	stream.linear.gather @!p0 [hbm4b:s17+s24], $0x50, $0x38;
	[tilespmem:$0x19400] =	vst v63  }
0xaa: {  	_ =	swait.ge [sflag:s16], $0x50  }
0xab: {  	[sflag:s16] =	ssyncset.done $0x0  }
0xac: {  	[sflag:s16] =	ssyncadd.s32 $0xFFFFFFB0  }
0xad: {  	_ =	swait.ge [sflag:s16], $0x50  }
0xae: {  	[sflag:s16] =	ssyncset.done $0x0  }
0xaf: {  	s28 =	simm.s32 $0x300;
	[sflag:s16] =	ssyncadd.s32 $0xFFFFFFB0  }
0xb0: {  	[tilespmem:s7], [sflag:$0x6] =	stream.indirect.gather [hbm4b:s2+s31], $0x80, s28, s31, $0xb8;
	[tilespmem:$0x19400] =	vst v63  }
0xb1: {  	_ =	swait.ge [sflag:s11], $0x2800  }
0xb2: {  	[sflag:s11] =	ssyncset.done $0x0  }
0xb3: {  	s29 =	simm.s32 $0x280;
	[sflag:s11] =	ssyncadd.s32 $0xFFFFD800  }
0xb4: {  	[spmem:s3] =	stream.indirect.scatter.add.f32 [tilespmem:s0], [sflag:$0x7], $0x80, s29, s31, $0xb8;
	[tilespmem:$0x19400] =	vst v63  }
0xb5: {  	_ =	swait.ge [sflag:s12], $0x2800  }
0xb6: {  	s9 =	sshrl.u32 @!p0 s9, $0x3;
	[sflag:s12] =	ssyncset.done $0x0  }
0xb7: {  	s9 =	sadd.s32 @!p0 s5, s9;
	s17 =	simm.s32 @!p0 $0x200;
	[sflag:s12] =	ssyncadd.s32 $0xFFFFD800  }
0xb8: {  	[tilespmem:s17], [sflag:$0x3] =	stream.linear.gather @!p0 [hbm4b:s9+s24], $0x50, $0x38;
	[tilespmem:$0x19400] =	vst v63  }
0xb9: {  	s9 =	sadd.s32 @!p0 s5, s20;
	s17 =	simm.s32 @!p0 $0x280  }
0xba: {  	[tilespmem:s17], [sflag:$0x3] =	stream.linear.gather @!p0 [hbm4b:s9+s24], $0x50, $0x38;
	[tilespmem:$0x19400] =	vst v63  }
0xbb: {  	_ =	swait.ge [sflag:s30], $0x50  }
0xbc: {  	[sflag:s30] =	ssyncset.done $0x0  }
0xbd: {  	s19 =	sadd.s32 $0x28, s19;
	[sflag:s30] =	ssyncadd.s32 $0xFFFFFFB0  }
0xbe: {  	p1 =	sne.s32 s19, $0x4D8;
	_ =	swait.ge [sflag:s30], $0x50  }
.Ltmp0:
0xbf: {  	[sflag:s30] =	ssyncset.done $0x0;
	(pc) =	sbr.rel @p1 .LBB2_2-.Ltmp0, $4  }
0xc0: {  	[sflag:s30] =	ssyncadd.s32 $0xFFFFFFB0  }
0xc1: {  	[tilespmem:s0], [sflag:$0x5] =	stream.indirect.gather [hbm4b:s2+s31], $0x80, s4, s31, $0xb8;
	[tilespmem:$0x19400] =	vst v63  }
0xc2: {  	s18 =	sadd.s32 $0x140, s18;
	_ =	swait.ge [sflag:s14], $0x2800  }
0xc3: {  	p2 =	seq.s32 s10, $0x0;
	p0 =	seq.s32 s10, $0x4B0;
	[sflag:s14] =	ssyncset.done $0x0  }
0xc4: {  	s9 =	simm.s32 @!p2 $0x8;
	[sflag:s14] =	ssyncadd.s32 $0xFFFFD800;
	s21 =	simm.s32 $0x380  }
0xc5: {  	[spmem:s3] =	stream.indirect.scatter.add.f32 [tilespmem:s7], [sflag:$0x8], $0x80, s21, s31, $0xb8;
	[tilespmem:$0x19400] =	vst v63  }
0xc6: {  	s19 =	simm.s32 @!p2 $0x0;
	_ =	swait.ge @!p2 [sflag:s9], $0x2800  }
0xc7: {  	s20 =	simm.s32 @!p2 $0x300;
	s17 =	rddreg [dreg:$0x4];
	[sflag:s9] =	ssyncset.done @!p2 $0x0  }
0xc8: {  	[sflag:s9] =	ssyncadd.s32 @!p2 $0xFFFFD800;
	s9 =	rddreg [dreg:$0x5];
	s17 =	sadd.s32 @!p2 s10, s17  }
0xc9: {  	[tilespmem:s20], [sflag:$0x4] =	stream.linear.gather @!p2 [hbm4b:s17+s19], $0x50, $0x38;
	[tilespmem:$0x19400] =	vst v63  }
0xca: {  	s9 =	sadd.s32 @!p2 s10, s9;
	s10 =	simm.s32 @!p2 $0x380  }
0xcb: {  	[tilespmem:s10], [sflag:$0x4] =	stream.linear.gather @!p2 [hbm4b:s9+s19], $0x50, $0x38;
	[tilespmem:$0x19400] =	vst v63  }
0xcc: {  	_ =	swait.ge [sflag:s1], $0x50  }
0xcd: {  	[sflag:s1] =	ssyncset.done $0x0  }
0xce: {  	[sflag:s1] =	ssyncadd.s32 $0xFFFFFFB0  }
0xcf: {  	_ =	swait.ge [sflag:s1], $0x50  }
0xd0: {  	[sflag:s1] =	ssyncset.done $0x0  }
0xd1: {  	s26 =	simm.s32 $0x100;
	[sflag:s1] =	ssyncadd.s32 $0xFFFFFFB0  }
0xd2: {  	[tilespmem:s7], [sflag:$0x6] =	stream.indirect.gather [hbm4b:s2+s31], $0x80, s26, s31, $0xb8;
	[tilespmem:$0x19400] =	vst v63  }
0xd3: {  	_ =	swait.ge [sflag:s11], $0x2800  }
0xd4: {  	s18 =	simm.s32 @p2 $0x0;
	[sflag:s11] =	ssyncset.done $0x0  }
0xd5: {  	s29 =	simm.s32 $0x80;
	s28 =	sadd.s32 $0x140, s18;
	[sflag:s11] =	ssyncadd.s32 $0xFFFFD800  }
0xd6: {  	[spmem:s3] =	stream.indirect.scatter.add.f32 [tilespmem:s0], [sflag:$0x7], $0x80, s29, s31, $0xb8;
	[tilespmem:$0x19400] =	vst v63  }
0xd7: {  	s19 =	sadd.s32 s6, s28;
	_ =	swait.ge [sflag:s12], $0x2800  }
0xd8: {  	s9 =	sadd.s32 s8, s28;
	s10 =	sshrl.u32 s19, $0x3;
	[sflag:s12] =	ssyncset.done $0x0  }
0xd9: {  	s9 =	sshrl.u32 s9, $0x3;
	s10 =	sadd.s32 s5, s10;
	[sflag:s12] =	ssyncadd.s32 $0xFFFFD800  }
0xda: {  	[tilespmem:s4], [sflag:$0x1] =	stream.linear.gather [hbm4b:s10+s4], $0x50, $0x38;
	[tilespmem:$0x19400] =	vst v63  }
0xdb: {  	s9 =	sadd.s32 s5, s9  }
0xdc: {  	[tilespmem:s29], [sflag:$0x1] =	stream.linear.gather [hbm4b:s9+s4], $0x50, $0x38;
	[tilespmem:$0x19400] =	vst v63  }
0xdd: {  	_ =	swait.ge [sflag:s13], $0x50  }
0xde: {  	[sflag:s13] =	ssyncset.done $0x0  }
0xdf: {  	[sflag:s13] =	ssyncadd.s32 $0xFFFFFFB0  }
0xe0: {  	_ =	swait.ge [sflag:s13], $0x50  }
0xe1: {  	[sflag:s13] =	ssyncset.done $0x0  }
0xe2: {  	s22 =	simm.s32 $0x200;
	[sflag:s13] =	ssyncadd.s32 $0xFFFFFFB0  }
0xe3: {  	[tilespmem:s0], [sflag:$0x5] =	stream.indirect.gather [hbm4b:s2+s31], $0x80, s22, s31, $0xb8;
	[tilespmem:$0x19400] =	vst v63  }
0xe4: {  	_ =	swait.ge [sflag:s14], $0x2800  }
0xe5: {  	s23 =	simm.s32 $0x180;
	[sflag:s14] =	ssyncset.done $0x0  }
0xe6: {  	s17 =	simm.s32 @!p0 $0x100;
	s9 =	sadd.s32 @!p0 $0x190, s18;
	[sflag:s14] =	ssyncadd.s32 $0xFFFFD800  }
0xe7: {  	[spmem:s3] =	stream.indirect.scatter.add.f32 [tilespmem:s7], [sflag:$0x8], $0x80, s23, s31, $0xb8;
	[tilespmem:$0x19400] =	vst v63  }
0xe8: {  	s19 =	simm.s32 @!p0 $0x0;
	s10 =	sadd.s32 @!p0 s6, s9;
	_ =	swait.ge [sflag:s15], $0x2800  }
0xe9: {  	s9 =	sadd.s32 @!p0 s8, s9;
	s10 =	sshrl.u32 @!p0 s10, $0x3;
	[sflag:s15] =	ssyncset.done $0x0  }
0xea: {  	s9 =	sshrl.u32 @!p0 s9, $0x3;
	s10 =	sadd.s32 @!p0 s5, s10;
	[sflag:s15] =	ssyncadd.s32 $0xFFFFD800  }
0xeb: {  	[tilespmem:s17], [sflag:$0x2] =	stream.linear.gather @!p0 [hbm4b:s10+s19], $0x50, $0x38;
	[tilespmem:$0x19400] =	vst v63  }
0xec: {  	s9 =	sadd.s32 @!p0 s5, s9;
	s10 =	simm.s32 @!p0 $0x180  }
0xed: {  	[tilespmem:s10], [sflag:$0x2] =	stream.linear.gather @!p0 [hbm4b:s9+s19], $0x50, $0x38;
	[tilespmem:$0x19400] =	vst v63  }
0xee: {  	_ =	swait.ge [sflag:s16], $0x50  }
0xef: {  	[sflag:s16] =	ssyncset.done $0x0  }
0xf0: {  	[sflag:s16] =	ssyncadd.s32 $0xFFFFFFB0  }
0xf1: {  	_ =	swait.ge [sflag:s16], $0x50  }
0xf2: {  	[sflag:s16] =	ssyncset.done $0x0  }
0xf3: {  	s24 =	simm.s32 $0x300;
	[sflag:s16] =	ssyncadd.s32 $0xFFFFFFB0  }
0xf4: {  	[tilespmem:s7], [sflag:$0x6] =	stream.indirect.gather [hbm4b:s2+s31], $0x80, s24, s31, $0xb8;
	[tilespmem:$0x19400] =	vst v63  }
0xf5: {  	_ =	swait.ge [sflag:s11], $0x2800  }
0xf6: {  	[sflag:s11] =	ssyncset.done $0x0  }
0xf7: {  	s25 =	simm.s32 $0x280;
	s9 =	sadd.s32 @!p0 $0x1E0, s18;
	[sflag:s11] =	ssyncadd.s32 $0xFFFFD800  }
0xf8: {  	[spmem:s3] =	stream.indirect.scatter.add.f32 [tilespmem:s0], [sflag:$0x7], $0x80, s25, s31, $0xb8;
	[tilespmem:$0x19400] =	vst v63  }
0xf9: {  	s17 =	simm.s32 @!p0 $0x200;
	s10 =	sadd.s32 @!p0 s6, s9;
	_ =	swait.ge [sflag:s12], $0x2800  }
0xfa: {  	s9 =	sadd.s32 @!p0 s8, s9;
	s10 =	sshrl.u32 @!p0 s10, $0x3;
	[sflag:s12] =	ssyncset.done $0x0  }
0xfb: {  	s9 =	sshrl.u32 @!p0 s9, $0x3;
	s10 =	sadd.s32 @!p0 s5, s10;
	[sflag:s12] =	ssyncadd.s32 $0xFFFFD800  }
0xfc: {  	[tilespmem:s17], [sflag:$0x3] =	stream.linear.gather @!p0 [hbm4b:s10+s19], $0x50, $0x38;
	[tilespmem:$0x19400] =	vst v63  }
0xfd: {  	s9 =	sadd.s32 @!p0 s5, s9;
	s10 =	simm.s32 @!p0 $0x280  }
0xfe: {  	[tilespmem:s10], [sflag:$0x3] =	stream.linear.gather @!p0 [hbm4b:s9+s19], $0x50, $0x38;
	[tilespmem:$0x19400] =	vst v63  }
0xff: {  	_ =	swait.ge [sflag:s30], $0x50  }
0x100: {  	[sflag:s30] =	ssyncset.done $0x0  }
0x101: {  	[sflag:s30] =	ssyncadd.s32 $0xFFFFFFB0  }
0x102: {  	_ =	swait.ge [sflag:s30], $0x50  }
0x103: {  	[sflag:s30] =	ssyncset.done $0x0  }
0x104: {  	[sflag:s30] =	ssyncadd.s32 $0xFFFFFFB0  }
0x105: {  	[tilespmem:s0], [sflag:$0x5] =	stream.indirect.gather [hbm4b:s2+s31], $0x80, s4, s31, $0xb8;
	[tilespmem:$0x19400] =	vst v63  }
0x106: {  	_ =	swait.ge [sflag:s14], $0x2800  }
0x107: {  	[sflag:s14] =	ssyncset.done $0x0  }
0x108: {  	[sflag:s14] =	ssyncadd.s32 $0xFFFFD800  }
0x109: {  	[spmem:s3] =	stream.indirect.scatter.add.f32 [tilespmem:s7], [sflag:$0x8], $0x80, s21, s31, $0xb8;
	[tilespmem:$0x19400] =	vst v63  }
0x10a: {  	_ =	swait.ge [sflag:s15], $0x2800  }
0x10b: {  	[sflag:s15] =	ssyncset.done $0x0  }
0x10c: {  	[sflag:s15] =	ssyncadd.s32 $0xFFFFD800  }
0x10d: {  	_ =	swait.ge [sflag:s11], $0x2800  }
0x10e: {  	[sflag:s11] =	ssyncset.done $0x0  }
0x10f: {  	s18 =	simm.s32 $0x9;
	[sflag:s11] =	ssyncadd.s32 $0xFFFFD800  }
0x110: {  	[spmem:s3] =	stream.indirect.scatter.add.f32 [tilespmem:s0], [sflag:$0x9], $0x80, s29, s31, $0xb8;
	[tilespmem:$0x19400] =	vst v63  }
0x111: {  	_ =	swait.ge [sflag:s18], $0x2800  }
0x112: {  	[sflag:s18] =	ssyncset.done $0x0  }
0x113: {  	[sflag:s18] =	ssyncadd.s32 $0xFFFFD800  }
0x114: {  	[bflag:$0x0] =	sbarrier.arrive $0xFFFF  }
0x115: {  	s17 =	rddreg [dreg:$0x7]  }
0x116: {  	s26 =	rddreg [dreg:$0x10]  }
0x117: {  	s10 =	rddreg [dreg:$0x12]  }
0x118: {  	[hbm:s26], [sflag:s17] =	dma.local [spmem:s10], $0x2800  }
0x119: {  	_ =	swait.ge [sflag:s18], $0x2800  }
0x11a: {  	s28 =	rddreg [dreg:$0x13]  }
0x11b: {  	s29 =	rddreg [dreg:$0x11];
	s19 =	sadd.s32 $0x1, s28  }
0x11c: {  	p0 =	sne.s32 s19, s29  }
.Ltmp1:
0x11d: {  	_ = 	snop;
	(pc) =	sbr.rel @p0 .LBB2_1-.Ltmp1, $3  }
0x11e: {  	_ =	sdelay $0x1  }
0x11f: {  	[sflag:s18] =	ssyncset.done $0x0  }
0x120: {  	s22 =	simm.s32 $0x380;
	[sflag:s18] =	ssyncadd.s32 $0xFFFFD800  }
0x121: {  	_ =	sfence.sel $0x180000  }
0x122: {  	[bflag:$0x0] =	sbarrier.arrive $0xFFFF  }
0x123: {  	_ =	strace $0x9000004D  }
0x124: {  	s0 =	stileid.u32;
	[bflag:$0x2] =	sbarrier.arrive $0xFFFF  }
0x125: {  	p0 =	sne.s32 s0, $0x0;
	s0 =	rddreg [dreg:$0x3]  }
0x126: {  	s0 =	sadd.s32 @!p0 $0x100000, s0  }
0x127: {  	[sflag:s0] =	ssyncadd.tile.s32 @!p0 $0x1;
	_ =	shalt  }
.Lfunc_end2:
_tile_overlayer_lowered:
.L_overlay_start_2:
0x128: {  	(tag) =	ssettag $0x2  }
0x129: {  	s0 =	rddreg [dreg:$0x0];
	s2 =	stileid.u32  }
0x12a: {  	s1 =	rddreg [dreg:$0x1];
	p0 =	sne.s32 s2, $0x0  }
0x12b: {  	s3 =	rddreg [dreg:$0x2];
	[bflag:$0x3] =	sbarrier.arrive $0xFFFF;
	s2 =	simm.s32 @!p0 $0x1C09  }
0x12c: {  	[timem:s3], [sflag:s2] =	dma.local @!p0 [hbm:s0], s1  }
0x12d: {  	s0 =	simm.s32 @!p0 $0x9  }
0x12e: {  	_ =	swait.ge @!p0 [sflag:s0], s1  }
0x12f: {  	s1 =	ssub.s32 @!p0 $0x0, s1;
	[sflag:s0] =	ssyncset.done @!p0 $0x0  }
0x130: {  	[sflag:s0] =	ssyncadd.s32 @!p0 s1  }
0x131: {  	[bflag:$0x3] =	sbarrier.arrive $0xFFFF  }
0x132: {  	_ =	shalt  }

// kernel: kernel.19.cloned.1.call-start
scs
__scs_entry_jumppad:
0x0: {  	(pc) =	sbr.rel $0x88, $3  }
0x1: {  	(tag) =	ssettag $0x0;
	lr =	simm.s32 $0x1  }
0x2: {  	[smem:$0x3F96] =	sst lr;
	_ =	strace $0xD0000000  }
0x3: {  	_ = 	snop  }
0x4: {  	_ = 	snop  }
0x5: {  	_ = 	snop  }
0x6: {  	_ = 	snop  }
0x7: {  	_ = 	snop  }
__scs_overlays_trampoline_lowered:
0x8: {  	[smem:$0x3FA5] =	sst s0  }
0x9: {  	[smem:$0x3FA6] =	sst s1  }
0xa: {  	[smem:$0x3FA7] =	sst s2  }
0xb: {  	[smem:$0x3FA8] =	sst s3  }
0xc: {  	[smem:$0x3FA9] =	sst s4  }
0xd: {  	[smem:$0x3FAA] =	sst s5  }
0xe: {  	[smem:$0x3FAB] =	sst s6  }
0xf: {  	[smem:$0x3FAC] =	sst s7  }
0x10: {  	[smem:$0x3FAD] =	sst s8  }
0x11: {  	[smem:$0x3FAE] =	sst s9;
	s0 =	simm.s32 @!p0 $0x0  }
0x12: {  	s1 =	sld [smem:$0x3F94];
	s0 =	simm.s32 @p0 $0x1  }
0x13: {  	[smem:$0x3FAF] =	sst s0;
	s0 =	simm.s32 @!p1 $0x0  }
0x14: {  	s2 =	sld [smem:$0x3F93];
	s0 =	simm.s32 @p1 $0x1  }
0x15: {  	[smem:$0x3FB0] =	sst s0;
	s0 =	simm.s32 @!p2 $0x0  }
0x16: {  	s3 =	sld [smem:$0x3FDB];
	s0 =	simm.s32 @p2 $0x1  }
0x17: {  	s4 =	simm.s32 $0x1BF5;
	[smem:$0x3FB2] =	sst s0  }
0x18: {  	s0 =	sld [smem:$0x3F95];
	_ =	swait.ge [sflag:s4], $0x0  }
0x19: {  	s7 =	sld [smem:$0x3F96]  }
0x1a: {  	s8 =	sadd.s32 $0xFFFFE003, lr  }
0x1b: {  	s9 =	sadd.s32 $0xFFFFFEF7, lr;
	s5 =	simm.s32 $0xFFFFFFFF;
	p2 =	slt.u32 s8, $0xFFFFF086  }
0x1c: {  	p1 =	slt.u32 s9, $0xF7A;
	s5 =	simm.s32 @!p2 $0x0  }
0x1d: {  	s5 =	simm.s32 @p1 $0x1;
	p0 =	seq.s32 s7, s2  }
0x1e: {  	s7 =	smul.u32 @!p0 $0xF7A, s2;
	p2 =	seq.s32 @!p0 s5, $0x0  }
0x1f: {  	s9 =	smul.u32 $0xF7A, s1;
	s8 =	simm.s32 @!p0 $0x1BF5;
	p2 =	por !p2, p0  }
0x20: {  	[sflag:s8] =	ssyncset.s32 @!p0 $0xFFFFF086;
	s6 =	sadd.s32 @!p0 s3, s7;
	s7 =	simm.s32 @!p0 $0x108  }
0x21: {  	s3 =	sadd.s32 s3, s9;
	s6 =	sadd.s32 @!p0 $0x88, s6;
	s7 =	simm.s32 @p2 $0x1082  }
0x22: {  	[simem:s7], [sflag:s8] =	dma.local @!p0 [hbm:s6], $0xF7A  }
0x23: {  	s9 =	sor.u32 $0xD0000000, s2;
	s6 =	simm.s32 $0x108;
	_ =	swait.ge @!p0 [sflag:s8], $0x0  }
0x24: {  	s3 =	sadd.s32 $0x88, s3;
	s6 =	simm.s32 @!p1 $0x1082;
	[sflag:s4] =	ssyncset.s32 $0xFFFFF086  }
0x25: {  	[simem:s6], [sflag:s4] =	dma.local [hbm:s3], $0xF7A  }
0x26: {  	[smem:$0x3F96] =	sst s1;
	(tag) =	ssettag s2;
	_ =	strace s9  }
0x27: {  	s1 =	sld [smem:$0x3FA6]  }
0x28: {  	s2 =	sld [smem:$0x3FA7]  }
0x29: {  	s4 =	sld [smem:$0x3FA9]  }
0x2a: {  	p0 =	seq.s32 s5, $0x0;
	s5 =	sld [smem:$0x3FAA]  }
0x2b: {  	s6 =	sld [smem:$0x3FAB]  }
0x2c: {  	s7 =	sld [smem:$0x3FAC]  }
0x2d: {  	s3 =	simm.s32 $0x108;
	s8 =	sld [smem:$0x3FAD]  }
0x2e: {  	s3 =	simm.s32 @!p0 $0x1082;
	s9 =	sld [smem:$0x3FAE]  }
0x2f: {  	lr =	sadd.s32 s0, s3;
	s0 =	sld [smem:$0x3FA5]  }
0x30: {  	s3 =	sld [smem:$0x3FA8]  }
0x31: {  	[smem:$0x3FB1] =	sst s10  }
0x32: {  	s10 =	sld [smem:$0x3FAF];
	_ =	sdelay $0x3  }
0x33: {  	p0 =	seq.s32 s10, $0x1;
	s10 =	sld [smem:$0x3FB1];
	_ =	sdelay $0x3  }
0x34: {  	[smem:$0x3FB1] =	sst s10  }
0x35: {  	s10 =	sld [smem:$0x3FB0];
	_ =	sdelay $0x3  }
0x36: {  	p1 =	seq.s32 s10, $0x1;
	s10 =	sld [smem:$0x3FB1];
	_ =	sdelay $0x3  }
0x37: {  	[smem:$0x3FB1] =	sst s10  }
0x38: {  	s10 =	sld [smem:$0x3FB2]  }
0x39: {  	_ = 	snop;
	(pc) =	sbr.ind lr, $3  }
0x3a: {  	_ = 	snop  }
0x3b: {  	_ = 	snop  }
0x3c: {  	p2 =	seq.s32 s10, $0x1;
	s10 =	sld [smem:$0x3FB1]  }
0x3d: {  	_ =	shalt  }
0x3e: {  	_ =	shalt  }
0x3f: {  	_ =	shalt  }
0x40: {  	_ =	shalt  }
0x41: {  	_ =	shalt  }
0x42: {  	_ =	shalt  }
0x43: {  	_ =	shalt  }
0x44: {  	_ =	shalt  }
0x45: {  	_ =	shalt  }
0x46: {  	_ =	shalt  }
0x47: {  	_ =	shalt  }
0x48: {  	_ =	shalt  }
0x49: {  	_ =	shalt  }
0x4a: {  	_ =	shalt  }
0x4b: {  	_ =	shalt  }
0x4c: {  	_ =	shalt  }
0x4d: {  	_ =	shalt  }
0x4e: {  	_ =	shalt  }
0x4f: {  	_ =	shalt  }
0x50: {  	_ =	shalt  }
0x51: {  	_ =	shalt  }
0x52: {  	_ =	shalt  }
0x53: {  	_ =	shalt  }
0x54: {  	_ =	shalt  }
0x55: {  	_ =	shalt  }
0x56: {  	_ =	shalt  }
0x57: {  	_ =	shalt  }
0x58: {  	_ =	shalt  }
0x59: {  	_ =	shalt  }
0x5a: {  	_ =	shalt  }
0x5b: {  	_ =	shalt  }
0x5c: {  	_ =	shalt  }
0x5d: {  	_ =	shalt  }
0x5e: {  	_ =	shalt  }
0x5f: {  	_ =	shalt  }
0x60: {  	_ =	shalt  }
0x61: {  	_ =	shalt  }
0x62: {  	_ =	shalt  }
0x63: {  	_ =	shalt  }
0x64: {  	_ =	shalt  }
0x65: {  	_ =	shalt  }
0x66: {  	_ =	shalt  }
0x67: {  	_ =	shalt  }
0x68: {  	_ =	shalt  }
0x69: {  	_ =	shalt  }
0x6a: {  	_ =	shalt  }
0x6b: {  	_ =	shalt  }
0x6c: {  	_ =	shalt  }
0x6d: {  	_ =	shalt  }
0x6e: {  	_ =	shalt  }
0x6f: {  	_ =	shalt  }
0x70: {  	_ =	shalt  }
0x71: {  	_ =	shalt  }
0x72: {  	_ =	shalt  }
0x73: {  	_ =	shalt  }
0x74: {  	_ =	shalt  }
0x75: {  	_ =	shalt  }
0x76: {  	_ =	shalt  }
0x77: {  	_ =	shalt  }
0x78: {  	_ =	shalt  }
0x79: {  	_ =	shalt  }
0x7a: {  	_ =	shalt  }
0x7b: {  	_ =	shalt  }
0x7c: {  	_ =	shalt  }
0x7d: {  	_ =	shalt  }
0x7e: {  	_ =	shalt  }
0x7f: {  	_ =	shalt  }
0x80: {  	_ =	shalt  }
0x81: {  	_ =	shalt  }
0x82: {  	_ =	shalt  }
0x83: {  	_ =	shalt  }
0x84: {  	_ =	shalt  }
0x85: {  	_ =	shalt  }
0x86: {  	_ =	shalt  }
0x87: {  	_ =	shalt  }
.Lfunc_end0:
.L_simem_size_0:
called_computation.3_lowered:
.L_overlay_start_0:
0x88: {  	s2 =	sld [smem:$0x3FD9]  }
0x89: {  	s3 =	sld [smem:$0x3FFE];
	_ =	sdelay $0x1  }
0x8a: {  	s1 =	srdreg.scid  }
0x8b: {  	s0 =	sand.u32 $0x1, s1  }
0x8c: {  	s17 =	sshll.u32 s0, $0xA;
	s2 =	sadd.s32 s3, s2  }
0x8d: {  	s2 =	sadd.s32 s2, s17  }
0x8e: {  	[smem:$0x3FBD] =	sst s2  }
0x8f: {  	_ = 	snop  }
0x90: {  	s2 =	sld [smem:$0x3FD0];
	(tm) =	ssettm $0x1  }
0x91: {  	s18 =	sld [smem:$0x3FFB];
	_ =	sdelay $0x3  }
0x92: {  	_ =	strace s18  }
0x93: {  	s3 =	sld [smem:$0x3FFC];
	_ =	sdelay $0x3  }
0x94: {  	_ =	strace s3  }
0x95: {  	s3 =	sld [smem:$0x3FFD];
	_ =	sdelay $0x3  }
0x96: {  	_ =	strace s3  }
0x97: {  	_ =	strace $0x8FFFFFFF  }
0x98: {  	s19 =	sld [smem:$0x3FDB];
	_ =	sdelay $0x1  }
0x99: {  	s4 =	simm.s32 $_scs_section_size  }
0x9a: {  	s5 =	simm.s32 $_size__tile_overlayer_lowered;
	s6 =	simm.s32 $_tile_overlayer_lowered  }
0x9b: {  	s22 =	simm.s32 $0x1BFF;
	s21 =	sshll.u32 s6, $0x1;
	s3 =	sadd.s32 s4, s19  }
0x9c: {  	s7 =	simm.s32 $0x0;
	s20 =	sshll.u32 s5, $0x1;
	s5 =	sadd.s32 s21, s3  }
0x9d: {  	[timem:s7], [sflag:s22] =	dma.local [hbm:s5], s20  }
0x9e: {  	_ =	swait.ge [sflag:s22], s20  }
0x9f: {  	s4 =	ssub.s32 $0x0, s20;
	[sflag:s22] =	ssyncset.done $0x0  }
0xa0: {  	[sflag:s22] =	ssyncadd.s32 s4;
	_ =	sdelay $0x1  }
0xa1: {  	s23 =	simm.s32 $0x1B8B  }
0xa2: {  	_ =	swait.ge [sflag:s23], $0x1  }
0xa3: {  	[sflag:s23] =	ssyncset.done $0x0  }
0xa4: {  	s25 =	simm.s32 $0x1B8E;
	s24 =	sld [smem:$0x3FFE];
	[sflag:s23] =	ssyncadd.s32 $0xFFFFFFFF  }
0xa5: {  	s26 =	simm.s32 $execute0_lowered;
	[smem:$0x3FD2] =	sst s25  }
0xa6: {  	s5 =	sshll.u32 s26, $0x1;
	_ =	strace $0x8000004F;
	[dreg:$0x1] =	wrdreg $0xFFFFFFFF  }
0xa7: {  	s28 =	simm.s32 $_size_execute0_lowered;
	s3 =	sadd.s32 s3, s5;
	[dreg:$0x0] =	wrdreg $0x0  }
0xa8: {  	s5 =	sshll.u32 s28, $0x1;
	[dreg:$0x2] =	wrdreg s3  }
0xa9: {  	[dreg:$0x3] =	wrdreg s5  }
0xaa: {  	[dreg:$0x4] =	wrdreg $0xC0  }
0xab: {  	_ =	task [dreg:s7], $0x5FFFF  }
0xac: {  	[dreg:$0x1] =	wrdreg $0xFFFFFFFF  }
0xad: {  	[dreg:$0x0] =	wrdreg $0x60  }
0xae: {  	[dreg:$0x2] =	wrdreg s2  }
0xaf: {  	[dreg:$0x3] =	wrdreg s24  }
0xb0: {  	[dreg:$0x4] =	wrdreg $0x54000  }
0xb1: {  	[dreg:$0x5] =	wrdreg $0x9  }
0xb2: {  	_ =	task.clear_ibuf [dreg:s7], $0x6FFFF;
	_ =	strace $0x9000004F  }
0xb3: {  	s29 =	simm.s32 $0x9;
	_ =	strace $0x80000051  }
0xb4: {  	_ =	swait.ge [sflag:s29], $0x1  }
0xb5: {  	[sflag:s29] =	ssyncadd.s32 $0xFFFFFFFF  }
0xb6: {  	_ =	strace $0x90000051  }
0xb7: {  	_ =	sfence  }
0xb8: {  	s30 =	sld [smem:$0x0];
	_ =	sdelay $0x2  }
0xb9: {  	s31 =	sshll.u32 s1, $0xD;
	s1 =	sshrl.u32 s1, $0x2  }
0xba: {  	s3 =	sand.u32 $0x4000, s31;
	s1 =	sadd.s32 s1, s30  }
0xbb: {  	s0 =	sor.u32 s3, s0;
	s1 =	sshll.u32 s1, $0x11  }
0xbc: {  	s0 =	sor.u32 s1, s0  }
0xbd: {  	s0 =	sadd.s32 $0x8F2B, s0  }
0xbe: {  	[sflag:s0] =	ssyncadd.remote.s32 $0x1  }
0xbf: {  	_ =	sfence.sel $0xFFFF  }
0xc0: {  	[dreg:$0x0] =	wrdreg $0xFFFFFFFF;
	(pc) =	sbr.abs _section_cstart, $3  }
0xc1: {  	[dreg:$0x1] =	wrdreg $0xFFFFFFFF  }
0xc2: {  	_ =	task.clear_ibuf [dreg:s7], $0x2FFFF;
	_ =	strace $0x9FFFFFFF  }
0xc3: {  	(tm) =	ssettm $0x7FFFFFFF  }
tec
execute0_lowered:
.L_overlay_start_1:
0x0: {  	(tag) =	ssettag $0x1  }
0x1: {  	s2 =	rddreg [dreg:$0x0]  }
0x2: {  	s0 =	rddreg [dreg:$0x1]  }
0x3: {  	s3 =	rddreg [dreg:$0x2]  }
0x4: {  	s11 =	stileid.u32;
	s1 =	srdreg.scid;
	s4 =	simm.s32 $0x0  }
0x5: {  	s30 =	simm.s32 $0x1;
	s31 =	simm.s32 $0x50;
	s13 =	simm.s32 $0x3  }
0x6: {  	s14 =	simm.s32 $0x6;
	s6 =	smul.u32 $0x14000, s11;
	s1 =	sand.u32 $0x1, s1  }
0x7: {  	[smem:$0x7FF] =	sst s4;
	s5 =	sadd.s32 $0x3600, s0;
	s16 =	smul.u32 $0x50000, s11  }
0x8: {  	s9 =	sshll.u32 s11, $0x1;
	s19 =	sshll.u32 s11, $0x6;
	s11 =	smul.u32 $0x4E20, s11  }
0x9: {  	s7 =	smul.u32 $0x140000, s1;
	_ =	strace $0x80000050;
	s17 =	ssub.s32 $0x2, s1  }
0xa: {  	s9 =	sor.u32 s1, s9;
	s1 =	smul.u32 $0x2710, s1;
	s8 =	sshrl.u32 s6, $0x3  }
0xb: {  	s10 =	sshrl.u32 s17, $0x1;
	s6 =	sadd.s32 s6, s7;
	s15 =	sadd.s32 s8, s0  }
0xc: {  	s8 =	sshrl.u32 s16, $0x2;
	s10 =	ssub.s32 s17, s10;
	s17 =	sor.u32 $0x1C09, s19  }
0xd: {  	s1 =	sadd.s32 s1, s11;
	s11 =	simm.s32 $0x5;
	s6 =	sshrl.u32 s6, $0x3  }
0xe: {  	s18 =	sadd.s32 s8, s3;
	s7 =	sadd.s32 $0x17000, s15;
	s24 =	sadd.s32 $0xF0, s1  }
0xf: {  	s1 =	sadd.s32 $0x4E2F0, s1;
	s29 =	smax.u32 s10, $0x1;
	[dreg:$0x7] =	wrdreg s17  }
0x10: {  	s0 =	sadd.s32 s6, s0;
	s6 =	smul.u32 $0x2710, s9;
	[dreg:$0x6] =	wrdreg s7  }
0x11: {  	s1 =	sshrl.u32 s1, $0x3;
	[dreg:$0x11] =	wrdreg s29;
	s10 =	sshrl.u32 s18, $0x3  }
0x12: {  	s1 =	sadd.s32 s1, s5;
	s0 =	sadd.s32 $0x3F000, s0;
	[dreg:$0x12] =	wrdreg s10  }
0x13: {  	s12 =	sshrl.u32 s6, $0x3;
	s8 =	sadd.s32 $0x4E200, s6;
	[dreg:$0x10] =	wrdreg s0  }
0x14: {  	[dreg:$0x5] =	wrdreg s1;
	s12 =	sadd.s32 s5, s12;
	s20 =	sshrl.u32 s8, $0x3  }
0x15: {  	s16 =	simm.s32 $0x4;
	s7 =	sadd.s32 s5, s20;
	[dreg:$0x8] =	wrdreg s12  }
0x16: {  	s19 =	simm.s32 $0x0;
	s21 =	sadd.s32 $0xA, s12;
	[dreg:$0x9] =	wrdreg s7  }
0x17: {  	s15 =	simm.s32 $0x8;
	s22 =	sadd.s32 $0x9C4A, s12;
	[dreg:$0xa] =	wrdreg s21  }
0x18: {  	s18 =	simm.s32 $0x9;
	s23 =	sadd.s32 $0x14, s12;
	[dreg:$0xb] =	wrdreg s22  }
0x19: {  	s0 =	simm.s32 $0x400;
	s25 =	sadd.s32 $0x9C54, s12;
	[dreg:$0xc] =	wrdreg s23  }
0x1a: {  	s1 =	simm.s32 $0x2;
	s26 =	sadd.s32 $0x1E, s12;
	[dreg:$0xd] =	wrdreg s25  }
0x1b: {  	s28 =	sadd.s32 $0x9C5E, s12;
	s7 =	sshrl.u32 s24, $0x3;
	[dreg:$0xe] =	wrdreg s26  }
0x1c: {  	s12 =	simm.s32 $0x7;
	[dreg:$0xf] =	wrdreg s28;
	s7 =	sadd.s32 s7, s5  }
0x1d: {  	s22 =	simm.s32 $0x380;
	[dreg:$0x4] =	wrdreg s7;
	s7 =	simm.s32 $0x2C00  }
.LBB2_1:
0x1e: {  	[dreg:$0x13] =	wrdreg s19  }
0x1f: {  	s9 =	rddreg [dreg:$0x6]  }
0x20: {  	[spmem:s10], [sflag:s17] =	dma.local [hbm:s9], $0x2800  }
0x21: {  	_ =	swait.ge [sflag:s18], $0x2800  }
0x22: {  	[sflag:s18] =	ssyncset.done $0x0  }
0x23: {  	[sflag:s18] =	ssyncadd.s32 $0xFFFFD800  }
0x24: {  	[bflag:$0x0] =	sbarrier.arrive $0xFFFF  }
0x25: {  	s23 =	rddreg [dreg:$0x8]  }
0x26: {  	[tilespmem:s4], [sflag:$0x1] =	stream.linear.gather [hbm4b:s23+s4], $0x50, $0x38;
	[tilespmem:$0x19400] =	vst v63  }
0x27: {  	s25 =	simm.s32 $0x80;
	s24 =	rddreg [dreg:$0x9]  }
0x28: {  	[tilespmem:s25], [sflag:$0x1] =	stream.linear.gather [hbm4b:s24+s4], $0x50, $0x38;
	[tilespmem:$0x19400] =	vst v63  }
0x29: {  	s28 =	simm.s32 $0x100;
	s26 =	rddreg [dreg:$0xa]  }
0x2a: {  	[tilespmem:s28], [sflag:$0x2] =	stream.linear.gather [hbm4b:s26+s4], $0x50, $0x38;
	[tilespmem:$0x19400] =	vst v63  }
0x2b: {  	s20 =	simm.s32 $0x180;
	s29 =	rddreg [dreg:$0xb]  }
0x2c: {  	[tilespmem:s20], [sflag:$0x2] =	stream.linear.gather [hbm4b:s29+s4], $0x50, $0x38;
	[tilespmem:$0x19400] =	vst v63  }
0x2d: {  	s21 =	simm.s32 $0x200;
	s10 =	rddreg [dreg:$0xc]  }
0x2e: {  	[tilespmem:s21], [sflag:$0x3] =	stream.linear.gather [hbm4b:s10+s4], $0x50, $0x38;
	[tilespmem:$0x19400] =	vst v63  }
0x2f: {  	s17 =	rddreg [dreg:$0xd];
	s23 =	simm.s32 $0x280  }
0x30: {  	[tilespmem:s23], [sflag:$0x3] =	stream.linear.gather [hbm4b:s17+s4], $0x50, $0x38;
	[tilespmem:$0x19400] =	vst v63  }
0x31: {  	s18 =	rddreg [dreg:$0xe];
	s24 =	simm.s32 $0x300  }
0x32: {  	[tilespmem:s24], [sflag:$0x4] =	stream.linear.gather [hbm4b:s18+s4], $0x50, $0x38;
	[tilespmem:$0x19400] =	vst v63  }
0x33: {  	s26 =	rddreg [dreg:$0xf]  }
0x34: {  	[tilespmem:s22], [sflag:$0x4] =	stream.linear.gather [hbm4b:s26+s4], $0x50, $0x38;
	[tilespmem:$0x19400] =	vst v63  }
0x35: {  	_ =	swait.ge [sflag:s30], $0x50  }
0x36: {  	[sflag:s30] =	ssyncset.done $0x0  }
0x37: {  	[sflag:s30] =	ssyncadd.s32 $0xFFFFFFB0  }
0x38: {  	_ =	swait.ge [sflag:s30], $0x50  }
0x39: {  	p0 =	por $0x1, $0x1;
	[sflag:s30] =	ssyncset.done $0x0  }
0x3a: {  	s9 =	simm.s32 @!p0 $0x8;
	[sflag:s30] =	ssyncadd.s32 $0xFFFFFFB0  }
0x3b: {  	[tilespmem:s0], [sflag:$0x5] =	stream.indirect.gather [hbm4b:s2+s31], $0x80, s4, s31, $0xb8;
	[tilespmem:$0x19400] =	vst v63  }
0x3c: {  	s17 =	simm.s32 @!p0 $0x0;
	_ =	swait.ge @!p0 [sflag:s9], $0x2800  }
0x3d: {  	s18 =	simm.s32 @!p0 $0x300;
	s10 =	rddreg [dreg:$0x4];
	[sflag:s9] =	ssyncset.done @!p0 $0x0  }
0x3e: {  	[sflag:s9] =	ssyncadd.s32 @!p0 $0xFFFFD800;
	s9 =	rddreg [dreg:$0x5];
	s10 =	sadd.s32 @!p0 $0x0, s10  }
0x3f: {  	[tilespmem:s18], [sflag:$0x4] =	stream.linear.gather @!p0 [hbm4b:s10+s17], $0x50, $0x38;
	[tilespmem:$0x19400] =	vst v63  }
0x40: {  	s9 =	sadd.s32 @!p0 $0x0, s9;
	s10 =	simm.s32 @!p0 $0x380  }
0x41: {  	[tilespmem:s10], [sflag:$0x4] =	stream.linear.gather @!p0 [hbm4b:s9+s17], $0x50, $0x38;
	[tilespmem:$0x19400] =	vst v63  }
0x42: {  	_ =	swait.ge [sflag:s1], $0x50  }
0x43: {  	[sflag:s1] =	ssyncset.done $0x0  }
0x44: {  	[sflag:s1] =	ssyncadd.s32 $0xFFFFFFB0  }
0x45: {  	_ =	swait.ge [sflag:s1], $0x50  }
0x46: {  	[sflag:s1] =	ssyncset.done $0x0  }
0x47: {  	[sflag:s1] =	ssyncadd.s32 $0xFFFFFFB0  }
0x48: {  	[tilespmem:s7], [sflag:$0x6] =	stream.indirect.gather [hbm4b:s2+s31], $0x80, s28, s31, $0xb8;
	[tilespmem:$0x19400] =	vst v63  }
0x49: {  	s9 =	simm.s32 $0x0;
	_ =	swait.ge [sflag:s11], $0x2800  }
0x4a: {  	s9 =	simm.s32 @p0 $0x0;
	[sflag:s11] =	ssyncset.done $0x0  }
0x4b: {  	s28 =	sadd.s32 $0x140, s9;
	[sflag:s11] =	ssyncadd.s32 $0xFFFFD800  }
0x4c: {  	[spmem:s3] =	stream.indirect.scatter.add.f32 [tilespmem:s0], [sflag:$0x7], $0x80, s25, s31, $0xb8;
	[tilespmem:$0x19400] =	vst v63  }
0x4d: {  	s29 =	sadd.s32 s6, s28;
	_ =	swait.ge [sflag:s12], $0x2800  }
0x4e: {  	s10 =	sadd.s32 s8, s28;
	s17 =	sshrl.u32 s29, $0x3;
	[sflag:s12] =	ssyncset.done $0x0  }
0x4f: {  	s10 =	sshrl.u32 s10, $0x3;
	s17 =	sadd.s32 s5, s17;
	[sflag:s12] =	ssyncadd.s32 $0xFFFFD800  }
0x50: {  	[tilespmem:s4], [sflag:$0x1] =	stream.linear.gather [hbm4b:s17+s4], $0x50, $0x38;
	[tilespmem:$0x19400] =	vst v63  }
0x51: {  	s10 =	sadd.s32 s5, s10  }
0x52: {  	[tilespmem:s25], [sflag:$0x1] =	stream.linear.gather [hbm4b:s10+s4], $0x50, $0x38;
	[tilespmem:$0x19400] =	vst v63  }
0x53: {  	_ =	swait.ge [sflag:s13], $0x50  }
0x54: {  	[sflag:s13] =	ssyncset.done $0x0  }
0x55: {  	[sflag:s13] =	ssyncadd.s32 $0xFFFFFFB0  }
0x56: {  	_ =	swait.ge [sflag:s13], $0x50  }
0x57: {  	[sflag:s13] =	ssyncset.done $0x0  }
0x58: {  	[sflag:s13] =	ssyncadd.s32 $0xFFFFFFB0  }
0x59: {  	[tilespmem:s0], [sflag:$0x5] =	stream.indirect.gather [hbm4b:s2+s31], $0x80, s21, s31, $0xb8;
	[tilespmem:$0x19400] =	vst v63  }
0x5a: {  	_ =	swait.ge [sflag:s14], $0x2800  }
0x5b: {  	p0 =	por $0x0, $0x0;
	[sflag:s14] =	ssyncset.done $0x0  }
0x5c: {  	s18 =	simm.s32 @!p0 $0x100;
	s10 =	sadd.s32 @!p0 $0x190, s9;
	[sflag:s14] =	ssyncadd.s32 $0xFFFFD800  }
0x5d: {  	[spmem:s3] =	stream.indirect.scatter.add.f32 [tilespmem:s7], [sflag:$0x8], $0x80, s20, s31, $0xb8;
	[tilespmem:$0x19400] =	vst v63  }
0x5e: {  	s19 =	simm.s32 @!p0 $0x0;
	s17 =	sadd.s32 @!p0 s6, s10;
	_ =	swait.ge [sflag:s15], $0x2800  }
0x5f: {  	s10 =	sadd.s32 @!p0 s8, s10;
	s17 =	sshrl.u32 @!p0 s17, $0x3;
	[sflag:s15] =	ssyncset.done $0x0  }
0x60: {  	s10 =	sshrl.u32 @!p0 s10, $0x3;
	s17 =	sadd.s32 @!p0 s5, s17;
	[sflag:s15] =	ssyncadd.s32 $0xFFFFD800  }
0x61: {  	[tilespmem:s18], [sflag:$0x2] =	stream.linear.gather @!p0 [hbm4b:s17+s19], $0x50, $0x38;
	[tilespmem:$0x19400] =	vst v63  }
0x62: {  	s10 =	sadd.s32 @!p0 s5, s10;
	s17 =	simm.s32 @!p0 $0x180  }
0x63: {  	[tilespmem:s17], [sflag:$0x2] =	stream.linear.gather @!p0 [hbm4b:s10+s19], $0x50, $0x38;
	[tilespmem:$0x19400] =	vst v63  }
0x64: {  	_ =	swait.ge [sflag:s16], $0x50  }
0x65: {  	[sflag:s16] =	ssyncset.done $0x0  }
0x66: {  	[sflag:s16] =	ssyncadd.s32 $0xFFFFFFB0  }
0x67: {  	_ =	swait.ge [sflag:s16], $0x50  }
0x68: {  	[sflag:s16] =	ssyncset.done $0x0  }
0x69: {  	[sflag:s16] =	ssyncadd.s32 $0xFFFFFFB0  }
0x6a: {  	[tilespmem:s7], [sflag:$0x6] =	stream.indirect.gather [hbm4b:s2+s31], $0x80, s24, s31, $0xb8;
	[tilespmem:$0x19400] =	vst v63  }
0x6b: {  	_ =	swait.ge [sflag:s11], $0x2800  }
0x6c: {  	[sflag:s11] =	ssyncset.done $0x0  }
0x6d: {  	s9 =	sadd.s32 @!p0 $0x1E0, s9;
	[sflag:s11] =	ssyncadd.s32 $0xFFFFD800  }
0x6e: {  	[spmem:s3] =	stream.indirect.scatter.add.f32 [tilespmem:s0], [sflag:$0x7], $0x80, s23, s31, $0xb8;
	[tilespmem:$0x19400] =	vst v63  }
0x6f: {  	s10 =	sadd.s32 @!p0 s6, s9;
	s17 =	simm.s32 @!p0 $0x200;
	_ =	swait.ge [sflag:s12], $0x2800  }
0x70: {  	s9 =	sadd.s32 @!p0 s8, s9;
	s10 =	sshrl.u32 @!p0 s10, $0x3;
	[sflag:s12] =	ssyncset.done $0x0  }
0x71: {  	s9 =	sshrl.u32 @!p0 s9, $0x3;
	s10 =	sadd.s32 @!p0 s5, s10;
	[sflag:s12] =	ssyncadd.s32 $0xFFFFD800  }
0x72: {  	[tilespmem:s17], [sflag:$0x3] =	stream.linear.gather @!p0 [hbm4b:s10+s19], $0x50, $0x38;
	[tilespmem:$0x19400] =	vst v63  }
0x73: {  	s9 =	sadd.s32 @!p0 s5, s9;
	s10 =	simm.s32 @!p0 $0x280  }
0x74: {  	[tilespmem:s10], [sflag:$0x3] =	stream.linear.gather @!p0 [hbm4b:s9+s19], $0x50, $0x38;
	[tilespmem:$0x19400] =	vst v63  }
0x75: {  	_ =	swait.ge [sflag:s30], $0x50  }
0x76: {  	[sflag:s30] =	ssyncset.done $0x0  }
0x77: {  	[sflag:s30] =	ssyncadd.s32 $0xFFFFFFB0  }
0x78: {  	_ =	swait.ge [sflag:s30], $0x50  }
0x79: {  	[sflag:s30] =	ssyncset.done $0x0  }
0x7a: {  	p2 =	por $0x0, $0x0;
	[sflag:s30] =	ssyncadd.s32 $0xFFFFFFB0  }
0x7b: {  	[tilespmem:s0], [sflag:$0x5] =	stream.indirect.gather [hbm4b:s2+s31], $0x80, s4, s31, $0xb8;
	[tilespmem:$0x19400] =	vst v63  }
0x7c: {  	s18 =	simm.s32 $0x140;
	s10 =	simm.s32 $0x28;
	_ =	swait.ge [sflag:s14], $0x2800  }
0x7d: {  	s19 =	simm.s32 $0x50;
	p0 =	por $0x0, $0x0;
	[sflag:s14] =	ssyncset.done $0x0  }
.LBB2_2:
0x7e: {  	s17 =	smov.u32 s18  }
0x7f: {  	s9 =	simm.s32 @!p2 $0x8;
	[sflag:s14] =	ssyncadd.s32 $0xFFFFD800;
	s17 =	simm.s32 @p2 $0x0  }
0x80: {  	[spmem:s3] =	stream.indirect.scatter.add.f32 [tilespmem:s7], [sflag:$0x8], $0x80, s22, s31, $0xb8;
	[tilespmem:$0x19400] =	vst v63  }
0x81: {  	s28 =	simm.s32 @!p2 $0x0;
	_ =	swait.ge @!p2 [sflag:s9], $0x2800;
	s20 =	sadd.s32 $0x140, s17  }
0x82: {  	[sflag:s9] =	ssyncset.done @!p2 $0x0;
	s21 =	rddreg [dreg:$0x4];
	s25 =	sadd.s32 s6, s20  }
0x83: {  	s29 =	sadd.s32 s8, s20;
	s20 =	rddreg [dreg:$0x5];
	[sflag:s9] =	ssyncadd.s32 @!p2 $0xFFFFD800  }
0x84: {  	s26 =	sshrl.u32 s29, $0x3;
	s21 =	sadd.s32 @!p2 s10, s21;
	s29 =	simm.s32 @!p2 $0x300  }
0x85: {  	[tilespmem:s29], [sflag:$0x4] =	stream.linear.gather @!p2 [hbm4b:s21+s28], $0x50, $0x38;
	[tilespmem:$0x19400] =	vst v63  }
0x86: {  	s10 =	sadd.s32 @!p2 s10, s20;
	s20 =	simm.s32 @!p2 $0x380  }
0x87: {  	[tilespmem:s20], [sflag:$0x4] =	stream.linear.gather @!p2 [hbm4b:s10+s28], $0x50, $0x38;
	[tilespmem:$0x19400] =	vst v63  }
0x88: {  	_ =	swait.ge [sflag:s1], $0x50  }
0x89: {  	[sflag:s1] =	ssyncset.done $0x0  }
0x8a: {  	s24 =	sadd.s32 @!p0 $0x190, s17;
	[sflag:s1] =	ssyncadd.s32 $0xFFFFFFB0  }
0x8b: {  	s9 =	sadd.s32 @!p0 s6, s24;
	_ =	swait.ge [sflag:s1], $0x50  }
0x8c: {  	s21 =	sshrl.u32 @!p0 s9, $0x3;
	[sflag:s1] =	ssyncset.done $0x0  }
0x8d: {  	s9 =	sadd.s32 @!p0 s8, s24;
	s24 =	simm.s32 $0x100;
	[sflag:s1] =	ssyncadd.s32 $0xFFFFFFB0  }
0x8e: {  	[tilespmem:s7], [sflag:$0x6] =	stream.indirect.gather [hbm4b:s2+s31], $0x80, s24, s31, $0xb8;
	[tilespmem:$0x19400] =	vst v63  }
0x8f: {  	_ =	swait.ge [sflag:s11], $0x2800  }
0x90: {  	[sflag:s11] =	ssyncset.done $0x0  }
0x91: {  	s24 =	simm.s32 $0x80;
	[sflag:s11] =	ssyncadd.s32 $0xFFFFD800  }
0x92: {  	[spmem:s3] =	stream.indirect.scatter.add.f32 [tilespmem:s0], [sflag:$0x7], $0x80, s24, s31, $0xb8;
	[tilespmem:$0x19400] =	vst v63  }
0x93: {  	_ =	swait.ge [sflag:s12], $0x2800  }
0x94: {  	s25 =	sshrl.u32 s25, $0x3;
	[sflag:s12] =	ssyncset.done $0x0  }
0x95: {  	s28 =	sadd.s32 s5, s25;
	[sflag:s12] =	ssyncadd.s32 $0xFFFFD800  }
0x96: {  	[tilespmem:s4], [sflag:$0x1] =	stream.linear.gather [hbm4b:s28+s4], $0x50, $0x38;
	[tilespmem:$0x19400] =	vst v63  }
0x97: {  	s29 =	sadd.s32 s5, s26  }
0x98: {  	[tilespmem:s24], [sflag:$0x1] =	stream.linear.gather [hbm4b:s29+s4], $0x50, $0x38;
	[tilespmem:$0x19400] =	vst v63  }
0x99: {  	_ =	swait.ge [sflag:s13], $0x50  }
0x9a: {  	[sflag:s13] =	ssyncset.done $0x0  }
0x9b: {  	[sflag:s13] =	ssyncadd.s32 $0xFFFFFFB0  }
0x9c: {  	_ =	swait.ge [sflag:s13], $0x50  }
0x9d: {  	[sflag:s13] =	ssyncset.done $0x0  }
0x9e: {  	s25 =	simm.s32 $0x200;
	[sflag:s13] =	ssyncadd.s32 $0xFFFFFFB0  }
0x9f: {  	[tilespmem:s0], [sflag:$0x5] =	stream.indirect.gather [hbm4b:s2+s31], $0x80, s25, s31, $0xb8;
	[tilespmem:$0x19400] =	vst v63  }
0xa0: {  	s23 =	smov.u32 s19;
	_ =	swait.ge [sflag:s14], $0x2800  }
0xa1: {  	s26 =	simm.s32 $0x180;
	s21 =	sadd.s32 @!p0 s5, s21;
	[sflag:s14] =	ssyncset.done $0x0  }
0xa2: {  	s10 =	sadd.s32 @!p0 $0x1E0, s17;
	s17 =	sshrl.u32 @!p0 s9, $0x3;
	[sflag:s14] =	ssyncadd.s32 $0xFFFFD800  }
0xa3: {  	[spmem:s3] =	stream.indirect.scatter.add.f32 [tilespmem:s7], [sflag:$0x8], $0x80, s26, s31, $0xb8;
	[tilespmem:$0x19400] =	vst v63  }
0xa4: {  	s9 =	sadd.s32 @!p0 s6, s10;
	s10 =	sadd.s32 @!p0 s8, s10;
	_ =	swait.ge [sflag:s15], $0x2800  }
0xa5: {  	s20 =	sshrl.u32 @!p0 s10, $0x3;
	s10 =	smov.u32 s23;
	[sflag:s15] =	ssyncset.done $0x0  }
0xa6: {  	s23 =	simm.s32 @!p0 $0x100;
	s24 =	simm.s32 @!p0 $0x0;
	[sflag:s15] =	ssyncadd.s32 $0xFFFFD800  }
0xa7: {  	[tilespmem:s23], [sflag:$0x2] =	stream.linear.gather @!p0 [hbm4b:s21+s24], $0x50, $0x38;
	[tilespmem:$0x19400] =	vst v63  }
0xa8: {  	s17 =	sadd.s32 @!p0 s5, s17;
	s21 =	simm.s32 @!p0 $0x180  }
0xa9: {  	[tilespmem:s21], [sflag:$0x2] =	stream.linear.gather @!p0 [hbm4b:s17+s24], $0x50, $0x38;
	[tilespmem:$0x19400] =	vst v63  }
0xaa: {  	_ =	swait.ge [sflag:s16], $0x50  }
0xab: {  	[sflag:s16] =	ssyncset.done $0x0  }
0xac: {  	[sflag:s16] =	ssyncadd.s32 $0xFFFFFFB0  }
0xad: {  	_ =	swait.ge [sflag:s16], $0x50  }
0xae: {  	[sflag:s16] =	ssyncset.done $0x0  }
0xaf: {  	s28 =	simm.s32 $0x300;
	[sflag:s16] =	ssyncadd.s32 $0xFFFFFFB0  }
0xb0: {  	[tilespmem:s7], [sflag:$0x6] =	stream.indirect.gather [hbm4b:s2+s31], $0x80, s28, s31, $0xb8;
	[tilespmem:$0x19400] =	vst v63  }
0xb1: {  	_ =	swait.ge [sflag:s11], $0x2800  }
0xb2: {  	[sflag:s11] =	ssyncset.done $0x0  }
0xb3: {  	s29 =	simm.s32 $0x280;
	[sflag:s11] =	ssyncadd.s32 $0xFFFFD800  }
0xb4: {  	[spmem:s3] =	stream.indirect.scatter.add.f32 [tilespmem:s0], [sflag:$0x7], $0x80, s29, s31, $0xb8;
	[tilespmem:$0x19400] =	vst v63  }
0xb5: {  	_ =	swait.ge [sflag:s12], $0x2800  }
0xb6: {  	s9 =	sshrl.u32 @!p0 s9, $0x3;
	[sflag:s12] =	ssyncset.done $0x0  }
0xb7: {  	s9 =	sadd.s32 @!p0 s5, s9;
	s17 =	simm.s32 @!p0 $0x200;
	[sflag:s12] =	ssyncadd.s32 $0xFFFFD800  }
0xb8: {  	[tilespmem:s17], [sflag:$0x3] =	stream.linear.gather @!p0 [hbm4b:s9+s24], $0x50, $0x38;
	[tilespmem:$0x19400] =	vst v63  }
0xb9: {  	s9 =	sadd.s32 @!p0 s5, s20;
	s17 =	simm.s32 @!p0 $0x280  }
0xba: {  	[tilespmem:s17], [sflag:$0x3] =	stream.linear.gather @!p0 [hbm4b:s9+s24], $0x50, $0x38;
	[tilespmem:$0x19400] =	vst v63  }
0xbb: {  	_ =	swait.ge [sflag:s30], $0x50  }
0xbc: {  	[sflag:s30] =	ssyncset.done $0x0  }
0xbd: {  	s19 =	sadd.s32 $0x28, s19;
	[sflag:s30] =	ssyncadd.s32 $0xFFFFFFB0  }
0xbe: {  	p1 =	sne.s32 s19, $0x4D8;
	_ =	swait.ge [sflag:s30], $0x50  }
.Ltmp0:
0xbf: {  	[sflag:s30] =	ssyncset.done $0x0;
	(pc) =	sbr.rel @p1 .LBB2_2-.Ltmp0, $4  }
0xc0: {  	[sflag:s30] =	ssyncadd.s32 $0xFFFFFFB0  }
0xc1: {  	[tilespmem:s0], [sflag:$0x5] =	stream.indirect.gather [hbm4b:s2+s31], $0x80, s4, s31, $0xb8;
	[tilespmem:$0x19400] =	vst v63  }
0xc2: {  	s18 =	sadd.s32 $0x140, s18;
	_ =	swait.ge [sflag:s14], $0x2800  }
0xc3: {  	p2 =	seq.s32 s10, $0x0;
	p0 =	seq.s32 s10, $0x4B0;
	[sflag:s14] =	ssyncset.done $0x0  }
0xc4: {  	s9 =	simm.s32 @!p2 $0x8;
	[sflag:s14] =	ssyncadd.s32 $0xFFFFD800;
	s21 =	simm.s32 $0x380  }
0xc5: {  	[spmem:s3] =	stream.indirect.scatter.add.f32 [tilespmem:s7], [sflag:$0x8], $0x80, s21, s31, $0xb8;
	[tilespmem:$0x19400] =	vst v63  }
0xc6: {  	s19 =	simm.s32 @!p2 $0x0;
	_ =	swait.ge @!p2 [sflag:s9], $0x2800  }
0xc7: {  	s20 =	simm.s32 @!p2 $0x300;
	s17 =	rddreg [dreg:$0x4];
	[sflag:s9] =	ssyncset.done @!p2 $0x0  }
0xc8: {  	[sflag:s9] =	ssyncadd.s32 @!p2 $0xFFFFD800;
	s9 =	rddreg [dreg:$0x5];
	s17 =	sadd.s32 @!p2 s10, s17  }
0xc9: {  	[tilespmem:s20], [sflag:$0x4] =	stream.linear.gather @!p2 [hbm4b:s17+s19], $0x50, $0x38;
	[tilespmem:$0x19400] =	vst v63  }
0xca: {  	s9 =	sadd.s32 @!p2 s10, s9;
	s10 =	simm.s32 @!p2 $0x380  }
0xcb: {  	[tilespmem:s10], [sflag:$0x4] =	stream.linear.gather @!p2 [hbm4b:s9+s19], $0x50, $0x38;
	[tilespmem:$0x19400] =	vst v63  }
0xcc: {  	_ =	swait.ge [sflag:s1], $0x50  }
0xcd: {  	[sflag:s1] =	ssyncset.done $0x0  }
0xce: {  	[sflag:s1] =	ssyncadd.s32 $0xFFFFFFB0  }
0xcf: {  	_ =	swait.ge [sflag:s1], $0x50  }
0xd0: {  	[sflag:s1] =	ssyncset.done $0x0  }
0xd1: {  	s26 =	simm.s32 $0x100;
	[sflag:s1] =	ssyncadd.s32 $0xFFFFFFB0  }
0xd2: {  	[tilespmem:s7], [sflag:$0x6] =	stream.indirect.gather [hbm4b:s2+s31], $0x80, s26, s31, $0xb8;
	[tilespmem:$0x19400] =	vst v63  }
0xd3: {  	_ =	swait.ge [sflag:s11], $0x2800  }
0xd4: {  	s18 =	simm.s32 @p2 $0x0;
	[sflag:s11] =	ssyncset.done $0x0  }
0xd5: {  	s29 =	simm.s32 $0x80;
	s28 =	sadd.s32 $0x140, s18;
	[sflag:s11] =	ssyncadd.s32 $0xFFFFD800  }
0xd6: {  	[spmem:s3] =	stream.indirect.scatter.add.f32 [tilespmem:s0], [sflag:$0x7], $0x80, s29, s31, $0xb8;
	[tilespmem:$0x19400] =	vst v63  }
0xd7: {  	s19 =	sadd.s32 s6, s28;
	_ =	swait.ge [sflag:s12], $0x2800  }
0xd8: {  	s9 =	sadd.s32 s8, s28;
	s10 =	sshrl.u32 s19, $0x3;
	[sflag:s12] =	ssyncset.done $0x0  }
0xd9: {  	s9 =	sshrl.u32 s9, $0x3;
	s10 =	sadd.s32 s5, s10;
	[sflag:s12] =	ssyncadd.s32 $0xFFFFD800  }
0xda: {  	[tilespmem:s4], [sflag:$0x1] =	stream.linear.gather [hbm4b:s10+s4], $0x50, $0x38;
	[tilespmem:$0x19400] =	vst v63  }
0xdb: {  	s9 =	sadd.s32 s5, s9  }
0xdc: {  	[tilespmem:s29], [sflag:$0x1] =	stream.linear.gather [hbm4b:s9+s4], $0x50, $0x38;
	[tilespmem:$0x19400] =	vst v63  }
0xdd: {  	_ =	swait.ge [sflag:s13], $0x50  }
0xde: {  	[sflag:s13] =	ssyncset.done $0x0  }
0xdf: {  	[sflag:s13] =	ssyncadd.s32 $0xFFFFFFB0  }
0xe0: {  	_ =	swait.ge [sflag:s13], $0x50  }
0xe1: {  	[sflag:s13] =	ssyncset.done $0x0  }
0xe2: {  	s22 =	simm.s32 $0x200;
	[sflag:s13] =	ssyncadd.s32 $0xFFFFFFB0  }
0xe3: {  	[tilespmem:s0], [sflag:$0x5] =	stream.indirect.gather [hbm4b:s2+s31], $0x80, s22, s31, $0xb8;
	[tilespmem:$0x19400] =	vst v63  }
0xe4: {  	_ =	swait.ge [sflag:s14], $0x2800  }
0xe5: {  	s23 =	simm.s32 $0x180;
	[sflag:s14] =	ssyncset.done $0x0  }
0xe6: {  	s17 =	simm.s32 @!p0 $0x100;
	s9 =	sadd.s32 @!p0 $0x190, s18;
	[sflag:s14] =	ssyncadd.s32 $0xFFFFD800  }
0xe7: {  	[spmem:s3] =	stream.indirect.scatter.add.f32 [tilespmem:s7], [sflag:$0x8], $0x80, s23, s31, $0xb8;
	[tilespmem:$0x19400] =	vst v63  }
0xe8: {  	s19 =	simm.s32 @!p0 $0x0;
	s10 =	sadd.s32 @!p0 s6, s9;
	_ =	swait.ge [sflag:s15], $0x2800  }
0xe9: {  	s9 =	sadd.s32 @!p0 s8, s9;
	s10 =	sshrl.u32 @!p0 s10, $0x3;
	[sflag:s15] =	ssyncset.done $0x0  }
0xea: {  	s9 =	sshrl.u32 @!p0 s9, $0x3;
	s10 =	sadd.s32 @!p0 s5, s10;
	[sflag:s15] =	ssyncadd.s32 $0xFFFFD800  }
0xeb: {  	[tilespmem:s17], [sflag:$0x2] =	stream.linear.gather @!p0 [hbm4b:s10+s19], $0x50, $0x38;
	[tilespmem:$0x19400] =	vst v63  }
0xec: {  	s9 =	sadd.s32 @!p0 s5, s9;
	s10 =	simm.s32 @!p0 $0x180  }
0xed: {  	[tilespmem:s10], [sflag:$0x2] =	stream.linear.gather @!p0 [hbm4b:s9+s19], $0x50, $0x38;
	[tilespmem:$0x19400] =	vst v63  }
0xee: {  	_ =	swait.ge [sflag:s16], $0x50  }
0xef: {  	[sflag:s16] =	ssyncset.done $0x0  }
0xf0: {  	[sflag:s16] =	ssyncadd.s32 $0xFFFFFFB0  }
0xf1: {  	_ =	swait.ge [sflag:s16], $0x50  }
0xf2: {  	[sflag:s16] =	ssyncset.done $0x0  }
0xf3: {  	s24 =	simm.s32 $0x300;
	[sflag:s16] =	ssyncadd.s32 $0xFFFFFFB0  }
0xf4: {  	[tilespmem:s7], [sflag:$0x6] =	stream.indirect.gather [hbm4b:s2+s31], $0x80, s24, s31, $0xb8;
	[tilespmem:$0x19400] =	vst v63  }
0xf5: {  	_ =	swait.ge [sflag:s11], $0x2800  }
0xf6: {  	[sflag:s11] =	ssyncset.done $0x0  }
0xf7: {  	s25 =	simm.s32 $0x280;
	s9 =	sadd.s32 @!p0 $0x1E0, s18;
	[sflag:s11] =	ssyncadd.s32 $0xFFFFD800  }
0xf8: {  	[spmem:s3] =	stream.indirect.scatter.add.f32 [tilespmem:s0], [sflag:$0x7], $0x80, s25, s31, $0xb8;
	[tilespmem:$0x19400] =	vst v63  }
0xf9: {  	s17 =	simm.s32 @!p0 $0x200;
	s10 =	sadd.s32 @!p0 s6, s9;
	_ =	swait.ge [sflag:s12], $0x2800  }
0xfa: {  	s9 =	sadd.s32 @!p0 s8, s9;
	s10 =	sshrl.u32 @!p0 s10, $0x3;
	[sflag:s12] =	ssyncset.done $0x0  }
0xfb: {  	s9 =	sshrl.u32 @!p0 s9, $0x3;
	s10 =	sadd.s32 @!p0 s5, s10;
	[sflag:s12] =	ssyncadd.s32 $0xFFFFD800  }
0xfc: {  	[tilespmem:s17], [sflag:$0x3] =	stream.linear.gather @!p0 [hbm4b:s10+s19], $0x50, $0x38;
	[tilespmem:$0x19400] =	vst v63  }
0xfd: {  	s9 =	sadd.s32 @!p0 s5, s9;
	s10 =	simm.s32 @!p0 $0x280  }
0xfe: {  	[tilespmem:s10], [sflag:$0x3] =	stream.linear.gather @!p0 [hbm4b:s9+s19], $0x50, $0x38;
	[tilespmem:$0x19400] =	vst v63  }
0xff: {  	_ =	swait.ge [sflag:s30], $0x50  }
0x100: {  	[sflag:s30] =	ssyncset.done $0x0  }
0x101: {  	[sflag:s30] =	ssyncadd.s32 $0xFFFFFFB0  }
0x102: {  	_ =	swait.ge [sflag:s30], $0x50  }
0x103: {  	[sflag:s30] =	ssyncset.done $0x0  }
0x104: {  	[sflag:s30] =	ssyncadd.s32 $0xFFFFFFB0  }
0x105: {  	[tilespmem:s0], [sflag:$0x5] =	stream.indirect.gather [hbm4b:s2+s31], $0x80, s4, s31, $0xb8;
	[tilespmem:$0x19400] =	vst v63  }
0x106: {  	_ =	swait.ge [sflag:s14], $0x2800  }
0x107: {  	[sflag:s14] =	ssyncset.done $0x0  }
0x108: {  	[sflag:s14] =	ssyncadd.s32 $0xFFFFD800  }
0x109: {  	[spmem:s3] =	stream.indirect.scatter.add.f32 [tilespmem:s7], [sflag:$0x8], $0x80, s21, s31, $0xb8;
	[tilespmem:$0x19400] =	vst v63  }
0x10a: {  	_ =	swait.ge [sflag:s15], $0x2800  }
0x10b: {  	[sflag:s15] =	ssyncset.done $0x0  }
0x10c: {  	[sflag:s15] =	ssyncadd.s32 $0xFFFFD800  }
0x10d: {  	_ =	swait.ge [sflag:s11], $0x2800  }
0x10e: {  	[sflag:s11] =	ssyncset.done $0x0  }
0x10f: {  	s18 =	simm.s32 $0x9;
	[sflag:s11] =	ssyncadd.s32 $0xFFFFD800  }
0x110: {  	[spmem:s3] =	stream.indirect.scatter.add.f32 [tilespmem:s0], [sflag:$0x9], $0x80, s29, s31, $0xb8;
	[tilespmem:$0x19400] =	vst v63  }
0x111: {  	_ =	swait.ge [sflag:s18], $0x2800  }
0x112: {  	[sflag:s18] =	ssyncset.done $0x0  }
0x113: {  	[sflag:s18] =	ssyncadd.s32 $0xFFFFD800  }
0x114: {  	[bflag:$0x0] =	sbarrier.arrive $0xFFFF  }
0x115: {  	s17 =	rddreg [dreg:$0x7]  }
0x116: {  	s26 =	rddreg [dreg:$0x10]  }
0x117: {  	s10 =	rddreg [dreg:$0x12]  }
0x118: {  	[hbm:s26], [sflag:s17] =	dma.local [spmem:s10], $0x2800  }
0x119: {  	_ =	swait.ge [sflag:s18], $0x2800  }
0x11a: {  	s28 =	rddreg [dreg:$0x13]  }
0x11b: {  	s29 =	rddreg [dreg:$0x11];
	s19 =	sadd.s32 $0x1, s28  }
0x11c: {  	p0 =	sne.s32 s19, s29  }
.Ltmp1:
0x11d: {  	_ = 	snop;
	(pc) =	sbr.rel @p0 .LBB2_1-.Ltmp1, $3  }
0x11e: {  	_ =	sdelay $0x1  }
0x11f: {  	[sflag:s18] =	ssyncset.done $0x0  }
0x120: {  	s22 =	simm.s32 $0x380;
	[sflag:s18] =	ssyncadd.s32 $0xFFFFD800  }
0x121: {  	_ =	sfence.sel $0x180000  }
0x122: {  	[bflag:$0x0] =	sbarrier.arrive $0xFFFF  }
0x123: {  	_ =	strace $0x90000050  }
0x124: {  	s0 =	stileid.u32;
	[bflag:$0x2] =	sbarrier.arrive $0xFFFF  }
0x125: {  	p0 =	sne.s32 s0, $0x0;
	s0 =	rddreg [dreg:$0x3]  }
0x126: {  	s0 =	sadd.s32 @!p0 $0x100000, s0  }
0x127: {  	[sflag:s0] =	ssyncadd.tile.s32 @!p0 $0x1;
	_ =	shalt  }
.Lfunc_end2:
_tile_overlayer_lowered:
.L_overlay_start_2:
0x128: {  	(tag) =	ssettag $0x2  }
0x129: {  	s0 =	rddreg [dreg:$0x0];
	s2 =	stileid.u32  }
0x12a: {  	s1 =	rddreg [dreg:$0x1];
	p0 =	sne.s32 s2, $0x0  }
0x12b: {  	s3 =	rddreg [dreg:$0x2];
	[bflag:$0x3] =	sbarrier.arrive $0xFFFF;
	s2 =	simm.s32 @!p0 $0x1C09  }
0x12c: {  	[timem:s3], [sflag:s2] =	dma.local @!p0 [hbm:s0], s1  }
0x12d: {  	s0 =	simm.s32 @!p0 $0x9  }
0x12e: {  	_ =	swait.ge @!p0 [sflag:s0], s1  }
0x12f: {  	s1 =	ssub.s32 @!p0 $0x0, s1;
	[sflag:s0] =	ssyncset.done @!p0 $0x0  }
0x130: {  	[sflag:s0] =	ssyncadd.s32 @!p0 s1  }
0x131: {  	[bflag:$0x3] =	sbarrier.arrive $0xFFFF  }
0x132: {  	_ =	shalt  }

</sc_bundles>
